<compile_context>
chip_gen: v7x
topology: tpu7x:2x2x1
jax: 0.10.2.dev20260603
libtpu: 0.0.44.dev20260713+nightly
codegen_flags: <defaults>
</compile_context>

<pallas_src>
import functools

import jax
import jax.numpy as jnp
from jax import lax
from jax.experimental import pallas as pl
from jax.experimental.pallas import tpu as pltpu
from jax.experimental.pallas import tpu_sc as plsc

BATCH = 16384
K = 16
NC = 2
NS = 16
L = 16
NW = NC * NS
BPW = BATCH // NW
NGRP = BPW // L
SLAB = 128

_mesh = plsc.VectorSubcoreMesh(core_axis_name="c", subcore_axis_name="s")


@functools.partial(
    pl.kernel,
    out_type=jax.ShapeDtypeStruct((BATCH,), jnp.float32),
    mesh=_mesh,
    compiler_params=pltpu.CompilerParams(
        needs_layout_passes=False,
        disable_bounds_checks=True,
    ),
)
def _mf_predict(uidx_hbm, iidx_hbm, wt_hbm, ht_hbm, out_hbm):
    def body(uidx, iidx, uslab0, uslab1, vslab, outv, semu0, semu1, semv):
        wid = lax.axis_index("s") * NC + lax.axis_index("c")
        base = wid * BPW
        iota = lax.iota(jnp.int32, L)

        pltpu.sync_copy(uidx_hbm.at[pl.ds(base, BPW)], uidx)
        pltpu.sync_copy(iidx_hbm.at[pl.ds(base, BPW)], iidx)

        def fire_u(g, buf, sem):
            gc = jnp.minimum(g, NGRP - 1)
            ustart = (uidx[pl.ds(gc * L, L)] >> 7) << 7
            for j in range(L):
                us = pl.multiple_of(ustart[j], SLAB)
                pltpu.async_copy(
                    wt_hbm.at[:, pl.ds(us, SLAB)], buf.at[j], sem)

        def drain_u(buf, sem):
            for j in range(L):
                pltpu.make_async_copy(
                    wt_hbm.at[:, pl.ds(0, SLAB)], buf.at[j], sem).wait()

        def half(g, buf, sem_self, buf_other, sem_other):
            uvec = uidx[pl.ds(g * L, L)]
            ivec = iidx[pl.ds(g * L, L)]
            istart = (ivec >> 7) << 7
            ulane = uvec & 127
            ilane = ivec & 127
            vcopies = []
            for j in range(L):
                hs = pl.multiple_of(istart[j], SLAB)
                vcopies.append(pltpu.async_copy(
                    ht_hbm.at[:, pl.ds(hs, SLAB)], vslab.at[j], semv))
            drain_u(buf, sem_self)
            for cp in vcopies:
                cp.wait()
            acc = jnp.zeros((L,), jnp.float32)
            for d in range(K):
                dsplat = jnp.full((L,), d, jnp.int32)
                u = plsc.load_gather(buf, [iota, dsplat, ulane])
                v = plsc.load_gather(vslab, [iota, dsplat, ilane])
                acc = acc + u * v
            sig = 1.0 / (1.0 + jnp.exp(-acc))
            outv[pl.ds(g * L, L)] = sig
            fire_u(g + 2, buf, sem_self)

        fire_u(jnp.int32(0), uslab0, semu0)
        fire_u(jnp.int32(1), uslab1, semu1)

        def pair_body(i, carry):
            half(2 * i, uslab0, semu0, uslab1, semu1)
            half(2 * i + 1, uslab1, semu1, uslab0, semu0)
            return carry

        lax.fori_loop(0, NGRP // 2, pair_body, 0)

        drain_u(uslab0, semu0)
        drain_u(uslab1, semu1)

        pltpu.sync_copy(outv, out_hbm.at[pl.ds(base, BPW)])

    pl.run_scoped(
        body,
        pltpu.VMEM((BPW,), jnp.int32),
        pltpu.VMEM((BPW,), jnp.int32),
        pltpu.VMEM((L, K, SLAB), jnp.float32),
        pltpu.VMEM((L, K, SLAB), jnp.float32),
        pltpu.VMEM((L, K, SLAB), jnp.float32),
        pltpu.VMEM((BPW,), jnp.float32),
        pltpu.SemaphoreType.DMA,
        pltpu.SemaphoreType.DMA,
        pltpu.SemaphoreType.DMA,
    )


def kernel(x, W, H):
    return _mf_predict(x[:, 0], x[:, 1], W.T, H.T)

# --- scband reference (transcript-rebuilt; emitter-appended) ---
"""Pipeline reference for scband-mf-dt-ips-72172630442559 (READ-ONLY COPY).

The authoritative reference and input builder live on the scoring server;
editing this copy changes nothing except your own understanding.
"""

import jax, jax.numpy as jnp
import numpy as np

NUM_USERS = 1000000
NUM_ITEMS = 1000000
BATCH = 16384
EMB_K1 = 16


def setup_inputs(seed: int = 0) -> dict:
    key = jax.random.key(seed)
    k1, k2, k3 = jax.random.split(key, 3)
    x = jax.random.randint(k1, (BATCH, 2), 0, NUM_USERS, dtype=jnp.int64 if jax.config.jax_enable_x64 else jnp.int32)
    # Embedding tables (nn.Embedding default init: N(0,1))
    W = jax.random.normal(k2, (NUM_USERS, EMB_K1), dtype=jnp.float32)
    H = jax.random.normal(k3, (NUM_ITEMS, EMB_K1), dtype=jnp.float32)
    return {"x": x, "W": W, "H": H}


def reference(x, W, H):
    # Faithful translation of MF_BaseModel.forward (used by MF_DT_IPS.predict):
    #   U_emb = W(user_idx); V_emb = H(item_idx)
    #   out = sigmoid(sum(U_emb * V_emb, dim=1))
    user_idx = x[:, 0]
    item_idx = x[:, 1]
    U_emb = jnp.take(W, user_idx, axis=0)
    V_emb = jnp.take(H, item_idx, axis=0)
    out = jax.nn.sigmoid(jnp.sum(U_emb * V_emb, axis=1))
    return out

if __name__ == "__main__":
    import jax
    _d = setup_inputs()
    print(jax.jit(kernel)(*tuple(_d.values())))

</pallas_src>

<mosaic_0001>
#map = affine_map<(d0, d1) -> (0)>
#map1 = affine_map<(d0, d1) -> (0, 0)>
module attributes {stable_mosaic.version = 14 : i64} {
  func.func @_mf_predict(%arg0: i32, %arg1: i32, %arg2: memref<16384xi32, #tpu.memory_space<hbm>>, %arg3: memref<16384xi32, #tpu.memory_space<hbm>>, %arg4: memref<16x1000000xf32, #tpu.memory_space<hbm>>, %arg5: memref<16x1000000xf32, #tpu.memory_space<hbm>>, %arg6: memref<16384xf32, #tpu.memory_space<hbm>>) attributes {dimension_semantics = [#tpu.dimension_semantics<core_parallel>, #tpu.dimension_semantics<subcore_parallel>], iteration_bounds = array<i64: 2, 16>, scalar_prefetch = 0 : i64, scratch_operands = 0 : i64, tpu.core_type = #tpu.core_type<sc_vector_subcore>, window_params = [{transform_indices = #map}, {transform_indices = #map}, {transform_indices = #map1}, {transform_indices = #map1}, {transform_indices = #map}]} {
    "tpu.region"() ({
      %run_scoped3A = memref.alloca() : memref<512xi32, #tpu.memory_space<vmem>>
      %run_scoped3A_0 = memref.alloca() : memref<512xi32, #tpu.memory_space<vmem>>
      %run_scoped3A_1 = memref.alloca() : memref<16x16x128xf32, #tpu.memory_space<vmem>>
      %run_scoped3A_2 = memref.alloca() : memref<16x16x128xf32, #tpu.memory_space<vmem>>
      %run_scoped3A_3 = memref.alloca() : memref<16x16x128xf32, #tpu.memory_space<vmem>>
      %run_scoped3A_4 = memref.alloca() : memref<512xf32, #tpu.memory_space<vmem>>
      %run_scoped3A_5 = tpu.sem_alloc : memref<!tpu.dma_semaphore, #tpu.memory_space<semaphore_mem>>
      %run_scoped3A_6 = tpu.sem_alloc : memref<!tpu.dma_semaphore, #tpu.memory_space<semaphore_mem>>
      %run_scoped3A_7 = tpu.sem_alloc : memref<!tpu.dma_semaphore, #tpu.memory_space<semaphore_mem>>
      %mul3A = arith.constant 2 : i32
      %mul3A_8 = arith.muli %arg1, %mul3A : i32
      %add3A = arith.addi %mul3A_8, %arg0 : i32
      %mul3A_9 = arith.constant 512 : i32
      %mul3A_10 = arith.muli %add3A, %mul3A_9 : i32
      %iota3A = tpu.iota {dimensions = array<i32: 0>} : vector<16xi32>
      "tpu.region"() ({
        %run_scoped3A_1025 = tpu.sem_alloc : memref<!tpu.dma_semaphore, #tpu.memory_space<semaphore_mem>>
        %dma_start3A_1026 = tpu.memref_slice %arg2[%mul3A_10] : memref<16384xi32, #tpu.memory_space<hbm>> -> memref<512xi32, #tpu.memory_space<hbm>>
        %dma_start3A_1027 = tpu.memref_slice %arg2[%mul3A_10] : memref<16384xi32, #tpu.memory_space<hbm>> -> memref<512xi32, #tpu.memory_space<hbm>>
        tpu.enqueue_dma source(%dma_start3A_1027 : memref<512xi32, #tpu.memory_space<hbm>>) target(%run_scoped3A : memref<512xi32, #tpu.memory_space<vmem>>) target_semaphore(%run_scoped3A_1025 : memref<!tpu.dma_semaphore, #tpu.memory_space<semaphore_mem>>)
        %dma_wait3A_1028 = tpu.memref_slice %arg2[%mul3A_10] : memref<16384xi32, #tpu.memory_space<hbm>> -> memref<512xi32, #tpu.memory_space<hbm>>
        %dma_wait3A_1029 = tpu.memref_slice %arg2[%mul3A_10] : memref<16384xi32, #tpu.memory_space<hbm>> -> memref<512xi32, #tpu.memory_space<hbm>>
        tpu.wait_dma2 semaphore(%run_scoped3A_1025 : memref<!tpu.dma_semaphore, #tpu.memory_space<semaphore_mem>>) src(%dma_wait3A_1029 : memref<512xi32, #tpu.memory_space<hbm>>) dst(%run_scoped3A : memref<512xi32, #tpu.memory_space<vmem>>)
        tpu.yield
      }) : () -> ()
      "tpu.region"() ({
        %run_scoped3A_1025 = tpu.sem_alloc : memref<!tpu.dma_semaphore, #tpu.memory_space<semaphore_mem>>
        %dma_start3A_1026 = tpu.memref_slice %arg3[%mul3A_10] : memref<16384xi32, #tpu.memory_space<hbm>> -> memref<512xi32, #tpu.memory_space<hbm>>
        %dma_start3A_1027 = tpu.memref_slice %arg3[%mul3A_10] : memref<16384xi32, #tpu.memory_space<hbm>> -> memref<512xi32, #tpu.memory_space<hbm>>
        tpu.enqueue_dma source(%dma_start3A_1027 : memref<512xi32, #tpu.memory_space<hbm>>) target(%run_scoped3A_0 : memref<512xi32, #tpu.memory_space<vmem>>) target_semaphore(%run_scoped3A_1025 : memref<!tpu.dma_semaphore, #tpu.memory_space<semaphore_mem>>)
        %dma_wait3A_1028 = tpu.memref_slice %arg3[%mul3A_10] : memref<16384xi32, #tpu.memory_space<hbm>> -> memref<512xi32, #tpu.memory_space<hbm>>
        %dma_wait3A_1029 = tpu.memref_slice %arg3[%mul3A_10] : memref<16384xi32, #tpu.memory_space<hbm>> -> memref<512xi32, #tpu.memory_space<hbm>>
        tpu.wait_dma2 semaphore(%run_scoped3A_1025 : memref<!tpu.dma_semaphore, #tpu.memory_space<semaphore_mem>>) src(%dma_wait3A_1029 : memref<512xi32, #tpu.memory_space<hbm>>) dst(%run_scoped3A_0 : memref<512xi32, #tpu.memory_space<vmem>>)
        tpu.yield
      }) : () -> ()
      %min3A = arith.constant 0 : i32
      %min3A_11 = arith.constant 31 : i32
      %min3A_12 = arith.minsi %min3A, %min3A_11 : i32
      %mul3A_13 = arith.constant 16 : i32
      %mul3A_14 = arith.muli %min3A_12, %mul3A_13 : i32
      %get3A = arith.index_cast %mul3A_14 : i32 to index
      %get3A_15 = tpu.vector_load %run_scoped3A[%get3A] {strides = array<i32>} : memref<512xi32, #tpu.memory_space<vmem>>, vector<16xi32>,
      %shift_right_arithmetic3A = arith.constant 7 : i32
      %shift_right_arithmetic3A_16 = vector.broadcast %shift_right_arithmetic3A : i32 to vector<16xi32>
      %shift_right_arithmetic3A_17 = arith.shrsi %get3A_15, %shift_right_arithmetic3A_16 : vector<16xi32>
      %shift_left3A = arith.constant 7 : i32
      %shift_left3A_18 = vector.broadcast %shift_left3A : i32 to vector<16xi32>
      %shift_left3A_19 = arith.shli %shift_right_arithmetic3A_17, %shift_left3A_18 : vector<16xi32>
      %slice3A = vector.extract_strided_slice %shift_left3A_19 {offsets = [0], sizes = [1], strides = [1]} : vector<16xi32> to vector<1xi32>
      %squeeze3A = vector.extract %slice3A[0] : i32 from vector<1xi32>
      %multiple_of3A = tpu.assume_multiple %squeeze3A, 128 : i32
      %dma_start3A = arith.constant 0 : i32
      %dma_start3A_20 = arith.constant 0 : i32
      %dma_start3A_21 = arith.constant 0 : i32
      %dma_start3A_22 = tpu.memref_slice %run_scoped3A_1[%dma_start3A, %dma_start3A_20, %dma_start3A_21] : memref<16x16x128xf32, #tpu.memory_space<vmem>> -> memref<1x16x128xf32, #tpu.memory_space<vmem>>
      %dma_start3A_23 = tpu.memref_squeeze %dma_start3A_22 : memref<1x16x128xf32, #tpu.memory_space<vmem>> -> memref<16x128xf32, #tpu.memory_space<vmem>>
      %dma_start3A_24 = arith.constant 0 : i32
      %dma_start3A_25 = tpu.memref_slice %arg4[%dma_start3A_24, %multiple_of3A] : memref<16x1000000xf32, #tpu.memory_space<hbm>> -> memref<16x128xf32, #tpu.memory_space<hbm>>
      %dma_start3A_26 = arith.constant 0 : i32
      %dma_start3A_27 = arith.constant 0 : i32
      %dma_start3A_28 = tpu.memref_slice %run_scoped3A_1[%dma_start3A, %dma_start3A_26, %dma_start3A_27] : memref<16x16x128xf32, #tpu.memory_space<vmem>> -> memref<1x16x128xf32, #tpu.memory_space<vmem>>
      %dma_start3A_29 = tpu.memref_squeeze %dma_start3A_28 : memref<1x16x128xf32, #tpu.memory_space<vmem>> -> memref<16x128xf32, #tpu.memory_space<vmem>>
      %dma_start3A_30 = arith.constant 0 : i32
      %dma_start3A_31 = tpu.memref_slice %arg4[%dma_start3A_30, %multiple_of3A] : memref<16x1000000xf32, #tpu.memory_space<hbm>> -> memref<16x128xf32, #tpu.memory_space<hbm>>
      tpu.enqueue_dma source(%dma_start3A_31 : memref<16x128xf32, #tpu.memory_space<hbm>>) target(%dma_start3A_29 : memref<16x128xf32, #tpu.memory_space<vmem>>) target_semaphore(%run_scoped3A_5 : memref<!tpu.dma_semaphore, #tpu.memory_space<semaphore_mem>>)
      %slice3A_32 = vector.extract_strided_slice %shift_left3A_19 {offsets = [1], sizes = [1], strides = [1]} : vector<16xi32> to vector<1xi32>
      %squeeze3A_33 = vector.extract %slice3A_32[0] : i32 from vector<1xi32>
      %multiple_of3A_34 = tpu.assume_multiple %squeeze3A_33, 128 : i32
      %dma_start3A_35 = arith.constant 1 : i32
      %dma_start3A_36 = arith.constant 0 : i32
      %dma_start3A_37 = arith.constant 0 : i32
      %dma_start3A_38 = tpu.memref_slice %run_scoped3A_1[%dma_start3A_35, %dma_start3A_36, %dma_start3A_37] : memref<16x16x128xf32, #tpu.memory_space<vmem>> -> memref<1x16x128xf32, #tpu.memory_space<vmem>>
      %dma_start3A_39 = tpu.memref_squeeze %dma_start3A_38 : memref<1x16x128xf32, #tpu.memory_space<vmem>> -> memref<16x128xf32, #tpu.memory_space<vmem>>
      %dma_start3A_40 = arith.constant 0 : i32
      %dma_start3A_41 = tpu.memref_slice %arg4[%dma_start3A_40, %multiple_of3A_34] : memref<16x1000000xf32, #tpu.memory_space<hbm>> -> memref<16x128xf32, #tpu.memory_space<hbm>>
      %dma_start3A_42 = arith.constant 0 : i32
      %dma_start3A_43 = arith.constant 0 : i32
      %dma_start3A_44 = tpu.memref_slice %run_scoped3A_1[%dma_start3A_35, %dma_start3A_42, %dma_start3A_43] : memref<16x16x128xf32, #tpu.memory_space<vmem>> -> memref<1x16x128xf32, #tpu.memory_space<vmem>>
      %dma_start3A_45 = tpu.memref_squeeze %dma_start3A_44 : memref<1x16x128xf32, #tpu.memory_space<vmem>> -> memref<16x128xf32, #tpu.memory_space<vmem>>
      %dma_start3A_46 = arith.constant 0 : i32
      %dma_start3A_47 = tpu.memref_slice %arg4[%dma_start3A_46, %multiple_of3A_34] : memref<16x1000000xf32, #tpu.memory_space<hbm>> -> memref<16x128xf32, #tpu.memory_space<hbm>>
      tpu.enqueue_dma source(%dma_start3A_47 : memref<16x128xf32, #tpu.memory_space<hbm>>) target(%dma_start3A_45 : memref<16x128xf32, #tpu.memory_space<vmem>>) target_semaphore(%run_scoped3A_5 : memref<!tpu.dma_semaphore, #tpu.memory_space<semaphore_mem>>)
      %slice3A_48 = vector.extract_strided_slice %shift_left3A_19 {offsets = [2], sizes = [1], strides = [1]} : vector<16xi32> to vector<1xi32>
      %squeeze3A_49 = vector.extract %slice3A_48[0] : i32 from vector<1xi32>
      %multiple_of3A_50 = tpu.assume_multiple %squeeze3A_49, 128 : i32
      %dma_start3A_51 = arith.constant 2 : i32
      %dma_start3A_52 = arith.constant 0 : i32
      %dma_start3A_53 = arith.constant 0 : i32
      %dma_start3A_54 = tpu.memref_slice %run_scoped3A_1[%dma_start3A_51, %dma_start3A_52, %dma_start3A_53] : memref<16x16x128xf32, #tpu.memory_space<vmem>> -> memref<1x16x128xf32, #tpu.memory_space<vmem>>
      %dma_start3A_55 = tpu.memref_squeeze %dma_start3A_54 : memref<1x16x128xf32, #tpu.memory_space<vmem>> -> memref<16x128xf32, #tpu.memory_space<vmem>>
      %dma_start3A_56 = arith.constant 0 : i32
      %dma_start3A_57 = tpu.memref_slice %arg4[%dma_start3A_56, %multiple_of3A_50] : memref<16x1000000xf32, #tpu.memory_space<hbm>> -> memref<16x128xf32, #tpu.memory_space<hbm>>
      %dma_start3A_58 = arith.constant 0 : i32
      %dma_start3A_59 = arith.constant 0 : i32
      %dma_start3A_60 = tpu.memref_slice %run_scoped3A_1[%dma_start3A_51, %dma_start3A_58, %dma_start3A_59] : memref<16x16x128xf32, #tpu.memory_space<vmem>> -> memref<1x16x128xf32, #tpu.memory_space<vmem>>
      %dma_start3A_61 = tpu.memref_squeeze %dma_start3A_60 : memref<1x16x128xf32, #tpu.memory_space<vmem>> -> memref<16x128xf32, #tpu.memory_space<vmem>>
      %dma_start3A_62 = arith.constant 0 : i32
      %dma_start3A_63 = tpu.memref_slice %arg4[%dma_start3A_62, %multiple_of3A_50] : memref<16x1000000xf32, #tpu.memory_space<hbm>> -> memref<16x128xf32, #tpu.memory_space<hbm>>
      tpu.enqueue_dma source(%dma_start3A_63 : memref<16x128xf32, #tpu.memory_space<hbm>>) target(%dma_start3A_61 : memref<16x128xf32, #tpu.memory_space<vmem>>) target_semaphore(%run_scoped3A_5 : memref<!tpu.dma_semaphore, #tpu.memory_space<semaphore_mem>>)
      %slice3A_64 = vector.extract_strided_slice %shift_left3A_19 {offsets = [3], sizes = [1], strides = [1]} : vector<16xi32> to vector<1xi32>
      %squeeze3A_65 = vector.extract %slice3A_64[0] : i32 from vector<1xi32>
      %multiple_of3A_66 = tpu.assume_multiple %squeeze3A_65, 128 : i32
      %dma_start3A_67 = arith.constant 3 : i32
      %dma_start3A_68 = arith.constant 0 : i32
      %dma_start3A_69 = arith.constant 0 : i32
      %dma_start3A_70 = tpu.memref_slice %run_scoped3A_1[%dma_start3A_67, %dma_start3A_68, %dma_start3A_69] : memref<16x16x128xf32, #tpu.memory_space<vmem>> -> memref<1x16x128xf32, #tpu.memory_space<vmem>>
      %dma_start3A_71 = tpu.memref_squeeze %dma_start3A_70 : memref<1x16x128xf32, #tpu.memory_space<vmem>> -> memref<16x128xf32, #tpu.memory_space<vmem>>
      %dma_start3A_72 = arith.constant 0 : i32
      %dma_start3A_73 = tpu.memref_slice %arg4[%dma_start3A_72, %multiple_of3A_66] : memref<16x1000000xf32, #tpu.memory_space<hbm>> -> memref<16x128xf32, #tpu.memory_space<hbm>>
      %dma_start3A_74 = arith.constant 0 : i32
      %dma_start3A_75 = arith.constant 0 : i32
      %dma_start3A_76 = tpu.memref_slice %run_scoped3A_1[%dma_start3A_67, %dma_start3A_74, %dma_start3A_75] : memref<16x16x128xf32, #tpu.memory_space<vmem>> -> memref<1x16x128xf32, #tpu.memory_space<vmem>>
      %dma_start3A_77 = tpu.memref_squeeze %dma_start3A_76 : memref<1x16x128xf32, #tpu.memory_space<vmem>> -> memref<16x128xf32, #tpu.memory_space<vmem>>
      %dma_start3A_78 = arith.constant 0 : i32
      %dma_start3A_79 = tpu.memref_slice %arg4[%dma_start3A_78, %multiple_of3A_66] : memref<16x1000000xf32, #tpu.memory_space<hbm>> -> memref<16x128xf32, #tpu.memory_space<hbm>>
      tpu.enqueue_dma source(%dma_start3A_79 : memref<16x128xf32, #tpu.memory_space<hbm>>) target(%dma_start3A_77 : memref<16x128xf32, #tpu.memory_space<vmem>>) target_semaphore(%run_scoped3A_5 : memref<!tpu.dma_semaphore, #tpu.memory_space<semaphore_mem>>)
      %slice3A_80 = vector.extract_strided_slice %shift_left3A_19 {offsets = [4], sizes = [1], strides = [1]} : vector<16xi32> to vector<1xi32>
      %squeeze3A_81 = vector.extract %slice3A_80[0] : i32 from vector<1xi32>
      %multiple_of3A_82 = tpu.assume_multiple %squeeze3A_81, 128 : i32
      %dma_start3A_83 = arith.constant 4 : i32
      %dma_start3A_84 = arith.constant 0 : i32
      %dma_start3A_85 = arith.constant 0 : i32
      %dma_start3A_86 = tpu.memref_slice %run_scoped3A_1[%dma_start3A_83, %dma_start3A_84, %dma_start3A_85] : memref<16x16x128xf32, #tpu.memory_space<vmem>> -> memref<1x16x128xf32, #tpu.memory_space<vmem>>
      %dma_start3A_87 = tpu.memref_squeeze %dma_start3A_86 : memref<1x16x128xf32, #tpu.memory_space<vmem>> -> memref<16x128xf32, #tpu.memory_space<vmem>>
      %dma_start3A_88 = arith.constant 0 : i32
      %dma_start3A_89 = tpu.memref_slice %arg4[%dma_start3A_88, %multiple_of3A_82] : memref<16x1000000xf32, #tpu.memory_space<hbm>> -> memref<16x128xf32, #tpu.memory_space<hbm>>
      %dma_start3A_90 = arith.constant 0 : i32
      %dma_start3A_91 = arith.constant 0 : i32
      %dma_start3A_92 = tpu.memref_slice %run_scoped3A_1[%dma_start3A_83, %dma_start3A_90, %dma_start3A_91] : memref<16x16x128xf32, #tpu.memory_space<vmem>> -> memref<1x16x128xf32, #tpu.memory_space<vmem>>
      %dma_start3A_93 = tpu.memref_squeeze %dma_start3A_92 : memref<1x16x128xf32, #tpu.memory_space<vmem>> -> memref<16x128xf32, #tpu.memory_space<vmem>>
      %dma_start3A_94 = arith.constant 0 : i32
      %dma_start3A_95 = tpu.memref_slice %arg4[%dma_start3A_94, %multiple_of3A_82] : memref<16x1000000xf32, #tpu.memory_space<hbm>> -> memref<16x128xf32, #tpu.memory_space<hbm>>
      tpu.enqueue_dma source(%dma_start3A_95 : memref<16x128xf32, #tpu.memory_space<hbm>>) target(%dma_start3A_93 : memref<16x128xf32, #tpu.memory_space<vmem>>) target_semaphore(%run_scoped3A_5 : memref<!tpu.dma_semaphore, #tpu.memory_space<semaphore_mem>>)
      %slice3A_96 = vector.extract_strided_slice %shift_left3A_19 {offsets = [5], sizes = [1], strides = [1]} : vector<16xi32> to vector<1xi32>
      %squeeze3A_97 = vector.extract %slice3A_96[0] : i32 from vector<1xi32>
      %multiple_of3A_98 = tpu.assume_multiple %squeeze3A_97, 128 : i32
      %dma_start3A_99 = arith.constant 5 : i32
      %dma_start3A_100 = arith.constant 0 : i32
      %dma_start3A_101 = arith.constant 0 : i32
      %dma_start3A_102 = tpu.memref_slice %run_scoped3A_1[%dma_start3A_99, %dma_start3A_100, %dma_start3A_101] : memref<16x16x128xf32, #tpu.memory_space<vmem>> -> memref<1x16x128xf32, #tpu.memory_space<vmem>>
      %dma_start3A_103 = tpu.memref_squeeze %dma_start3A_102 : memref<1x16x128xf32, #tpu.memory_space<vmem>> -> memref<16x128xf32, #tpu.memory_space<vmem>>
      %dma_start3A_104 = arith.constant 0 : i32
      %dma_start3A_105 = tpu.memref_slice %arg4[%dma_start3A_104, %multiple_of3A_98] : memref<16x1000000xf32, #tpu.memory_space<hbm>> -> memref<16x128xf32, #tpu.memory_space<hbm>>
      %dma_start3A_106 = arith.constant 0 : i32
      %dma_start3A_107 = arith.constant 0 : i32
      %dma_start3A_108 = tpu.memref_slice %run_scoped3A_1[%dma_start3A_99, %dma_start3A_106, %dma_start3A_107] : memref<16x16x128xf32, #tpu.memory_space<vmem>> -> memref<1x16x128xf32, #tpu.memory_space<vmem>>
      %dma_start3A_109 = tpu.memref_squeeze %dma_start3A_108 : memref<1x16x128xf32, #tpu.memory_space<vmem>> -> memref<16x128xf32, #tpu.memory_space<vmem>>
      %dma_start3A_110 = arith.constant 0 : i32
      %dma_start3A_111 = tpu.memref_slice %arg4[%dma_start3A_110, %multiple_of3A_98] : memref<16x1000000xf32, #tpu.memory_space<hbm>> -> memref<16x128xf32, #tpu.memory_space<hbm>>
      tpu.enqueue_dma source(%dma_start3A_111 : memref<16x128xf32, #tpu.memory_space<hbm>>) target(%dma_start3A_109 : memref<16x128xf32, #tpu.memory_space<vmem>>) target_semaphore(%run_scoped3A_5 : memref<!tpu.dma_semaphore, #tpu.memory_space<semaphore_mem>>)
      %slice3A_112 = vector.extract_strided_slice %shift_left3A_19 {offsets = [6], sizes = [1], strides = [1]} : vector<16xi32> to vector<1xi32>
      %squeeze3A_113 = vector.extract %slice3A_112[0] : i32 from vector<1xi32>
      %multiple_of3A_114 = tpu.assume_multiple %squeeze3A_113, 128 : i32
      %dma_start3A_115 = arith.constant 6 : i32
      %dma_start3A_116 = arith.constant 0 : i32
      %dma_start3A_117 = arith.constant 0 : i32
      %dma_start3A_118 = tpu.memref_slice %run_scoped3A_1[%dma_start3A_115, %dma_start3A_116, %dma_start3A_117] : memref<16x16x128xf32, #tpu.memory_space<vmem>> -> memref<1x16x128xf32, #tpu.memory_space<vmem>>
      %dma_start3A_119 = tpu.memref_squeeze %dma_start3A_118 : memref<1x16x128xf32, #tpu.memory_space<vmem>> -> memref<16x128xf32, #tpu.memory_space<vmem>>
      %dma_start3A_120 = arith.constant 0 : i32
      %dma_start3A_121 = tpu.memref_slice %arg4[%dma_start3A_120, %multiple_of3A_114] : memref<16x1000000xf32, #tpu.memory_space<hbm>> -> memref<16x128xf32, #tpu.memory_space<hbm>>
      %dma_start3A_122 = arith.constant 0 : i32
      %dma_start3A_123 = arith.constant 0 : i32
      %dma_start3A_124 = tpu.memref_slice %run_scoped3A_1[%dma_start3A_115, %dma_start3A_122, %dma_start3A_123] : memref<16x16x128xf32, #tpu.memory_space<vmem>> -> memref<1x16x128xf32, #tpu.memory_space<vmem>>
      %dma_start3A_125 = tpu.memref_squeeze %dma_start3A_124 : memref<1x16x128xf32, #tpu.memory_space<vmem>> -> memref<16x128xf32, #tpu.memory_space<vmem>>
      %dma_start3A_126 = arith.constant 0 : i32
      %dma_start3A_127 = tpu.memref_slice %arg4[%dma_start3A_126, %multiple_of3A_114] : memref<16x1000000xf32, #tpu.memory_space<hbm>> -> memref<16x128xf32, #tpu.memory_space<hbm>>
      tpu.enqueue_dma source(%dma_start3A_127 : memref<16x128xf32, #tpu.memory_space<hbm>>) target(%dma_start3A_125 : memref<16x128xf32, #tpu.memory_space<vmem>>) target_semaphore(%run_scoped3A_5 : memref<!tpu.dma_semaphore, #tpu.memory_space<semaphore_mem>>)
      %slice3A_128 = vector.extract_strided_slice %shift_left3A_19 {offsets = [7], sizes = [1], strides = [1]} : vector<16xi32> to vector<1xi32>
      %squeeze3A_129 = vector.extract %slice3A_128[0] : i32 from vector<1xi32>
      %multiple_of3A_130 = tpu.assume_multiple %squeeze3A_129, 128 : i32
      %dma_start3A_131 = arith.constant 7 : i32
      %dma_start3A_132 = arith.constant 0 : i32
      %dma_start3A_133 = arith.constant 0 : i32
      %dma_start3A_134 = tpu.memref_slice %run_scoped3A_1[%dma_start3A_131, %dma_start3A_132, %dma_start3A_133] : memref<16x16x128xf32, #tpu.memory_space<vmem>> -> memref<1x16x128xf32, #tpu.memory_space<vmem>>
      %dma_start3A_135 = tpu.memref_squeeze %dma_start3A_134 : memref<1x16x128xf32, #tpu.memory_space<vmem>> -> memref<16x128xf32, #tpu.memory_space<vmem>>
      %dma_start3A_136 = arith.constant 0 : i32
      %dma_start3A_137 = tpu.memref_slice %arg4[%dma_start3A_136, %multiple_of3A_130] : memref<16x1000000xf32, #tpu.memory_space<hbm>> -> memref<16x128xf32, #tpu.memory_space<hbm>>
      %dma_start3A_138 = arith.constant 0 : i32
      %dma_start3A_139 = arith.constant 0 : i32
      %dma_start3A_140 = tpu.memref_slice %run_scoped3A_1[%dma_start3A_131, %dma_start3A_138, %dma_start3A_139] : memref<16x16x128xf32, #tpu.memory_space<vmem>> -> memref<1x16x128xf32, #tpu.memory_space<vmem>>
      %dma_start3A_141 = tpu.memref_squeeze %dma_start3A_140 : memref<1x16x128xf32, #tpu.memory_space<vmem>> -> memref<16x128xf32, #tpu.memory_space<vmem>>
      %dma_start3A_142 = arith.constant 0 : i32
      %dma_start3A_143 = tpu.memref_slice %arg4[%dma_start3A_142, %multiple_of3A_130] : memref<16x1000000xf32, #tpu.memory_space<hbm>> -> memref<16x128xf32, #tpu.memory_space<hbm>>
      tpu.enqueue_dma source(%dma_start3A_143 : memref<16x128xf32, #tpu.memory_space<hbm>>) target(%dma_start3A_141 : memref<16x128xf32, #tpu.memory_space<vmem>>) target_semaphore(%run_scoped3A_5 : memref<!tpu.dma_semaphore, #tpu.memory_space<semaphore_mem>>)
      %slice3A_144 = vector.extract_strided_slice %shift_left3A_19 {offsets = [8], sizes = [1], strides = [1]} : vector<16xi32> to vector<1xi32>
      %squeeze3A_145 = vector.extract %slice3A_144[0] : i32 from vector<1xi32>
      %multiple_of3A_146 = tpu.assume_multiple %squeeze3A_145, 128 : i32
      %dma_start3A_147 = arith.constant 8 : i32
      %dma_start3A_148 = arith.constant 0 : i32
      %dma_start3A_149 = arith.constant 0 : i32
      %dma_start3A_150 = tpu.memref_slice %run_scoped3A_1[%dma_start3A_147, %dma_start3A_148, %dma_start3A_149] : memref<16x16x128xf32, #tpu.memory_space<vmem>> -> memref<1x16x128xf32, #tpu.memory_space<vmem>>
      %dma_start3A_151 = tpu.memref_squeeze %dma_start3A_150 : memref<1x16x128xf32, #tpu.memory_space<vmem>> -> memref<16x128xf32, #tpu.memory_space<vmem>>
      %dma_start3A_152 = arith.constant 0 : i32
      %dma_start3A_153 = tpu.memref_slice %arg4[%dma_start3A_152, %multiple_of3A_146] : memref<16x1000000xf32, #tpu.memory_space<hbm>> -> memref<16x128xf32, #tpu.memory_space<hbm>>
      %dma_start3A_154 = arith.constant 0 : i32
      %dma_start3A_155 = arith.constant 0 : i32
      %dma_start3A_156 = tpu.memref_slice %run_scoped3A_1[%dma_start3A_147, %dma_start3A_154, %dma_start3A_155] : memref<16x16x128xf32, #tpu.memory_space<vmem>> -> memref<1x16x128xf32, #tpu.memory_space<vmem>>
      %dma_start3A_157 = tpu.memref_squeeze %dma_start3A_156 : memref<1x16x128xf32, #tpu.memory_space<vmem>> -> memref<16x128xf32, #tpu.memory_space<vmem>>
      %dma_start3A_158 = arith.constant 0 : i32
      %dma_start3A_159 = tpu.memref_slice %arg4[%dma_start3A_158, %multiple_of3A_146] : memref<16x1000000xf32, #tpu.memory_space<hbm>> -> memref<16x128xf32, #tpu.memory_space<hbm>>
      tpu.enqueue_dma source(%dma_start3A_159 : memref<16x128xf32, #tpu.memory_space<hbm>>) target(%dma_start3A_157 : memref<16x128xf32, #tpu.memory_space<vmem>>) target_semaphore(%run_scoped3A_5 : memref<!tpu.dma_semaphore, #tpu.memory_space<semaphore_mem>>)
      %slice3A_160 = vector.extract_strided_slice %shift_left3A_19 {offsets = [9], sizes = [1], strides = [1]} : vector<16xi32> to vector<1xi32>
      %squeeze3A_161 = vector.extract %slice3A_160[0] : i32 from vector<1xi32>
      %multiple_of3A_162 = tpu.assume_multiple %squeeze3A_161, 128 : i32
      %dma_start3A_163 = arith.constant 9 : i32
      %dma_start3A_164 = arith.constant 0 : i32
      %dma_start3A_165 = arith.constant 0 : i32
      %dma_start3A_166 = tpu.memref_slice %run_scoped3A_1[%dma_start3A_163, %dma_start3A_164, %dma_start3A_165] : memref<16x16x128xf32, #tpu.memory_space<vmem>> -> memref<1x16x128xf32, #tpu.memory_space<vmem>>
      %dma_start3A_167 = tpu.memref_squeeze %dma_start3A_166 : memref<1x16x128xf32, #tpu.memory_space<vmem>> -> memref<16x128xf32, #tpu.memory_space<vmem>>
      %dma_start3A_168 = arith.constant 0 : i32
      %dma_start3A_169 = tpu.memref_slice %arg4[%dma_start3A_168, %multiple_of3A_162] : memref<16x1000000xf32, #tpu.memory_space<hbm>> -> memref<16x128xf32, #tpu.memory_space<hbm>>
      %dma_start3A_170 = arith.constant 0 : i32
      %dma_start3A_171 = arith.constant 0 : i32
      %dma_start3A_172 = tpu.memref_slice %run_scoped3A_1[%dma_start3A_163, %dma_start3A_170, %dma_start3A_171] : memref<16x16x128xf32, #tpu.memory_space<vmem>> -> memref<1x16x128xf32, #tpu.memory_space<vmem>>
      %dma_start3A_173 = tpu.memref_squeeze %dma_start3A_172 : memref<1x16x128xf32, #tpu.memory_space<vmem>> -> memref<16x128xf32, #tpu.memory_space<vmem>>
      %dma_start3A_174 = arith.constant 0 : i32
      %dma_start3A_175 = tpu.memref_slice %arg4[%dma_start3A_174, %multiple_of3A_162] : memref<16x1000000xf32, #tpu.memory_space<hbm>> -> memref<16x128xf32, #tpu.memory_space<hbm>>
      tpu.enqueue_dma source(%dma_start3A_175 : memref<16x128xf32, #tpu.memory_space<hbm>>) target(%dma_start3A_173 : memref<16x128xf32, #tpu.memory_space<vmem>>) target_semaphore(%run_scoped3A_5 : memref<!tpu.dma_semaphore, #tpu.memory_space<semaphore_mem>>)
      %slice3A_176 = vector.extract_strided_slice %shift_left3A_19 {offsets = [10], sizes = [1], strides = [1]} : vector<16xi32> to vector<1xi32>
      %squeeze3A_177 = vector.extract %slice3A_176[0] : i32 from vector<1xi32>
      %multiple_of3A_178 = tpu.assume_multiple %squeeze3A_177, 128 : i32
      %dma_start3A_179 = arith.constant 10 : i32
      %dma_start3A_180 = arith.constant 0 : i32
      %dma_start3A_181 = arith.constant 0 : i32
      %dma_start3A_182 = tpu.memref_slice %run_scoped3A_1[%dma_start3A_179, %dma_start3A_180, %dma_start3A_181] : memref<16x16x128xf32, #tpu.memory_space<vmem>> -> memref<1x16x128xf32, #tpu.memory_space<vmem>>
      %dma_start3A_183 = tpu.memref_squeeze %dma_start3A_182 : memref<1x16x128xf32, #tpu.memory_space<vmem>> -> memref<16x128xf32, #tpu.memory_space<vmem>>
      %dma_start3A_184 = arith.constant 0 : i32
      %dma_start3A_185 = tpu.memref_slice %arg4[%dma_start3A_184, %multiple_of3A_178] : memref<16x1000000xf32, #tpu.memory_space<hbm>> -> memref<16x128xf32, #tpu.memory_space<hbm>>
      %dma_start3A_186 = arith.constant 0 : i32
      %dma_start3A_187 = arith.constant 0 : i32
      %dma_start3A_188 = tpu.memref_slice %run_scoped3A_1[%dma_start3A_179, %dma_start3A_186, %dma_start3A_187] : memref<16x16x128xf32, #tpu.memory_space<vmem>> -> memref<1x16x128xf32, #tpu.memory_space<vmem>>
      %dma_start3A_189 = tpu.memref_squeeze %dma_start3A_188 : memref<1x16x128xf32, #tpu.memory_space<vmem>> -> memref<16x128xf32, #tpu.memory_space<vmem>>
      %dma_start3A_190 = arith.constant 0 : i32
      %dma_start3A_191 = tpu.memref_slice %arg4[%dma_start3A_190, %multiple_of3A_178] : memref<16x1000000xf32, #tpu.memory_space<hbm>> -> memref<16x128xf32, #tpu.memory_space<hbm>>
      tpu.enqueue_dma source(%dma_start3A_191 : memref<16x128xf32, #tpu.memory_space<hbm>>) target(%dma_start3A_189 : memref<16x128xf32, #tpu.memory_space<vmem>>) target_semaphore(%run_scoped3A_5 : memref<!tpu.dma_semaphore, #tpu.memory_space<semaphore_mem>>)
      %slice3A_192 = vector.extract_strided_slice %shift_left3A_19 {offsets = [11], sizes = [1], strides = [1]} : vector<16xi32> to vector<1xi32>
      %squeeze3A_193 = vector.extract %slice3A_192[0] : i32 from vector<1xi32>
      %multiple_of3A_194 = tpu.assume_multiple %squeeze3A_193, 128 : i32
      %dma_start3A_195 = arith.constant 11 : i32
      %dma_start3A_196 = arith.constant 0 : i32
      %dma_start3A_197 = arith.constant 0 : i32
      %dma_start3A_198 = tpu.memref_slice %run_scoped3A_1[%dma_start3A_195, %dma_start3A_196, %dma_start3A_197] : memref<16x16x128xf32, #tpu.memory_space<vmem>> -> memref<1x16x128xf32, #tpu.memory_space<vmem>>
      %dma_start3A_199 = tpu.memref_squeeze %dma_start3A_198 : memref<1x16x128xf32, #tpu.memory_space<vmem>> -> memref<16x128xf32, #tpu.memory_space<vmem>>
      %dma_start3A_200 = arith.constant 0 : i32
      %dma_start3A_201 = tpu.memref_slice %arg4[%dma_start3A_200, %multiple_of3A_194] : memref<16x1000000xf32, #tpu.memory_space<hbm>> -> memref<16x128xf32, #tpu.memory_space<hbm>>
      %dma_start3A_202 = arith.constant 0 : i32
      %dma_start3A_203 = arith.constant 0 : i32
      %dma_start3A_204 = tpu.memref_slice %run_scoped3A_1[%dma_start3A_195, %dma_start3A_202, %dma_start3A_203] : memref<16x16x128xf32, #tpu.memory_space<vmem>> -> memref<1x16x128xf32, #tpu.memory_space<vmem>>
      %dma_start3A_205 = tpu.memref_squeeze %dma_start3A_204 : memref<1x16x128xf32, #tpu.memory_space<vmem>> -> memref<16x128xf32, #tpu.memory_space<vmem>>
      %dma_start3A_206 = arith.constant 0 : i32
      %dma_start3A_207 = tpu.memref_slice %arg4[%dma_start3A_206, %multiple_of3A_194] : memref<16x1000000xf32, #tpu.memory_space<hbm>> -> memref<16x128xf32, #tpu.memory_space<hbm>>
      tpu.enqueue_dma source(%dma_start3A_207 : memref<16x128xf32, #tpu.memory_space<hbm>>) target(%dma_start3A_205 : memref<16x128xf32, #tpu.memory_space<vmem>>) target_semaphore(%run_scoped3A_5 : memref<!tpu.dma_semaphore, #tpu.memory_space<semaphore_mem>>)
      %slice3A_208 = vector.extract_strided_slice %shift_left3A_19 {offsets = [12], sizes = [1], strides = [1]} : vector<16xi32> to vector<1xi32>
      %squeeze3A_209 = vector.extract %slice3A_208[0] : i32 from vector<1xi32>
      %multiple_of3A_210 = tpu.assume_multiple %squeeze3A_209, 128 : i32
      %dma_start3A_211 = arith.constant 12 : i32
      %dma_start3A_212 = arith.constant 0 : i32
      %dma_start3A_213 = arith.constant 0 : i32
      %dma_start3A_214 = tpu.memref_slice %run_scoped3A_1[%dma_start3A_211, %dma_start3A_212, %dma_start3A_213] : memref<16x16x128xf32, #tpu.memory_space<vmem>> -> memref<1x16x128xf32, #tpu.memory_space<vmem>>
      %dma_start3A_215 = tpu.memref_squeeze %dma_start3A_214 : memref<1x16x128xf32, #tpu.memory_space<vmem>> -> memref<16x128xf32, #tpu.memory_space<vmem>>
      %dma_start3A_216 = arith.constant 0 : i32
      %dma_start3A_217 = tpu.memref_slice %arg4[%dma_start3A_216, %multiple_of3A_210] : memref<16x1000000xf32, #tpu.memory_space<hbm>> -> memref<16x128xf32, #tpu.memory_space<hbm>>
      %dma_start3A_218 = arith.constant 0 : i32
      %dma_start3A_219 = arith.constant 0 : i32
      %dma_start3A_220 = tpu.memref_slice %run_scoped3A_1[%dma_start3A_211, %dma_start3A_218, %dma_start3A_219] : memref<16x16x128xf32, #tpu.memory_space<vmem>> -> memref<1x16x128xf32, #tpu.memory_space<vmem>>
      %dma_start3A_221 = tpu.memref_squeeze %dma_start3A_220 : memref<1x16x128xf32, #tpu.memory_space<vmem>> -> memref<16x128xf32, #tpu.memory_space<vmem>>
      %dma_start3A_222 = arith.constant 0 : i32
      %dma_start3A_223 = tpu.memref_slice %arg4[%dma_start3A_222, %multiple_of3A_210] : memref<16x1000000xf32, #tpu.memory_space<hbm>> -> memref<16x128xf32, #tpu.memory_space<hbm>>
      tpu.enqueue_dma source(%dma_start3A_223 : memref<16x128xf32, #tpu.memory_space<hbm>>) target(%dma_start3A_221 : memref<16x128xf32, #tpu.memory_space<vmem>>) target_semaphore(%run_scoped3A_5 : memref<!tpu.dma_semaphore, #tpu.memory_space<semaphore_mem>>)
      %slice3A_224 = vector.extract_strided_slice %shift_left3A_19 {offsets = [13], sizes = [1], strides = [1]} : vector<16xi32> to vector<1xi32>
      %squeeze3A_225 = vector.extract %slice3A_224[0] : i32 from vector<1xi32>
      %multiple_of3A_226 = tpu.assume_multiple %squeeze3A_225, 128 : i32
      %dma_start3A_227 = arith.constant 13 : i32
      %dma_start3A_228 = arith.constant 0 : i32
      %dma_start3A_229 = arith.constant 0 : i32
      %dma_start3A_230 = tpu.memref_slice %run_scoped3A_1[%dma_start3A_227, %dma_start3A_228, %dma_start3A_229] : memref<16x16x128xf32, #tpu.memory_space<vmem>> -> memref<1x16x128xf32, #tpu.memory_space<vmem>>
      %dma_start3A_231 = tpu.memref_squeeze %dma_start3A_230 : memref<1x16x128xf32, #tpu.memory_space<vmem>> -> memref<16x128xf32, #tpu.memory_space<vmem>>
      %dma_start3A_232 = arith.constant 0 : i32
      %dma_start3A_233 = tpu.memref_slice %arg4[%dma_start3A_232, %multiple_of3A_226] : memref<16x1000000xf32, #tpu.memory_space<hbm>> -> memref<16x128xf32, #tpu.memory_space<hbm>>
      %dma_start3A_234 = arith.constant 0 : i32
      %dma_start3A_235 = arith.constant 0 : i32
      %dma_start3A_236 = tpu.memref_slice %run_scoped3A_1[%dma_start3A_227, %dma_start3A_234, %dma_start3A_235] : memref<16x16x128xf32, #tpu.memory_space<vmem>> -> memref<1x16x128xf32, #tpu.memory_space<vmem>>
      %dma_start3A_237 = tpu.memref_squeeze %dma_start3A_236 : memref<1x16x128xf32, #tpu.memory_space<vmem>> -> memref<16x128xf32, #tpu.memory_space<vmem>>
      %dma_start3A_238 = arith.constant 0 : i32
      %dma_start3A_239 = tpu.memref_slice %arg4[%dma_start3A_238, %multiple_of3A_226] : memref<16x1000000xf32, #tpu.memory_space<hbm>> -> memref<16x128xf32, #tpu.memory_space<hbm>>
      tpu.enqueue_dma source(%dma_start3A_239 : memref<16x128xf32, #tpu.memory_space<hbm>>) target(%dma_start3A_237 : memref<16x128xf32, #tpu.memory_space<vmem>>) target_semaphore(%run_scoped3A_5 : memref<!tpu.dma_semaphore, #tpu.memory_space<semaphore_mem>>)
      %slice3A_240 = vector.extract_strided_slice %shift_left3A_19 {offsets = [14], sizes = [1], strides = [1]} : vector<16xi32> to vector<1xi32>
      %squeeze3A_241 = vector.extract %slice3A_240[0] : i32 from vector<1xi32>
      %multiple_of3A_242 = tpu.assume_multiple %squeeze3A_241, 128 : i32
      %dma_start3A_243 = arith.constant 14 : i32
      %dma_start3A_244 = arith.constant 0 : i32
      %dma_start3A_245 = arith.constant 0 : i32
      %dma_start3A_246 = tpu.memref_slice %run_scoped3A_1[%dma_start3A_243, %dma_start3A_244, %dma_start3A_245] : memref<16x16x128xf32, #tpu.memory_space<vmem>> -> memref<1x16x128xf32, #tpu.memory_space<vmem>>
      %dma_start3A_247 = tpu.memref_squeeze %dma_start3A_246 : memref<1x16x128xf32, #tpu.memory_space<vmem>> -> memref<16x128xf32, #tpu.memory_space<vmem>>
      %dma_start3A_248 = arith.constant 0 : i32
      %dma_start3A_249 = tpu.memref_slice %arg4[%dma_start3A_248, %multiple_of3A_242] : memref<16x1000000xf32, #tpu.memory_space<hbm>> -> memref<16x128xf32, #tpu.memory_space<hbm>>
      %dma_start3A_250 = arith.constant 0 : i32
      %dma_start3A_251 = arith.constant 0 : i32
      %dma_start3A_252 = tpu.memref_slice %run_scoped3A_1[%dma_start3A_243, %dma_start3A_250, %dma_start3A_251] : memref<16x16x128xf32, #tpu.memory_space<vmem>> -> memref<1x16x128xf32, #tpu.memory_space<vmem>>
      %dma_start3A_253 = tpu.memref_squeeze %dma_start3A_252 : memref<1x16x128xf32, #tpu.memory_space<vmem>> -> memref<16x128xf32, #tpu.memory_space<vmem>>
      %dma_start3A_254 = arith.constant 0 : i32
      %dma_start3A_255 = tpu.memref_slice %arg4[%dma_start3A_254, %multiple_of3A_242] : memref<16x1000000xf32, #tpu.memory_space<hbm>> -> memref<16x128xf32, #tpu.memory_space<hbm>>
      tpu.enqueue_dma source(%dma_start3A_255 : memref<16x128xf32, #tpu.memory_space<hbm>>) target(%dma_start3A_253 : memref<16x128xf32, #tpu.memory_space<vmem>>) target_semaphore(%run_scoped3A_5 : memref<!tpu.dma_semaphore, #tpu.memory_space<semaphore_mem>>)
      %slice3A_256 = vector.extract_strided_slice %shift_left3A_19 {offsets = [15], sizes = [1], strides = [1]} : vector<16xi32> to vector<1xi32>
      %squeeze3A_257 = vector.extract %slice3A_256[0] : i32 from vector<1xi32>
      %multiple_of3A_258 = tpu.assume_multiple %squeeze3A_257, 128 : i32
      %dma_start3A_259 = arith.constant 15 : i32
      %dma_start3A_260 = arith.constant 0 : i32
      %dma_start3A_261 = arith.constant 0 : i32
      %dma_start3A_262 = tpu.memref_slice %run_scoped3A_1[%dma_start3A_259, %dma_start3A_260, %dma_start3A_261] : memref<16x16x128xf32, #tpu.memory_space<vmem>> -> memref<1x16x128xf32, #tpu.memory_space<vmem>>
      %dma_start3A_263 = tpu.memref_squeeze %dma_start3A_262 : memref<1x16x128xf32, #tpu.memory_space<vmem>> -> memref<16x128xf32, #tpu.memory_space<vmem>>
      %dma_start3A_264 = arith.constant 0 : i32
      %dma_start3A_265 = tpu.memref_slice %arg4[%dma_start3A_264, %multiple_of3A_258] : memref<16x1000000xf32, #tpu.memory_space<hbm>> -> memref<16x128xf32, #tpu.memory_space<hbm>>
      %dma_start3A_266 = arith.constant 0 : i32
      %dma_start3A_267 = arith.constant 0 : i32
      %dma_start3A_268 = tpu.memref_slice %run_scoped3A_1[%dma_start3A_259, %dma_start3A_266, %dma_start3A_267] : memref<16x16x128xf32, #tpu.memory_space<vmem>> -> memref<1x16x128xf32, #tpu.memory_space<vmem>>
      %dma_start3A_269 = tpu.memref_squeeze %dma_start3A_268 : memref<1x16x128xf32, #tpu.memory_space<vmem>> -> memref<16x128xf32, #tpu.memory_space<vmem>>
      %dma_start3A_270 = arith.constant 0 : i32
      %dma_start3A_271 = tpu.memref_slice %arg4[%dma_start3A_270, %multiple_of3A_258] : memref<16x1000000xf32, #tpu.memory_space<hbm>> -> memref<16x128xf32, #tpu.memory_space<hbm>>
      tpu.enqueue_dma source(%dma_start3A_271 : memref<16x128xf32, #tpu.memory_space<hbm>>) target(%dma_start3A_269 : memref<16x128xf32, #tpu.memory_space<vmem>>) target_semaphore(%run_scoped3A_5 : memref<!tpu.dma_semaphore, #tpu.memory_space<semaphore_mem>>)
      %min3A_272 = arith.constant 1 : i32
      %min3A_273 = arith.constant 31 : i32
      %min3A_274 = arith.minsi %min3A_272, %min3A_273 : i32
      %mul3A_275 = arith.constant 16 : i32
      %mul3A_276 = arith.muli %min3A_274, %mul3A_275 : i32
      %get3A_277 = arith.index_cast %mul3A_276 : i32 to index
      %get3A_278 = tpu.vector_load %run_scoped3A[%get3A_277] {strides = array<i32>} : memref<512xi32, #tpu.memory_space<vmem>>, vector<16xi32>,
      %shift_right_arithmetic3A_279 = arith.constant 7 : i32
      %shift_right_arithmetic3A_280 = vector.broadcast %shift_right_arithmetic3A_279 : i32 to vector<16xi32>
      %shift_right_arithmetic3A_281 = arith.shrsi %get3A_278, %shift_right_arithmetic3A_280 : vector<16xi32>
      %shift_left3A_282 = arith.constant 7 : i32
      %shift_left3A_283 = vector.broadcast %shift_left3A_282 : i32 to vector<16xi32>
      %shift_left3A_284 = arith.shli %shift_right_arithmetic3A_281, %shift_left3A_283 : vector<16xi32>
      %slice3A_285 = vector.extract_strided_slice %shift_left3A_284 {offsets = [0], sizes = [1], strides = [1]} : vector<16xi32> to vector<1xi32>
      %squeeze3A_286 = vector.extract %slice3A_285[0] : i32 from vector<1xi32>
      %multiple_of3A_287 = tpu.assume_multiple %squeeze3A_286, 128 : i32
      %dma_start3A_288 = arith.constant 0 : i32
      %dma_start3A_289 = arith.constant 0 : i32
      %dma_start3A_290 = arith.constant 0 : i32
      %dma_start3A_291 = tpu.memref_slice %run_scoped3A_2[%dma_start3A_288, %dma_start3A_289, %dma_start3A_290] : memref<16x16x128xf32, #tpu.memory_space<vmem>> -> memref<1x16x128xf32, #tpu.memory_space<vmem>>
      %dma_start3A_292 = tpu.memref_squeeze %dma_start3A_291 : memref<1x16x128xf32, #tpu.memory_space<vmem>> -> memref<16x128xf32, #tpu.memory_space<vmem>>
      %dma_start3A_293 = arith.constant 0 : i32
      %dma_start3A_294 = tpu.memref_slice %arg4[%dma_start3A_293, %multiple_of3A_287] : memref<16x1000000xf32, #tpu.memory_space<hbm>> -> memref<16x128xf32, #tpu.memory_space<hbm>>
      %dma_start3A_295 = arith.constant 0 : i32
      %dma_start3A_296 = arith.constant 0 : i32
      %dma_start3A_297 = tpu.memref_slice %run_scoped3A_2[%dma_start3A_288, %dma_start3A_295, %dma_start3A_296] : memref<16x16x128xf32, #tpu.memory_space<vmem>> -> memref<1x16x128xf32, #tpu.memory_space<vmem>>
      %dma_start3A_298 = tpu.memref_squeeze %dma_start3A_297 : memref<1x16x128xf32, #tpu.memory_space<vmem>> -> memref<16x128xf32, #tpu.memory_space<vmem>>
      %dma_start3A_299 = arith.constant 0 : i32
      %dma_start3A_300 = tpu.memref_slice %arg4[%dma_start3A_299, %multiple_of3A_287] : memref<16x1000000xf32, #tpu.memory_space<hbm>> -> memref<16x128xf32, #tpu.memory_space<hbm>>
      tpu.enqueue_dma source(%dma_start3A_300 : memref<16x128xf32, #tpu.memory_space<hbm>>) target(%dma_start3A_298 : memref<16x128xf32, #tpu.memory_space<vmem>>) target_semaphore(%run_scoped3A_6 : memref<!tpu.dma_semaphore, #tpu.memory_space<semaphore_mem>>)
      %slice3A_301 = vector.extract_strided_slice %shift_left3A_284 {offsets = [1], sizes = [1], strides = [1]} : vector<16xi32> to vector<1xi32>
      %squeeze3A_302 = vector.extract %slice3A_301[0] : i32 from vector<1xi32>
      %multiple_of3A_303 = tpu.assume_multiple %squeeze3A_302, 128 : i32
      %dma_start3A_304 = arith.constant 1 : i32
      %dma_start3A_305 = arith.constant 0 : i32
      %dma_start3A_306 = arith.constant 0 : i32
      %dma_start3A_307 = tpu.memref_slice %run_scoped3A_2[%dma_start3A_304, %dma_start3A_305, %dma_start3A_306] : memref<16x16x128xf32, #tpu.memory_space<vmem>> -> memref<1x16x128xf32, #tpu.memory_space<vmem>>
      %dma_start3A_308 = tpu.memref_squeeze %dma_start3A_307 : memref<1x16x128xf32, #tpu.memory_space<vmem>> -> memref<16x128xf32, #tpu.memory_space<vmem>>
      %dma_start3A_309 = arith.constant 0 : i32
      %dma_start3A_310 = tpu.memref_slice %arg4[%dma_start3A_309, %multiple_of3A_303] : memref<16x1000000xf32, #tpu.memory_space<hbm>> -> memref<16x128xf32, #tpu.memory_space<hbm>>
      %dma_start3A_311 = arith.constant 0 : i32
      %dma_start3A_312 = arith.constant 0 : i32
      %dma_start3A_313 = tpu.memref_slice %run_scoped3A_2[%dma_start3A_304, %dma_start3A_311, %dma_start3A_312] : memref<16x16x128xf32, #tpu.memory_space<vmem>> -> memref<1x16x128xf32, #tpu.memory_space<vmem>>
      %dma_start3A_314 = tpu.memref_squeeze %dma_start3A_313 : memref<1x16x128xf32, #tpu.memory_space<vmem>> -> memref<16x128xf32, #tpu.memory_space<vmem>>
      %dma_start3A_315 = arith.constant 0 : i32
      %dma_start3A_316 = tpu.memref_slice %arg4[%dma_start3A_315, %multiple_of3A_303] : memref<16x1000000xf32, #tpu.memory_space<hbm>> -> memref<16x128xf32, #tpu.memory_space<hbm>>
      tpu.enqueue_dma source(%dma_start3A_316 : memref<16x128xf32, #tpu.memory_space<hbm>>) target(%dma_start3A_314 : memref<16x128xf32, #tpu.memory_space<vmem>>) target_semaphore(%run_scoped3A_6 : memref<!tpu.dma_semaphore, #tpu.memory_space<semaphore_mem>>)
      %slice3A_317 = vector.extract_strided_slice %shift_left3A_284 {offsets = [2], sizes = [1], strides = [1]} : vector<16xi32> to vector<1xi32>
      %squeeze3A_318 = vector.extract %slice3A_317[0] : i32 from vector<1xi32>
      %multiple_of3A_319 = tpu.assume_multiple %squeeze3A_318, 128 : i32
      %dma_start3A_320 = arith.constant 2 : i32
      %dma_start3A_321 = arith.constant 0 : i32
      %dma_start3A_322 = arith.constant 0 : i32
      %dma_start3A_323 = tpu.memref_slice %run_scoped3A_2[%dma_start3A_320, %dma_start3A_321, %dma_start3A_322] : memref<16x16x128xf32, #tpu.memory_space<vmem>> -> memref<1x16x128xf32, #tpu.memory_space<vmem>>
      %dma_start3A_324 = tpu.memref_squeeze %dma_start3A_323 : memref<1x16x128xf32, #tpu.memory_space<vmem>> -> memref<16x128xf32, #tpu.memory_space<vmem>>
      %dma_start3A_325 = arith.constant 0 : i32
      %dma_start3A_326 = tpu.memref_slice %arg4[%dma_start3A_325, %multiple_of3A_319] : memref<16x1000000xf32, #tpu.memory_space<hbm>> -> memref<16x128xf32, #tpu.memory_space<hbm>>
      %dma_start3A_327 = arith.constant 0 : i32
      %dma_start3A_328 = arith.constant 0 : i32
      %dma_start3A_329 = tpu.memref_slice %run_scoped3A_2[%dma_start3A_320, %dma_start3A_327, %dma_start3A_328] : memref<16x16x128xf32, #tpu.memory_space<vmem>> -> memref<1x16x128xf32, #tpu.memory_space<vmem>>
      %dma_start3A_330 = tpu.memref_squeeze %dma_start3A_329 : memref<1x16x128xf32, #tpu.memory_space<vmem>> -> memref<16x128xf32, #tpu.memory_space<vmem>>
      %dma_start3A_331 = arith.constant 0 : i32
      %dma_start3A_332 = tpu.memref_slice %arg4[%dma_start3A_331, %multiple_of3A_319] : memref<16x1000000xf32, #tpu.memory_space<hbm>> -> memref<16x128xf32, #tpu.memory_space<hbm>>
      tpu.enqueue_dma source(%dma_start3A_332 : memref<16x128xf32, #tpu.memory_space<hbm>>) target(%dma_start3A_330 : memref<16x128xf32, #tpu.memory_space<vmem>>) target_semaphore(%run_scoped3A_6 : memref<!tpu.dma_semaphore, #tpu.memory_space<semaphore_mem>>)
      %slice3A_333 = vector.extract_strided_slice %shift_left3A_284 {offsets = [3], sizes = [1], strides = [1]} : vector<16xi32> to vector<1xi32>
      %squeeze3A_334 = vector.extract %slice3A_333[0] : i32 from vector<1xi32>
      %multiple_of3A_335 = tpu.assume_multiple %squeeze3A_334, 128 : i32
      %dma_start3A_336 = arith.constant 3 : i32
      %dma_start3A_337 = arith.constant 0 : i32
      %dma_start3A_338 = arith.constant 0 : i32
      %dma_start3A_339 = tpu.memref_slice %run_scoped3A_2[%dma_start3A_336, %dma_start3A_337, %dma_start3A_338] : memref<16x16x128xf32, #tpu.memory_space<vmem>> -> memref<1x16x128xf32, #tpu.memory_space<vmem>>
      %dma_start3A_340 = tpu.memref_squeeze %dma_start3A_339 : memref<1x16x128xf32, #tpu.memory_space<vmem>> -> memref<16x128xf32, #tpu.memory_space<vmem>>
      %dma_start3A_341 = arith.constant 0 : i32
      %dma_start3A_342 = tpu.memref_slice %arg4[%dma_start3A_341, %multiple_of3A_335] : memref<16x1000000xf32, #tpu.memory_space<hbm>> -> memref<16x128xf32, #tpu.memory_space<hbm>>
      %dma_start3A_343 = arith.constant 0 : i32
      %dma_start3A_344 = arith.constant 0 : i32
      %dma_start3A_345 = tpu.memref_slice %run_scoped3A_2[%dma_start3A_336, %dma_start3A_343, %dma_start3A_344] : memref<16x16x128xf32, #tpu.memory_space<vmem>> -> memref<1x16x128xf32, #tpu.memory_space<vmem>>
      %dma_start3A_346 = tpu.memref_squeeze %dma_start3A_345 : memref<1x16x128xf32, #tpu.memory_space<vmem>> -> memref<16x128xf32, #tpu.memory_space<vmem>>
      %dma_start3A_347 = arith.constant 0 : i32
      %dma_start3A_348 = tpu.memref_slice %arg4[%dma_start3A_347, %multiple_of3A_335] : memref<16x1000000xf32, #tpu.memory_space<hbm>> -> memref<16x128xf32, #tpu.memory_space<hbm>>
      tpu.enqueue_dma source(%dma_start3A_348 : memref<16x128xf32, #tpu.memory_space<hbm>>) target(%dma_start3A_346 : memref<16x128xf32, #tpu.memory_space<vmem>>) target_semaphore(%run_scoped3A_6 : memref<!tpu.dma_semaphore, #tpu.memory_space<semaphore_mem>>)
      %slice3A_349 = vector.extract_strided_slice %shift_left3A_284 {offsets = [4], sizes = [1], strides = [1]} : vector<16xi32> to vector<1xi32>
      %squeeze3A_350 = vector.extract %slice3A_349[0] : i32 from vector<1xi32>
      %multiple_of3A_351 = tpu.assume_multiple %squeeze3A_350, 128 : i32
      %dma_start3A_352 = arith.constant 4 : i32
      %dma_start3A_353 = arith.constant 0 : i32
      %dma_start3A_354 = arith.constant 0 : i32
      %dma_start3A_355 = tpu.memref_slice %run_scoped3A_2[%dma_start3A_352, %dma_start3A_353, %dma_start3A_354] : memref<16x16x128xf32, #tpu.memory_space<vmem>> -> memref<1x16x128xf32, #tpu.memory_space<vmem>>
      %dma_start3A_356 = tpu.memref_squeeze %dma_start3A_355 : memref<1x16x128xf32, #tpu.memory_space<vmem>> -> memref<16x128xf32, #tpu.memory_space<vmem>>
      %dma_start3A_357 = arith.constant 0 : i32
      %dma_start3A_358 = tpu.memref_slice %arg4[%dma_start3A_357, %multiple_of3A_351] : memref<16x1000000xf32, #tpu.memory_space<hbm>> -> memref<16x128xf32, #tpu.memory_space<hbm>>
      %dma_start3A_359 = arith.constant 0 : i32
      %dma_start3A_360 = arith.constant 0 : i32
      %dma_start3A_361 = tpu.memref_slice %run_scoped3A_2[%dma_start3A_352, %dma_start3A_359, %dma_start3A_360] : memref<16x16x128xf32, #tpu.memory_space<vmem>> -> memref<1x16x128xf32, #tpu.memory_space<vmem>>
      %dma_start3A_362 = tpu.memref_squeeze %dma_start3A_361 : memref<1x16x128xf32, #tpu.memory_space<vmem>> -> memref<16x128xf32, #tpu.memory_space<vmem>>
      %dma_start3A_363 = arith.constant 0 : i32
      %dma_start3A_364 = tpu.memref_slice %arg4[%dma_start3A_363, %multiple_of3A_351] : memref<16x1000000xf32, #tpu.memory_space<hbm>> -> memref<16x128xf32, #tpu.memory_space<hbm>>
      tpu.enqueue_dma source(%dma_start3A_364 : memref<16x128xf32, #tpu.memory_space<hbm>>) target(%dma_start3A_362 : memref<16x128xf32, #tpu.memory_space<vmem>>) target_semaphore(%run_scoped3A_6 : memref<!tpu.dma_semaphore, #tpu.memory_space<semaphore_mem>>)
      %slice3A_365 = vector.extract_strided_slice %shift_left3A_284 {offsets = [5], sizes = [1], strides = [1]} : vector<16xi32> to vector<1xi32>
      %squeeze3A_366 = vector.extract %slice3A_365[0] : i32 from vector<1xi32>
      %multiple_of3A_367 = tpu.assume_multiple %squeeze3A_366, 128 : i32
      %dma_start3A_368 = arith.constant 5 : i32
      %dma_start3A_369 = arith.constant 0 : i32
      %dma_start3A_370 = arith.constant 0 : i32
      %dma_start3A_371 = tpu.memref_slice %run_scoped3A_2[%dma_start3A_368, %dma_start3A_369, %dma_start3A_370] : memref<16x16x128xf32, #tpu.memory_space<vmem>> -> memref<1x16x128xf32, #tpu.memory_space<vmem>>
      %dma_start3A_372 = tpu.memref_squeeze %dma_start3A_371 : memref<1x16x128xf32, #tpu.memory_space<vmem>> -> memref<16x128xf32, #tpu.memory_space<vmem>>
      %dma_start3A_373 = arith.constant 0 : i32
      %dma_start3A_374 = tpu.memref_slice %arg4[%dma_start3A_373, %multiple_of3A_367] : memref<16x1000000xf32, #tpu.memory_space<hbm>> -> memref<16x128xf32, #tpu.memory_space<hbm>>
      %dma_start3A_375 = arith.constant 0 : i32
      %dma_start3A_376 = arith.constant 0 : i32
      %dma_start3A_377 = tpu.memref_slice %run_scoped3A_2[%dma_start3A_368, %dma_start3A_375, %dma_start3A_376] : memref<16x16x128xf32, #tpu.memory_space<vmem>> -> memref<1x16x128xf32, #tpu.memory_space<vmem>>
      %dma_start3A_378 = tpu.memref_squeeze %dma_start3A_377 : memref<1x16x128xf32, #tpu.memory_space<vmem>> -> memref<16x128xf32, #tpu.memory_space<vmem>>
      %dma_start3A_379 = arith.constant 0 : i32
      %dma_start3A_380 = tpu.memref_slice %arg4[%dma_start3A_379, %multiple_of3A_367] : memref<16x1000000xf32, #tpu.memory_space<hbm>> -> memref<16x128xf32, #tpu.memory_space<hbm>>
      tpu.enqueue_dma source(%dma_start3A_380 : memref<16x128xf32, #tpu.memory_space<hbm>>) target(%dma_start3A_378 : memref<16x128xf32, #tpu.memory_space<vmem>>) target_semaphore(%run_scoped3A_6 : memref<!tpu.dma_semaphore, #tpu.memory_space<semaphore_mem>>)
      %slice3A_381 = vector.extract_strided_slice %shift_left3A_284 {offsets = [6], sizes = [1], strides = [1]} : vector<16xi32> to vector<1xi32>
      %squeeze3A_382 = vector.extract %slice3A_381[0] : i32 from vector<1xi32>
      %multiple_of3A_383 = tpu.assume_multiple %squeeze3A_382, 128 : i32
      %dma_start3A_384 = arith.constant 6 : i32
      %dma_start3A_385 = arith.constant 0 : i32
      %dma_start3A_386 = arith.constant 0 : i32
      %dma_start3A_387 = tpu.memref_slice %run_scoped3A_2[%dma_start3A_384, %dma_start3A_385, %dma_start3A_386] : memref<16x16x128xf32, #tpu.memory_space<vmem>> -> memref<1x16x128xf32, #tpu.memory_space<vmem>>
      %dma_start3A_388 = tpu.memref_squeeze %dma_start3A_387 : memref<1x16x128xf32, #tpu.memory_space<vmem>> -> memref<16x128xf32, #tpu.memory_space<vmem>>
      %dma_start3A_389 = arith.constant 0 : i32
      %dma_start3A_390 = tpu.memref_slice %arg4[%dma_start3A_389, %multiple_of3A_383] : memref<16x1000000xf32, #tpu.memory_space<hbm>> -> memref<16x128xf32, #tpu.memory_space<hbm>>
      %dma_start3A_391 = arith.constant 0 : i32
      %dma_start3A_392 = arith.constant 0 : i32
      %dma_start3A_393 = tpu.memref_slice %run_scoped3A_2[%dma_start3A_384, %dma_start3A_391, %dma_start3A_392] : memref<16x16x128xf32, #tpu.memory_space<vmem>> -> memref<1x16x128xf32, #tpu.memory_space<vmem>>
      %dma_start3A_394 = tpu.memref_squeeze %dma_start3A_393 : memref<1x16x128xf32, #tpu.memory_space<vmem>> -> memref<16x128xf32, #tpu.memory_space<vmem>>
      %dma_start3A_395 = arith.constant 0 : i32
      %dma_start3A_396 = tpu.memref_slice %arg4[%dma_start3A_395, %multiple_of3A_383] : memref<16x1000000xf32, #tpu.memory_space<hbm>> -> memref<16x128xf32, #tpu.memory_space<hbm>>
      tpu.enqueue_dma source(%dma_start3A_396 : memref<16x128xf32, #tpu.memory_space<hbm>>) target(%dma_start3A_394 : memref<16x128xf32, #tpu.memory_space<vmem>>) target_semaphore(%run_scoped3A_6 : memref<!tpu.dma_semaphore, #tpu.memory_space<semaphore_mem>>)
      %slice3A_397 = vector.extract_strided_slice %shift_left3A_284 {offsets = [7], sizes = [1], strides = [1]} : vector<16xi32> to vector<1xi32>
      %squeeze3A_398 = vector.extract %slice3A_397[0] : i32 from vector<1xi32>
      %multiple_of3A_399 = tpu.assume_multiple %squeeze3A_398, 128 : i32
      %dma_start3A_400 = arith.constant 7 : i32
      %dma_start3A_401 = arith.constant 0 : i32
      %dma_start3A_402 = arith.constant 0 : i32
      %dma_start3A_403 = tpu.memref_slice %run_scoped3A_2[%dma_start3A_400, %dma_start3A_401, %dma_start3A_402] : memref<16x16x128xf32, #tpu.memory_space<vmem>> -> memref<1x16x128xf32, #tpu.memory_space<vmem>>
      %dma_start3A_404 = tpu.memref_squeeze %dma_start3A_403 : memref<1x16x128xf32, #tpu.memory_space<vmem>> -> memref<16x128xf32, #tpu.memory_space<vmem>>
      %dma_start3A_405 = arith.constant 0 : i32
      %dma_start3A_406 = tpu.memref_slice %arg4[%dma_start3A_405, %multiple_of3A_399] : memref<16x1000000xf32, #tpu.memory_space<hbm>> -> memref<16x128xf32, #tpu.memory_space<hbm>>
      %dma_start3A_407 = arith.constant 0 : i32
      %dma_start3A_408 = arith.constant 0 : i32
      %dma_start3A_409 = tpu.memref_slice %run_scoped3A_2[%dma_start3A_400, %dma_start3A_407, %dma_start3A_408] : memref<16x16x128xf32, #tpu.memory_space<vmem>> -> memref<1x16x128xf32, #tpu.memory_space<vmem>>
      %dma_start3A_410 = tpu.memref_squeeze %dma_start3A_409 : memref<1x16x128xf32, #tpu.memory_space<vmem>> -> memref<16x128xf32, #tpu.memory_space<vmem>>
      %dma_start3A_411 = arith.constant 0 : i32
      %dma_start3A_412 = tpu.memref_slice %arg4[%dma_start3A_411, %multiple_of3A_399] : memref<16x1000000xf32, #tpu.memory_space<hbm>> -> memref<16x128xf32, #tpu.memory_space<hbm>>
      tpu.enqueue_dma source(%dma_start3A_412 : memref<16x128xf32, #tpu.memory_space<hbm>>) target(%dma_start3A_410 : memref<16x128xf32, #tpu.memory_space<vmem>>) target_semaphore(%run_scoped3A_6 : memref<!tpu.dma_semaphore, #tpu.memory_space<semaphore_mem>>)
      %slice3A_413 = vector.extract_strided_slice %shift_left3A_284 {offsets = [8], sizes = [1], strides = [1]} : vector<16xi32> to vector<1xi32>
      %squeeze3A_414 = vector.extract %slice3A_413[0] : i32 from vector<1xi32>
      %multiple_of3A_415 = tpu.assume_multiple %squeeze3A_414, 128 : i32
      %dma_start3A_416 = arith.constant 8 : i32
      %dma_start3A_417 = arith.constant 0 : i32
      %dma_start3A_418 = arith.constant 0 : i32
      %dma_start3A_419 = tpu.memref_slice %run_scoped3A_2[%dma_start3A_416, %dma_start3A_417, %dma_start3A_418] : memref<16x16x128xf32, #tpu.memory_space<vmem>> -> memref<1x16x128xf32, #tpu.memory_space<vmem>>
      %dma_start3A_420 = tpu.memref_squeeze %dma_start3A_419 : memref<1x16x128xf32, #tpu.memory_space<vmem>> -> memref<16x128xf32, #tpu.memory_space<vmem>>
      %dma_start3A_421 = arith.constant 0 : i32
      %dma_start3A_422 = tpu.memref_slice %arg4[%dma_start3A_421, %multiple_of3A_415] : memref<16x1000000xf32, #tpu.memory_space<hbm>> -> memref<16x128xf32, #tpu.memory_space<hbm>>
      %dma_start3A_423 = arith.constant 0 : i32
      %dma_start3A_424 = arith.constant 0 : i32
      %dma_start3A_425 = tpu.memref_slice %run_scoped3A_2[%dma_start3A_416, %dma_start3A_423, %dma_start3A_424] : memref<16x16x128xf32, #tpu.memory_space<vmem>> -> memref<1x16x128xf32, #tpu.memory_space<vmem>>
      %dma_start3A_426 = tpu.memref_squeeze %dma_start3A_425 : memref<1x16x128xf32, #tpu.memory_space<vmem>> -> memref<16x128xf32, #tpu.memory_space<vmem>>
      %dma_start3A_427 = arith.constant 0 : i32
      %dma_start3A_428 = tpu.memref_slice %arg4[%dma_start3A_427, %multiple_of3A_415] : memref<16x1000000xf32, #tpu.memory_space<hbm>> -> memref<16x128xf32, #tpu.memory_space<hbm>>
      tpu.enqueue_dma source(%dma_start3A_428 : memref<16x128xf32, #tpu.memory_space<hbm>>) target(%dma_start3A_426 : memref<16x128xf32, #tpu.memory_space<vmem>>) target_semaphore(%run_scoped3A_6 : memref<!tpu.dma_semaphore, #tpu.memory_space<semaphore_mem>>)
      %slice3A_429 = vector.extract_strided_slice %shift_left3A_284 {offsets = [9], sizes = [1], strides = [1]} : vector<16xi32> to vector<1xi32>
      %squeeze3A_430 = vector.extract %slice3A_429[0] : i32 from vector<1xi32>
      %multiple_of3A_431 = tpu.assume_multiple %squeeze3A_430, 128 : i32
      %dma_start3A_432 = arith.constant 9 : i32
      %dma_start3A_433 = arith.constant 0 : i32
      %dma_start3A_434 = arith.constant 0 : i32
      %dma_start3A_435 = tpu.memref_slice %run_scoped3A_2[%dma_start3A_432, %dma_start3A_433, %dma_start3A_434] : memref<16x16x128xf32, #tpu.memory_space<vmem>> -> memref<1x16x128xf32, #tpu.memory_space<vmem>>
      %dma_start3A_436 = tpu.memref_squeeze %dma_start3A_435 : memref<1x16x128xf32, #tpu.memory_space<vmem>> -> memref<16x128xf32, #tpu.memory_space<vmem>>
      %dma_start3A_437 = arith.constant 0 : i32
      %dma_start3A_438 = tpu.memref_slice %arg4[%dma_start3A_437, %multiple_of3A_431] : memref<16x1000000xf32, #tpu.memory_space<hbm>> -> memref<16x128xf32, #tpu.memory_space<hbm>>
      %dma_start3A_439 = arith.constant 0 : i32
      %dma_start3A_440 = arith.constant 0 : i32
      %dma_start3A_441 = tpu.memref_slice %run_scoped3A_2[%dma_start3A_432, %dma_start3A_439, %dma_start3A_440] : memref<16x16x128xf32, #tpu.memory_space<vmem>> -> memref<1x16x128xf32, #tpu.memory_space<vmem>>
      %dma_start3A_442 = tpu.memref_squeeze %dma_start3A_441 : memref<1x16x128xf32, #tpu.memory_space<vmem>> -> memref<16x128xf32, #tpu.memory_space<vmem>>
      %dma_start3A_443 = arith.constant 0 : i32
      %dma_start3A_444 = tpu.memref_slice %arg4[%dma_start3A_443, %multiple_of3A_431] : memref<16x1000000xf32, #tpu.memory_space<hbm>> -> memref<16x128xf32, #tpu.memory_space<hbm>>
      tpu.enqueue_dma source(%dma_start3A_444 : memref<16x128xf32, #tpu.memory_space<hbm>>) target(%dma_start3A_442 : memref<16x128xf32, #tpu.memory_space<vmem>>) target_semaphore(%run_scoped3A_6 : memref<!tpu.dma_semaphore, #tpu.memory_space<semaphore_mem>>)
      %slice3A_445 = vector.extract_strided_slice %shift_left3A_284 {offsets = [10], sizes = [1], strides = [1]} : vector<16xi32> to vector<1xi32>
      %squeeze3A_446 = vector.extract %slice3A_445[0] : i32 from vector<1xi32>
      %multiple_of3A_447 = tpu.assume_multiple %squeeze3A_446, 128 : i32
      %dma_start3A_448 = arith.constant 10 : i32
      %dma_start3A_449 = arith.constant 0 : i32
      %dma_start3A_450 = arith.constant 0 : i32
      %dma_start3A_451 = tpu.memref_slice %run_scoped3A_2[%dma_start3A_448, %dma_start3A_449, %dma_start3A_450] : memref<16x16x128xf32, #tpu.memory_space<vmem>> -> memref<1x16x128xf32, #tpu.memory_space<vmem>>
      %dma_start3A_452 = tpu.memref_squeeze %dma_start3A_451 : memref<1x16x128xf32, #tpu.memory_space<vmem>> -> memref<16x128xf32, #tpu.memory_space<vmem>>
      %dma_start3A_453 = arith.constant 0 : i32
      %dma_start3A_454 = tpu.memref_slice %arg4[%dma_start3A_453, %multiple_of3A_447] : memref<16x1000000xf32, #tpu.memory_space<hbm>> -> memref<16x128xf32, #tpu.memory_space<hbm>>
      %dma_start3A_455 = arith.constant 0 : i32
      %dma_start3A_456 = arith.constant 0 : i32
      %dma_start3A_457 = tpu.memref_slice %run_scoped3A_2[%dma_start3A_448, %dma_start3A_455, %dma_start3A_456] : memref<16x16x128xf32, #tpu.memory_space<vmem>> -> memref<1x16x128xf32, #tpu.memory_space<vmem>>
      %dma_start3A_458 = tpu.memref_squeeze %dma_start3A_457 : memref<1x16x128xf32, #tpu.memory_space<vmem>> -> memref<16x128xf32, #tpu.memory_space<vmem>>
      %dma_start3A_459 = arith.constant 0 : i32
      %dma_start3A_460 = tpu.memref_slice %arg4[%dma_start3A_459, %multiple_of3A_447] : memref<16x1000000xf32, #tpu.memory_space<hbm>> -> memref<16x128xf32, #tpu.memory_space<hbm>>
      tpu.enqueue_dma source(%dma_start3A_460 : memref<16x128xf32, #tpu.memory_space<hbm>>) target(%dma_start3A_458 : memref<16x128xf32, #tpu.memory_space<vmem>>) target_semaphore(%run_scoped3A_6 : memref<!tpu.dma_semaphore, #tpu.memory_space<semaphore_mem>>)
      %slice3A_461 = vector.extract_strided_slice %shift_left3A_284 {offsets = [11], sizes = [1], strides = [1]} : vector<16xi32> to vector<1xi32>
      %squeeze3A_462 = vector.extract %slice3A_461[0] : i32 from vector<1xi32>
      %multiple_of3A_463 = tpu.assume_multiple %squeeze3A_462, 128 : i32
      %dma_start3A_464 = arith.constant 11 : i32
      %dma_start3A_465 = arith.constant 0 : i32
      %dma_start3A_466 = arith.constant 0 : i32
      %dma_start3A_467 = tpu.memref_slice %run_scoped3A_2[%dma_start3A_464, %dma_start3A_465, %dma_start3A_466] : memref<16x16x128xf32, #tpu.memory_space<vmem>> -> memref<1x16x128xf32, #tpu.memory_space<vmem>>
      %dma_start3A_468 = tpu.memref_squeeze %dma_start3A_467 : memref<1x16x128xf32, #tpu.memory_space<vmem>> -> memref<16x128xf32, #tpu.memory_space<vmem>>
      %dma_start3A_469 = arith.constant 0 : i32
      %dma_start3A_470 = tpu.memref_slice %arg4[%dma_start3A_469, %multiple_of3A_463] : memref<16x1000000xf32, #tpu.memory_space<hbm>> -> memref<16x128xf32, #tpu.memory_space<hbm>>
      %dma_start3A_471 = arith.constant 0 : i32
      %dma_start3A_472 = arith.constant 0 : i32
      %dma_start3A_473 = tpu.memref_slice %run_scoped3A_2[%dma_start3A_464, %dma_start3A_471, %dma_start3A_472] : memref<16x16x128xf32, #tpu.memory_space<vmem>> -> memref<1x16x128xf32, #tpu.memory_space<vmem>>
      %dma_start3A_474 = tpu.memref_squeeze %dma_start3A_473 : memref<1x16x128xf32, #tpu.memory_space<vmem>> -> memref<16x128xf32, #tpu.memory_space<vmem>>
      %dma_start3A_475 = arith.constant 0 : i32
      %dma_start3A_476 = tpu.memref_slice %arg4[%dma_start3A_475, %multiple_of3A_463] : memref<16x1000000xf32, #tpu.memory_space<hbm>> -> memref<16x128xf32, #tpu.memory_space<hbm>>
      tpu.enqueue_dma source(%dma_start3A_476 : memref<16x128xf32, #tpu.memory_space<hbm>>) target(%dma_start3A_474 : memref<16x128xf32, #tpu.memory_space<vmem>>) target_semaphore(%run_scoped3A_6 : memref<!tpu.dma_semaphore, #tpu.memory_space<semaphore_mem>>)
      %slice3A_477 = vector.extract_strided_slice %shift_left3A_284 {offsets = [12], sizes = [1], strides = [1]} : vector<16xi32> to vector<1xi32>
      %squeeze3A_478 = vector.extract %slice3A_477[0] : i32 from vector<1xi32>
      %multiple_of3A_479 = tpu.assume_multiple %squeeze3A_478, 128 : i32
      %dma_start3A_480 = arith.constant 12 : i32
      %dma_start3A_481 = arith.constant 0 : i32
      %dma_start3A_482 = arith.constant 0 : i32
      %dma_start3A_483 = tpu.memref_slice %run_scoped3A_2[%dma_start3A_480, %dma_start3A_481, %dma_start3A_482] : memref<16x16x128xf32, #tpu.memory_space<vmem>> -> memref<1x16x128xf32, #tpu.memory_space<vmem>>
      %dma_start3A_484 = tpu.memref_squeeze %dma_start3A_483 : memref<1x16x128xf32, #tpu.memory_space<vmem>> -> memref<16x128xf32, #tpu.memory_space<vmem>>
      %dma_start3A_485 = arith.constant 0 : i32
      %dma_start3A_486 = tpu.memref_slice %arg4[%dma_start3A_485, %multiple_of3A_479] : memref<16x1000000xf32, #tpu.memory_space<hbm>> -> memref<16x128xf32, #tpu.memory_space<hbm>>
      %dma_start3A_487 = arith.constant 0 : i32
      %dma_start3A_488 = arith.constant 0 : i32
      %dma_start3A_489 = tpu.memref_slice %run_scoped3A_2[%dma_start3A_480, %dma_start3A_487, %dma_start3A_488] : memref<16x16x128xf32, #tpu.memory_space<vmem>> -> memref<1x16x128xf32, #tpu.memory_space<vmem>>
      %dma_start3A_490 = tpu.memref_squeeze %dma_start3A_489 : memref<1x16x128xf32, #tpu.memory_space<vmem>> -> memref<16x128xf32, #tpu.memory_space<vmem>>
      %dma_start3A_491 = arith.constant 0 : i32
      %dma_start3A_492 = tpu.memref_slice %arg4[%dma_start3A_491, %multiple_of3A_479] : memref<16x1000000xf32, #tpu.memory_space<hbm>> -> memref<16x128xf32, #tpu.memory_space<hbm>>
      tpu.enqueue_dma source(%dma_start3A_492 : memref<16x128xf32, #tpu.memory_space<hbm>>) target(%dma_start3A_490 : memref<16x128xf32, #tpu.memory_space<vmem>>) target_semaphore(%run_scoped3A_6 : memref<!tpu.dma_semaphore, #tpu.memory_space<semaphore_mem>>)
      %slice3A_493 = vector.extract_strided_slice %shift_left3A_284 {offsets = [13], sizes = [1], strides = [1]} : vector<16xi32> to vector<1xi32>
      %squeeze3A_494 = vector.extract %slice3A_493[0] : i32 from vector<1xi32>
      %multiple_of3A_495 = tpu.assume_multiple %squeeze3A_494, 128 : i32
      %dma_start3A_496 = arith.constant 13 : i32
      %dma_start3A_497 = arith.constant 0 : i32
      %dma_start3A_498 = arith.constant 0 : i32
      %dma_start3A_499 = tpu.memref_slice %run_scoped3A_2[%dma_start3A_496, %dma_start3A_497, %dma_start3A_498] : memref<16x16x128xf32, #tpu.memory_space<vmem>> -> memref<1x16x128xf32, #tpu.memory_space<vmem>>
      %dma_start3A_500 = tpu.memref_squeeze %dma_start3A_499 : memref<1x16x128xf32, #tpu.memory_space<vmem>> -> memref<16x128xf32, #tpu.memory_space<vmem>>
      %dma_start3A_501 = arith.constant 0 : i32
      %dma_start3A_502 = tpu.memref_slice %arg4[%dma_start3A_501, %multiple_of3A_495] : memref<16x1000000xf32, #tpu.memory_space<hbm>> -> memref<16x128xf32, #tpu.memory_space<hbm>>
      %dma_start3A_503 = arith.constant 0 : i32
      %dma_start3A_504 = arith.constant 0 : i32
      %dma_start3A_505 = tpu.memref_slice %run_scoped3A_2[%dma_start3A_496, %dma_start3A_503, %dma_start3A_504] : memref<16x16x128xf32, #tpu.memory_space<vmem>> -> memref<1x16x128xf32, #tpu.memory_space<vmem>>
      %dma_start3A_506 = tpu.memref_squeeze %dma_start3A_505 : memref<1x16x128xf32, #tpu.memory_space<vmem>> -> memref<16x128xf32, #tpu.memory_space<vmem>>
      %dma_start3A_507 = arith.constant 0 : i32
      %dma_start3A_508 = tpu.memref_slice %arg4[%dma_start3A_507, %multiple_of3A_495] : memref<16x1000000xf32, #tpu.memory_space<hbm>> -> memref<16x128xf32, #tpu.memory_space<hbm>>
      tpu.enqueue_dma source(%dma_start3A_508 : memref<16x128xf32, #tpu.memory_space<hbm>>) target(%dma_start3A_506 : memref<16x128xf32, #tpu.memory_space<vmem>>) target_semaphore(%run_scoped3A_6 : memref<!tpu.dma_semaphore, #tpu.memory_space<semaphore_mem>>)
      %slice3A_509 = vector.extract_strided_slice %shift_left3A_284 {offsets = [14], sizes = [1], strides = [1]} : vector<16xi32> to vector<1xi32>
      %squeeze3A_510 = vector.extract %slice3A_509[0] : i32 from vector<1xi32>
      %multiple_of3A_511 = tpu.assume_multiple %squeeze3A_510, 128 : i32
      %dma_start3A_512 = arith.constant 14 : i32
      %dma_start3A_513 = arith.constant 0 : i32
      %dma_start3A_514 = arith.constant 0 : i32
      %dma_start3A_515 = tpu.memref_slice %run_scoped3A_2[%dma_start3A_512, %dma_start3A_513, %dma_start3A_514] : memref<16x16x128xf32, #tpu.memory_space<vmem>> -> memref<1x16x128xf32, #tpu.memory_space<vmem>>
      %dma_start3A_516 = tpu.memref_squeeze %dma_start3A_515 : memref<1x16x128xf32, #tpu.memory_space<vmem>> -> memref<16x128xf32, #tpu.memory_space<vmem>>
      %dma_start3A_517 = arith.constant 0 : i32
      %dma_start3A_518 = tpu.memref_slice %arg4[%dma_start3A_517, %multiple_of3A_511] : memref<16x1000000xf32, #tpu.memory_space<hbm>> -> memref<16x128xf32, #tpu.memory_space<hbm>>
      %dma_start3A_519 = arith.constant 0 : i32
      %dma_start3A_520 = arith.constant 0 : i32
      %dma_start3A_521 = tpu.memref_slice %run_scoped3A_2[%dma_start3A_512, %dma_start3A_519, %dma_start3A_520] : memref<16x16x128xf32, #tpu.memory_space<vmem>> -> memref<1x16x128xf32, #tpu.memory_space<vmem>>
      %dma_start3A_522 = tpu.memref_squeeze %dma_start3A_521 : memref<1x16x128xf32, #tpu.memory_space<vmem>> -> memref<16x128xf32, #tpu.memory_space<vmem>>
      %dma_start3A_523 = arith.constant 0 : i32
      %dma_start3A_524 = tpu.memref_slice %arg4[%dma_start3A_523, %multiple_of3A_511] : memref<16x1000000xf32, #tpu.memory_space<hbm>> -> memref<16x128xf32, #tpu.memory_space<hbm>>
      tpu.enqueue_dma source(%dma_start3A_524 : memref<16x128xf32, #tpu.memory_space<hbm>>) target(%dma_start3A_522 : memref<16x128xf32, #tpu.memory_space<vmem>>) target_semaphore(%run_scoped3A_6 : memref<!tpu.dma_semaphore, #tpu.memory_space<semaphore_mem>>)
      %slice3A_525 = vector.extract_strided_slice %shift_left3A_284 {offsets = [15], sizes = [1], strides = [1]} : vector<16xi32> to vector<1xi32>
      %squeeze3A_526 = vector.extract %slice3A_525[0] : i32 from vector<1xi32>
      %multiple_of3A_527 = tpu.assume_multiple %squeeze3A_526, 128 : i32
      %dma_start3A_528 = arith.constant 15 : i32
      %dma_start3A_529 = arith.constant 0 : i32
      %dma_start3A_530 = arith.constant 0 : i32
      %dma_start3A_531 = tpu.memref_slice %run_scoped3A_2[%dma_start3A_528, %dma_start3A_529, %dma_start3A_530] : memref<16x16x128xf32, #tpu.memory_space<vmem>> -> memref<1x16x128xf32, #tpu.memory_space<vmem>>
      %dma_start3A_532 = tpu.memref_squeeze %dma_start3A_531 : memref<1x16x128xf32, #tpu.memory_space<vmem>> -> memref<16x128xf32, #tpu.memory_space<vmem>>
      %dma_start3A_533 = arith.constant 0 : i32
      %dma_start3A_534 = tpu.memref_slice %arg4[%dma_start3A_533, %multiple_of3A_527] : memref<16x1000000xf32, #tpu.memory_space<hbm>> -> memref<16x128xf32, #tpu.memory_space<hbm>>
      %dma_start3A_535 = arith.constant 0 : i32
      %dma_start3A_536 = arith.constant 0 : i32
      %dma_start3A_537 = tpu.memref_slice %run_scoped3A_2[%dma_start3A_528, %dma_start3A_535, %dma_start3A_536] : memref<16x16x128xf32, #tpu.memory_space<vmem>> -> memref<1x16x128xf32, #tpu.memory_space<vmem>>
      %dma_start3A_538 = tpu.memref_squeeze %dma_start3A_537 : memref<1x16x128xf32, #tpu.memory_space<vmem>> -> memref<16x128xf32, #tpu.memory_space<vmem>>
      %dma_start3A_539 = arith.constant 0 : i32
      %dma_start3A_540 = tpu.memref_slice %arg4[%dma_start3A_539, %multiple_of3A_527] : memref<16x1000000xf32, #tpu.memory_space<hbm>> -> memref<16x128xf32, #tpu.memory_space<hbm>>
      tpu.enqueue_dma source(%dma_start3A_540 : memref<16x128xf32, #tpu.memory_space<hbm>>) target(%dma_start3A_538 : memref<16x128xf32, #tpu.memory_space<vmem>>) target_semaphore(%run_scoped3A_6 : memref<!tpu.dma_semaphore, #tpu.memory_space<semaphore_mem>>)
      %scan3A = arith.constant 0 : i32
      %scan3A_541 = arith.constant 0 : i32
      %scan3A_542 = arith.constant 16 : i32
      %scan3A_543 = arith.addi %scan3A_541, %scan3A_542 : i32
      %scan3A_544 = arith.constant 1 : i32
      scf.for %scan3A_1025 = %scan3A_541 to %scan3A_543 step %scan3A_544  : i32 {
        %mul3A_1026 = arith.constant 2 : i32
        %mul3A_1027 = arith.muli %mul3A_1026, %scan3A_1025 : i32
        %mul3A_1028 = arith.constant 16 : i32
        %mul3A_1029 = arith.muli %mul3A_1027, %mul3A_1028 : i32
        %get3A_1030 = arith.index_cast %mul3A_1029 : i32 to index
        %get3A_1031 = tpu.vector_load %run_scoped3A[%get3A_1030] {strides = array<i32>} : memref<512xi32, #tpu.memory_space<vmem>>, vector<16xi32>,
        %mul3A_1032 = arith.constant 16 : i32
        %mul3A_1033 = arith.muli %mul3A_1027, %mul3A_1032 : i32
        %get3A_1034 = arith.index_cast %mul3A_1033 : i32 to index
        %get3A_1035 = tpu.vector_load %run_scoped3A_0[%get3A_1034] {strides = array<i32>} : memref<512xi32, #tpu.memory_space<vmem>>, vector<16xi32>,
        %shift_right_arithmetic3A_1036 = arith.constant 7 : i32
        %shift_right_arithmetic3A_1037 = vector.broadcast %shift_right_arithmetic3A_1036 : i32 to vector<16xi32>
        %shift_right_arithmetic3A_1038 = arith.shrsi %get3A_1035, %shift_right_arithmetic3A_1037 : vector<16xi32>
        %shift_left3A_1039 = arith.constant 7 : i32
        %shift_left3A_1040 = vector.broadcast %shift_left3A_1039 : i32 to vector<16xi32>
        %shift_left3A_1041 = arith.shli %shift_right_arithmetic3A_1038, %shift_left3A_1040 : vector<16xi32>
        %and3A = arith.constant 127 : i32
        %and3A_1042 = vector.broadcast %and3A : i32 to vector<16xi32>
        %and3A_1043 = arith.andi %get3A_1031, %and3A_1042 : vector<16xi32>
        %and3A_1044 = arith.constant 127 : i32
        %and3A_1045 = vector.broadcast %and3A_1044 : i32 to vector<16xi32>
        %and3A_1046 = arith.andi %get3A_1035, %and3A_1045 : vector<16xi32>
        %slice3A_1047 = vector.extract_strided_slice %shift_left3A_1041 {offsets = [0], sizes = [1], strides = [1]} : vector<16xi32> to vector<1xi32>
        %squeeze3A_1048 = vector.extract %slice3A_1047[0] : i32 from vector<1xi32>
        %multiple_of3A_1049 = tpu.assume_multiple %squeeze3A_1048, 128 : i32
        %dma_start3A_1050 = arith.constant 0 : i32
        %dma_start3A_1051 = arith.constant 0 : i32
        %dma_start3A_1052 = arith.constant 0 : i32
        %dma_start3A_1053 = tpu.memref_slice %run_scoped3A_3[%dma_start3A_1050, %dma_start3A_1051, %dma_start3A_1052] : memref<16x16x128xf32, #tpu.memory_space<vmem>> -> memref<1x16x128xf32, #tpu.memory_space<vmem>>
        %dma_start3A_1054 = tpu.memref_squeeze %dma_start3A_1053 : memref<1x16x128xf32, #tpu.memory_space<vmem>> -> memref<16x128xf32, #tpu.memory_space<vmem>>
        %dma_start3A_1055 = arith.constant 0 : i32
        %dma_start3A_1056 = tpu.memref_slice %arg5[%dma_start3A_1055, %multiple_of3A_1049] : memref<16x1000000xf32, #tpu.memory_space<hbm>> -> memref<16x128xf32, #tpu.memory_space<hbm>>
        %dma_start3A_1057 = arith.constant 0 : i32
        %dma_start3A_1058 = arith.constant 0 : i32
        %dma_start3A_1059 = tpu.memref_slice %run_scoped3A_3[%dma_start3A_1050, %dma_start3A_1057, %dma_start3A_1058] : memref<16x16x128xf32, #tpu.memory_space<vmem>> -> memref<1x16x128xf32, #tpu.memory_space<vmem>>
        %dma_start3A_1060 = tpu.memref_squeeze %dma_start3A_1059 : memref<1x16x128xf32, #tpu.memory_space<vmem>> -> memref<16x128xf32, #tpu.memory_space<vmem>>
        %dma_start3A_1061 = arith.constant 0 : i32
        %dma_start3A_1062 = tpu.memref_slice %arg5[%dma_start3A_1061, %multiple_of3A_1049] : memref<16x1000000xf32, #tpu.memory_space<hbm>> -> memref<16x128xf32, #tpu.memory_space<hbm>>
        tpu.enqueue_dma source(%dma_start3A_1062 : memref<16x128xf32, #tpu.memory_space<hbm>>) target(%dma_start3A_1060 : memref<16x128xf32, #tpu.memory_space<vmem>>) target_semaphore(%run_scoped3A_7 : memref<!tpu.dma_semaphore, #tpu.memory_space<semaphore_mem>>)
        %slice3A_1063 = vector.extract_strided_slice %shift_left3A_1041 {offsets = [1], sizes = [1], strides = [1]} : vector<16xi32> to vector<1xi32>
        %squeeze3A_1064 = vector.extract %slice3A_1063[0] : i32 from vector<1xi32>
        %multiple_of3A_1065 = tpu.assume_multiple %squeeze3A_1064, 128 : i32
        %dma_start3A_1066 = arith.constant 1 : i32
        %dma_start3A_1067 = arith.constant 0 : i32
        %dma_start3A_1068 = arith.constant 0 : i32
        %dma_start3A_1069 = tpu.memref_slice %run_scoped3A_3[%dma_start3A_1066, %dma_start3A_1067, %dma_start3A_1068] : memref<16x16x128xf32, #tpu.memory_space<vmem>> -> memref<1x16x128xf32, #tpu.memory_space<vmem>>
        %dma_start3A_1070 = tpu.memref_squeeze %dma_start3A_1069 : memref<1x16x128xf32, #tpu.memory_space<vmem>> -> memref<16x128xf32, #tpu.memory_space<vmem>>
        %dma_start3A_1071 = arith.constant 0 : i32
        %dma_start3A_1072 = tpu.memref_slice %arg5[%dma_start3A_1071, %multiple_of3A_1065] : memref<16x1000000xf32, #tpu.memory_space<hbm>> -> memref<16x128xf32, #tpu.memory_space<hbm>>
        %dma_start3A_1073 = arith.constant 0 : i32
        %dma_start3A_1074 = arith.constant 0 : i32
        %dma_start3A_1075 = tpu.memref_slice %run_scoped3A_3[%dma_start3A_1066, %dma_start3A_1073, %dma_start3A_1074] : memref<16x16x128xf32, #tpu.memory_space<vmem>> -> memref<1x16x128xf32, #tpu.memory_space<vmem>>
        %dma_start3A_1076 = tpu.memref_squeeze %dma_start3A_1075 : memref<1x16x128xf32, #tpu.memory_space<vmem>> -> memref<16x128xf32, #tpu.memory_space<vmem>>
        %dma_start3A_1077 = arith.constant 0 : i32
        %dma_start3A_1078 = tpu.memref_slice %arg5[%dma_start3A_1077, %multiple_of3A_1065] : memref<16x1000000xf32, #tpu.memory_space<hbm>> -> memref<16x128xf32, #tpu.memory_space<hbm>>
        tpu.enqueue_dma source(%dma_start3A_1078 : memref<16x128xf32, #tpu.memory_space<hbm>>) target(%dma_start3A_1076 : memref<16x128xf32, #tpu.memory_space<vmem>>) target_semaphore(%run_scoped3A_7 : memref<!tpu.dma_semaphore, #tpu.memory_space<semaphore_mem>>)
        %slice3A_1079 = vector.extract_strided_slice %shift_left3A_1041 {offsets = [2], sizes = [1], strides = [1]} : vector<16xi32> to vector<1xi32>
        %squeeze3A_1080 = vector.extract %slice3A_1079[0] : i32 from vector<1xi32>
        %multiple_of3A_1081 = tpu.assume_multiple %squeeze3A_1080, 128 : i32
        %dma_start3A_1082 = arith.constant 2 : i32
        %dma_start3A_1083 = arith.constant 0 : i32
        %dma_start3A_1084 = arith.constant 0 : i32
        %dma_start3A_1085 = tpu.memref_slice %run_scoped3A_3[%dma_start3A_1082, %dma_start3A_1083, %dma_start3A_1084] : memref<16x16x128xf32, #tpu.memory_space<vmem>> -> memref<1x16x128xf32, #tpu.memory_space<vmem>>
        %dma_start3A_1086 = tpu.memref_squeeze %dma_start3A_1085 : memref<1x16x128xf32, #tpu.memory_space<vmem>> -> memref<16x128xf32, #tpu.memory_space<vmem>>
        %dma_start3A_1087 = arith.constant 0 : i32
        %dma_start3A_1088 = tpu.memref_slice %arg5[%dma_start3A_1087, %multiple_of3A_1081] : memref<16x1000000xf32, #tpu.memory_space<hbm>> -> memref<16x128xf32, #tpu.memory_space<hbm>>
        %dma_start3A_1089 = arith.constant 0 : i32
        %dma_start3A_1090 = arith.constant 0 : i32
        %dma_start3A_1091 = tpu.memref_slice %run_scoped3A_3[%dma_start3A_1082, %dma_start3A_1089, %dma_start3A_1090] : memref<16x16x128xf32, #tpu.memory_space<vmem>> -> memref<1x16x128xf32, #tpu.memory_space<vmem>>
        %dma_start3A_1092 = tpu.memref_squeeze %dma_start3A_1091 : memref<1x16x128xf32, #tpu.memory_space<vmem>> -> memref<16x128xf32, #tpu.memory_space<vmem>>
        %dma_start3A_1093 = arith.constant 0 : i32
        %dma_start3A_1094 = tpu.memref_slice %arg5[%dma_start3A_1093, %multiple_of3A_1081] : memref<16x1000000xf32, #tpu.memory_space<hbm>> -> memref<16x128xf32, #tpu.memory_space<hbm>>
        tpu.enqueue_dma source(%dma_start3A_1094 : memref<16x128xf32, #tpu.memory_space<hbm>>) target(%dma_start3A_1092 : memref<16x128xf32, #tpu.memory_space<vmem>>) target_semaphore(%run_scoped3A_7 : memref<!tpu.dma_semaphore, #tpu.memory_space<semaphore_mem>>)
        %slice3A_1095 = vector.extract_strided_slice %shift_left3A_1041 {offsets = [3], sizes = [1], strides = [1]} : vector<16xi32> to vector<1xi32>
        %squeeze3A_1096 = vector.extract %slice3A_1095[0] : i32 from vector<1xi32>
        %multiple_of3A_1097 = tpu.assume_multiple %squeeze3A_1096, 128 : i32
        %dma_start3A_1098 = arith.constant 3 : i32
        %dma_start3A_1099 = arith.constant 0 : i32
        %dma_start3A_1100 = arith.constant 0 : i32
        %dma_start3A_1101 = tpu.memref_slice %run_scoped3A_3[%dma_start3A_1098, %dma_start3A_1099, %dma_start3A_1100] : memref<16x16x128xf32, #tpu.memory_space<vmem>> -> memref<1x16x128xf32, #tpu.memory_space<vmem>>
        %dma_start3A_1102 = tpu.memref_squeeze %dma_start3A_1101 : memref<1x16x128xf32, #tpu.memory_space<vmem>> -> memref<16x128xf32, #tpu.memory_space<vmem>>
        %dma_start3A_1103 = arith.constant 0 : i32
        %dma_start3A_1104 = tpu.memref_slice %arg5[%dma_start3A_1103, %multiple_of3A_1097] : memref<16x1000000xf32, #tpu.memory_space<hbm>> -> memref<16x128xf32, #tpu.memory_space<hbm>>
        %dma_start3A_1105 = arith.constant 0 : i32
        %dma_start3A_1106 = arith.constant 0 : i32
        %dma_start3A_1107 = tpu.memref_slice %run_scoped3A_3[%dma_start3A_1098, %dma_start3A_1105, %dma_start3A_1106] : memref<16x16x128xf32, #tpu.memory_space<vmem>> -> memref<1x16x128xf32, #tpu.memory_space<vmem>>
        %dma_start3A_1108 = tpu.memref_squeeze %dma_start3A_1107 : memref<1x16x128xf32, #tpu.memory_space<vmem>> -> memref<16x128xf32, #tpu.memory_space<vmem>>
        %dma_start3A_1109 = arith.constant 0 : i32
        %dma_start3A_1110 = tpu.memref_slice %arg5[%dma_start3A_1109, %multiple_of3A_1097] : memref<16x1000000xf32, #tpu.memory_space<hbm>> -> memref<16x128xf32, #tpu.memory_space<hbm>>
        tpu.enqueue_dma source(%dma_start3A_1110 : memref<16x128xf32, #tpu.memory_space<hbm>>) target(%dma_start3A_1108 : memref<16x128xf32, #tpu.memory_space<vmem>>) target_semaphore(%run_scoped3A_7 : memref<!tpu.dma_semaphore, #tpu.memory_space<semaphore_mem>>)
        %slice3A_1111 = vector.extract_strided_slice %shift_left3A_1041 {offsets = [4], sizes = [1], strides = [1]} : vector<16xi32> to vector<1xi32>
        %squeeze3A_1112 = vector.extract %slice3A_1111[0] : i32 from vector<1xi32>
        %multiple_of3A_1113 = tpu.assume_multiple %squeeze3A_1112, 128 : i32
        %dma_start3A_1114 = arith.constant 4 : i32
        %dma_start3A_1115 = arith.constant 0 : i32
        %dma_start3A_1116 = arith.constant 0 : i32
        %dma_start3A_1117 = tpu.memref_slice %run_scoped3A_3[%dma_start3A_1114, %dma_start3A_1115, %dma_start3A_1116] : memref<16x16x128xf32, #tpu.memory_space<vmem>> -> memref<1x16x128xf32, #tpu.memory_space<vmem>>
        %dma_start3A_1118 = tpu.memref_squeeze %dma_start3A_1117 : memref<1x16x128xf32, #tpu.memory_space<vmem>> -> memref<16x128xf32, #tpu.memory_space<vmem>>
        %dma_start3A_1119 = arith.constant 0 : i32
        %dma_start3A_1120 = tpu.memref_slice %arg5[%dma_start3A_1119, %multiple_of3A_1113] : memref<16x1000000xf32, #tpu.memory_space<hbm>> -> memref<16x128xf32, #tpu.memory_space<hbm>>
        %dma_start3A_1121 = arith.constant 0 : i32
        %dma_start3A_1122 = arith.constant 0 : i32
        %dma_start3A_1123 = tpu.memref_slice %run_scoped3A_3[%dma_start3A_1114, %dma_start3A_1121, %dma_start3A_1122] : memref<16x16x128xf32, #tpu.memory_space<vmem>> -> memref<1x16x128xf32, #tpu.memory_space<vmem>>
        %dma_start3A_1124 = tpu.memref_squeeze %dma_start3A_1123 : memref<1x16x128xf32, #tpu.memory_space<vmem>> -> memref<16x128xf32, #tpu.memory_space<vmem>>
        %dma_start3A_1125 = arith.constant 0 : i32
        %dma_start3A_1126 = tpu.memref_slice %arg5[%dma_start3A_1125, %multiple_of3A_1113] : memref<16x1000000xf32, #tpu.memory_space<hbm>> -> memref<16x128xf32, #tpu.memory_space<hbm>>
        tpu.enqueue_dma source(%dma_start3A_1126 : memref<16x128xf32, #tpu.memory_space<hbm>>) target(%dma_start3A_1124 : memref<16x128xf32, #tpu.memory_space<vmem>>) target_semaphore(%run_scoped3A_7 : memref<!tpu.dma_semaphore, #tpu.memory_space<semaphore_mem>>)
        %slice3A_1127 = vector.extract_strided_slice %shift_left3A_1041 {offsets = [5], sizes = [1], strides = [1]} : vector<16xi32> to vector<1xi32>
        %squeeze3A_1128 = vector.extract %slice3A_1127[0] : i32 from vector<1xi32>
        %multiple_of3A_1129 = tpu.assume_multiple %squeeze3A_1128, 128 : i32
        %dma_start3A_1130 = arith.constant 5 : i32
        %dma_start3A_1131 = arith.constant 0 : i32
        %dma_start3A_1132 = arith.constant 0 : i32
        %dma_start3A_1133 = tpu.memref_slice %run_scoped3A_3[%dma_start3A_1130, %dma_start3A_1131, %dma_start3A_1132] : memref<16x16x128xf32, #tpu.memory_space<vmem>> -> memref<1x16x128xf32, #tpu.memory_space<vmem>>
        %dma_start3A_1134 = tpu.memref_squeeze %dma_start3A_1133 : memref<1x16x128xf32, #tpu.memory_space<vmem>> -> memref<16x128xf32, #tpu.memory_space<vmem>>
        %dma_start3A_1135 = arith.constant 0 : i32
        %dma_start3A_1136 = tpu.memref_slice %arg5[%dma_start3A_1135, %multiple_of3A_1129] : memref<16x1000000xf32, #tpu.memory_space<hbm>> -> memref<16x128xf32, #tpu.memory_space<hbm>>
        %dma_start3A_1137 = arith.constant 0 : i32
        %dma_start3A_1138 = arith.constant 0 : i32
        %dma_start3A_1139 = tpu.memref_slice %run_scoped3A_3[%dma_start3A_1130, %dma_start3A_1137, %dma_start3A_1138] : memref<16x16x128xf32, #tpu.memory_space<vmem>> -> memref<1x16x128xf32, #tpu.memory_space<vmem>>
        %dma_start3A_1140 = tpu.memref_squeeze %dma_start3A_1139 : memref<1x16x128xf32, #tpu.memory_space<vmem>> -> memref<16x128xf32, #tpu.memory_space<vmem>>
        %dma_start3A_1141 = arith.constant 0 : i32
        %dma_start3A_1142 = tpu.memref_slice %arg5[%dma_start3A_1141, %multiple_of3A_1129] : memref<16x1000000xf32, #tpu.memory_space<hbm>> -> memref<16x128xf32, #tpu.memory_space<hbm>>
        tpu.enqueue_dma source(%dma_start3A_1142 : memref<16x128xf32, #tpu.memory_space<hbm>>) target(%dma_start3A_1140 : memref<16x128xf32, #tpu.memory_space<vmem>>) target_semaphore(%run_scoped3A_7 : memref<!tpu.dma_semaphore, #tpu.memory_space<semaphore_mem>>)
        %slice3A_1143 = vector.extract_strided_slice %shift_left3A_1041 {offsets = [6], sizes = [1], strides = [1]} : vector<16xi32> to vector<1xi32>
        %squeeze3A_1144 = vector.extract %slice3A_1143[0] : i32 from vector<1xi32>
        %multiple_of3A_1145 = tpu.assume_multiple %squeeze3A_1144, 128 : i32
        %dma_start3A_1146 = arith.constant 6 : i32
        %dma_start3A_1147 = arith.constant 0 : i32
        %dma_start3A_1148 = arith.constant 0 : i32
        %dma_start3A_1149 = tpu.memref_slice %run_scoped3A_3[%dma_start3A_1146, %dma_start3A_1147, %dma_start3A_1148] : memref<16x16x128xf32, #tpu.memory_space<vmem>> -> memref<1x16x128xf32, #tpu.memory_space<vmem>>
        %dma_start3A_1150 = tpu.memref_squeeze %dma_start3A_1149 : memref<1x16x128xf32, #tpu.memory_space<vmem>> -> memref<16x128xf32, #tpu.memory_space<vmem>>
        %dma_start3A_1151 = arith.constant 0 : i32
        %dma_start3A_1152 = tpu.memref_slice %arg5[%dma_start3A_1151, %multiple_of3A_1145] : memref<16x1000000xf32, #tpu.memory_space<hbm>> -> memref<16x128xf32, #tpu.memory_space<hbm>>
        %dma_start3A_1153 = arith.constant 0 : i32
        %dma_start3A_1154 = arith.constant 0 : i32
        %dma_start3A_1155 = tpu.memref_slice %run_scoped3A_3[%dma_start3A_1146, %dma_start3A_1153, %dma_start3A_1154] : memref<16x16x128xf32, #tpu.memory_space<vmem>> -> memref<1x16x128xf32, #tpu.memory_space<vmem>>
        %dma_start3A_1156 = tpu.memref_squeeze %dma_start3A_1155 : memref<1x16x128xf32, #tpu.memory_space<vmem>> -> memref<16x128xf32, #tpu.memory_space<vmem>>
        %dma_start3A_1157 = arith.constant 0 : i32
        %dma_start3A_1158 = tpu.memref_slice %arg5[%dma_start3A_1157, %multiple_of3A_1145] : memref<16x1000000xf32, #tpu.memory_space<hbm>> -> memref<16x128xf32, #tpu.memory_space<hbm>>
        tpu.enqueue_dma source(%dma_start3A_1158 : memref<16x128xf32, #tpu.memory_space<hbm>>) target(%dma_start3A_1156 : memref<16x128xf32, #tpu.memory_space<vmem>>) target_semaphore(%run_scoped3A_7 : memref<!tpu.dma_semaphore, #tpu.memory_space<semaphore_mem>>)
        %slice3A_1159 = vector.extract_strided_slice %shift_left3A_1041 {offsets = [7], sizes = [1], strides = [1]} : vector<16xi32> to vector<1xi32>
        %squeeze3A_1160 = vector.extract %slice3A_1159[0] : i32 from vector<1xi32>
        %multiple_of3A_1161 = tpu.assume_multiple %squeeze3A_1160, 128 : i32
        %dma_start3A_1162 = arith.constant 7 : i32
        %dma_start3A_1163 = arith.constant 0 : i32
        %dma_start3A_1164 = arith.constant 0 : i32
        %dma_start3A_1165 = tpu.memref_slice %run_scoped3A_3[%dma_start3A_1162, %dma_start3A_1163, %dma_start3A_1164] : memref<16x16x128xf32, #tpu.memory_space<vmem>> -> memref<1x16x128xf32, #tpu.memory_space<vmem>>
        %dma_start3A_1166 = tpu.memref_squeeze %dma_start3A_1165 : memref<1x16x128xf32, #tpu.memory_space<vmem>> -> memref<16x128xf32, #tpu.memory_space<vmem>>
        %dma_start3A_1167 = arith.constant 0 : i32
        %dma_start3A_1168 = tpu.memref_slice %arg5[%dma_start3A_1167, %multiple_of3A_1161] : memref<16x1000000xf32, #tpu.memory_space<hbm>> -> memref<16x128xf32, #tpu.memory_space<hbm>>
        %dma_start3A_1169 = arith.constant 0 : i32
        %dma_start3A_1170 = arith.constant 0 : i32
        %dma_start3A_1171 = tpu.memref_slice %run_scoped3A_3[%dma_start3A_1162, %dma_start3A_1169, %dma_start3A_1170] : memref<16x16x128xf32, #tpu.memory_space<vmem>> -> memref<1x16x128xf32, #tpu.memory_space<vmem>>
        %dma_start3A_1172 = tpu.memref_squeeze %dma_start3A_1171 : memref<1x16x128xf32, #tpu.memory_space<vmem>> -> memref<16x128xf32, #tpu.memory_space<vmem>>
        %dma_start3A_1173 = arith.constant 0 : i32
        %dma_start3A_1174 = tpu.memref_slice %arg5[%dma_start3A_1173, %multiple_of3A_1161] : memref<16x1000000xf32, #tpu.memory_space<hbm>> -> memref<16x128xf32, #tpu.memory_space<hbm>>
        tpu.enqueue_dma source(%dma_start3A_1174 : memref<16x128xf32, #tpu.memory_space<hbm>>) target(%dma_start3A_1172 : memref<16x128xf32, #tpu.memory_space<vmem>>) target_semaphore(%run_scoped3A_7 : memref<!tpu.dma_semaphore, #tpu.memory_space<semaphore_mem>>)
        %slice3A_1175 = vector.extract_strided_slice %shift_left3A_1041 {offsets = [8], sizes = [1], strides = [1]} : vector<16xi32> to vector<1xi32>
        %squeeze3A_1176 = vector.extract %slice3A_1175[0] : i32 from vector<1xi32>
        %multiple_of3A_1177 = tpu.assume_multiple %squeeze3A_1176, 128 : i32
        %dma_start3A_1178 = arith.constant 8 : i32
        %dma_start3A_1179 = arith.constant 0 : i32
        %dma_start3A_1180 = arith.constant 0 : i32
        %dma_start3A_1181 = tpu.memref_slice %run_scoped3A_3[%dma_start3A_1178, %dma_start3A_1179, %dma_start3A_1180] : memref<16x16x128xf32, #tpu.memory_space<vmem>> -> memref<1x16x128xf32, #tpu.memory_space<vmem>>
        %dma_start3A_1182 = tpu.memref_squeeze %dma_start3A_1181 : memref<1x16x128xf32, #tpu.memory_space<vmem>> -> memref<16x128xf32, #tpu.memory_space<vmem>>
        %dma_start3A_1183 = arith.constant 0 : i32
        %dma_start3A_1184 = tpu.memref_slice %arg5[%dma_start3A_1183, %multiple_of3A_1177] : memref<16x1000000xf32, #tpu.memory_space<hbm>> -> memref<16x128xf32, #tpu.memory_space<hbm>>
        %dma_start3A_1185 = arith.constant 0 : i32
        %dma_start3A_1186 = arith.constant 0 : i32
        %dma_start3A_1187 = tpu.memref_slice %run_scoped3A_3[%dma_start3A_1178, %dma_start3A_1185, %dma_start3A_1186] : memref<16x16x128xf32, #tpu.memory_space<vmem>> -> memref<1x16x128xf32, #tpu.memory_space<vmem>>
        %dma_start3A_1188 = tpu.memref_squeeze %dma_start3A_1187 : memref<1x16x128xf32, #tpu.memory_space<vmem>> -> memref<16x128xf32, #tpu.memory_space<vmem>>
        %dma_start3A_1189 = arith.constant 0 : i32
        %dma_start3A_1190 = tpu.memref_slice %arg5[%dma_start3A_1189, %multiple_of3A_1177] : memref<16x1000000xf32, #tpu.memory_space<hbm>> -> memref<16x128xf32, #tpu.memory_space<hbm>>
        tpu.enqueue_dma source(%dma_start3A_1190 : memref<16x128xf32, #tpu.memory_space<hbm>>) target(%dma_start3A_1188 : memref<16x128xf32, #tpu.memory_space<vmem>>) target_semaphore(%run_scoped3A_7 : memref<!tpu.dma_semaphore, #tpu.memory_space<semaphore_mem>>)
        %slice3A_1191 = vector.extract_strided_slice %shift_left3A_1041 {offsets = [9], sizes = [1], strides = [1]} : vector<16xi32> to vector<1xi32>
        %squeeze3A_1192 = vector.extract %slice3A_1191[0] : i32 from vector<1xi32>
        %multiple_of3A_1193 = tpu.assume_multiple %squeeze3A_1192, 128 : i32
        %dma_start3A_1194 = arith.constant 9 : i32
        %dma_start3A_1195 = arith.constant 0 : i32
        %dma_start3A_1196 = arith.constant 0 : i32
        %dma_start3A_1197 = tpu.memref_slice %run_scoped3A_3[%dma_start3A_1194, %dma_start3A_1195, %dma_start3A_1196] : memref<16x16x128xf32, #tpu.memory_space<vmem>> -> memref<1x16x128xf32, #tpu.memory_space<vmem>>
        %dma_start3A_1198 = tpu.memref_squeeze %dma_start3A_1197 : memref<1x16x128xf32, #tpu.memory_space<vmem>> -> memref<16x128xf32, #tpu.memory_space<vmem>>
        %dma_start3A_1199 = arith.constant 0 : i32
        %dma_start3A_1200 = tpu.memref_slice %arg5[%dma_start3A_1199, %multiple_of3A_1193] : memref<16x1000000xf32, #tpu.memory_space<hbm>> -> memref<16x128xf32, #tpu.memory_space<hbm>>
        %dma_start3A_1201 = arith.constant 0 : i32
        %dma_start3A_1202 = arith.constant 0 : i32
        %dma_start3A_1203 = tpu.memref_slice %run_scoped3A_3[%dma_start3A_1194, %dma_start3A_1201, %dma_start3A_1202] : memref<16x16x128xf32, #tpu.memory_space<vmem>> -> memref<1x16x128xf32, #tpu.memory_space<vmem>>
        %dma_start3A_1204 = tpu.memref_squeeze %dma_start3A_1203 : memref<1x16x128xf32, #tpu.memory_space<vmem>> -> memref<16x128xf32, #tpu.memory_space<vmem>>
        %dma_start3A_1205 = arith.constant 0 : i32
        %dma_start3A_1206 = tpu.memref_slice %arg5[%dma_start3A_1205, %multiple_of3A_1193] : memref<16x1000000xf32, #tpu.memory_space<hbm>> -> memref<16x128xf32, #tpu.memory_space<hbm>>
        tpu.enqueue_dma source(%dma_start3A_1206 : memref<16x128xf32, #tpu.memory_space<hbm>>) target(%dma_start3A_1204 : memref<16x128xf32, #tpu.memory_space<vmem>>) target_semaphore(%run_scoped3A_7 : memref<!tpu.dma_semaphore, #tpu.memory_space<semaphore_mem>>)
        %slice3A_1207 = vector.extract_strided_slice %shift_left3A_1041 {offsets = [10], sizes = [1], strides = [1]} : vector<16xi32> to vector<1xi32>
        %squeeze3A_1208 = vector.extract %slice3A_1207[0] : i32 from vector<1xi32>
        %multiple_of3A_1209 = tpu.assume_multiple %squeeze3A_1208, 128 : i32
        %dma_start3A_1210 = arith.constant 10 : i32
        %dma_start3A_1211 = arith.constant 0 : i32
        %dma_start3A_1212 = arith.constant 0 : i32
        %dma_start3A_1213 = tpu.memref_slice %run_scoped3A_3[%dma_start3A_1210, %dma_start3A_1211, %dma_start3A_1212] : memref<16x16x128xf32, #tpu.memory_space<vmem>> -> memref<1x16x128xf32, #tpu.memory_space<vmem>>
        %dma_start3A_1214 = tpu.memref_squeeze %dma_start3A_1213 : memref<1x16x128xf32, #tpu.memory_space<vmem>> -> memref<16x128xf32, #tpu.memory_space<vmem>>
        %dma_start3A_1215 = arith.constant 0 : i32
        %dma_start3A_1216 = tpu.memref_slice %arg5[%dma_start3A_1215, %multiple_of3A_1209] : memref<16x1000000xf32, #tpu.memory_space<hbm>> -> memref<16x128xf32, #tpu.memory_space<hbm>>
        %dma_start3A_1217 = arith.constant 0 : i32
        %dma_start3A_1218 = arith.constant 0 : i32
        %dma_start3A_1219 = tpu.memref_slice %run_scoped3A_3[%dma_start3A_1210, %dma_start3A_1217, %dma_start3A_1218] : memref<16x16x128xf32, #tpu.memory_space<vmem>> -> memref<1x16x128xf32, #tpu.memory_space<vmem>>
        %dma_start3A_1220 = tpu.memref_squeeze %dma_start3A_1219 : memref<1x16x128xf32, #tpu.memory_space<vmem>> -> memref<16x128xf32, #tpu.memory_space<vmem>>
        %dma_start3A_1221 = arith.constant 0 : i32
        %dma_start3A_1222 = tpu.memref_slice %arg5[%dma_start3A_1221, %multiple_of3A_1209] : memref<16x1000000xf32, #tpu.memory_space<hbm>> -> memref<16x128xf32, #tpu.memory_space<hbm>>
        tpu.enqueue_dma source(%dma_start3A_1222 : memref<16x128xf32, #tpu.memory_space<hbm>>) target(%dma_start3A_1220 : memref<16x128xf32, #tpu.memory_space<vmem>>) target_semaphore(%run_scoped3A_7 : memref<!tpu.dma_semaphore, #tpu.memory_space<semaphore_mem>>)
        %slice3A_1223 = vector.extract_strided_slice %shift_left3A_1041 {offsets = [11], sizes = [1], strides = [1]} : vector<16xi32> to vector<1xi32>
        %squeeze3A_1224 = vector.extract %slice3A_1223[0] : i32 from vector<1xi32>
        %multiple_of3A_1225 = tpu.assume_multiple %squeeze3A_1224, 128 : i32
        %dma_start3A_1226 = arith.constant 11 : i32
        %dma_start3A_1227 = arith.constant 0 : i32
        %dma_start3A_1228 = arith.constant 0 : i32
        %dma_start3A_1229 = tpu.memref_slice %run_scoped3A_3[%dma_start3A_1226, %dma_start3A_1227, %dma_start3A_1228] : memref<16x16x128xf32, #tpu.memory_space<vmem>> -> memref<1x16x128xf32, #tpu.memory_space<vmem>>
        %dma_start3A_1230 = tpu.memref_squeeze %dma_start3A_1229 : memref<1x16x128xf32, #tpu.memory_space<vmem>> -> memref<16x128xf32, #tpu.memory_space<vmem>>
        %dma_start3A_1231 = arith.constant 0 : i32
        %dma_start3A_1232 = tpu.memref_slice %arg5[%dma_start3A_1231, %multiple_of3A_1225] : memref<16x1000000xf32, #tpu.memory_space<hbm>> -> memref<16x128xf32, #tpu.memory_space<hbm>>
        %dma_start3A_1233 = arith.constant 0 : i32
        %dma_start3A_1234 = arith.constant 0 : i32
        %dma_start3A_1235 = tpu.memref_slice %run_scoped3A_3[%dma_start3A_1226, %dma_start3A_1233, %dma_start3A_1234] : memref<16x16x128xf32, #tpu.memory_space<vmem>> -> memref<1x16x128xf32, #tpu.memory_space<vmem>>
        %dma_start3A_1236 = tpu.memref_squeeze %dma_start3A_1235 : memref<1x16x128xf32, #tpu.memory_space<vmem>> -> memref<16x128xf32, #tpu.memory_space<vmem>>
        %dma_start3A_1237 = arith.constant 0 : i32
        %dma_start3A_1238 = tpu.memref_slice %arg5[%dma_start3A_1237, %multiple_of3A_1225] : memref<16x1000000xf32, #tpu.memory_space<hbm>> -> memref<16x128xf32, #tpu.memory_space<hbm>>
        tpu.enqueue_dma source(%dma_start3A_1238 : memref<16x128xf32, #tpu.memory_space<hbm>>) target(%dma_start3A_1236 : memref<16x128xf32, #tpu.memory_space<vmem>>) target_semaphore(%run_scoped3A_7 : memref<!tpu.dma_semaphore, #tpu.memory_space<semaphore_mem>>)
        %slice3A_1239 = vector.extract_strided_slice %shift_left3A_1041 {offsets = [12], sizes = [1], strides = [1]} : vector<16xi32> to vector<1xi32>
        %squeeze3A_1240 = vector.extract %slice3A_1239[0] : i32 from vector<1xi32>
        %multiple_of3A_1241 = tpu.assume_multiple %squeeze3A_1240, 128 : i32
        %dma_start3A_1242 = arith.constant 12 : i32
        %dma_start3A_1243 = arith.constant 0 : i32
        %dma_start3A_1244 = arith.constant 0 : i32
        %dma_start3A_1245 = tpu.memref_slice %run_scoped3A_3[%dma_start3A_1242, %dma_start3A_1243, %dma_start3A_1244] : memref<16x16x128xf32, #tpu.memory_space<vmem>> -> memref<1x16x128xf32, #tpu.memory_space<vmem>>
        %dma_start3A_1246 = tpu.memref_squeeze %dma_start3A_1245 : memref<1x16x128xf32, #tpu.memory_space<vmem>> -> memref<16x128xf32, #tpu.memory_space<vmem>>
        %dma_start3A_1247 = arith.constant 0 : i32
        %dma_start3A_1248 = tpu.memref_slice %arg5[%dma_start3A_1247, %multiple_of3A_1241] : memref<16x1000000xf32, #tpu.memory_space<hbm>> -> memref<16x128xf32, #tpu.memory_space<hbm>>
        %dma_start3A_1249 = arith.constant 0 : i32
        %dma_start3A_1250 = arith.constant 0 : i32
        %dma_start3A_1251 = tpu.memref_slice %run_scoped3A_3[%dma_start3A_1242, %dma_start3A_1249, %dma_start3A_1250] : memref<16x16x128xf32, #tpu.memory_space<vmem>> -> memref<1x16x128xf32, #tpu.memory_space<vmem>>
        %dma_start3A_1252 = tpu.memref_squeeze %dma_start3A_1251 : memref<1x16x128xf32, #tpu.memory_space<vmem>> -> memref<16x128xf32, #tpu.memory_space<vmem>>
        %dma_start3A_1253 = arith.constant 0 : i32
        %dma_start3A_1254 = tpu.memref_slice %arg5[%dma_start3A_1253, %multiple_of3A_1241] : memref<16x1000000xf32, #tpu.memory_space<hbm>> -> memref<16x128xf32, #tpu.memory_space<hbm>>
        tpu.enqueue_dma source(%dma_start3A_1254 : memref<16x128xf32, #tpu.memory_space<hbm>>) target(%dma_start3A_1252 : memref<16x128xf32, #tpu.memory_space<vmem>>) target_semaphore(%run_scoped3A_7 : memref<!tpu.dma_semaphore, #tpu.memory_space<semaphore_mem>>)
        %slice3A_1255 = vector.extract_strided_slice %shift_left3A_1041 {offsets = [13], sizes = [1], strides = [1]} : vector<16xi32> to vector<1xi32>
        %squeeze3A_1256 = vector.extract %slice3A_1255[0] : i32 from vector<1xi32>
        %multiple_of3A_1257 = tpu.assume_multiple %squeeze3A_1256, 128 : i32
        %dma_start3A_1258 = arith.constant 13 : i32
        %dma_start3A_1259 = arith.constant 0 : i32
        %dma_start3A_1260 = arith.constant 0 : i32
        %dma_start3A_1261 = tpu.memref_slice %run_scoped3A_3[%dma_start3A_1258, %dma_start3A_1259, %dma_start3A_1260] : memref<16x16x128xf32, #tpu.memory_space<vmem>> -> memref<1x16x128xf32, #tpu.memory_space<vmem>>
        %dma_start3A_1262 = tpu.memref_squeeze %dma_start3A_1261 : memref<1x16x128xf32, #tpu.memory_space<vmem>> -> memref<16x128xf32, #tpu.memory_space<vmem>>
        %dma_start3A_1263 = arith.constant 0 : i32
        %dma_start3A_1264 = tpu.memref_slice %arg5[%dma_start3A_1263, %multiple_of3A_1257] : memref<16x1000000xf32, #tpu.memory_space<hbm>> -> memref<16x128xf32, #tpu.memory_space<hbm>>
        %dma_start3A_1265 = arith.constant 0 : i32
        %dma_start3A_1266 = arith.constant 0 : i32
        %dma_start3A_1267 = tpu.memref_slice %run_scoped3A_3[%dma_start3A_1258, %dma_start3A_1265, %dma_start3A_1266] : memref<16x16x128xf32, #tpu.memory_space<vmem>> -> memref<1x16x128xf32, #tpu.memory_space<vmem>>
        %dma_start3A_1268 = tpu.memref_squeeze %dma_start3A_1267 : memref<1x16x128xf32, #tpu.memory_space<vmem>> -> memref<16x128xf32, #tpu.memory_space<vmem>>
        %dma_start3A_1269 = arith.constant 0 : i32
        %dma_start3A_1270 = tpu.memref_slice %arg5[%dma_start3A_1269, %multiple_of3A_1257] : memref<16x1000000xf32, #tpu.memory_space<hbm>> -> memref<16x128xf32, #tpu.memory_space<hbm>>
        tpu.enqueue_dma source(%dma_start3A_1270 : memref<16x128xf32, #tpu.memory_space<hbm>>) target(%dma_start3A_1268 : memref<16x128xf32, #tpu.memory_space<vmem>>) target_semaphore(%run_scoped3A_7 : memref<!tpu.dma_semaphore, #tpu.memory_space<semaphore_mem>>)
        %slice3A_1271 = vector.extract_strided_slice %shift_left3A_1041 {offsets = [14], sizes = [1], strides = [1]} : vector<16xi32> to vector<1xi32>
        %squeeze3A_1272 = vector.extract %slice3A_1271[0] : i32 from vector<1xi32>
        %multiple_of3A_1273 = tpu.assume_multiple %squeeze3A_1272, 128 : i32
        %dma_start3A_1274 = arith.constant 14 : i32
        %dma_start3A_1275 = arith.constant 0 : i32
        %dma_start3A_1276 = arith.constant 0 : i32
        %dma_start3A_1277 = tpu.memref_slice %run_scoped3A_3[%dma_start3A_1274, %dma_start3A_1275, %dma_start3A_1276] : memref<16x16x128xf32, #tpu.memory_space<vmem>> -> memref<1x16x128xf32, #tpu.memory_space<vmem>>
        %dma_start3A_1278 = tpu.memref_squeeze %dma_start3A_1277 : memref<1x16x128xf32, #tpu.memory_space<vmem>> -> memref<16x128xf32, #tpu.memory_space<vmem>>
        %dma_start3A_1279 = arith.constant 0 : i32
        %dma_start3A_1280 = tpu.memref_slice %arg5[%dma_start3A_1279, %multiple_of3A_1273] : memref<16x1000000xf32, #tpu.memory_space<hbm>> -> memref<16x128xf32, #tpu.memory_space<hbm>>
        %dma_start3A_1281 = arith.constant 0 : i32
        %dma_start3A_1282 = arith.constant 0 : i32
        %dma_start3A_1283 = tpu.memref_slice %run_scoped3A_3[%dma_start3A_1274, %dma_start3A_1281, %dma_start3A_1282] : memref<16x16x128xf32, #tpu.memory_space<vmem>> -> memref<1x16x128xf32, #tpu.memory_space<vmem>>
        %dma_start3A_1284 = tpu.memref_squeeze %dma_start3A_1283 : memref<1x16x128xf32, #tpu.memory_space<vmem>> -> memref<16x128xf32, #tpu.memory_space<vmem>>
        %dma_start3A_1285 = arith.constant 0 : i32
        %dma_start3A_1286 = tpu.memref_slice %arg5[%dma_start3A_1285, %multiple_of3A_1273] : memref<16x1000000xf32, #tpu.memory_space<hbm>> -> memref<16x128xf32, #tpu.memory_space<hbm>>
        tpu.enqueue_dma source(%dma_start3A_1286 : memref<16x128xf32, #tpu.memory_space<hbm>>) target(%dma_start3A_1284 : memref<16x128xf32, #tpu.memory_space<vmem>>) target_semaphore(%run_scoped3A_7 : memref<!tpu.dma_semaphore, #tpu.memory_space<semaphore_mem>>)
        %slice3A_1287 = vector.extract_strided_slice %shift_left3A_1041 {offsets = [15], sizes = [1], strides = [1]} : vector<16xi32> to vector<1xi32>
        %squeeze3A_1288 = vector.extract %slice3A_1287[0] : i32 from vector<1xi32>
        %multiple_of3A_1289 = tpu.assume_multiple %squeeze3A_1288, 128 : i32
        %dma_start3A_1290 = arith.constant 15 : i32
        %dma_start3A_1291 = arith.constant 0 : i32
        %dma_start3A_1292 = arith.constant 0 : i32
        %dma_start3A_1293 = tpu.memref_slice %run_scoped3A_3[%dma_start3A_1290, %dma_start3A_1291, %dma_start3A_1292] : memref<16x16x128xf32, #tpu.memory_space<vmem>> -> memref<1x16x128xf32, #tpu.memory_space<vmem>>
        %dma_start3A_1294 = tpu.memref_squeeze %dma_start3A_1293 : memref<1x16x128xf32, #tpu.memory_space<vmem>> -> memref<16x128xf32, #tpu.memory_space<vmem>>
        %dma_start3A_1295 = arith.constant 0 : i32
        %dma_start3A_1296 = tpu.memref_slice %arg5[%dma_start3A_1295, %multiple_of3A_1289] : memref<16x1000000xf32, #tpu.memory_space<hbm>> -> memref<16x128xf32, #tpu.memory_space<hbm>>
        %dma_start3A_1297 = arith.constant 0 : i32
        %dma_start3A_1298 = arith.constant 0 : i32
        %dma_start3A_1299 = tpu.memref_slice %run_scoped3A_3[%dma_start3A_1290, %dma_start3A_1297, %dma_start3A_1298] : memref<16x16x128xf32, #tpu.memory_space<vmem>> -> memref<1x16x128xf32, #tpu.memory_space<vmem>>
        %dma_start3A_1300 = tpu.memref_squeeze %dma_start3A_1299 : memref<1x16x128xf32, #tpu.memory_space<vmem>> -> memref<16x128xf32, #tpu.memory_space<vmem>>
        %dma_start3A_1301 = arith.constant 0 : i32
        %dma_start3A_1302 = tpu.memref_slice %arg5[%dma_start3A_1301, %multiple_of3A_1289] : memref<16x1000000xf32, #tpu.memory_space<hbm>> -> memref<16x128xf32, #tpu.memory_space<hbm>>
        tpu.enqueue_dma source(%dma_start3A_1302 : memref<16x128xf32, #tpu.memory_space<hbm>>) target(%dma_start3A_1300 : memref<16x128xf32, #tpu.memory_space<vmem>>) target_semaphore(%run_scoped3A_7 : memref<!tpu.dma_semaphore, #tpu.memory_space<semaphore_mem>>)
        %dma_wait3A_1303 = arith.constant 0 : i32
        %dma_wait3A_1304 = arith.constant 0 : i32
        %dma_wait3A_1305 = arith.constant 0 : i32
        %dma_wait3A_1306 = tpu.memref_slice %run_scoped3A_1[%dma_wait3A_1303, %dma_wait3A_1304, %dma_wait3A_1305] : memref<16x16x128xf32, #tpu.memory_space<vmem>> -> memref<1x16x128xf32, #tpu.memory_space<vmem>>
        %dma_wait3A_1307 = tpu.memref_squeeze %dma_wait3A_1306 : memref<1x16x128xf32, #tpu.memory_space<vmem>> -> memref<16x128xf32, #tpu.memory_space<vmem>>
        %dma_wait3A_1308 = arith.constant 0 : i32
        %dma_wait3A_1309 = arith.constant 0 : i32
        %dma_wait3A_1310 = tpu.memref_slice %arg4[%dma_wait3A_1308, %dma_wait3A_1309] : memref<16x1000000xf32, #tpu.memory_space<hbm>> -> memref<16x128xf32, #tpu.memory_space<hbm>>
        %dma_wait3A_1311 = arith.constant 0 : i32
        %dma_wait3A_1312 = arith.constant 0 : i32
        %dma_wait3A_1313 = tpu.memref_slice %run_scoped3A_1[%dma_wait3A_1303, %dma_wait3A_1311, %dma_wait3A_1312] : memref<16x16x128xf32, #tpu.memory_space<vmem>> -> memref<1x16x128xf32, #tpu.memory_space<vmem>>
        %dma_wait3A_1314 = tpu.memref_squeeze %dma_wait3A_1313 : memref<1x16x128xf32, #tpu.memory_space<vmem>> -> memref<16x128xf32, #tpu.memory_space<vmem>>
        %dma_wait3A_1315 = arith.constant 0 : i32
        %dma_wait3A_1316 = arith.constant 0 : i32
        %dma_wait3A_1317 = tpu.memref_slice %arg4[%dma_wait3A_1315, %dma_wait3A_1316] : memref<16x1000000xf32, #tpu.memory_space<hbm>> -> memref<16x128xf32, #tpu.memory_space<hbm>>
        tpu.wait_dma2 semaphore(%run_scoped3A_5 : memref<!tpu.dma_semaphore, #tpu.memory_space<semaphore_mem>>) src(%dma_wait3A_1317 : memref<16x128xf32, #tpu.memory_space<hbm>>) dst(%dma_wait3A_1314 : memref<16x128xf32, #tpu.memory_space<vmem>>)
        %dma_wait3A_1318 = arith.constant 1 : i32
        %dma_wait3A_1319 = arith.constant 0 : i32
        %dma_wait3A_1320 = arith.constant 0 : i32
        %dma_wait3A_1321 = tpu.memref_slice %run_scoped3A_1[%dma_wait3A_1318, %dma_wait3A_1319, %dma_wait3A_1320] : memref<16x16x128xf32, #tpu.memory_space<vmem>> -> memref<1x16x128xf32, #tpu.memory_space<vmem>>
        %dma_wait3A_1322 = tpu.memref_squeeze %dma_wait3A_1321 : memref<1x16x128xf32, #tpu.memory_space<vmem>> -> memref<16x128xf32, #tpu.memory_space<vmem>>
        %dma_wait3A_1323 = arith.constant 0 : i32
        %dma_wait3A_1324 = arith.constant 0 : i32
        %dma_wait3A_1325 = tpu.memref_slice %arg4[%dma_wait3A_1323, %dma_wait3A_1324] : memref<16x1000000xf32, #tpu.memory_space<hbm>> -> memref<16x128xf32, #tpu.memory_space<hbm>>
        %dma_wait3A_1326 = arith.constant 0 : i32
        %dma_wait3A_1327 = arith.constant 0 : i32
        %dma_wait3A_1328 = tpu.memref_slice %run_scoped3A_1[%dma_wait3A_1318, %dma_wait3A_1326, %dma_wait3A_1327] : memref<16x16x128xf32, #tpu.memory_space<vmem>> -> memref<1x16x128xf32, #tpu.memory_space<vmem>>
        %dma_wait3A_1329 = tpu.memref_squeeze %dma_wait3A_1328 : memref<1x16x128xf32, #tpu.memory_space<vmem>> -> memref<16x128xf32, #tpu.memory_space<vmem>>
        %dma_wait3A_1330 = arith.constant 0 : i32
        %dma_wait3A_1331 = arith.constant 0 : i32
        %dma_wait3A_1332 = tpu.memref_slice %arg4[%dma_wait3A_1330, %dma_wait3A_1331] : memref<16x1000000xf32, #tpu.memory_space<hbm>> -> memref<16x128xf32, #tpu.memory_space<hbm>>
        tpu.wait_dma2 semaphore(%run_scoped3A_5 : memref<!tpu.dma_semaphore, #tpu.memory_space<semaphore_mem>>) src(%dma_wait3A_1332 : memref<16x128xf32, #tpu.memory_space<hbm>>) dst(%dma_wait3A_1329 : memref<16x128xf32, #tpu.memory_space<vmem>>)
        %dma_wait3A_1333 = arith.constant 2 : i32
        %dma_wait3A_1334 = arith.constant 0 : i32
        %dma_wait3A_1335 = arith.constant 0 : i32
        %dma_wait3A_1336 = tpu.memref_slice %run_scoped3A_1[%dma_wait3A_1333, %dma_wait3A_1334, %dma_wait3A_1335] : memref<16x16x128xf32, #tpu.memory_space<vmem>> -> memref<1x16x128xf32, #tpu.memory_space<vmem>>
        %dma_wait3A_1337 = tpu.memref_squeeze %dma_wait3A_1336 : memref<1x16x128xf32, #tpu.memory_space<vmem>> -> memref<16x128xf32, #tpu.memory_space<vmem>>
        %dma_wait3A_1338 = arith.constant 0 : i32
        %dma_wait3A_1339 = arith.constant 0 : i32
        %dma_wait3A_1340 = tpu.memref_slice %arg4[%dma_wait3A_1338, %dma_wait3A_1339] : memref<16x1000000xf32, #tpu.memory_space<hbm>> -> memref<16x128xf32, #tpu.memory_space<hbm>>
        %dma_wait3A_1341 = arith.constant 0 : i32
        %dma_wait3A_1342 = arith.constant 0 : i32
        %dma_wait3A_1343 = tpu.memref_slice %run_scoped3A_1[%dma_wait3A_1333, %dma_wait3A_1341, %dma_wait3A_1342] : memref<16x16x128xf32, #tpu.memory_space<vmem>> -> memref<1x16x128xf32, #tpu.memory_space<vmem>>
        %dma_wait3A_1344 = tpu.memref_squeeze %dma_wait3A_1343 : memref<1x16x128xf32, #tpu.memory_space<vmem>> -> memref<16x128xf32, #tpu.memory_space<vmem>>
        %dma_wait3A_1345 = arith.constant 0 : i32
        %dma_wait3A_1346 = arith.constant 0 : i32
        %dma_wait3A_1347 = tpu.memref_slice %arg4[%dma_wait3A_1345, %dma_wait3A_1346] : memref<16x1000000xf32, #tpu.memory_space<hbm>> -> memref<16x128xf32, #tpu.memory_space<hbm>>
        tpu.wait_dma2 semaphore(%run_scoped3A_5 : memref<!tpu.dma_semaphore, #tpu.memory_space<semaphore_mem>>) src(%dma_wait3A_1347 : memref<16x128xf32, #tpu.memory_space<hbm>>) dst(%dma_wait3A_1344 : memref<16x128xf32, #tpu.memory_space<vmem>>)
        %dma_wait3A_1348 = arith.constant 3 : i32
        %dma_wait3A_1349 = arith.constant 0 : i32
        %dma_wait3A_1350 = arith.constant 0 : i32
        %dma_wait3A_1351 = tpu.memref_slice %run_scoped3A_1[%dma_wait3A_1348, %dma_wait3A_1349, %dma_wait3A_1350] : memref<16x16x128xf32, #tpu.memory_space<vmem>> -> memref<1x16x128xf32, #tpu.memory_space<vmem>>
        %dma_wait3A_1352 = tpu.memref_squeeze %dma_wait3A_1351 : memref<1x16x128xf32, #tpu.memory_space<vmem>> -> memref<16x128xf32, #tpu.memory_space<vmem>>
        %dma_wait3A_1353 = arith.constant 0 : i32
        %dma_wait3A_1354 = arith.constant 0 : i32
        %dma_wait3A_1355 = tpu.memref_slice %arg4[%dma_wait3A_1353, %dma_wait3A_1354] : memref<16x1000000xf32, #tpu.memory_space<hbm>> -> memref<16x128xf32, #tpu.memory_space<hbm>>
        %dma_wait3A_1356 = arith.constant 0 : i32
        %dma_wait3A_1357 = arith.constant 0 : i32
        %dma_wait3A_1358 = tpu.memref_slice %run_scoped3A_1[%dma_wait3A_1348, %dma_wait3A_1356, %dma_wait3A_1357] : memref<16x16x128xf32, #tpu.memory_space<vmem>> -> memref<1x16x128xf32, #tpu.memory_space<vmem>>
        %dma_wait3A_1359 = tpu.memref_squeeze %dma_wait3A_1358 : memref<1x16x128xf32, #tpu.memory_space<vmem>> -> memref<16x128xf32, #tpu.memory_space<vmem>>
        %dma_wait3A_1360 = arith.constant 0 : i32
        %dma_wait3A_1361 = arith.constant 0 : i32
        %dma_wait3A_1362 = tpu.memref_slice %arg4[%dma_wait3A_1360, %dma_wait3A_1361] : memref<16x1000000xf32, #tpu.memory_space<hbm>> -> memref<16x128xf32, #tpu.memory_space<hbm>>
        tpu.wait_dma2 semaphore(%run_scoped3A_5 : memref<!tpu.dma_semaphore, #tpu.memory_space<semaphore_mem>>) src(%dma_wait3A_1362 : memref<16x128xf32, #tpu.memory_space<hbm>>) dst(%dma_wait3A_1359 : memref<16x128xf32, #tpu.memory_space<vmem>>)
        %dma_wait3A_1363 = arith.constant 4 : i32
        %dma_wait3A_1364 = arith.constant 0 : i32
        %dma_wait3A_1365 = arith.constant 0 : i32
        %dma_wait3A_1366 = tpu.memref_slice %run_scoped3A_1[%dma_wait3A_1363, %dma_wait3A_1364, %dma_wait3A_1365] : memref<16x16x128xf32, #tpu.memory_space<vmem>> -> memref<1x16x128xf32, #tpu.memory_space<vmem>>
        %dma_wait3A_1367 = tpu.memref_squeeze %dma_wait3A_1366 : memref<1x16x128xf32, #tpu.memory_space<vmem>> -> memref<16x128xf32, #tpu.memory_space<vmem>>
        %dma_wait3A_1368 = arith.constant 0 : i32
        %dma_wait3A_1369 = arith.constant 0 : i32
        %dma_wait3A_1370 = tpu.memref_slice %arg4[%dma_wait3A_1368, %dma_wait3A_1369] : memref<16x1000000xf32, #tpu.memory_space<hbm>> -> memref<16x128xf32, #tpu.memory_space<hbm>>
        %dma_wait3A_1371 = arith.constant 0 : i32
        %dma_wait3A_1372 = arith.constant 0 : i32
        %dma_wait3A_1373 = tpu.memref_slice %run_scoped3A_1[%dma_wait3A_1363, %dma_wait3A_1371, %dma_wait3A_1372] : memref<16x16x128xf32, #tpu.memory_space<vmem>> -> memref<1x16x128xf32, #tpu.memory_space<vmem>>
        %dma_wait3A_1374 = tpu.memref_squeeze %dma_wait3A_1373 : memref<1x16x128xf32, #tpu.memory_space<vmem>> -> memref<16x128xf32, #tpu.memory_space<vmem>>
        %dma_wait3A_1375 = arith.constant 0 : i32
        %dma_wait3A_1376 = arith.constant 0 : i32
        %dma_wait3A_1377 = tpu.memref_slice %arg4[%dma_wait3A_1375, %dma_wait3A_1376] : memref<16x1000000xf32, #tpu.memory_space<hbm>> -> memref<16x128xf32, #tpu.memory_space<hbm>>
        tpu.wait_dma2 semaphore(%run_scoped3A_5 : memref<!tpu.dma_semaphore, #tpu.memory_space<semaphore_mem>>) src(%dma_wait3A_1377 : memref<16x128xf32, #tpu.memory_space<hbm>>) dst(%dma_wait3A_1374 : memref<16x128xf32, #tpu.memory_space<vmem>>)
        %dma_wait3A_1378 = arith.constant 5 : i32
        %dma_wait3A_1379 = arith.constant 0 : i32
        %dma_wait3A_1380 = arith.constant 0 : i32
        %dma_wait3A_1381 = tpu.memref_slice %run_scoped3A_1[%dma_wait3A_1378, %dma_wait3A_1379, %dma_wait3A_1380] : memref<16x16x128xf32, #tpu.memory_space<vmem>> -> memref<1x16x128xf32, #tpu.memory_space<vmem>>
        %dma_wait3A_1382 = tpu.memref_squeeze %dma_wait3A_1381 : memref<1x16x128xf32, #tpu.memory_space<vmem>> -> memref<16x128xf32, #tpu.memory_space<vmem>>
        %dma_wait3A_1383 = arith.constant 0 : i32
        %dma_wait3A_1384 = arith.constant 0 : i32
        %dma_wait3A_1385 = tpu.memref_slice %arg4[%dma_wait3A_1383, %dma_wait3A_1384] : memref<16x1000000xf32, #tpu.memory_space<hbm>> -> memref<16x128xf32, #tpu.memory_space<hbm>>
        %dma_wait3A_1386 = arith.constant 0 : i32
        %dma_wait3A_1387 = arith.constant 0 : i32
        %dma_wait3A_1388 = tpu.memref_slice %run_scoped3A_1[%dma_wait3A_1378, %dma_wait3A_1386, %dma_wait3A_1387] : memref<16x16x128xf32, #tpu.memory_space<vmem>> -> memref<1x16x128xf32, #tpu.memory_space<vmem>>
        %dma_wait3A_1389 = tpu.memref_squeeze %dma_wait3A_1388 : memref<1x16x128xf32, #tpu.memory_space<vmem>> -> memref<16x128xf32, #tpu.memory_space<vmem>>
        %dma_wait3A_1390 = arith.constant 0 : i32
        %dma_wait3A_1391 = arith.constant 0 : i32
        %dma_wait3A_1392 = tpu.memref_slice %arg4[%dma_wait3A_1390, %dma_wait3A_1391] : memref<16x1000000xf32, #tpu.memory_space<hbm>> -> memref<16x128xf32, #tpu.memory_space<hbm>>
        tpu.wait_dma2 semaphore(%run_scoped3A_5 : memref<!tpu.dma_semaphore, #tpu.memory_space<semaphore_mem>>) src(%dma_wait3A_1392 : memref<16x128xf32, #tpu.memory_space<hbm>>) dst(%dma_wait3A_1389 : memref<16x128xf32, #tpu.memory_space<vmem>>)
        %dma_wait3A_1393 = arith.constant 6 : i32
        %dma_wait3A_1394 = arith.constant 0 : i32
        %dma_wait3A_1395 = arith.constant 0 : i32
        %dma_wait3A_1396 = tpu.memref_slice %run_scoped3A_1[%dma_wait3A_1393, %dma_wait3A_1394, %dma_wait3A_1395] : memref<16x16x128xf32, #tpu.memory_space<vmem>> -> memref<1x16x128xf32, #tpu.memory_space<vmem>>
        %dma_wait3A_1397 = tpu.memref_squeeze %dma_wait3A_1396 : memref<1x16x128xf32, #tpu.memory_space<vmem>> -> memref<16x128xf32, #tpu.memory_space<vmem>>
        %dma_wait3A_1398 = arith.constant 0 : i32
        %dma_wait3A_1399 = arith.constant 0 : i32
        %dma_wait3A_1400 = tpu.memref_slice %arg4[%dma_wait3A_1398, %dma_wait3A_1399] : memref<16x1000000xf32, #tpu.memory_space<hbm>> -> memref<16x128xf32, #tpu.memory_space<hbm>>
        %dma_wait3A_1401 = arith.constant 0 : i32
        %dma_wait3A_1402 = arith.constant 0 : i32
        %dma_wait3A_1403 = tpu.memref_slice %run_scoped3A_1[%dma_wait3A_1393, %dma_wait3A_1401, %dma_wait3A_1402] : memref<16x16x128xf32, #tpu.memory_space<vmem>> -> memref<1x16x128xf32, #tpu.memory_space<vmem>>
        %dma_wait3A_1404 = tpu.memref_squeeze %dma_wait3A_1403 : memref<1x16x128xf32, #tpu.memory_space<vmem>> -> memref<16x128xf32, #tpu.memory_space<vmem>>
        %dma_wait3A_1405 = arith.constant 0 : i32
        %dma_wait3A_1406 = arith.constant 0 : i32
        %dma_wait3A_1407 = tpu.memref_slice %arg4[%dma_wait3A_1405, %dma_wait3A_1406] : memref<16x1000000xf32, #tpu.memory_space<hbm>> -> memref<16x128xf32, #tpu.memory_space<hbm>>
        tpu.wait_dma2 semaphore(%run_scoped3A_5 : memref<!tpu.dma_semaphore, #tpu.memory_space<semaphore_mem>>) src(%dma_wait3A_1407 : memref<16x128xf32, #tpu.memory_space<hbm>>) dst(%dma_wait3A_1404 : memref<16x128xf32, #tpu.memory_space<vmem>>)
        %dma_wait3A_1408 = arith.constant 7 : i32
        %dma_wait3A_1409 = arith.constant 0 : i32
        %dma_wait3A_1410 = arith.constant 0 : i32
        %dma_wait3A_1411 = tpu.memref_slice %run_scoped3A_1[%dma_wait3A_1408, %dma_wait3A_1409, %dma_wait3A_1410] : memref<16x16x128xf32, #tpu.memory_space<vmem>> -> memref<1x16x128xf32, #tpu.memory_space<vmem>>
        %dma_wait3A_1412 = tpu.memref_squeeze %dma_wait3A_1411 : memref<1x16x128xf32, #tpu.memory_space<vmem>> -> memref<16x128xf32, #tpu.memory_space<vmem>>
        %dma_wait3A_1413 = arith.constant 0 : i32
        %dma_wait3A_1414 = arith.constant 0 : i32
        %dma_wait3A_1415 = tpu.memref_slice %arg4[%dma_wait3A_1413, %dma_wait3A_1414] : memref<16x1000000xf32, #tpu.memory_space<hbm>> -> memref<16x128xf32, #tpu.memory_space<hbm>>
        %dma_wait3A_1416 = arith.constant 0 : i32
        %dma_wait3A_1417 = arith.constant 0 : i32
        %dma_wait3A_1418 = tpu.memref_slice %run_scoped3A_1[%dma_wait3A_1408, %dma_wait3A_1416, %dma_wait3A_1417] : memref<16x16x128xf32, #tpu.memory_space<vmem>> -> memref<1x16x128xf32, #tpu.memory_space<vmem>>
        %dma_wait3A_1419 = tpu.memref_squeeze %dma_wait3A_1418 : memref<1x16x128xf32, #tpu.memory_space<vmem>> -> memref<16x128xf32, #tpu.memory_space<vmem>>
        %dma_wait3A_1420 = arith.constant 0 : i32
        %dma_wait3A_1421 = arith.constant 0 : i32
        %dma_wait3A_1422 = tpu.memref_slice %arg4[%dma_wait3A_1420, %dma_wait3A_1421] : memref<16x1000000xf32, #tpu.memory_space<hbm>> -> memref<16x128xf32, #tpu.memory_space<hbm>>
        tpu.wait_dma2 semaphore(%run_scoped3A_5 : memref<!tpu.dma_semaphore, #tpu.memory_space<semaphore_mem>>) src(%dma_wait3A_1422 : memref<16x128xf32, #tpu.memory_space<hbm>>) dst(%dma_wait3A_1419 : memref<16x128xf32, #tpu.memory_space<vmem>>)
        %dma_wait3A_1423 = arith.constant 8 : i32
        %dma_wait3A_1424 = arith.constant 0 : i32
        %dma_wait3A_1425 = arith.constant 0 : i32
        %dma_wait3A_1426 = tpu.memref_slice %run_scoped3A_1[%dma_wait3A_1423, %dma_wait3A_1424, %dma_wait3A_1425] : memref<16x16x128xf32, #tpu.memory_space<vmem>> -> memref<1x16x128xf32, #tpu.memory_space<vmem>>
        %dma_wait3A_1427 = tpu.memref_squeeze %dma_wait3A_1426 : memref<1x16x128xf32, #tpu.memory_space<vmem>> -> memref<16x128xf32, #tpu.memory_space<vmem>>
        %dma_wait3A_1428 = arith.constant 0 : i32
        %dma_wait3A_1429 = arith.constant 0 : i32
        %dma_wait3A_1430 = tpu.memref_slice %arg4[%dma_wait3A_1428, %dma_wait3A_1429] : memref<16x1000000xf32, #tpu.memory_space<hbm>> -> memref<16x128xf32, #tpu.memory_space<hbm>>
        %dma_wait3A_1431 = arith.constant 0 : i32
        %dma_wait3A_1432 = arith.constant 0 : i32
        %dma_wait3A_1433 = tpu.memref_slice %run_scoped3A_1[%dma_wait3A_1423, %dma_wait3A_1431, %dma_wait3A_1432] : memref<16x16x128xf32, #tpu.memory_space<vmem>> -> memref<1x16x128xf32, #tpu.memory_space<vmem>>
        %dma_wait3A_1434 = tpu.memref_squeeze %dma_wait3A_1433 : memref<1x16x128xf32, #tpu.memory_space<vmem>> -> memref<16x128xf32, #tpu.memory_space<vmem>>
        %dma_wait3A_1435 = arith.constant 0 : i32
        %dma_wait3A_1436 = arith.constant 0 : i32
        %dma_wait3A_1437 = tpu.memref_slice %arg4[%dma_wait3A_1435, %dma_wait3A_1436] : memref<16x1000000xf32, #tpu.memory_space<hbm>> -> memref<16x128xf32, #tpu.memory_space<hbm>>
        tpu.wait_dma2 semaphore(%run_scoped3A_5 : memref<!tpu.dma_semaphore, #tpu.memory_space<semaphore_mem>>) src(%dma_wait3A_1437 : memref<16x128xf32, #tpu.memory_space<hbm>>) dst(%dma_wait3A_1434 : memref<16x128xf32, #tpu.memory_space<vmem>>)
        %dma_wait3A_1438 = arith.constant 9 : i32
        %dma_wait3A_1439 = arith.constant 0 : i32
        %dma_wait3A_1440 = arith.constant 0 : i32
        %dma_wait3A_1441 = tpu.memref_slice %run_scoped3A_1[%dma_wait3A_1438, %dma_wait3A_1439, %dma_wait3A_1440] : memref<16x16x128xf32, #tpu.memory_space<vmem>> -> memref<1x16x128xf32, #tpu.memory_space<vmem>>
        %dma_wait3A_1442 = tpu.memref_squeeze %dma_wait3A_1441 : memref<1x16x128xf32, #tpu.memory_space<vmem>> -> memref<16x128xf32, #tpu.memory_space<vmem>>
        %dma_wait3A_1443 = arith.constant 0 : i32
        %dma_wait3A_1444 = arith.constant 0 : i32
        %dma_wait3A_1445 = tpu.memref_slice %arg4[%dma_wait3A_1443, %dma_wait3A_1444] : memref<16x1000000xf32, #tpu.memory_space<hbm>> -> memref<16x128xf32, #tpu.memory_space<hbm>>
        %dma_wait3A_1446 = arith.constant 0 : i32
        %dma_wait3A_1447 = arith.constant 0 : i32
        %dma_wait3A_1448 = tpu.memref_slice %run_scoped3A_1[%dma_wait3A_1438, %dma_wait3A_1446, %dma_wait3A_1447] : memref<16x16x128xf32, #tpu.memory_space<vmem>> -> memref<1x16x128xf32, #tpu.memory_space<vmem>>
        %dma_wait3A_1449 = tpu.memref_squeeze %dma_wait3A_1448 : memref<1x16x128xf32, #tpu.memory_space<vmem>> -> memref<16x128xf32, #tpu.memory_space<vmem>>
        %dma_wait3A_1450 = arith.constant 0 : i32
        %dma_wait3A_1451 = arith.constant 0 : i32
        %dma_wait3A_1452 = tpu.memref_slice %arg4[%dma_wait3A_1450, %dma_wait3A_1451] : memref<16x1000000xf32, #tpu.memory_space<hbm>> -> memref<16x128xf32, #tpu.memory_space<hbm>>
        tpu.wait_dma2 semaphore(%run_scoped3A_5 : memref<!tpu.dma_semaphore, #tpu.memory_space<semaphore_mem>>) src(%dma_wait3A_1452 : memref<16x128xf32, #tpu.memory_space<hbm>>) dst(%dma_wait3A_1449 : memref<16x128xf32, #tpu.memory_space<vmem>>)
        %dma_wait3A_1453 = arith.constant 10 : i32
        %dma_wait3A_1454 = arith.constant 0 : i32
        %dma_wait3A_1455 = arith.constant 0 : i32
        %dma_wait3A_1456 = tpu.memref_slice %run_scoped3A_1[%dma_wait3A_1453, %dma_wait3A_1454, %dma_wait3A_1455] : memref<16x16x128xf32, #tpu.memory_space<vmem>> -> memref<1x16x128xf32, #tpu.memory_space<vmem>>
        %dma_wait3A_1457 = tpu.memref_squeeze %dma_wait3A_1456 : memref<1x16x128xf32, #tpu.memory_space<vmem>> -> memref<16x128xf32, #tpu.memory_space<vmem>>
        %dma_wait3A_1458 = arith.constant 0 : i32
        %dma_wait3A_1459 = arith.constant 0 : i32
        %dma_wait3A_1460 = tpu.memref_slice %arg4[%dma_wait3A_1458, %dma_wait3A_1459] : memref<16x1000000xf32, #tpu.memory_space<hbm>> -> memref<16x128xf32, #tpu.memory_space<hbm>>
        %dma_wait3A_1461 = arith.constant 0 : i32
        %dma_wait3A_1462 = arith.constant 0 : i32
        %dma_wait3A_1463 = tpu.memref_slice %run_scoped3A_1[%dma_wait3A_1453, %dma_wait3A_1461, %dma_wait3A_1462] : memref<16x16x128xf32, #tpu.memory_space<vmem>> -> memref<1x16x128xf32, #tpu.memory_space<vmem>>
        %dma_wait3A_1464 = tpu.memref_squeeze %dma_wait3A_1463 : memref<1x16x128xf32, #tpu.memory_space<vmem>> -> memref<16x128xf32, #tpu.memory_space<vmem>>
        %dma_wait3A_1465 = arith.constant 0 : i32
        %dma_wait3A_1466 = arith.constant 0 : i32
        %dma_wait3A_1467 = tpu.memref_slice %arg4[%dma_wait3A_1465, %dma_wait3A_1466] : memref<16x1000000xf32, #tpu.memory_space<hbm>> -> memref<16x128xf32, #tpu.memory_space<hbm>>
        tpu.wait_dma2 semaphore(%run_scoped3A_5 : memref<!tpu.dma_semaphore, #tpu.memory_space<semaphore_mem>>) src(%dma_wait3A_1467 : memref<16x128xf32, #tpu.memory_space<hbm>>) dst(%dma_wait3A_1464 : memref<16x128xf32, #tpu.memory_space<vmem>>)
        %dma_wait3A_1468 = arith.constant 11 : i32
        %dma_wait3A_1469 = arith.constant 0 : i32
        %dma_wait3A_1470 = arith.constant 0 : i32
        %dma_wait3A_1471 = tpu.memref_slice %run_scoped3A_1[%dma_wait3A_1468, %dma_wait3A_1469, %dma_wait3A_1470] : memref<16x16x128xf32, #tpu.memory_space<vmem>> -> memref<1x16x128xf32, #tpu.memory_space<vmem>>
        %dma_wait3A_1472 = tpu.memref_squeeze %dma_wait3A_1471 : memref<1x16x128xf32, #tpu.memory_space<vmem>> -> memref<16x128xf32, #tpu.memory_space<vmem>>
        %dma_wait3A_1473 = arith.constant 0 : i32
        %dma_wait3A_1474 = arith.constant 0 : i32
        %dma_wait3A_1475 = tpu.memref_slice %arg4[%dma_wait3A_1473, %dma_wait3A_1474] : memref<16x1000000xf32, #tpu.memory_space<hbm>> -> memref<16x128xf32, #tpu.memory_space<hbm>>
        %dma_wait3A_1476 = arith.constant 0 : i32
        %dma_wait3A_1477 = arith.constant 0 : i32
        %dma_wait3A_1478 = tpu.memref_slice %run_scoped3A_1[%dma_wait3A_1468, %dma_wait3A_1476, %dma_wait3A_1477] : memref<16x16x128xf32, #tpu.memory_space<vmem>> -> memref<1x16x128xf32, #tpu.memory_space<vmem>>
        %dma_wait3A_1479 = tpu.memref_squeeze %dma_wait3A_1478 : memref<1x16x128xf32, #tpu.memory_space<vmem>> -> memref<16x128xf32, #tpu.memory_space<vmem>>
        %dma_wait3A_1480 = arith.constant 0 : i32
        %dma_wait3A_1481 = arith.constant 0 : i32
        %dma_wait3A_1482 = tpu.memref_slice %arg4[%dma_wait3A_1480, %dma_wait3A_1481] : memref<16x1000000xf32, #tpu.memory_space<hbm>> -> memref<16x128xf32, #tpu.memory_space<hbm>>
        tpu.wait_dma2 semaphore(%run_scoped3A_5 : memref<!tpu.dma_semaphore, #tpu.memory_space<semaphore_mem>>) src(%dma_wait3A_1482 : memref<16x128xf32, #tpu.memory_space<hbm>>) dst(%dma_wait3A_1479 : memref<16x128xf32, #tpu.memory_space<vmem>>)
        %dma_wait3A_1483 = arith.constant 12 : i32
        %dma_wait3A_1484 = arith.constant 0 : i32
        %dma_wait3A_1485 = arith.constant 0 : i32
        %dma_wait3A_1486 = tpu.memref_slice %run_scoped3A_1[%dma_wait3A_1483, %dma_wait3A_1484, %dma_wait3A_1485] : memref<16x16x128xf32, #tpu.memory_space<vmem>> -> memref<1x16x128xf32, #tpu.memory_space<vmem>>
        %dma_wait3A_1487 = tpu.memref_squeeze %dma_wait3A_1486 : memref<1x16x128xf32, #tpu.memory_space<vmem>> -> memref<16x128xf32, #tpu.memory_space<vmem>>
        %dma_wait3A_1488 = arith.constant 0 : i32
        %dma_wait3A_1489 = arith.constant 0 : i32
        %dma_wait3A_1490 = tpu.memref_slice %arg4[%dma_wait3A_1488, %dma_wait3A_1489] : memref<16x1000000xf32, #tpu.memory_space<hbm>> -> memref<16x128xf32, #tpu.memory_space<hbm>>
        %dma_wait3A_1491 = arith.constant 0 : i32
        %dma_wait3A_1492 = arith.constant 0 : i32
        %dma_wait3A_1493 = tpu.memref_slice %run_scoped3A_1[%dma_wait3A_1483, %dma_wait3A_1491, %dma_wait3A_1492] : memref<16x16x128xf32, #tpu.memory_space<vmem>> -> memref<1x16x128xf32, #tpu.memory_space<vmem>>
        %dma_wait3A_1494 = tpu.memref_squeeze %dma_wait3A_1493 : memref<1x16x128xf32, #tpu.memory_space<vmem>> -> memref<16x128xf32, #tpu.memory_space<vmem>>
        %dma_wait3A_1495 = arith.constant 0 : i32
        %dma_wait3A_1496 = arith.constant 0 : i32
        %dma_wait3A_1497 = tpu.memref_slice %arg4[%dma_wait3A_1495, %dma_wait3A_1496] : memref<16x1000000xf32, #tpu.memory_space<hbm>> -> memref<16x128xf32, #tpu.memory_space<hbm>>
        tpu.wait_dma2 semaphore(%run_scoped3A_5 : memref<!tpu.dma_semaphore, #tpu.memory_space<semaphore_mem>>) src(%dma_wait3A_1497 : memref<16x128xf32, #tpu.memory_space<hbm>>) dst(%dma_wait3A_1494 : memref<16x128xf32, #tpu.memory_space<vmem>>)
        %dma_wait3A_1498 = arith.constant 13 : i32
        %dma_wait3A_1499 = arith.constant 0 : i32
        %dma_wait3A_1500 = arith.constant 0 : i32
        %dma_wait3A_1501 = tpu.memref_slice %run_scoped3A_1[%dma_wait3A_1498, %dma_wait3A_1499, %dma_wait3A_1500] : memref<16x16x128xf32, #tpu.memory_space<vmem>> -> memref<1x16x128xf32, #tpu.memory_space<vmem>>
        %dma_wait3A_1502 = tpu.memref_squeeze %dma_wait3A_1501 : memref<1x16x128xf32, #tpu.memory_space<vmem>> -> memref<16x128xf32, #tpu.memory_space<vmem>>
        %dma_wait3A_1503 = arith.constant 0 : i32
        %dma_wait3A_1504 = arith.constant 0 : i32
        %dma_wait3A_1505 = tpu.memref_slice %arg4[%dma_wait3A_1503, %dma_wait3A_1504] : memref<16x1000000xf32, #tpu.memory_space<hbm>> -> memref<16x128xf32, #tpu.memory_space<hbm>>
        %dma_wait3A_1506 = arith.constant 0 : i32
        %dma_wait3A_1507 = arith.constant 0 : i32
        %dma_wait3A_1508 = tpu.memref_slice %run_scoped3A_1[%dma_wait3A_1498, %dma_wait3A_1506, %dma_wait3A_1507] : memref<16x16x128xf32, #tpu.memory_space<vmem>> -> memref<1x16x128xf32, #tpu.memory_space<vmem>>
        %dma_wait3A_1509 = tpu.memref_squeeze %dma_wait3A_1508 : memref<1x16x128xf32, #tpu.memory_space<vmem>> -> memref<16x128xf32, #tpu.memory_space<vmem>>
        %dma_wait3A_1510 = arith.constant 0 : i32
        %dma_wait3A_1511 = arith.constant 0 : i32
        %dma_wait3A_1512 = tpu.memref_slice %arg4[%dma_wait3A_1510, %dma_wait3A_1511] : memref<16x1000000xf32, #tpu.memory_space<hbm>> -> memref<16x128xf32, #tpu.memory_space<hbm>>
        tpu.wait_dma2 semaphore(%run_scoped3A_5 : memref<!tpu.dma_semaphore, #tpu.memory_space<semaphore_mem>>) src(%dma_wait3A_1512 : memref<16x128xf32, #tpu.memory_space<hbm>>) dst(%dma_wait3A_1509 : memref<16x128xf32, #tpu.memory_space<vmem>>)
        %dma_wait3A_1513 = arith.constant 14 : i32
        %dma_wait3A_1514 = arith.constant 0 : i32
        %dma_wait3A_1515 = arith.constant 0 : i32
        %dma_wait3A_1516 = tpu.memref_slice %run_scoped3A_1[%dma_wait3A_1513, %dma_wait3A_1514, %dma_wait3A_1515] : memref<16x16x128xf32, #tpu.memory_space<vmem>> -> memref<1x16x128xf32, #tpu.memory_space<vmem>>
        %dma_wait3A_1517 = tpu.memref_squeeze %dma_wait3A_1516 : memref<1x16x128xf32, #tpu.memory_space<vmem>> -> memref<16x128xf32, #tpu.memory_space<vmem>>
        %dma_wait3A_1518 = arith.constant 0 : i32
        %dma_wait3A_1519 = arith.constant 0 : i32
        %dma_wait3A_1520 = tpu.memref_slice %arg4[%dma_wait3A_1518, %dma_wait3A_1519] : memref<16x1000000xf32, #tpu.memory_space<hbm>> -> memref<16x128xf32, #tpu.memory_space<hbm>>
        %dma_wait3A_1521 = arith.constant 0 : i32
        %dma_wait3A_1522 = arith.constant 0 : i32
        %dma_wait3A_1523 = tpu.memref_slice %run_scoped3A_1[%dma_wait3A_1513, %dma_wait3A_1521, %dma_wait3A_1522] : memref<16x16x128xf32, #tpu.memory_space<vmem>> -> memref<1x16x128xf32, #tpu.memory_space<vmem>>
        %dma_wait3A_1524 = tpu.memref_squeeze %dma_wait3A_1523 : memref<1x16x128xf32, #tpu.memory_space<vmem>> -> memref<16x128xf32, #tpu.memory_space<vmem>>
        %dma_wait3A_1525 = arith.constant 0 : i32
        %dma_wait3A_1526 = arith.constant 0 : i32
        %dma_wait3A_1527 = tpu.memref_slice %arg4[%dma_wait3A_1525, %dma_wait3A_1526] : memref<16x1000000xf32, #tpu.memory_space<hbm>> -> memref<16x128xf32, #tpu.memory_space<hbm>>
        tpu.wait_dma2 semaphore(%run_scoped3A_5 : memref<!tpu.dma_semaphore, #tpu.memory_space<semaphore_mem>>) src(%dma_wait3A_1527 : memref<16x128xf32, #tpu.memory_space<hbm>>) dst(%dma_wait3A_1524 : memref<16x128xf32, #tpu.memory_space<vmem>>)
        %dma_wait3A_1528 = arith.constant 15 : i32
        %dma_wait3A_1529 = arith.constant 0 : i32
        %dma_wait3A_1530 = arith.constant 0 : i32
        %dma_wait3A_1531 = tpu.memref_slice %run_scoped3A_1[%dma_wait3A_1528, %dma_wait3A_1529, %dma_wait3A_1530] : memref<16x16x128xf32, #tpu.memory_space<vmem>> -> memref<1x16x128xf32, #tpu.memory_space<vmem>>
        %dma_wait3A_1532 = tpu.memref_squeeze %dma_wait3A_1531 : memref<1x16x128xf32, #tpu.memory_space<vmem>> -> memref<16x128xf32, #tpu.memory_space<vmem>>
        %dma_wait3A_1533 = arith.constant 0 : i32
        %dma_wait3A_1534 = arith.constant 0 : i32
        %dma_wait3A_1535 = tpu.memref_slice %arg4[%dma_wait3A_1533, %dma_wait3A_1534] : memref<16x1000000xf32, #tpu.memory_space<hbm>> -> memref<16x128xf32, #tpu.memory_space<hbm>>
        %dma_wait3A_1536 = arith.constant 0 : i32
        %dma_wait3A_1537 = arith.constant 0 : i32
        %dma_wait3A_1538 = tpu.memref_slice %run_scoped3A_1[%dma_wait3A_1528, %dma_wait3A_1536, %dma_wait3A_1537] : memref<16x16x128xf32, #tpu.memory_space<vmem>> -> memref<1x16x128xf32, #tpu.memory_space<vmem>>
        %dma_wait3A_1539 = tpu.memref_squeeze %dma_wait3A_1538 : memref<1x16x128xf32, #tpu.memory_space<vmem>> -> memref<16x128xf32, #tpu.memory_space<vmem>>
        %dma_wait3A_1540 = arith.constant 0 : i32
        %dma_wait3A_1541 = arith.constant 0 : i32
        %dma_wait3A_1542 = tpu.memref_slice %arg4[%dma_wait3A_1540, %dma_wait3A_1541] : memref<16x1000000xf32, #tpu.memory_space<hbm>> -> memref<16x128xf32, #tpu.memory_space<hbm>>
        tpu.wait_dma2 semaphore(%run_scoped3A_5 : memref<!tpu.dma_semaphore, #tpu.memory_space<semaphore_mem>>) src(%dma_wait3A_1542 : memref<16x128xf32, #tpu.memory_space<hbm>>) dst(%dma_wait3A_1539 : memref<16x128xf32, #tpu.memory_space<vmem>>)
        %dma_wait3A_1543 = arith.constant 0 : i32
        %dma_wait3A_1544 = arith.constant 0 : i32
        %dma_wait3A_1545 = arith.constant 0 : i32
        %dma_wait3A_1546 = tpu.memref_slice %run_scoped3A_3[%dma_wait3A_1543, %dma_wait3A_1544, %dma_wait3A_1545] : memref<16x16x128xf32, #tpu.memory_space<vmem>> -> memref<1x16x128xf32, #tpu.memory_space<vmem>>
        %dma_wait3A_1547 = tpu.memref_squeeze %dma_wait3A_1546 : memref<1x16x128xf32, #tpu.memory_space<vmem>> -> memref<16x128xf32, #tpu.memory_space<vmem>>
        %dma_wait3A_1548 = arith.constant 0 : i32
        %dma_wait3A_1549 = tpu.memref_slice %arg5[%dma_wait3A_1548, %multiple_of3A_1049] : memref<16x1000000xf32, #tpu.memory_space<hbm>> -> memref<16x128xf32, #tpu.memory_space<hbm>>
        %dma_wait3A_1550 = arith.constant 0 : i32
        %dma_wait3A_1551 = arith.constant 0 : i32
        %dma_wait3A_1552 = tpu.memref_slice %run_scoped3A_3[%dma_wait3A_1543, %dma_wait3A_1550, %dma_wait3A_1551] : memref<16x16x128xf32, #tpu.memory_space<vmem>> -> memref<1x16x128xf32, #tpu.memory_space<vmem>>
        %dma_wait3A_1553 = tpu.memref_squeeze %dma_wait3A_1552 : memref<1x16x128xf32, #tpu.memory_space<vmem>> -> memref<16x128xf32, #tpu.memory_space<vmem>>
        %dma_wait3A_1554 = arith.constant 0 : i32
        %dma_wait3A_1555 = tpu.memref_slice %arg5[%dma_wait3A_1554, %multiple_of3A_1049] : memref<16x1000000xf32, #tpu.memory_space<hbm>> -> memref<16x128xf32, #tpu.memory_space<hbm>>
        tpu.wait_dma2 semaphore(%run_scoped3A_7 : memref<!tpu.dma_semaphore, #tpu.memory_space<semaphore_mem>>) src(%dma_wait3A_1555 : memref<16x128xf32, #tpu.memory_space<hbm>>) dst(%dma_wait3A_1553 : memref<16x128xf32, #tpu.memory_space<vmem>>)
        %dma_wait3A_1556 = arith.constant 1 : i32
        %dma_wait3A_1557 = arith.constant 0 : i32
        %dma_wait3A_1558 = arith.constant 0 : i32
        %dma_wait3A_1559 = tpu.memref_slice %run_scoped3A_3[%dma_wait3A_1556, %dma_wait3A_1557, %dma_wait3A_1558] : memref<16x16x128xf32, #tpu.memory_space<vmem>> -> memref<1x16x128xf32, #tpu.memory_space<vmem>>
        %dma_wait3A_1560 = tpu.memref_squeeze %dma_wait3A_1559 : memref<1x16x128xf32, #tpu.memory_space<vmem>> -> memref<16x128xf32, #tpu.memory_space<vmem>>
        %dma_wait3A_1561 = arith.constant 0 : i32
        %dma_wait3A_1562 = tpu.memref_slice %arg5[%dma_wait3A_1561, %multiple_of3A_1065] : memref<16x1000000xf32, #tpu.memory_space<hbm>> -> memref<16x128xf32, #tpu.memory_space<hbm>>
        %dma_wait3A_1563 = arith.constant 0 : i32
        %dma_wait3A_1564 = arith.constant 0 : i32
        %dma_wait3A_1565 = tpu.memref_slice %run_scoped3A_3[%dma_wait3A_1556, %dma_wait3A_1563, %dma_wait3A_1564] : memref<16x16x128xf32, #tpu.memory_space<vmem>> -> memref<1x16x128xf32, #tpu.memory_space<vmem>>
        %dma_wait3A_1566 = tpu.memref_squeeze %dma_wait3A_1565 : memref<1x16x128xf32, #tpu.memory_space<vmem>> -> memref<16x128xf32, #tpu.memory_space<vmem>>
        %dma_wait3A_1567 = arith.constant 0 : i32
        %dma_wait3A_1568 = tpu.memref_slice %arg5[%dma_wait3A_1567, %multiple_of3A_1065] : memref<16x1000000xf32, #tpu.memory_space<hbm>> -> memref<16x128xf32, #tpu.memory_space<hbm>>
        tpu.wait_dma2 semaphore(%run_scoped3A_7 : memref<!tpu.dma_semaphore, #tpu.memory_space<semaphore_mem>>) src(%dma_wait3A_1568 : memref<16x128xf32, #tpu.memory_space<hbm>>) dst(%dma_wait3A_1566 : memref<16x128xf32, #tpu.memory_space<vmem>>)
        %dma_wait3A_1569 = arith.constant 2 : i32
        %dma_wait3A_1570 = arith.constant 0 : i32
        %dma_wait3A_1571 = arith.constant 0 : i32
        %dma_wait3A_1572 = tpu.memref_slice %run_scoped3A_3[%dma_wait3A_1569, %dma_wait3A_1570, %dma_wait3A_1571] : memref<16x16x128xf32, #tpu.memory_space<vmem>> -> memref<1x16x128xf32, #tpu.memory_space<vmem>>
        %dma_wait3A_1573 = tpu.memref_squeeze %dma_wait3A_1572 : memref<1x16x128xf32, #tpu.memory_space<vmem>> -> memref<16x128xf32, #tpu.memory_space<vmem>>
        %dma_wait3A_1574 = arith.constant 0 : i32
        %dma_wait3A_1575 = tpu.memref_slice %arg5[%dma_wait3A_1574, %multiple_of3A_1081] : memref<16x1000000xf32, #tpu.memory_space<hbm>> -> memref<16x128xf32, #tpu.memory_space<hbm>>
        %dma_wait3A_1576 = arith.constant 0 : i32
        %dma_wait3A_1577 = arith.constant 0 : i32
        %dma_wait3A_1578 = tpu.memref_slice %run_scoped3A_3[%dma_wait3A_1569, %dma_wait3A_1576, %dma_wait3A_1577] : memref<16x16x128xf32, #tpu.memory_space<vmem>> -> memref<1x16x128xf32, #tpu.memory_space<vmem>>
        %dma_wait3A_1579 = tpu.memref_squeeze %dma_wait3A_1578 : memref<1x16x128xf32, #tpu.memory_space<vmem>> -> memref<16x128xf32, #tpu.memory_space<vmem>>
        %dma_wait3A_1580 = arith.constant 0 : i32
        %dma_wait3A_1581 = tpu.memref_slice %arg5[%dma_wait3A_1580, %multiple_of3A_1081] : memref<16x1000000xf32, #tpu.memory_space<hbm>> -> memref<16x128xf32, #tpu.memory_space<hbm>>
        tpu.wait_dma2 semaphore(%run_scoped3A_7 : memref<!tpu.dma_semaphore, #tpu.memory_space<semaphore_mem>>) src(%dma_wait3A_1581 : memref<16x128xf32, #tpu.memory_space<hbm>>) dst(%dma_wait3A_1579 : memref<16x128xf32, #tpu.memory_space<vmem>>)
        %dma_wait3A_1582 = arith.constant 3 : i32
        %dma_wait3A_1583 = arith.constant 0 : i32
        %dma_wait3A_1584 = arith.constant 0 : i32
        %dma_wait3A_1585 = tpu.memref_slice %run_scoped3A_3[%dma_wait3A_1582, %dma_wait3A_1583, %dma_wait3A_1584] : memref<16x16x128xf32, #tpu.memory_space<vmem>> -> memref<1x16x128xf32, #tpu.memory_space<vmem>>
        %dma_wait3A_1586 = tpu.memref_squeeze %dma_wait3A_1585 : memref<1x16x128xf32, #tpu.memory_space<vmem>> -> memref<16x128xf32, #tpu.memory_space<vmem>>
        %dma_wait3A_1587 = arith.constant 0 : i32
        %dma_wait3A_1588 = tpu.memref_slice %arg5[%dma_wait3A_1587, %multiple_of3A_1097] : memref<16x1000000xf32, #tpu.memory_space<hbm>> -> memref<16x128xf32, #tpu.memory_space<hbm>>
        %dma_wait3A_1589 = arith.constant 0 : i32
        %dma_wait3A_1590 = arith.constant 0 : i32
        %dma_wait3A_1591 = tpu.memref_slice %run_scoped3A_3[%dma_wait3A_1582, %dma_wait3A_1589, %dma_wait3A_1590] : memref<16x16x128xf32, #tpu.memory_space<vmem>> -> memref<1x16x128xf32, #tpu.memory_space<vmem>>
        %dma_wait3A_1592 = tpu.memref_squeeze %dma_wait3A_1591 : memref<1x16x128xf32, #tpu.memory_space<vmem>> -> memref<16x128xf32, #tpu.memory_space<vmem>>
        %dma_wait3A_1593 = arith.constant 0 : i32
        %dma_wait3A_1594 = tpu.memref_slice %arg5[%dma_wait3A_1593, %multiple_of3A_1097] : memref<16x1000000xf32, #tpu.memory_space<hbm>> -> memref<16x128xf32, #tpu.memory_space<hbm>>
        tpu.wait_dma2 semaphore(%run_scoped3A_7 : memref<!tpu.dma_semaphore, #tpu.memory_space<semaphore_mem>>) src(%dma_wait3A_1594 : memref<16x128xf32, #tpu.memory_space<hbm>>) dst(%dma_wait3A_1592 : memref<16x128xf32, #tpu.memory_space<vmem>>)
        %dma_wait3A_1595 = arith.constant 4 : i32
        %dma_wait3A_1596 = arith.constant 0 : i32
        %dma_wait3A_1597 = arith.constant 0 : i32
        %dma_wait3A_1598 = tpu.memref_slice %run_scoped3A_3[%dma_wait3A_1595, %dma_wait3A_1596, %dma_wait3A_1597] : memref<16x16x128xf32, #tpu.memory_space<vmem>> -> memref<1x16x128xf32, #tpu.memory_space<vmem>>
        %dma_wait3A_1599 = tpu.memref_squeeze %dma_wait3A_1598 : memref<1x16x128xf32, #tpu.memory_space<vmem>> -> memref<16x128xf32, #tpu.memory_space<vmem>>
        %dma_wait3A_1600 = arith.constant 0 : i32
        %dma_wait3A_1601 = tpu.memref_slice %arg5[%dma_wait3A_1600, %multiple_of3A_1113] : memref<16x1000000xf32, #tpu.memory_space<hbm>> -> memref<16x128xf32, #tpu.memory_space<hbm>>
        %dma_wait3A_1602 = arith.constant 0 : i32
        %dma_wait3A_1603 = arith.constant 0 : i32
        %dma_wait3A_1604 = tpu.memref_slice %run_scoped3A_3[%dma_wait3A_1595, %dma_wait3A_1602, %dma_wait3A_1603] : memref<16x16x128xf32, #tpu.memory_space<vmem>> -> memref<1x16x128xf32, #tpu.memory_space<vmem>>
        %dma_wait3A_1605 = tpu.memref_squeeze %dma_wait3A_1604 : memref<1x16x128xf32, #tpu.memory_space<vmem>> -> memref<16x128xf32, #tpu.memory_space<vmem>>
        %dma_wait3A_1606 = arith.constant 0 : i32
        %dma_wait3A_1607 = tpu.memref_slice %arg5[%dma_wait3A_1606, %multiple_of3A_1113] : memref<16x1000000xf32, #tpu.memory_space<hbm>> -> memref<16x128xf32, #tpu.memory_space<hbm>>
        tpu.wait_dma2 semaphore(%run_scoped3A_7 : memref<!tpu.dma_semaphore, #tpu.memory_space<semaphore_mem>>) src(%dma_wait3A_1607 : memref<16x128xf32, #tpu.memory_space<hbm>>) dst(%dma_wait3A_1605 : memref<16x128xf32, #tpu.memory_space<vmem>>)
        %dma_wait3A_1608 = arith.constant 5 : i32
        %dma_wait3A_1609 = arith.constant 0 : i32
        %dma_wait3A_1610 = arith.constant 0 : i32
        %dma_wait3A_1611 = tpu.memref_slice %run_scoped3A_3[%dma_wait3A_1608, %dma_wait3A_1609, %dma_wait3A_1610] : memref<16x16x128xf32, #tpu.memory_space<vmem>> -> memref<1x16x128xf32, #tpu.memory_space<vmem>>
        %dma_wait3A_1612 = tpu.memref_squeeze %dma_wait3A_1611 : memref<1x16x128xf32, #tpu.memory_space<vmem>> -> memref<16x128xf32, #tpu.memory_space<vmem>>
        %dma_wait3A_1613 = arith.constant 0 : i32
        %dma_wait3A_1614 = tpu.memref_slice %arg5[%dma_wait3A_1613, %multiple_of3A_1129] : memref<16x1000000xf32, #tpu.memory_space<hbm>> -> memref<16x128xf32, #tpu.memory_space<hbm>>
        %dma_wait3A_1615 = arith.constant 0 : i32
        %dma_wait3A_1616 = arith.constant 0 : i32
        %dma_wait3A_1617 = tpu.memref_slice %run_scoped3A_3[%dma_wait3A_1608, %dma_wait3A_1615, %dma_wait3A_1616] : memref<16x16x128xf32, #tpu.memory_space<vmem>> -> memref<1x16x128xf32, #tpu.memory_space<vmem>>
        %dma_wait3A_1618 = tpu.memref_squeeze %dma_wait3A_1617 : memref<1x16x128xf32, #tpu.memory_space<vmem>> -> memref<16x128xf32, #tpu.memory_space<vmem>>
        %dma_wait3A_1619 = arith.constant 0 : i32
        %dma_wait3A_1620 = tpu.memref_slice %arg5[%dma_wait3A_1619, %multiple_of3A_1129] : memref<16x1000000xf32, #tpu.memory_space<hbm>> -> memref<16x128xf32, #tpu.memory_space<hbm>>
        tpu.wait_dma2 semaphore(%run_scoped3A_7 : memref<!tpu.dma_semaphore, #tpu.memory_space<semaphore_mem>>) src(%dma_wait3A_1620 : memref<16x128xf32, #tpu.memory_space<hbm>>) dst(%dma_wait3A_1618 : memref<16x128xf32, #tpu.memory_space<vmem>>)
        %dma_wait3A_1621 = arith.constant 6 : i32
        %dma_wait3A_1622 = arith.constant 0 : i32
        %dma_wait3A_1623 = arith.constant 0 : i32
        %dma_wait3A_1624 = tpu.memref_slice %run_scoped3A_3[%dma_wait3A_1621, %dma_wait3A_1622, %dma_wait3A_1623] : memref<16x16x128xf32, #tpu.memory_space<vmem>> -> memref<1x16x128xf32, #tpu.memory_space<vmem>>
        %dma_wait3A_1625 = tpu.memref_squeeze %dma_wait3A_1624 : memref<1x16x128xf32, #tpu.memory_space<vmem>> -> memref<16x128xf32, #tpu.memory_space<vmem>>
        %dma_wait3A_1626 = arith.constant 0 : i32
        %dma_wait3A_1627 = tpu.memref_slice %arg5[%dma_wait3A_1626, %multiple_of3A_1145] : memref<16x1000000xf32, #tpu.memory_space<hbm>> -> memref<16x128xf32, #tpu.memory_space<hbm>>
        %dma_wait3A_1628 = arith.constant 0 : i32
        %dma_wait3A_1629 = arith.constant 0 : i32
        %dma_wait3A_1630 = tpu.memref_slice %run_scoped3A_3[%dma_wait3A_1621, %dma_wait3A_1628, %dma_wait3A_1629] : memref<16x16x128xf32, #tpu.memory_space<vmem>> -> memref<1x16x128xf32, #tpu.memory_space<vmem>>
        %dma_wait3A_1631 = tpu.memref_squeeze %dma_wait3A_1630 : memref<1x16x128xf32, #tpu.memory_space<vmem>> -> memref<16x128xf32, #tpu.memory_space<vmem>>
        %dma_wait3A_1632 = arith.constant 0 : i32
        %dma_wait3A_1633 = tpu.memref_slice %arg5[%dma_wait3A_1632, %multiple_of3A_1145] : memref<16x1000000xf32, #tpu.memory_space<hbm>> -> memref<16x128xf32, #tpu.memory_space<hbm>>
        tpu.wait_dma2 semaphore(%run_scoped3A_7 : memref<!tpu.dma_semaphore, #tpu.memory_space<semaphore_mem>>) src(%dma_wait3A_1633 : memref<16x128xf32, #tpu.memory_space<hbm>>) dst(%dma_wait3A_1631 : memref<16x128xf32, #tpu.memory_space<vmem>>)
        %dma_wait3A_1634 = arith.constant 7 : i32
        %dma_wait3A_1635 = arith.constant 0 : i32
        %dma_wait3A_1636 = arith.constant 0 : i32
        %dma_wait3A_1637 = tpu.memref_slice %run_scoped3A_3[%dma_wait3A_1634, %dma_wait3A_1635, %dma_wait3A_1636] : memref<16x16x128xf32, #tpu.memory_space<vmem>> -> memref<1x16x128xf32, #tpu.memory_space<vmem>>
        %dma_wait3A_1638 = tpu.memref_squeeze %dma_wait3A_1637 : memref<1x16x128xf32, #tpu.memory_space<vmem>> -> memref<16x128xf32, #tpu.memory_space<vmem>>
        %dma_wait3A_1639 = arith.constant 0 : i32
        %dma_wait3A_1640 = tpu.memref_slice %arg5[%dma_wait3A_1639, %multiple_of3A_1161] : memref<16x1000000xf32, #tpu.memory_space<hbm>> -> memref<16x128xf32, #tpu.memory_space<hbm>>
        %dma_wait3A_1641 = arith.constant 0 : i32
        %dma_wait3A_1642 = arith.constant 0 : i32
        %dma_wait3A_1643 = tpu.memref_slice %run_scoped3A_3[%dma_wait3A_1634, %dma_wait3A_1641, %dma_wait3A_1642] : memref<16x16x128xf32, #tpu.memory_space<vmem>> -> memref<1x16x128xf32, #tpu.memory_space<vmem>>
        %dma_wait3A_1644 = tpu.memref_squeeze %dma_wait3A_1643 : memref<1x16x128xf32, #tpu.memory_space<vmem>> -> memref<16x128xf32, #tpu.memory_space<vmem>>
        %dma_wait3A_1645 = arith.constant 0 : i32
        %dma_wait3A_1646 = tpu.memref_slice %arg5[%dma_wait3A_1645, %multiple_of3A_1161] : memref<16x1000000xf32, #tpu.memory_space<hbm>> -> memref<16x128xf32, #tpu.memory_space<hbm>>
        tpu.wait_dma2 semaphore(%run_scoped3A_7 : memref<!tpu.dma_semaphore, #tpu.memory_space<semaphore_mem>>) src(%dma_wait3A_1646 : memref<16x128xf32, #tpu.memory_space<hbm>>) dst(%dma_wait3A_1644 : memref<16x128xf32, #tpu.memory_space<vmem>>)
        %dma_wait3A_1647 = arith.constant 8 : i32
        %dma_wait3A_1648 = arith.constant 0 : i32
        %dma_wait3A_1649 = arith.constant 0 : i32
        %dma_wait3A_1650 = tpu.memref_slice %run_scoped3A_3[%dma_wait3A_1647, %dma_wait3A_1648, %dma_wait3A_1649] : memref<16x16x128xf32, #tpu.memory_space<vmem>> -> memref<1x16x128xf32, #tpu.memory_space<vmem>>
        %dma_wait3A_1651 = tpu.memref_squeeze %dma_wait3A_1650 : memref<1x16x128xf32, #tpu.memory_space<vmem>> -> memref<16x128xf32, #tpu.memory_space<vmem>>
        %dma_wait3A_1652 = arith.constant 0 : i32
        %dma_wait3A_1653 = tpu.memref_slice %arg5[%dma_wait3A_1652, %multiple_of3A_1177] : memref<16x1000000xf32, #tpu.memory_space<hbm>> -> memref<16x128xf32, #tpu.memory_space<hbm>>
        %dma_wait3A_1654 = arith.constant 0 : i32
        %dma_wait3A_1655 = arith.constant 0 : i32
        %dma_wait3A_1656 = tpu.memref_slice %run_scoped3A_3[%dma_wait3A_1647, %dma_wait3A_1654, %dma_wait3A_1655] : memref<16x16x128xf32, #tpu.memory_space<vmem>> -> memref<1x16x128xf32, #tpu.memory_space<vmem>>
        %dma_wait3A_1657 = tpu.memref_squeeze %dma_wait3A_1656 : memref<1x16x128xf32, #tpu.memory_space<vmem>> -> memref<16x128xf32, #tpu.memory_space<vmem>>
        %dma_wait3A_1658 = arith.constant 0 : i32
        %dma_wait3A_1659 = tpu.memref_slice %arg5[%dma_wait3A_1658, %multiple_of3A_1177] : memref<16x1000000xf32, #tpu.memory_space<hbm>> -> memref<16x128xf32, #tpu.memory_space<hbm>>
        tpu.wait_dma2 semaphore(%run_scoped3A_7 : memref<!tpu.dma_semaphore, #tpu.memory_space<semaphore_mem>>) src(%dma_wait3A_1659 : memref<16x128xf32, #tpu.memory_space<hbm>>) dst(%dma_wait3A_1657 : memref<16x128xf32, #tpu.memory_space<vmem>>)
        %dma_wait3A_1660 = arith.constant 9 : i32
        %dma_wait3A_1661 = arith.constant 0 : i32
        %dma_wait3A_1662 = arith.constant 0 : i32
        %dma_wait3A_1663 = tpu.memref_slice %run_scoped3A_3[%dma_wait3A_1660, %dma_wait3A_1661, %dma_wait3A_1662] : memref<16x16x128xf32, #tpu.memory_space<vmem>> -> memref<1x16x128xf32, #tpu.memory_space<vmem>>
        %dma_wait3A_1664 = tpu.memref_squeeze %dma_wait3A_1663 : memref<1x16x128xf32, #tpu.memory_space<vmem>> -> memref<16x128xf32, #tpu.memory_space<vmem>>
        %dma_wait3A_1665 = arith.constant 0 : i32
        %dma_wait3A_1666 = tpu.memref_slice %arg5[%dma_wait3A_1665, %multiple_of3A_1193] : memref<16x1000000xf32, #tpu.memory_space<hbm>> -> memref<16x128xf32, #tpu.memory_space<hbm>>
        %dma_wait3A_1667 = arith.constant 0 : i32
        %dma_wait3A_1668 = arith.constant 0 : i32
        %dma_wait3A_1669 = tpu.memref_slice %run_scoped3A_3[%dma_wait3A_1660, %dma_wait3A_1667, %dma_wait3A_1668] : memref<16x16x128xf32, #tpu.memory_space<vmem>> -> memref<1x16x128xf32, #tpu.memory_space<vmem>>
        %dma_wait3A_1670 = tpu.memref_squeeze %dma_wait3A_1669 : memref<1x16x128xf32, #tpu.memory_space<vmem>> -> memref<16x128xf32, #tpu.memory_space<vmem>>
        %dma_wait3A_1671 = arith.constant 0 : i32
        %dma_wait3A_1672 = tpu.memref_slice %arg5[%dma_wait3A_1671, %multiple_of3A_1193] : memref<16x1000000xf32, #tpu.memory_space<hbm>> -> memref<16x128xf32, #tpu.memory_space<hbm>>
        tpu.wait_dma2 semaphore(%run_scoped3A_7 : memref<!tpu.dma_semaphore, #tpu.memory_space<semaphore_mem>>) src(%dma_wait3A_1672 : memref<16x128xf32, #tpu.memory_space<hbm>>) dst(%dma_wait3A_1670 : memref<16x128xf32, #tpu.memory_space<vmem>>)
        %dma_wait3A_1673 = arith.constant 10 : i32
        %dma_wait3A_1674 = arith.constant 0 : i32
        %dma_wait3A_1675 = arith.constant 0 : i32
        %dma_wait3A_1676 = tpu.memref_slice %run_scoped3A_3[%dma_wait3A_1673, %dma_wait3A_1674, %dma_wait3A_1675] : memref<16x16x128xf32, #tpu.memory_space<vmem>> -> memref<1x16x128xf32, #tpu.memory_space<vmem>>
        %dma_wait3A_1677 = tpu.memref_squeeze %dma_wait3A_1676 : memref<1x16x128xf32, #tpu.memory_space<vmem>> -> memref<16x128xf32, #tpu.memory_space<vmem>>
        %dma_wait3A_1678 = arith.constant 0 : i32
        %dma_wait3A_1679 = tpu.memref_slice %arg5[%dma_wait3A_1678, %multiple_of3A_1209] : memref<16x1000000xf32, #tpu.memory_space<hbm>> -> memref<16x128xf32, #tpu.memory_space<hbm>>
        %dma_wait3A_1680 = arith.constant 0 : i32
        %dma_wait3A_1681 = arith.constant 0 : i32
        %dma_wait3A_1682 = tpu.memref_slice %run_scoped3A_3[%dma_wait3A_1673, %dma_wait3A_1680, %dma_wait3A_1681] : memref<16x16x128xf32, #tpu.memory_space<vmem>> -> memref<1x16x128xf32, #tpu.memory_space<vmem>>
        %dma_wait3A_1683 = tpu.memref_squeeze %dma_wait3A_1682 : memref<1x16x128xf32, #tpu.memory_space<vmem>> -> memref<16x128xf32, #tpu.memory_space<vmem>>
        %dma_wait3A_1684 = arith.constant 0 : i32
        %dma_wait3A_1685 = tpu.memref_slice %arg5[%dma_wait3A_1684, %multiple_of3A_1209] : memref<16x1000000xf32, #tpu.memory_space<hbm>> -> memref<16x128xf32, #tpu.memory_space<hbm>>
        tpu.wait_dma2 semaphore(%run_scoped3A_7 : memref<!tpu.dma_semaphore, #tpu.memory_space<semaphore_mem>>) src(%dma_wait3A_1685 : memref<16x128xf32, #tpu.memory_space<hbm>>) dst(%dma_wait3A_1683 : memref<16x128xf32, #tpu.memory_space<vmem>>)
        %dma_wait3A_1686 = arith.constant 11 : i32
        %dma_wait3A_1687 = arith.constant 0 : i32
        %dma_wait3A_1688 = arith.constant 0 : i32
        %dma_wait3A_1689 = tpu.memref_slice %run_scoped3A_3[%dma_wait3A_1686, %dma_wait3A_1687, %dma_wait3A_1688] : memref<16x16x128xf32, #tpu.memory_space<vmem>> -> memref<1x16x128xf32, #tpu.memory_space<vmem>>
        %dma_wait3A_1690 = tpu.memref_squeeze %dma_wait3A_1689 : memref<1x16x128xf32, #tpu.memory_space<vmem>> -> memref<16x128xf32, #tpu.memory_space<vmem>>
        %dma_wait3A_1691 = arith.constant 0 : i32
        %dma_wait3A_1692 = tpu.memref_slice %arg5[%dma_wait3A_1691, %multiple_of3A_1225] : memref<16x1000000xf32, #tpu.memory_space<hbm>> -> memref<16x128xf32, #tpu.memory_space<hbm>>
        %dma_wait3A_1693 = arith.constant 0 : i32
        %dma_wait3A_1694 = arith.constant 0 : i32
        %dma_wait3A_1695 = tpu.memref_slice %run_scoped3A_3[%dma_wait3A_1686, %dma_wait3A_1693, %dma_wait3A_1694] : memref<16x16x128xf32, #tpu.memory_space<vmem>> -> memref<1x16x128xf32, #tpu.memory_space<vmem>>
        %dma_wait3A_1696 = tpu.memref_squeeze %dma_wait3A_1695 : memref<1x16x128xf32, #tpu.memory_space<vmem>> -> memref<16x128xf32, #tpu.memory_space<vmem>>
        %dma_wait3A_1697 = arith.constant 0 : i32
        %dma_wait3A_1698 = tpu.memref_slice %arg5[%dma_wait3A_1697, %multiple_of3A_1225] : memref<16x1000000xf32, #tpu.memory_space<hbm>> -> memref<16x128xf32, #tpu.memory_space<hbm>>
        tpu.wait_dma2 semaphore(%run_scoped3A_7 : memref<!tpu.dma_semaphore, #tpu.memory_space<semaphore_mem>>) src(%dma_wait3A_1698 : memref<16x128xf32, #tpu.memory_space<hbm>>) dst(%dma_wait3A_1696 : memref<16x128xf32, #tpu.memory_space<vmem>>)
        %dma_wait3A_1699 = arith.constant 12 : i32
        %dma_wait3A_1700 = arith.constant 0 : i32
        %dma_wait3A_1701 = arith.constant 0 : i32
        %dma_wait3A_1702 = tpu.memref_slice %run_scoped3A_3[%dma_wait3A_1699, %dma_wait3A_1700, %dma_wait3A_1701] : memref<16x16x128xf32, #tpu.memory_space<vmem>> -> memref<1x16x128xf32, #tpu.memory_space<vmem>>
        %dma_wait3A_1703 = tpu.memref_squeeze %dma_wait3A_1702 : memref<1x16x128xf32, #tpu.memory_space<vmem>> -> memref<16x128xf32, #tpu.memory_space<vmem>>
        %dma_wait3A_1704 = arith.constant 0 : i32
        %dma_wait3A_1705 = tpu.memref_slice %arg5[%dma_wait3A_1704, %multiple_of3A_1241] : memref<16x1000000xf32, #tpu.memory_space<hbm>> -> memref<16x128xf32, #tpu.memory_space<hbm>>
        %dma_wait3A_1706 = arith.constant 0 : i32
        %dma_wait3A_1707 = arith.constant 0 : i32
        %dma_wait3A_1708 = tpu.memref_slice %run_scoped3A_3[%dma_wait3A_1699, %dma_wait3A_1706, %dma_wait3A_1707] : memref<16x16x128xf32, #tpu.memory_space<vmem>> -> memref<1x16x128xf32, #tpu.memory_space<vmem>>
        %dma_wait3A_1709 = tpu.memref_squeeze %dma_wait3A_1708 : memref<1x16x128xf32, #tpu.memory_space<vmem>> -> memref<16x128xf32, #tpu.memory_space<vmem>>
        %dma_wait3A_1710 = arith.constant 0 : i32
        %dma_wait3A_1711 = tpu.memref_slice %arg5[%dma_wait3A_1710, %multiple_of3A_1241] : memref<16x1000000xf32, #tpu.memory_space<hbm>> -> memref<16x128xf32, #tpu.memory_space<hbm>>
        tpu.wait_dma2 semaphore(%run_scoped3A_7 : memref<!tpu.dma_semaphore, #tpu.memory_space<semaphore_mem>>) src(%dma_wait3A_1711 : memref<16x128xf32, #tpu.memory_space<hbm>>) dst(%dma_wait3A_1709 : memref<16x128xf32, #tpu.memory_space<vmem>>)
        %dma_wait3A_1712 = arith.constant 13 : i32
        %dma_wait3A_1713 = arith.constant 0 : i32
        %dma_wait3A_1714 = arith.constant 0 : i32
        %dma_wait3A_1715 = tpu.memref_slice %run_scoped3A_3[%dma_wait3A_1712, %dma_wait3A_1713, %dma_wait3A_1714] : memref<16x16x128xf32, #tpu.memory_space<vmem>> -> memref<1x16x128xf32, #tpu.memory_space<vmem>>
        %dma_wait3A_1716 = tpu.memref_squeeze %dma_wait3A_1715 : memref<1x16x128xf32, #tpu.memory_space<vmem>> -> memref<16x128xf32, #tpu.memory_space<vmem>>
        %dma_wait3A_1717 = arith.constant 0 : i32
        %dma_wait3A_1718 = tpu.memref_slice %arg5[%dma_wait3A_1717, %multiple_of3A_1257] : memref<16x1000000xf32, #tpu.memory_space<hbm>> -> memref<16x128xf32, #tpu.memory_space<hbm>>
        %dma_wait3A_1719 = arith.constant 0 : i32
        %dma_wait3A_1720 = arith.constant 0 : i32
        %dma_wait3A_1721 = tpu.memref_slice %run_scoped3A_3[%dma_wait3A_1712, %dma_wait3A_1719, %dma_wait3A_1720] : memref<16x16x128xf32, #tpu.memory_space<vmem>> -> memref<1x16x128xf32, #tpu.memory_space<vmem>>
        %dma_wait3A_1722 = tpu.memref_squeeze %dma_wait3A_1721 : memref<1x16x128xf32, #tpu.memory_space<vmem>> -> memref<16x128xf32, #tpu.memory_space<vmem>>
        %dma_wait3A_1723 = arith.constant 0 : i32
        %dma_wait3A_1724 = tpu.memref_slice %arg5[%dma_wait3A_1723, %multiple_of3A_1257] : memref<16x1000000xf32, #tpu.memory_space<hbm>> -> memref<16x128xf32, #tpu.memory_space<hbm>>
        tpu.wait_dma2 semaphore(%run_scoped3A_7 : memref<!tpu.dma_semaphore, #tpu.memory_space<semaphore_mem>>) src(%dma_wait3A_1724 : memref<16x128xf32, #tpu.memory_space<hbm>>) dst(%dma_wait3A_1722 : memref<16x128xf32, #tpu.memory_space<vmem>>)
        %dma_wait3A_1725 = arith.constant 14 : i32
        %dma_wait3A_1726 = arith.constant 0 : i32
        %dma_wait3A_1727 = arith.constant 0 : i32
        %dma_wait3A_1728 = tpu.memref_slice %run_scoped3A_3[%dma_wait3A_1725, %dma_wait3A_1726, %dma_wait3A_1727] : memref<16x16x128xf32, #tpu.memory_space<vmem>> -> memref<1x16x128xf32, #tpu.memory_space<vmem>>
        %dma_wait3A_1729 = tpu.memref_squeeze %dma_wait3A_1728 : memref<1x16x128xf32, #tpu.memory_space<vmem>> -> memref<16x128xf32, #tpu.memory_space<vmem>>
        %dma_wait3A_1730 = arith.constant 0 : i32
        %dma_wait3A_1731 = tpu.memref_slice %arg5[%dma_wait3A_1730, %multiple_of3A_1273] : memref<16x1000000xf32, #tpu.memory_space<hbm>> -> memref<16x128xf32, #tpu.memory_space<hbm>>
        %dma_wait3A_1732 = arith.constant 0 : i32
        %dma_wait3A_1733 = arith.constant 0 : i32
        %dma_wait3A_1734 = tpu.memref_slice %run_scoped3A_3[%dma_wait3A_1725, %dma_wait3A_1732, %dma_wait3A_1733] : memref<16x16x128xf32, #tpu.memory_space<vmem>> -> memref<1x16x128xf32, #tpu.memory_space<vmem>>
        %dma_wait3A_1735 = tpu.memref_squeeze %dma_wait3A_1734 : memref<1x16x128xf32, #tpu.memory_space<vmem>> -> memref<16x128xf32, #tpu.memory_space<vmem>>
        %dma_wait3A_1736 = arith.constant 0 : i32
        %dma_wait3A_1737 = tpu.memref_slice %arg5[%dma_wait3A_1736, %multiple_of3A_1273] : memref<16x1000000xf32, #tpu.memory_space<hbm>> -> memref<16x128xf32, #tpu.memory_space<hbm>>
        tpu.wait_dma2 semaphore(%run_scoped3A_7 : memref<!tpu.dma_semaphore, #tpu.memory_space<semaphore_mem>>) src(%dma_wait3A_1737 : memref<16x128xf32, #tpu.memory_space<hbm>>) dst(%dma_wait3A_1735 : memref<16x128xf32, #tpu.memory_space<vmem>>)
        %dma_wait3A_1738 = arith.constant 15 : i32
        %dma_wait3A_1739 = arith.constant 0 : i32
        %dma_wait3A_1740 = arith.constant 0 : i32
        %dma_wait3A_1741 = tpu.memref_slice %run_scoped3A_3[%dma_wait3A_1738, %dma_wait3A_1739, %dma_wait3A_1740] : memref<16x16x128xf32, #tpu.memory_space<vmem>> -> memref<1x16x128xf32, #tpu.memory_space<vmem>>
        %dma_wait3A_1742 = tpu.memref_squeeze %dma_wait3A_1741 : memref<1x16x128xf32, #tpu.memory_space<vmem>> -> memref<16x128xf32, #tpu.memory_space<vmem>>
        %dma_wait3A_1743 = arith.constant 0 : i32
        %dma_wait3A_1744 = tpu.memref_slice %arg5[%dma_wait3A_1743, %multiple_of3A_1289] : memref<16x1000000xf32, #tpu.memory_space<hbm>> -> memref<16x128xf32, #tpu.memory_space<hbm>>
        %dma_wait3A_1745 = arith.constant 0 : i32
        %dma_wait3A_1746 = arith.constant 0 : i32
        %dma_wait3A_1747 = tpu.memref_slice %run_scoped3A_3[%dma_wait3A_1738, %dma_wait3A_1745, %dma_wait3A_1746] : memref<16x16x128xf32, #tpu.memory_space<vmem>> -> memref<1x16x128xf32, #tpu.memory_space<vmem>>
        %dma_wait3A_1748 = tpu.memref_squeeze %dma_wait3A_1747 : memref<1x16x128xf32, #tpu.memory_space<vmem>> -> memref<16x128xf32, #tpu.memory_space<vmem>>
        %dma_wait3A_1749 = arith.constant 0 : i32
        %dma_wait3A_1750 = tpu.memref_slice %arg5[%dma_wait3A_1749, %multiple_of3A_1289] : memref<16x1000000xf32, #tpu.memory_space<hbm>> -> memref<16x128xf32, #tpu.memory_space<hbm>>
        tpu.wait_dma2 semaphore(%run_scoped3A_7 : memref<!tpu.dma_semaphore, #tpu.memory_space<semaphore_mem>>) src(%dma_wait3A_1750 : memref<16x128xf32, #tpu.memory_space<hbm>>) dst(%dma_wait3A_1748 : memref<16x128xf32, #tpu.memory_space<vmem>>)
        %broadcast_in_dim3A = arith.constant 0.000000e+00 : f32
        %broadcast_in_dim3A_1751 = vector.broadcast %broadcast_in_dim3A : f32 to vector<16xf32>
        %broadcast_in_dim3A_1752 = arith.constant 0 : i32
        %broadcast_in_dim3A_1753 = vector.broadcast %broadcast_in_dim3A_1752 : i32 to vector<16xi32>
        %gather3A = tpu.vector_load_idx %run_scoped3A_1[%iota3A, %broadcast_in_dim3A_1753, %and3A_1043] : memref<16x16x128xf32, #tpu.memory_space<vmem>>[vector<16xi32>, vector<16xi32>, vector<16xi32>], vector<16xf32>,
        %gather3A_1754 = tpu.vector_load_idx %run_scoped3A_3[%iota3A, %broadcast_in_dim3A_1753, %and3A_1046] : memref<16x16x128xf32, #tpu.memory_space<vmem>>[vector<16xi32>, vector<16xi32>, vector<16xi32>], vector<16xf32>,
        %mul3A_1755 = arith.mulf %gather3A, %gather3A_1754 : vector<16xf32>
        %add3A_1756 = arith.addf %broadcast_in_dim3A_1751, %mul3A_1755 : vector<16xf32>
        %broadcast_in_dim3A_1757 = arith.constant 1 : i32
        %broadcast_in_dim3A_1758 = vector.broadcast %broadcast_in_dim3A_1757 : i32 to vector<16xi32>
        %gather3A_1759 = tpu.vector_load_idx %run_scoped3A_1[%iota3A, %broadcast_in_dim3A_1758, %and3A_1043] : memref<16x16x128xf32, #tpu.memory_space<vmem>>[vector<16xi32>, vector<16xi32>, vector<16xi32>], vector<16xf32>,
        %gather3A_1760 = tpu.vector_load_idx %run_scoped3A_3[%iota3A, %broadcast_in_dim3A_1758, %and3A_1046] : memref<16x16x128xf32, #tpu.memory_space<vmem>>[vector<16xi32>, vector<16xi32>, vector<16xi32>], vector<16xf32>,
        %mul3A_1761 = arith.mulf %gather3A_1759, %gather3A_1760 : vector<16xf32>
        %add3A_1762 = arith.addf %add3A_1756, %mul3A_1761 : vector<16xf32>
        %broadcast_in_dim3A_1763 = arith.constant 2 : i32
        %broadcast_in_dim3A_1764 = vector.broadcast %broadcast_in_dim3A_1763 : i32 to vector<16xi32>
        %gather3A_1765 = tpu.vector_load_idx %run_scoped3A_1[%iota3A, %broadcast_in_dim3A_1764, %and3A_1043] : memref<16x16x128xf32, #tpu.memory_space<vmem>>[vector<16xi32>, vector<16xi32>, vector<16xi32>], vector<16xf32>,
        %gather3A_1766 = tpu.vector_load_idx %run_scoped3A_3[%iota3A, %broadcast_in_dim3A_1764, %and3A_1046] : memref<16x16x128xf32, #tpu.memory_space<vmem>>[vector<16xi32>, vector<16xi32>, vector<16xi32>], vector<16xf32>,
        %mul3A_1767 = arith.mulf %gather3A_1765, %gather3A_1766 : vector<16xf32>
        %add3A_1768 = arith.addf %add3A_1762, %mul3A_1767 : vector<16xf32>
        %broadcast_in_dim3A_1769 = arith.constant 3 : i32
        %broadcast_in_dim3A_1770 = vector.broadcast %broadcast_in_dim3A_1769 : i32 to vector<16xi32>
        %gather3A_1771 = tpu.vector_load_idx %run_scoped3A_1[%iota3A, %broadcast_in_dim3A_1770, %and3A_1043] : memref<16x16x128xf32, #tpu.memory_space<vmem>>[vector<16xi32>, vector<16xi32>, vector<16xi32>], vector<16xf32>,
        %gather3A_1772 = tpu.vector_load_idx %run_scoped3A_3[%iota3A, %broadcast_in_dim3A_1770, %and3A_1046] : memref<16x16x128xf32, #tpu.memory_space<vmem>>[vector<16xi32>, vector<16xi32>, vector<16xi32>], vector<16xf32>,
        %mul3A_1773 = arith.mulf %gather3A_1771, %gather3A_1772 : vector<16xf32>
        %add3A_1774 = arith.addf %add3A_1768, %mul3A_1773 : vector<16xf32>
        %broadcast_in_dim3A_1775 = arith.constant 4 : i32
        %broadcast_in_dim3A_1776 = vector.broadcast %broadcast_in_dim3A_1775 : i32 to vector<16xi32>
        %gather3A_1777 = tpu.vector_load_idx %run_scoped3A_1[%iota3A, %broadcast_in_dim3A_1776, %and3A_1043] : memref<16x16x128xf32, #tpu.memory_space<vmem>>[vector<16xi32>, vector<16xi32>, vector<16xi32>], vector<16xf32>,
        %gather3A_1778 = tpu.vector_load_idx %run_scoped3A_3[%iota3A, %broadcast_in_dim3A_1776, %and3A_1046] : memref<16x16x128xf32, #tpu.memory_space<vmem>>[vector<16xi32>, vector<16xi32>, vector<16xi32>], vector<16xf32>,
        %mul3A_1779 = arith.mulf %gather3A_1777, %gather3A_1778 : vector<16xf32>
        %add3A_1780 = arith.addf %add3A_1774, %mul3A_1779 : vector<16xf32>
        %broadcast_in_dim3A_1781 = arith.constant 5 : i32
        %broadcast_in_dim3A_1782 = vector.broadcast %broadcast_in_dim3A_1781 : i32 to vector<16xi32>
        %gather3A_1783 = tpu.vector_load_idx %run_scoped3A_1[%iota3A, %broadcast_in_dim3A_1782, %and3A_1043] : memref<16x16x128xf32, #tpu.memory_space<vmem>>[vector<16xi32>, vector<16xi32>, vector<16xi32>], vector<16xf32>,
        %gather3A_1784 = tpu.vector_load_idx %run_scoped3A_3[%iota3A, %broadcast_in_dim3A_1782, %and3A_1046] : memref<16x16x128xf32, #tpu.memory_space<vmem>>[vector<16xi32>, vector<16xi32>, vector<16xi32>], vector<16xf32>,
        %mul3A_1785 = arith.mulf %gather3A_1783, %gather3A_1784 : vector<16xf32>
        %add3A_1786 = arith.addf %add3A_1780, %mul3A_1785 : vector<16xf32>
        %broadcast_in_dim3A_1787 = arith.constant 6 : i32
        %broadcast_in_dim3A_1788 = vector.broadcast %broadcast_in_dim3A_1787 : i32 to vector<16xi32>
        %gather3A_1789 = tpu.vector_load_idx %run_scoped3A_1[%iota3A, %broadcast_in_dim3A_1788, %and3A_1043] : memref<16x16x128xf32, #tpu.memory_space<vmem>>[vector<16xi32>, vector<16xi32>, vector<16xi32>], vector<16xf32>,
        %gather3A_1790 = tpu.vector_load_idx %run_scoped3A_3[%iota3A, %broadcast_in_dim3A_1788, %and3A_1046] : memref<16x16x128xf32, #tpu.memory_space<vmem>>[vector<16xi32>, vector<16xi32>, vector<16xi32>], vector<16xf32>,
        %mul3A_1791 = arith.mulf %gather3A_1789, %gather3A_1790 : vector<16xf32>
        %add3A_1792 = arith.addf %add3A_1786, %mul3A_1791 : vector<16xf32>
        %broadcast_in_dim3A_1793 = arith.constant 7 : i32
        %broadcast_in_dim3A_1794 = vector.broadcast %broadcast_in_dim3A_1793 : i32 to vector<16xi32>
        %gather3A_1795 = tpu.vector_load_idx %run_scoped3A_1[%iota3A, %broadcast_in_dim3A_1794, %and3A_1043] : memref<16x16x128xf32, #tpu.memory_space<vmem>>[vector<16xi32>, vector<16xi32>, vector<16xi32>], vector<16xf32>,
        %gather3A_1796 = tpu.vector_load_idx %run_scoped3A_3[%iota3A, %broadcast_in_dim3A_1794, %and3A_1046] : memref<16x16x128xf32, #tpu.memory_space<vmem>>[vector<16xi32>, vector<16xi32>, vector<16xi32>], vector<16xf32>,
        %mul3A_1797 = arith.mulf %gather3A_1795, %gather3A_1796 : vector<16xf32>
        %add3A_1798 = arith.addf %add3A_1792, %mul3A_1797 : vector<16xf32>
        %broadcast_in_dim3A_1799 = arith.constant 8 : i32
        %broadcast_in_dim3A_1800 = vector.broadcast %broadcast_in_dim3A_1799 : i32 to vector<16xi32>
        %gather3A_1801 = tpu.vector_load_idx %run_scoped3A_1[%iota3A, %broadcast_in_dim3A_1800, %and3A_1043] : memref<16x16x128xf32, #tpu.memory_space<vmem>>[vector<16xi32>, vector<16xi32>, vector<16xi32>], vector<16xf32>,
        %gather3A_1802 = tpu.vector_load_idx %run_scoped3A_3[%iota3A, %broadcast_in_dim3A_1800, %and3A_1046] : memref<16x16x128xf32, #tpu.memory_space<vmem>>[vector<16xi32>, vector<16xi32>, vector<16xi32>], vector<16xf32>,
        %mul3A_1803 = arith.mulf %gather3A_1801, %gather3A_1802 : vector<16xf32>
        %add3A_1804 = arith.addf %add3A_1798, %mul3A_1803 : vector<16xf32>
        %broadcast_in_dim3A_1805 = arith.constant 9 : i32
        %broadcast_in_dim3A_1806 = vector.broadcast %broadcast_in_dim3A_1805 : i32 to vector<16xi32>
        %gather3A_1807 = tpu.vector_load_idx %run_scoped3A_1[%iota3A, %broadcast_in_dim3A_1806, %and3A_1043] : memref<16x16x128xf32, #tpu.memory_space<vmem>>[vector<16xi32>, vector<16xi32>, vector<16xi32>], vector<16xf32>,
        %gather3A_1808 = tpu.vector_load_idx %run_scoped3A_3[%iota3A, %broadcast_in_dim3A_1806, %and3A_1046] : memref<16x16x128xf32, #tpu.memory_space<vmem>>[vector<16xi32>, vector<16xi32>, vector<16xi32>], vector<16xf32>,
        %mul3A_1809 = arith.mulf %gather3A_1807, %gather3A_1808 : vector<16xf32>
        %add3A_1810 = arith.addf %add3A_1804, %mul3A_1809 : vector<16xf32>
        %broadcast_in_dim3A_1811 = arith.constant 10 : i32
        %broadcast_in_dim3A_1812 = vector.broadcast %broadcast_in_dim3A_1811 : i32 to vector<16xi32>
        %gather3A_1813 = tpu.vector_load_idx %run_scoped3A_1[%iota3A, %broadcast_in_dim3A_1812, %and3A_1043] : memref<16x16x128xf32, #tpu.memory_space<vmem>>[vector<16xi32>, vector<16xi32>, vector<16xi32>], vector<16xf32>,
        %gather3A_1814 = tpu.vector_load_idx %run_scoped3A_3[%iota3A, %broadcast_in_dim3A_1812, %and3A_1046] : memref<16x16x128xf32, #tpu.memory_space<vmem>>[vector<16xi32>, vector<16xi32>, vector<16xi32>], vector<16xf32>,
        %mul3A_1815 = arith.mulf %gather3A_1813, %gather3A_1814 : vector<16xf32>
        %add3A_1816 = arith.addf %add3A_1810, %mul3A_1815 : vector<16xf32>
        %broadcast_in_dim3A_1817 = arith.constant 11 : i32
        %broadcast_in_dim3A_1818 = vector.broadcast %broadcast_in_dim3A_1817 : i32 to vector<16xi32>
        %gather3A_1819 = tpu.vector_load_idx %run_scoped3A_1[%iota3A, %broadcast_in_dim3A_1818, %and3A_1043] : memref<16x16x128xf32, #tpu.memory_space<vmem>>[vector<16xi32>, vector<16xi32>, vector<16xi32>], vector<16xf32>,
        %gather3A_1820 = tpu.vector_load_idx %run_scoped3A_3[%iota3A, %broadcast_in_dim3A_1818, %and3A_1046] : memref<16x16x128xf32, #tpu.memory_space<vmem>>[vector<16xi32>, vector<16xi32>, vector<16xi32>], vector<16xf32>,
        %mul3A_1821 = arith.mulf %gather3A_1819, %gather3A_1820 : vector<16xf32>
        %add3A_1822 = arith.addf %add3A_1816, %mul3A_1821 : vector<16xf32>
        %broadcast_in_dim3A_1823 = arith.constant 12 : i32
        %broadcast_in_dim3A_1824 = vector.broadcast %broadcast_in_dim3A_1823 : i32 to vector<16xi32>
        %gather3A_1825 = tpu.vector_load_idx %run_scoped3A_1[%iota3A, %broadcast_in_dim3A_1824, %and3A_1043] : memref<16x16x128xf32, #tpu.memory_space<vmem>>[vector<16xi32>, vector<16xi32>, vector<16xi32>], vector<16xf32>,
        %gather3A_1826 = tpu.vector_load_idx %run_scoped3A_3[%iota3A, %broadcast_in_dim3A_1824, %and3A_1046] : memref<16x16x128xf32, #tpu.memory_space<vmem>>[vector<16xi32>, vector<16xi32>, vector<16xi32>], vector<16xf32>,
        %mul3A_1827 = arith.mulf %gather3A_1825, %gather3A_1826 : vector<16xf32>
        %add3A_1828 = arith.addf %add3A_1822, %mul3A_1827 : vector<16xf32>
        %broadcast_in_dim3A_1829 = arith.constant 13 : i32
        %broadcast_in_dim3A_1830 = vector.broadcast %broadcast_in_dim3A_1829 : i32 to vector<16xi32>
        %gather3A_1831 = tpu.vector_load_idx %run_scoped3A_1[%iota3A, %broadcast_in_dim3A_1830, %and3A_1043] : memref<16x16x128xf32, #tpu.memory_space<vmem>>[vector<16xi32>, vector<16xi32>, vector<16xi32>], vector<16xf32>,
        %gather3A_1832 = tpu.vector_load_idx %run_scoped3A_3[%iota3A, %broadcast_in_dim3A_1830, %and3A_1046] : memref<16x16x128xf32, #tpu.memory_space<vmem>>[vector<16xi32>, vector<16xi32>, vector<16xi32>], vector<16xf32>,
        %mul3A_1833 = arith.mulf %gather3A_1831, %gather3A_1832 : vector<16xf32>
        %add3A_1834 = arith.addf %add3A_1828, %mul3A_1833 : vector<16xf32>
        %broadcast_in_dim3A_1835 = arith.constant 14 : i32
        %broadcast_in_dim3A_1836 = vector.broadcast %broadcast_in_dim3A_1835 : i32 to vector<16xi32>
        %gather3A_1837 = tpu.vector_load_idx %run_scoped3A_1[%iota3A, %broadcast_in_dim3A_1836, %and3A_1043] : memref<16x16x128xf32, #tpu.memory_space<vmem>>[vector<16xi32>, vector<16xi32>, vector<16xi32>], vector<16xf32>,
        %gather3A_1838 = tpu.vector_load_idx %run_scoped3A_3[%iota3A, %broadcast_in_dim3A_1836, %and3A_1046] : memref<16x16x128xf32, #tpu.memory_space<vmem>>[vector<16xi32>, vector<16xi32>, vector<16xi32>], vector<16xf32>,
        %mul3A_1839 = arith.mulf %gather3A_1837, %gather3A_1838 : vector<16xf32>
        %add3A_1840 = arith.addf %add3A_1834, %mul3A_1839 : vector<16xf32>
        %broadcast_in_dim3A_1841 = arith.constant 15 : i32
        %broadcast_in_dim3A_1842 = vector.broadcast %broadcast_in_dim3A_1841 : i32 to vector<16xi32>
        %gather3A_1843 = tpu.vector_load_idx %run_scoped3A_1[%iota3A, %broadcast_in_dim3A_1842, %and3A_1043] : memref<16x16x128xf32, #tpu.memory_space<vmem>>[vector<16xi32>, vector<16xi32>, vector<16xi32>], vector<16xf32>,
        %gather3A_1844 = tpu.vector_load_idx %run_scoped3A_3[%iota3A, %broadcast_in_dim3A_1842, %and3A_1046] : memref<16x16x128xf32, #tpu.memory_space<vmem>>[vector<16xi32>, vector<16xi32>, vector<16xi32>], vector<16xf32>,
        %mul3A_1845 = arith.mulf %gather3A_1843, %gather3A_1844 : vector<16xf32>
        %add3A_1846 = arith.addf %add3A_1840, %mul3A_1845 : vector<16xf32>
        %neg3A = arith.constant 0.000000e+00 : f32
        %neg3A_1847 = vector.broadcast %neg3A : f32 to vector<16xf32>
        %neg3A_1848 = arith.subf %neg3A_1847, %add3A_1846 : vector<16xf32>
        %exp3A = math.exp %neg3A_1848 : vector<16xf32>
        %add3A_1849 = arith.constant 1.000000e+00 : f32
        %add3A_1850 = vector.broadcast %add3A_1849 : f32 to vector<16xf32>
        %add3A_1851 = arith.addf %add3A_1850, %exp3A : vector<16xf32>
        %div3A = arith.constant 1.000000e+00 : f32
        %div3A_1852 = vector.broadcast %div3A : f32 to vector<16xf32>
        %div3A_1853 = arith.divf %div3A_1852, %add3A_1851 : vector<16xf32>
        %mul3A_1854 = arith.constant 16 : i32
        %mul3A_1855 = arith.muli %mul3A_1027, %mul3A_1854 : i32
        %swap3A = arith.index_cast %mul3A_1855 : i32 to index
        %swap3A_1856 = tpu.vector_load %run_scoped3A_4[%swap3A] {strides = array<i32>} : memref<512xf32, #tpu.memory_space<vmem>>, vector<16xf32>,
        tpu.vector_store %run_scoped3A_4[%swap3A], %div3A_1853 {strides = array<i32>} : memref<512xf32, #tpu.memory_space<vmem>>, vector<16xf32>,
        %add3A_1857 = arith.constant 2 : i32
        %add3A_1858 = arith.addi %mul3A_1027, %add3A_1857 : i32
        %min3A_1859 = arith.constant 31 : i32
        %min3A_1860 = arith.minsi %add3A_1858, %min3A_1859 : i32
        %mul3A_1861 = arith.constant 16 : i32
        %mul3A_1862 = arith.muli %min3A_1860, %mul3A_1861 : i32
        %get3A_1863 = arith.index_cast %mul3A_1862 : i32 to index
        %get3A_1864 = tpu.vector_load %run_scoped3A[%get3A_1863] {strides = array<i32>} : memref<512xi32, #tpu.memory_space<vmem>>, vector<16xi32>,
        %shift_right_arithmetic3A_1865 = arith.constant 7 : i32
        %shift_right_arithmetic3A_1866 = vector.broadcast %shift_right_arithmetic3A_1865 : i32 to vector<16xi32>
        %shift_right_arithmetic3A_1867 = arith.shrsi %get3A_1864, %shift_right_arithmetic3A_1866 : vector<16xi32>
        %shift_left3A_1868 = arith.constant 7 : i32
        %shift_left3A_1869 = vector.broadcast %shift_left3A_1868 : i32 to vector<16xi32>
        %shift_left3A_1870 = arith.shli %shift_right_arithmetic3A_1867, %shift_left3A_1869 : vector<16xi32>
        %slice3A_1871 = vector.extract_strided_slice %shift_left3A_1870 {offsets = [0], sizes = [1], strides = [1]} : vector<16xi32> to vector<1xi32>
        %squeeze3A_1872 = vector.extract %slice3A_1871[0] : i32 from vector<1xi32>
        %multiple_of3A_1873 = tpu.assume_multiple %squeeze3A_1872, 128 : i32
        %dma_start3A_1874 = arith.constant 0 : i32
        %dma_start3A_1875 = arith.constant 0 : i32
        %dma_start3A_1876 = arith.constant 0 : i32
        %dma_start3A_1877 = tpu.memref_slice %run_scoped3A_1[%dma_start3A_1874, %dma_start3A_1875, %dma_start3A_1876] : memref<16x16x128xf32, #tpu.memory_space<vmem>> -> memref<1x16x128xf32, #tpu.memory_space<vmem>>
        %dma_start3A_1878 = tpu.memref_squeeze %dma_start3A_1877 : memref<1x16x128xf32, #tpu.memory_space<vmem>> -> memref<16x128xf32, #tpu.memory_space<vmem>>
        %dma_start3A_1879 = arith.constant 0 : i32
        %dma_start3A_1880 = tpu.memref_slice %arg4[%dma_start3A_1879, %multiple_of3A_1873] : memref<16x1000000xf32, #tpu.memory_space<hbm>> -> memref<16x128xf32, #tpu.memory_space<hbm>>
        %dma_start3A_1881 = arith.constant 0 : i32
        %dma_start3A_1882 = arith.constant 0 : i32
        %dma_start3A_1883 = tpu.memref_slice %run_scoped3A_1[%dma_start3A_1874, %dma_start3A_1881, %dma_start3A_1882] : memref<16x16x128xf32, #tpu.memory_space<vmem>> -> memref<1x16x128xf32, #tpu.memory_space<vmem>>
        %dma_start3A_1884 = tpu.memref_squeeze %dma_start3A_1883 : memref<1x16x128xf32, #tpu.memory_space<vmem>> -> memref<16x128xf32, #tpu.memory_space<vmem>>
        %dma_start3A_1885 = arith.constant 0 : i32
        %dma_start3A_1886 = tpu.memref_slice %arg4[%dma_start3A_1885, %multiple_of3A_1873] : memref<16x1000000xf32, #tpu.memory_space<hbm>> -> memref<16x128xf32, #tpu.memory_space<hbm>>
        tpu.enqueue_dma source(%dma_start3A_1886 : memref<16x128xf32, #tpu.memory_space<hbm>>) target(%dma_start3A_1884 : memref<16x128xf32, #tpu.memory_space<vmem>>) target_semaphore(%run_scoped3A_5 : memref<!tpu.dma_semaphore, #tpu.memory_space<semaphore_mem>>)
        %slice3A_1887 = vector.extract_strided_slice %shift_left3A_1870 {offsets = [1], sizes = [1], strides = [1]} : vector<16xi32> to vector<1xi32>
        %squeeze3A_1888 = vector.extract %slice3A_1887[0] : i32 from vector<1xi32>
        %multiple_of3A_1889 = tpu.assume_multiple %squeeze3A_1888, 128 : i32
        %dma_start3A_1890 = arith.constant 1 : i32
        %dma_start3A_1891 = arith.constant 0 : i32
        %dma_start3A_1892 = arith.constant 0 : i32
        %dma_start3A_1893 = tpu.memref_slice %run_scoped3A_1[%dma_start3A_1890, %dma_start3A_1891, %dma_start3A_1892] : memref<16x16x128xf32, #tpu.memory_space<vmem>> -> memref<1x16x128xf32, #tpu.memory_space<vmem>>
        %dma_start3A_1894 = tpu.memref_squeeze %dma_start3A_1893 : memref<1x16x128xf32, #tpu.memory_space<vmem>> -> memref<16x128xf32, #tpu.memory_space<vmem>>
        %dma_start3A_1895 = arith.constant 0 : i32
        %dma_start3A_1896 = tpu.memref_slice %arg4[%dma_start3A_1895, %multiple_of3A_1889] : memref<16x1000000xf32, #tpu.memory_space<hbm>> -> memref<16x128xf32, #tpu.memory_space<hbm>>
        %dma_start3A_1897 = arith.constant 0 : i32
        %dma_start3A_1898 = arith.constant 0 : i32
        %dma_start3A_1899 = tpu.memref_slice %run_scoped3A_1[%dma_start3A_1890, %dma_start3A_1897, %dma_start3A_1898] : memref<16x16x128xf32, #tpu.memory_space<vmem>> -> memref<1x16x128xf32, #tpu.memory_space<vmem>>
        %dma_start3A_1900 = tpu.memref_squeeze %dma_start3A_1899 : memref<1x16x128xf32, #tpu.memory_space<vmem>> -> memref<16x128xf32, #tpu.memory_space<vmem>>
        %dma_start3A_1901 = arith.constant 0 : i32
        %dma_start3A_1902 = tpu.memref_slice %arg4[%dma_start3A_1901, %multiple_of3A_1889] : memref<16x1000000xf32, #tpu.memory_space<hbm>> -> memref<16x128xf32, #tpu.memory_space<hbm>>
        tpu.enqueue_dma source(%dma_start3A_1902 : memref<16x128xf32, #tpu.memory_space<hbm>>) target(%dma_start3A_1900 : memref<16x128xf32, #tpu.memory_space<vmem>>) target_semaphore(%run_scoped3A_5 : memref<!tpu.dma_semaphore, #tpu.memory_space<semaphore_mem>>)
        %slice3A_1903 = vector.extract_strided_slice %shift_left3A_1870 {offsets = [2], sizes = [1], strides = [1]} : vector<16xi32> to vector<1xi32>
        %squeeze3A_1904 = vector.extract %slice3A_1903[0] : i32 from vector<1xi32>
        %multiple_of3A_1905 = tpu.assume_multiple %squeeze3A_1904, 128 : i32
        %dma_start3A_1906 = arith.constant 2 : i32
        %dma_start3A_1907 = arith.constant 0 : i32
        %dma_start3A_1908 = arith.constant 0 : i32
        %dma_start3A_1909 = tpu.memref_slice %run_scoped3A_1[%dma_start3A_1906, %dma_start3A_1907, %dma_start3A_1908] : memref<16x16x128xf32, #tpu.memory_space<vmem>> -> memref<1x16x128xf32, #tpu.memory_space<vmem>>
        %dma_start3A_1910 = tpu.memref_squeeze %dma_start3A_1909 : memref<1x16x128xf32, #tpu.memory_space<vmem>> -> memref<16x128xf32, #tpu.memory_space<vmem>>
        %dma_start3A_1911 = arith.constant 0 : i32
        %dma_start3A_1912 = tpu.memref_slice %arg4[%dma_start3A_1911, %multiple_of3A_1905] : memref<16x1000000xf32, #tpu.memory_space<hbm>> -> memref<16x128xf32, #tpu.memory_space<hbm>>
        %dma_start3A_1913 = arith.constant 0 : i32
        %dma_start3A_1914 = arith.constant 0 : i32
        %dma_start3A_1915 = tpu.memref_slice %run_scoped3A_1[%dma_start3A_1906, %dma_start3A_1913, %dma_start3A_1914] : memref<16x16x128xf32, #tpu.memory_space<vmem>> -> memref<1x16x128xf32, #tpu.memory_space<vmem>>
        %dma_start3A_1916 = tpu.memref_squeeze %dma_start3A_1915 : memref<1x16x128xf32, #tpu.memory_space<vmem>> -> memref<16x128xf32, #tpu.memory_space<vmem>>
        %dma_start3A_1917 = arith.constant 0 : i32
        %dma_start3A_1918 = tpu.memref_slice %arg4[%dma_start3A_1917, %multiple_of3A_1905] : memref<16x1000000xf32, #tpu.memory_space<hbm>> -> memref<16x128xf32, #tpu.memory_space<hbm>>
        tpu.enqueue_dma source(%dma_start3A_1918 : memref<16x128xf32, #tpu.memory_space<hbm>>) target(%dma_start3A_1916 : memref<16x128xf32, #tpu.memory_space<vmem>>) target_semaphore(%run_scoped3A_5 : memref<!tpu.dma_semaphore, #tpu.memory_space<semaphore_mem>>)
        %slice3A_1919 = vector.extract_strided_slice %shift_left3A_1870 {offsets = [3], sizes = [1], strides = [1]} : vector<16xi32> to vector<1xi32>
        %squeeze3A_1920 = vector.extract %slice3A_1919[0] : i32 from vector<1xi32>
        %multiple_of3A_1921 = tpu.assume_multiple %squeeze3A_1920, 128 : i32
        %dma_start3A_1922 = arith.constant 3 : i32
        %dma_start3A_1923 = arith.constant 0 : i32
        %dma_start3A_1924 = arith.constant 0 : i32
        %dma_start3A_1925 = tpu.memref_slice %run_scoped3A_1[%dma_start3A_1922, %dma_start3A_1923, %dma_start3A_1924] : memref<16x16x128xf32, #tpu.memory_space<vmem>> -> memref<1x16x128xf32, #tpu.memory_space<vmem>>
        %dma_start3A_1926 = tpu.memref_squeeze %dma_start3A_1925 : memref<1x16x128xf32, #tpu.memory_space<vmem>> -> memref<16x128xf32, #tpu.memory_space<vmem>>
        %dma_start3A_1927 = arith.constant 0 : i32
        %dma_start3A_1928 = tpu.memref_slice %arg4[%dma_start3A_1927, %multiple_of3A_1921] : memref<16x1000000xf32, #tpu.memory_space<hbm>> -> memref<16x128xf32, #tpu.memory_space<hbm>>
        %dma_start3A_1929 = arith.constant 0 : i32
        %dma_start3A_1930 = arith.constant 0 : i32
        %dma_start3A_1931 = tpu.memref_slice %run_scoped3A_1[%dma_start3A_1922, %dma_start3A_1929, %dma_start3A_1930] : memref<16x16x128xf32, #tpu.memory_space<vmem>> -> memref<1x16x128xf32, #tpu.memory_space<vmem>>
        %dma_start3A_1932 = tpu.memref_squeeze %dma_start3A_1931 : memref<1x16x128xf32, #tpu.memory_space<vmem>> -> memref<16x128xf32, #tpu.memory_space<vmem>>
        %dma_start3A_1933 = arith.constant 0 : i32
        %dma_start3A_1934 = tpu.memref_slice %arg4[%dma_start3A_1933, %multiple_of3A_1921] : memref<16x1000000xf32, #tpu.memory_space<hbm>> -> memref<16x128xf32, #tpu.memory_space<hbm>>
        tpu.enqueue_dma source(%dma_start3A_1934 : memref<16x128xf32, #tpu.memory_space<hbm>>) target(%dma_start3A_1932 : memref<16x128xf32, #tpu.memory_space<vmem>>) target_semaphore(%run_scoped3A_5 : memref<!tpu.dma_semaphore, #tpu.memory_space<semaphore_mem>>)
        %slice3A_1935 = vector.extract_strided_slice %shift_left3A_1870 {offsets = [4], sizes = [1], strides = [1]} : vector<16xi32> to vector<1xi32>
        %squeeze3A_1936 = vector.extract %slice3A_1935[0] : i32 from vector<1xi32>
        %multiple_of3A_1937 = tpu.assume_multiple %squeeze3A_1936, 128 : i32
        %dma_start3A_1938 = arith.constant 4 : i32
        %dma_start3A_1939 = arith.constant 0 : i32
        %dma_start3A_1940 = arith.constant 0 : i32
        %dma_start3A_1941 = tpu.memref_slice %run_scoped3A_1[%dma_start3A_1938, %dma_start3A_1939, %dma_start3A_1940] : memref<16x16x128xf32, #tpu.memory_space<vmem>> -> memref<1x16x128xf32, #tpu.memory_space<vmem>>
        %dma_start3A_1942 = tpu.memref_squeeze %dma_start3A_1941 : memref<1x16x128xf32, #tpu.memory_space<vmem>> -> memref<16x128xf32, #tpu.memory_space<vmem>>
        %dma_start3A_1943 = arith.constant 0 : i32
        %dma_start3A_1944 = tpu.memref_slice %arg4[%dma_start3A_1943, %multiple_of3A_1937] : memref<16x1000000xf32, #tpu.memory_space<hbm>> -> memref<16x128xf32, #tpu.memory_space<hbm>>
        %dma_start3A_1945 = arith.constant 0 : i32
        %dma_start3A_1946 = arith.constant 0 : i32
        %dma_start3A_1947 = tpu.memref_slice %run_scoped3A_1[%dma_start3A_1938, %dma_start3A_1945, %dma_start3A_1946] : memref<16x16x128xf32, #tpu.memory_space<vmem>> -> memref<1x16x128xf32, #tpu.memory_space<vmem>>
        %dma_start3A_1948 = tpu.memref_squeeze %dma_start3A_1947 : memref<1x16x128xf32, #tpu.memory_space<vmem>> -> memref<16x128xf32, #tpu.memory_space<vmem>>
        %dma_start3A_1949 = arith.constant 0 : i32
        %dma_start3A_1950 = tpu.memref_slice %arg4[%dma_start3A_1949, %multiple_of3A_1937] : memref<16x1000000xf32, #tpu.memory_space<hbm>> -> memref<16x128xf32, #tpu.memory_space<hbm>>
        tpu.enqueue_dma source(%dma_start3A_1950 : memref<16x128xf32, #tpu.memory_space<hbm>>) target(%dma_start3A_1948 : memref<16x128xf32, #tpu.memory_space<vmem>>) target_semaphore(%run_scoped3A_5 : memref<!tpu.dma_semaphore, #tpu.memory_space<semaphore_mem>>)
        %slice3A_1951 = vector.extract_strided_slice %shift_left3A_1870 {offsets = [5], sizes = [1], strides = [1]} : vector<16xi32> to vector<1xi32>
        %squeeze3A_1952 = vector.extract %slice3A_1951[0] : i32 from vector<1xi32>
        %multiple_of3A_1953 = tpu.assume_multiple %squeeze3A_1952, 128 : i32
        %dma_start3A_1954 = arith.constant 5 : i32
        %dma_start3A_1955 = arith.constant 0 : i32
        %dma_start3A_1956 = arith.constant 0 : i32
        %dma_start3A_1957 = tpu.memref_slice %run_scoped3A_1[%dma_start3A_1954, %dma_start3A_1955, %dma_start3A_1956] : memref<16x16x128xf32, #tpu.memory_space<vmem>> -> memref<1x16x128xf32, #tpu.memory_space<vmem>>
        %dma_start3A_1958 = tpu.memref_squeeze %dma_start3A_1957 : memref<1x16x128xf32, #tpu.memory_space<vmem>> -> memref<16x128xf32, #tpu.memory_space<vmem>>
        %dma_start3A_1959 = arith.constant 0 : i32
        %dma_start3A_1960 = tpu.memref_slice %arg4[%dma_start3A_1959, %multiple_of3A_1953] : memref<16x1000000xf32, #tpu.memory_space<hbm>> -> memref<16x128xf32, #tpu.memory_space<hbm>>
        %dma_start3A_1961 = arith.constant 0 : i32
        %dma_start3A_1962 = arith.constant 0 : i32
        %dma_start3A_1963 = tpu.memref_slice %run_scoped3A_1[%dma_start3A_1954, %dma_start3A_1961, %dma_start3A_1962] : memref<16x16x128xf32, #tpu.memory_space<vmem>> -> memref<1x16x128xf32, #tpu.memory_space<vmem>>
        %dma_start3A_1964 = tpu.memref_squeeze %dma_start3A_1963 : memref<1x16x128xf32, #tpu.memory_space<vmem>> -> memref<16x128xf32, #tpu.memory_space<vmem>>
        %dma_start3A_1965 = arith.constant 0 : i32
        %dma_start3A_1966 = tpu.memref_slice %arg4[%dma_start3A_1965, %multiple_of3A_1953] : memref<16x1000000xf32, #tpu.memory_space<hbm>> -> memref<16x128xf32, #tpu.memory_space<hbm>>
        tpu.enqueue_dma source(%dma_start3A_1966 : memref<16x128xf32, #tpu.memory_space<hbm>>) target(%dma_start3A_1964 : memref<16x128xf32, #tpu.memory_space<vmem>>) target_semaphore(%run_scoped3A_5 : memref<!tpu.dma_semaphore, #tpu.memory_space<semaphore_mem>>)
        %slice3A_1967 = vector.extract_strided_slice %shift_left3A_1870 {offsets = [6], sizes = [1], strides = [1]} : vector<16xi32> to vector<1xi32>
        %squeeze3A_1968 = vector.extract %slice3A_1967[0] : i32 from vector<1xi32>
        %multiple_of3A_1969 = tpu.assume_multiple %squeeze3A_1968, 128 : i32
        %dma_start3A_1970 = arith.constant 6 : i32
        %dma_start3A_1971 = arith.constant 0 : i32
        %dma_start3A_1972 = arith.constant 0 : i32
        %dma_start3A_1973 = tpu.memref_slice %run_scoped3A_1[%dma_start3A_1970, %dma_start3A_1971, %dma_start3A_1972] : memref<16x16x128xf32, #tpu.memory_space<vmem>> -> memref<1x16x128xf32, #tpu.memory_space<vmem>>
        %dma_start3A_1974 = tpu.memref_squeeze %dma_start3A_1973 : memref<1x16x128xf32, #tpu.memory_space<vmem>> -> memref<16x128xf32, #tpu.memory_space<vmem>>
        %dma_start3A_1975 = arith.constant 0 : i32
        %dma_start3A_1976 = tpu.memref_slice %arg4[%dma_start3A_1975, %multiple_of3A_1969] : memref<16x1000000xf32, #tpu.memory_space<hbm>> -> memref<16x128xf32, #tpu.memory_space<hbm>>
        %dma_start3A_1977 = arith.constant 0 : i32
        %dma_start3A_1978 = arith.constant 0 : i32
        %dma_start3A_1979 = tpu.memref_slice %run_scoped3A_1[%dma_start3A_1970, %dma_start3A_1977, %dma_start3A_1978] : memref<16x16x128xf32, #tpu.memory_space<vmem>> -> memref<1x16x128xf32, #tpu.memory_space<vmem>>
        %dma_start3A_1980 = tpu.memref_squeeze %dma_start3A_1979 : memref<1x16x128xf32, #tpu.memory_space<vmem>> -> memref<16x128xf32, #tpu.memory_space<vmem>>
        %dma_start3A_1981 = arith.constant 0 : i32
        %dma_start3A_1982 = tpu.memref_slice %arg4[%dma_start3A_1981, %multiple_of3A_1969] : memref<16x1000000xf32, #tpu.memory_space<hbm>> -> memref<16x128xf32, #tpu.memory_space<hbm>>
        tpu.enqueue_dma source(%dma_start3A_1982 : memref<16x128xf32, #tpu.memory_space<hbm>>) target(%dma_start3A_1980 : memref<16x128xf32, #tpu.memory_space<vmem>>) target_semaphore(%run_scoped3A_5 : memref<!tpu.dma_semaphore, #tpu.memory_space<semaphore_mem>>)
        %slice3A_1983 = vector.extract_strided_slice %shift_left3A_1870 {offsets = [7], sizes = [1], strides = [1]} : vector<16xi32> to vector<1xi32>
        %squeeze3A_1984 = vector.extract %slice3A_1983[0] : i32 from vector<1xi32>
        %multiple_of3A_1985 = tpu.assume_multiple %squeeze3A_1984, 128 : i32
        %dma_start3A_1986 = arith.constant 7 : i32
        %dma_start3A_1987 = arith.constant 0 : i32
        %dma_start3A_1988 = arith.constant 0 : i32
        %dma_start3A_1989 = tpu.memref_slice %run_scoped3A_1[%dma_start3A_1986, %dma_start3A_1987, %dma_start3A_1988] : memref<16x16x128xf32, #tpu.memory_space<vmem>> -> memref<1x16x128xf32, #tpu.memory_space<vmem>>
        %dma_start3A_1990 = tpu.memref_squeeze %dma_start3A_1989 : memref<1x16x128xf32, #tpu.memory_space<vmem>> -> memref<16x128xf32, #tpu.memory_space<vmem>>
        %dma_start3A_1991 = arith.constant 0 : i32
        %dma_start3A_1992 = tpu.memref_slice %arg4[%dma_start3A_1991, %multiple_of3A_1985] : memref<16x1000000xf32, #tpu.memory_space<hbm>> -> memref<16x128xf32, #tpu.memory_space<hbm>>
        %dma_start3A_1993 = arith.constant 0 : i32
        %dma_start3A_1994 = arith.constant 0 : i32
        %dma_start3A_1995 = tpu.memref_slice %run_scoped3A_1[%dma_start3A_1986, %dma_start3A_1993, %dma_start3A_1994] : memref<16x16x128xf32, #tpu.memory_space<vmem>> -> memref<1x16x128xf32, #tpu.memory_space<vmem>>
        %dma_start3A_1996 = tpu.memref_squeeze %dma_start3A_1995 : memref<1x16x128xf32, #tpu.memory_space<vmem>> -> memref<16x128xf32, #tpu.memory_space<vmem>>
        %dma_start3A_1997 = arith.constant 0 : i32
        %dma_start3A_1998 = tpu.memref_slice %arg4[%dma_start3A_1997, %multiple_of3A_1985] : memref<16x1000000xf32, #tpu.memory_space<hbm>> -> memref<16x128xf32, #tpu.memory_space<hbm>>
        tpu.enqueue_dma source(%dma_start3A_1998 : memref<16x128xf32, #tpu.memory_space<hbm>>) target(%dma_start3A_1996 : memref<16x128xf32, #tpu.memory_space<vmem>>) target_semaphore(%run_scoped3A_5 : memref<!tpu.dma_semaphore, #tpu.memory_space<semaphore_mem>>)
        %slice3A_1999 = vector.extract_strided_slice %shift_left3A_1870 {offsets = [8], sizes = [1], strides = [1]} : vector<16xi32> to vector<1xi32>
        %squeeze3A_2000 = vector.extract %slice3A_1999[0] : i32 from vector<1xi32>
        %multiple_of3A_2001 = tpu.assume_multiple %squeeze3A_2000, 128 : i32
        %dma_start3A_2002 = arith.constant 8 : i32
        %dma_start3A_2003 = arith.constant 0 : i32
        %dma_start3A_2004 = arith.constant 0 : i32
        %dma_start3A_2005 = tpu.memref_slice %run_scoped3A_1[%dma_start3A_2002, %dma_start3A_2003, %dma_start3A_2004] : memref<16x16x128xf32, #tpu.memory_space<vmem>> -> memref<1x16x128xf32, #tpu.memory_space<vmem>>
        %dma_start3A_2006 = tpu.memref_squeeze %dma_start3A_2005 : memref<1x16x128xf32, #tpu.memory_space<vmem>> -> memref<16x128xf32, #tpu.memory_space<vmem>>
        %dma_start3A_2007 = arith.constant 0 : i32
        %dma_start3A_2008 = tpu.memref_slice %arg4[%dma_start3A_2007, %multiple_of3A_2001] : memref<16x1000000xf32, #tpu.memory_space<hbm>> -> memref<16x128xf32, #tpu.memory_space<hbm>>
        %dma_start3A_2009 = arith.constant 0 : i32
        %dma_start3A_2010 = arith.constant 0 : i32
        %dma_start3A_2011 = tpu.memref_slice %run_scoped3A_1[%dma_start3A_2002, %dma_start3A_2009, %dma_start3A_2010] : memref<16x16x128xf32, #tpu.memory_space<vmem>> -> memref<1x16x128xf32, #tpu.memory_space<vmem>>
        %dma_start3A_2012 = tpu.memref_squeeze %dma_start3A_2011 : memref<1x16x128xf32, #tpu.memory_space<vmem>> -> memref<16x128xf32, #tpu.memory_space<vmem>>
        %dma_start3A_2013 = arith.constant 0 : i32
        %dma_start3A_2014 = tpu.memref_slice %arg4[%dma_start3A_2013, %multiple_of3A_2001] : memref<16x1000000xf32, #tpu.memory_space<hbm>> -> memref<16x128xf32, #tpu.memory_space<hbm>>
        tpu.enqueue_dma source(%dma_start3A_2014 : memref<16x128xf32, #tpu.memory_space<hbm>>) target(%dma_start3A_2012 : memref<16x128xf32, #tpu.memory_space<vmem>>) target_semaphore(%run_scoped3A_5 : memref<!tpu.dma_semaphore, #tpu.memory_space<semaphore_mem>>)
        %slice3A_2015 = vector.extract_strided_slice %shift_left3A_1870 {offsets = [9], sizes = [1], strides = [1]} : vector<16xi32> to vector<1xi32>
        %squeeze3A_2016 = vector.extract %slice3A_2015[0] : i32 from vector<1xi32>
        %multiple_of3A_2017 = tpu.assume_multiple %squeeze3A_2016, 128 : i32
        %dma_start3A_2018 = arith.constant 9 : i32
        %dma_start3A_2019 = arith.constant 0 : i32
        %dma_start3A_2020 = arith.constant 0 : i32
        %dma_start3A_2021 = tpu.memref_slice %run_scoped3A_1[%dma_start3A_2018, %dma_start3A_2019, %dma_start3A_2020] : memref<16x16x128xf32, #tpu.memory_space<vmem>> -> memref<1x16x128xf32, #tpu.memory_space<vmem>>
        %dma_start3A_2022 = tpu.memref_squeeze %dma_start3A_2021 : memref<1x16x128xf32, #tpu.memory_space<vmem>> -> memref<16x128xf32, #tpu.memory_space<vmem>>
        %dma_start3A_2023 = arith.constant 0 : i32
        %dma_start3A_2024 = tpu.memref_slice %arg4[%dma_start3A_2023, %multiple_of3A_2017] : memref<16x1000000xf32, #tpu.memory_space<hbm>> -> memref<16x128xf32, #tpu.memory_space<hbm>>
        %dma_start3A_2025 = arith.constant 0 : i32
        %dma_start3A_2026 = arith.constant 0 : i32
        %dma_start3A_2027 = tpu.memref_slice %run_scoped3A_1[%dma_start3A_2018, %dma_start3A_2025, %dma_start3A_2026] : memref<16x16x128xf32, #tpu.memory_space<vmem>> -> memref<1x16x128xf32, #tpu.memory_space<vmem>>
        %dma_start3A_2028 = tpu.memref_squeeze %dma_start3A_2027 : memref<1x16x128xf32, #tpu.memory_space<vmem>> -> memref<16x128xf32, #tpu.memory_space<vmem>>
        %dma_start3A_2029 = arith.constant 0 : i32
        %dma_start3A_2030 = tpu.memref_slice %arg4[%dma_start3A_2029, %multiple_of3A_2017] : memref<16x1000000xf32, #tpu.memory_space<hbm>> -> memref<16x128xf32, #tpu.memory_space<hbm>>
        tpu.enqueue_dma source(%dma_start3A_2030 : memref<16x128xf32, #tpu.memory_space<hbm>>) target(%dma_start3A_2028 : memref<16x128xf32, #tpu.memory_space<vmem>>) target_semaphore(%run_scoped3A_5 : memref<!tpu.dma_semaphore, #tpu.memory_space<semaphore_mem>>)
        %slice3A_2031 = vector.extract_strided_slice %shift_left3A_1870 {offsets = [10], sizes = [1], strides = [1]} : vector<16xi32> to vector<1xi32>
        %squeeze3A_2032 = vector.extract %slice3A_2031[0] : i32 from vector<1xi32>
        %multiple_of3A_2033 = tpu.assume_multiple %squeeze3A_2032, 128 : i32
        %dma_start3A_2034 = arith.constant 10 : i32
        %dma_start3A_2035 = arith.constant 0 : i32
        %dma_start3A_2036 = arith.constant 0 : i32
        %dma_start3A_2037 = tpu.memref_slice %run_scoped3A_1[%dma_start3A_2034, %dma_start3A_2035, %dma_start3A_2036] : memref<16x16x128xf32, #tpu.memory_space<vmem>> -> memref<1x16x128xf32, #tpu.memory_space<vmem>>
        %dma_start3A_2038 = tpu.memref_squeeze %dma_start3A_2037 : memref<1x16x128xf32, #tpu.memory_space<vmem>> -> memref<16x128xf32, #tpu.memory_space<vmem>>
        %dma_start3A_2039 = arith.constant 0 : i32
        %dma_start3A_2040 = tpu.memref_slice %arg4[%dma_start3A_2039, %multiple_of3A_2033] : memref<16x1000000xf32, #tpu.memory_space<hbm>> -> memref<16x128xf32, #tpu.memory_space<hbm>>
        %dma_start3A_2041 = arith.constant 0 : i32
        %dma_start3A_2042 = arith.constant 0 : i32
        %dma_start3A_2043 = tpu.memref_slice %run_scoped3A_1[%dma_start3A_2034, %dma_start3A_2041, %dma_start3A_2042] : memref<16x16x128xf32, #tpu.memory_space<vmem>> -> memref<1x16x128xf32, #tpu.memory_space<vmem>>
        %dma_start3A_2044 = tpu.memref_squeeze %dma_start3A_2043 : memref<1x16x128xf32, #tpu.memory_space<vmem>> -> memref<16x128xf32, #tpu.memory_space<vmem>>
        %dma_start3A_2045 = arith.constant 0 : i32
        %dma_start3A_2046 = tpu.memref_slice %arg4[%dma_start3A_2045, %multiple_of3A_2033] : memref<16x1000000xf32, #tpu.memory_space<hbm>> -> memref<16x128xf32, #tpu.memory_space<hbm>>
        tpu.enqueue_dma source(%dma_start3A_2046 : memref<16x128xf32, #tpu.memory_space<hbm>>) target(%dma_start3A_2044 : memref<16x128xf32, #tpu.memory_space<vmem>>) target_semaphore(%run_scoped3A_5 : memref<!tpu.dma_semaphore, #tpu.memory_space<semaphore_mem>>)
        %slice3A_2047 = vector.extract_strided_slice %shift_left3A_1870 {offsets = [11], sizes = [1], strides = [1]} : vector<16xi32> to vector<1xi32>
        %squeeze3A_2048 = vector.extract %slice3A_2047[0] : i32 from vector<1xi32>
        %multiple_of3A_2049 = tpu.assume_multiple %squeeze3A_2048, 128 : i32
        %dma_start3A_2050 = arith.constant 11 : i32
        %dma_start3A_2051 = arith.constant 0 : i32
        %dma_start3A_2052 = arith.constant 0 : i32
        %dma_start3A_2053 = tpu.memref_slice %run_scoped3A_1[%dma_start3A_2050, %dma_start3A_2051, %dma_start3A_2052] : memref<16x16x128xf32, #tpu.memory_space<vmem>> -> memref<1x16x128xf32, #tpu.memory_space<vmem>>
        %dma_start3A_2054 = tpu.memref_squeeze %dma_start3A_2053 : memref<1x16x128xf32, #tpu.memory_space<vmem>> -> memref<16x128xf32, #tpu.memory_space<vmem>>
        %dma_start3A_2055 = arith.constant 0 : i32
        %dma_start3A_2056 = tpu.memref_slice %arg4[%dma_start3A_2055, %multiple_of3A_2049] : memref<16x1000000xf32, #tpu.memory_space<hbm>> -> memref<16x128xf32, #tpu.memory_space<hbm>>
        %dma_start3A_2057 = arith.constant 0 : i32
        %dma_start3A_2058 = arith.constant 0 : i32
        %dma_start3A_2059 = tpu.memref_slice %run_scoped3A_1[%dma_start3A_2050, %dma_start3A_2057, %dma_start3A_2058] : memref<16x16x128xf32, #tpu.memory_space<vmem>> -> memref<1x16x128xf32, #tpu.memory_space<vmem>>
        %dma_start3A_2060 = tpu.memref_squeeze %dma_start3A_2059 : memref<1x16x128xf32, #tpu.memory_space<vmem>> -> memref<16x128xf32, #tpu.memory_space<vmem>>
        %dma_start3A_2061 = arith.constant 0 : i32
        %dma_start3A_2062 = tpu.memref_slice %arg4[%dma_start3A_2061, %multiple_of3A_2049] : memref<16x1000000xf32, #tpu.memory_space<hbm>> -> memref<16x128xf32, #tpu.memory_space<hbm>>
        tpu.enqueue_dma source(%dma_start3A_2062 : memref<16x128xf32, #tpu.memory_space<hbm>>) target(%dma_start3A_2060 : memref<16x128xf32, #tpu.memory_space<vmem>>) target_semaphore(%run_scoped3A_5 : memref<!tpu.dma_semaphore, #tpu.memory_space<semaphore_mem>>)
        %slice3A_2063 = vector.extract_strided_slice %shift_left3A_1870 {offsets = [12], sizes = [1], strides = [1]} : vector<16xi32> to vector<1xi32>
        %squeeze3A_2064 = vector.extract %slice3A_2063[0] : i32 from vector<1xi32>
        %multiple_of3A_2065 = tpu.assume_multiple %squeeze3A_2064, 128 : i32
        %dma_start3A_2066 = arith.constant 12 : i32
        %dma_start3A_2067 = arith.constant 0 : i32
        %dma_start3A_2068 = arith.constant 0 : i32
        %dma_start3A_2069 = tpu.memref_slice %run_scoped3A_1[%dma_start3A_2066, %dma_start3A_2067, %dma_start3A_2068] : memref<16x16x128xf32, #tpu.memory_space<vmem>> -> memref<1x16x128xf32, #tpu.memory_space<vmem>>
        %dma_start3A_2070 = tpu.memref_squeeze %dma_start3A_2069 : memref<1x16x128xf32, #tpu.memory_space<vmem>> -> memref<16x128xf32, #tpu.memory_space<vmem>>
        %dma_start3A_2071 = arith.constant 0 : i32
        %dma_start3A_2072 = tpu.memref_slice %arg4[%dma_start3A_2071, %multiple_of3A_2065] : memref<16x1000000xf32, #tpu.memory_space<hbm>> -> memref<16x128xf32, #tpu.memory_space<hbm>>
        %dma_start3A_2073 = arith.constant 0 : i32
        %dma_start3A_2074 = arith.constant 0 : i32
        %dma_start3A_2075 = tpu.memref_slice %run_scoped3A_1[%dma_start3A_2066, %dma_start3A_2073, %dma_start3A_2074] : memref<16x16x128xf32, #tpu.memory_space<vmem>> -> memref<1x16x128xf32, #tpu.memory_space<vmem>>
        %dma_start3A_2076 = tpu.memref_squeeze %dma_start3A_2075 : memref<1x16x128xf32, #tpu.memory_space<vmem>> -> memref<16x128xf32, #tpu.memory_space<vmem>>
        %dma_start3A_2077 = arith.constant 0 : i32
        %dma_start3A_2078 = tpu.memref_slice %arg4[%dma_start3A_2077, %multiple_of3A_2065] : memref<16x1000000xf32, #tpu.memory_space<hbm>> -> memref<16x128xf32, #tpu.memory_space<hbm>>
        tpu.enqueue_dma source(%dma_start3A_2078 : memref<16x128xf32, #tpu.memory_space<hbm>>) target(%dma_start3A_2076 : memref<16x128xf32, #tpu.memory_space<vmem>>) target_semaphore(%run_scoped3A_5 : memref<!tpu.dma_semaphore, #tpu.memory_space<semaphore_mem>>)
        %slice3A_2079 = vector.extract_strided_slice %shift_left3A_1870 {offsets = [13], sizes = [1], strides = [1]} : vector<16xi32> to vector<1xi32>
        %squeeze3A_2080 = vector.extract %slice3A_2079[0] : i32 from vector<1xi32>
        %multiple_of3A_2081 = tpu.assume_multiple %squeeze3A_2080, 128 : i32
        %dma_start3A_2082 = arith.constant 13 : i32
        %dma_start3A_2083 = arith.constant 0 : i32
        %dma_start3A_2084 = arith.constant 0 : i32
        %dma_start3A_2085 = tpu.memref_slice %run_scoped3A_1[%dma_start3A_2082, %dma_start3A_2083, %dma_start3A_2084] : memref<16x16x128xf32, #tpu.memory_space<vmem>> -> memref<1x16x128xf32, #tpu.memory_space<vmem>>
        %dma_start3A_2086 = tpu.memref_squeeze %dma_start3A_2085 : memref<1x16x128xf32, #tpu.memory_space<vmem>> -> memref<16x128xf32, #tpu.memory_space<vmem>>
        %dma_start3A_2087 = arith.constant 0 : i32
        %dma_start3A_2088 = tpu.memref_slice %arg4[%dma_start3A_2087, %multiple_of3A_2081] : memref<16x1000000xf32, #tpu.memory_space<hbm>> -> memref<16x128xf32, #tpu.memory_space<hbm>>
        %dma_start3A_2089 = arith.constant 0 : i32
        %dma_start3A_2090 = arith.constant 0 : i32
        %dma_start3A_2091 = tpu.memref_slice %run_scoped3A_1[%dma_start3A_2082, %dma_start3A_2089, %dma_start3A_2090] : memref<16x16x128xf32, #tpu.memory_space<vmem>> -> memref<1x16x128xf32, #tpu.memory_space<vmem>>
        %dma_start3A_2092 = tpu.memref_squeeze %dma_start3A_2091 : memref<1x16x128xf32, #tpu.memory_space<vmem>> -> memref<16x128xf32, #tpu.memory_space<vmem>>
        %dma_start3A_2093 = arith.constant 0 : i32
        %dma_start3A_2094 = tpu.memref_slice %arg4[%dma_start3A_2093, %multiple_of3A_2081] : memref<16x1000000xf32, #tpu.memory_space<hbm>> -> memref<16x128xf32, #tpu.memory_space<hbm>>
        tpu.enqueue_dma source(%dma_start3A_2094 : memref<16x128xf32, #tpu.memory_space<hbm>>) target(%dma_start3A_2092 : memref<16x128xf32, #tpu.memory_space<vmem>>) target_semaphore(%run_scoped3A_5 : memref<!tpu.dma_semaphore, #tpu.memory_space<semaphore_mem>>)
        %slice3A_2095 = vector.extract_strided_slice %shift_left3A_1870 {offsets = [14], sizes = [1], strides = [1]} : vector<16xi32> to vector<1xi32>
        %squeeze3A_2096 = vector.extract %slice3A_2095[0] : i32 from vector<1xi32>
        %multiple_of3A_2097 = tpu.assume_multiple %squeeze3A_2096, 128 : i32
        %dma_start3A_2098 = arith.constant 14 : i32
        %dma_start3A_2099 = arith.constant 0 : i32
        %dma_start3A_2100 = arith.constant 0 : i32
        %dma_start3A_2101 = tpu.memref_slice %run_scoped3A_1[%dma_start3A_2098, %dma_start3A_2099, %dma_start3A_2100] : memref<16x16x128xf32, #tpu.memory_space<vmem>> -> memref<1x16x128xf32, #tpu.memory_space<vmem>>
        %dma_start3A_2102 = tpu.memref_squeeze %dma_start3A_2101 : memref<1x16x128xf32, #tpu.memory_space<vmem>> -> memref<16x128xf32, #tpu.memory_space<vmem>>
        %dma_start3A_2103 = arith.constant 0 : i32
        %dma_start3A_2104 = tpu.memref_slice %arg4[%dma_start3A_2103, %multiple_of3A_2097] : memref<16x1000000xf32, #tpu.memory_space<hbm>> -> memref<16x128xf32, #tpu.memory_space<hbm>>
        %dma_start3A_2105 = arith.constant 0 : i32
        %dma_start3A_2106 = arith.constant 0 : i32
        %dma_start3A_2107 = tpu.memref_slice %run_scoped3A_1[%dma_start3A_2098, %dma_start3A_2105, %dma_start3A_2106] : memref<16x16x128xf32, #tpu.memory_space<vmem>> -> memref<1x16x128xf32, #tpu.memory_space<vmem>>
        %dma_start3A_2108 = tpu.memref_squeeze %dma_start3A_2107 : memref<1x16x128xf32, #tpu.memory_space<vmem>> -> memref<16x128xf32, #tpu.memory_space<vmem>>
        %dma_start3A_2109 = arith.constant 0 : i32
        %dma_start3A_2110 = tpu.memref_slice %arg4[%dma_start3A_2109, %multiple_of3A_2097] : memref<16x1000000xf32, #tpu.memory_space<hbm>> -> memref<16x128xf32, #tpu.memory_space<hbm>>
        tpu.enqueue_dma source(%dma_start3A_2110 : memref<16x128xf32, #tpu.memory_space<hbm>>) target(%dma_start3A_2108 : memref<16x128xf32, #tpu.memory_space<vmem>>) target_semaphore(%run_scoped3A_5 : memref<!tpu.dma_semaphore, #tpu.memory_space<semaphore_mem>>)
        %slice3A_2111 = vector.extract_strided_slice %shift_left3A_1870 {offsets = [15], sizes = [1], strides = [1]} : vector<16xi32> to vector<1xi32>
        %squeeze3A_2112 = vector.extract %slice3A_2111[0] : i32 from vector<1xi32>
        %multiple_of3A_2113 = tpu.assume_multiple %squeeze3A_2112, 128 : i32
        %dma_start3A_2114 = arith.constant 15 : i32
        %dma_start3A_2115 = arith.constant 0 : i32
        %dma_start3A_2116 = arith.constant 0 : i32
        %dma_start3A_2117 = tpu.memref_slice %run_scoped3A_1[%dma_start3A_2114, %dma_start3A_2115, %dma_start3A_2116] : memref<16x16x128xf32, #tpu.memory_space<vmem>> -> memref<1x16x128xf32, #tpu.memory_space<vmem>>
        %dma_start3A_2118 = tpu.memref_squeeze %dma_start3A_2117 : memref<1x16x128xf32, #tpu.memory_space<vmem>> -> memref<16x128xf32, #tpu.memory_space<vmem>>
        %dma_start3A_2119 = arith.constant 0 : i32
        %dma_start3A_2120 = tpu.memref_slice %arg4[%dma_start3A_2119, %multiple_of3A_2113] : memref<16x1000000xf32, #tpu.memory_space<hbm>> -> memref<16x128xf32, #tpu.memory_space<hbm>>
        %dma_start3A_2121 = arith.constant 0 : i32
        %dma_start3A_2122 = arith.constant 0 : i32
        %dma_start3A_2123 = tpu.memref_slice %run_scoped3A_1[%dma_start3A_2114, %dma_start3A_2121, %dma_start3A_2122] : memref<16x16x128xf32, #tpu.memory_space<vmem>> -> memref<1x16x128xf32, #tpu.memory_space<vmem>>
        %dma_start3A_2124 = tpu.memref_squeeze %dma_start3A_2123 : memref<1x16x128xf32, #tpu.memory_space<vmem>> -> memref<16x128xf32, #tpu.memory_space<vmem>>
        %dma_start3A_2125 = arith.constant 0 : i32
        %dma_start3A_2126 = tpu.memref_slice %arg4[%dma_start3A_2125, %multiple_of3A_2113] : memref<16x1000000xf32, #tpu.memory_space<hbm>> -> memref<16x128xf32, #tpu.memory_space<hbm>>
        tpu.enqueue_dma source(%dma_start3A_2126 : memref<16x128xf32, #tpu.memory_space<hbm>>) target(%dma_start3A_2124 : memref<16x128xf32, #tpu.memory_space<vmem>>) target_semaphore(%run_scoped3A_5 : memref<!tpu.dma_semaphore, #tpu.memory_space<semaphore_mem>>)
        %mul3A_2127 = arith.constant 2 : i32
        %mul3A_2128 = arith.muli %mul3A_2127, %scan3A_1025 : i32
        %add3A_2129 = arith.constant 1 : i32
        %add3A_2130 = arith.addi %mul3A_2128, %add3A_2129 : i32
        %mul3A_2131 = arith.constant 16 : i32
        %mul3A_2132 = arith.muli %add3A_2130, %mul3A_2131 : i32
        %get3A_2133 = arith.index_cast %mul3A_2132 : i32 to index
        %get3A_2134 = tpu.vector_load %run_scoped3A[%get3A_2133] {strides = array<i32>} : memref<512xi32, #tpu.memory_space<vmem>>, vector<16xi32>,
        %mul3A_2135 = arith.constant 16 : i32
        %mul3A_2136 = arith.muli %add3A_2130, %mul3A_2135 : i32
        %get3A_2137 = arith.index_cast %mul3A_2136 : i32 to index
        %get3A_2138 = tpu.vector_load %run_scoped3A_0[%get3A_2137] {strides = array<i32>} : memref<512xi32, #tpu.memory_space<vmem>>, vector<16xi32>,
        %shift_right_arithmetic3A_2139 = arith.constant 7 : i32
        %shift_right_arithmetic3A_2140 = vector.broadcast %shift_right_arithmetic3A_2139 : i32 to vector<16xi32>
        %shift_right_arithmetic3A_2141 = arith.shrsi %get3A_2138, %shift_right_arithmetic3A_2140 : vector<16xi32>
        %shift_left3A_2142 = arith.constant 7 : i32
        %shift_left3A_2143 = vector.broadcast %shift_left3A_2142 : i32 to vector<16xi32>
        %shift_left3A_2144 = arith.shli %shift_right_arithmetic3A_2141, %shift_left3A_2143 : vector<16xi32>
        %and3A_2145 = arith.constant 127 : i32
        %and3A_2146 = vector.broadcast %and3A_2145 : i32 to vector<16xi32>
        %and3A_2147 = arith.andi %get3A_2134, %and3A_2146 : vector<16xi32>
        %and3A_2148 = arith.constant 127 : i32
        %and3A_2149 = vector.broadcast %and3A_2148 : i32 to vector<16xi32>
        %and3A_2150 = arith.andi %get3A_2138, %and3A_2149 : vector<16xi32>
        %slice3A_2151 = vector.extract_strided_slice %shift_left3A_2144 {offsets = [0], sizes = [1], strides = [1]} : vector<16xi32> to vector<1xi32>
        %squeeze3A_2152 = vector.extract %slice3A_2151[0] : i32 from vector<1xi32>
        %multiple_of3A_2153 = tpu.assume_multiple %squeeze3A_2152, 128 : i32
        %dma_start3A_2154 = arith.constant 0 : i32
        %dma_start3A_2155 = arith.constant 0 : i32
        %dma_start3A_2156 = arith.constant 0 : i32
        %dma_start3A_2157 = tpu.memref_slice %run_scoped3A_3[%dma_start3A_2154, %dma_start3A_2155, %dma_start3A_2156] : memref<16x16x128xf32, #tpu.memory_space<vmem>> -> memref<1x16x128xf32, #tpu.memory_space<vmem>>
        %dma_start3A_2158 = tpu.memref_squeeze %dma_start3A_2157 : memref<1x16x128xf32, #tpu.memory_space<vmem>> -> memref<16x128xf32, #tpu.memory_space<vmem>>
        %dma_start3A_2159 = arith.constant 0 : i32
        %dma_start3A_2160 = tpu.memref_slice %arg5[%dma_start3A_2159, %multiple_of3A_2153] : memref<16x1000000xf32, #tpu.memory_space<hbm>> -> memref<16x128xf32, #tpu.memory_space<hbm>>
        %dma_start3A_2161 = arith.constant 0 : i32
        %dma_start3A_2162 = arith.constant 0 : i32
        %dma_start3A_2163 = tpu.memref_slice %run_scoped3A_3[%dma_start3A_2154, %dma_start3A_2161, %dma_start3A_2162] : memref<16x16x128xf32, #tpu.memory_space<vmem>> -> memref<1x16x128xf32, #tpu.memory_space<vmem>>
        %dma_start3A_2164 = tpu.memref_squeeze %dma_start3A_2163 : memref<1x16x128xf32, #tpu.memory_space<vmem>> -> memref<16x128xf32, #tpu.memory_space<vmem>>
        %dma_start3A_2165 = arith.constant 0 : i32
        %dma_start3A_2166 = tpu.memref_slice %arg5[%dma_start3A_2165, %multiple_of3A_2153] : memref<16x1000000xf32, #tpu.memory_space<hbm>> -> memref<16x128xf32, #tpu.memory_space<hbm>>
        tpu.enqueue_dma source(%dma_start3A_2166 : memref<16x128xf32, #tpu.memory_space<hbm>>) target(%dma_start3A_2164 : memref<16x128xf32, #tpu.memory_space<vmem>>) target_semaphore(%run_scoped3A_7 : memref<!tpu.dma_semaphore, #tpu.memory_space<semaphore_mem>>)
        %slice3A_2167 = vector.extract_strided_slice %shift_left3A_2144 {offsets = [1], sizes = [1], strides = [1]} : vector<16xi32> to vector<1xi32>
        %squeeze3A_2168 = vector.extract %slice3A_2167[0] : i32 from vector<1xi32>
        %multiple_of3A_2169 = tpu.assume_multiple %squeeze3A_2168, 128 : i32
        %dma_start3A_2170 = arith.constant 1 : i32
        %dma_start3A_2171 = arith.constant 0 : i32
        %dma_start3A_2172 = arith.constant 0 : i32
        %dma_start3A_2173 = tpu.memref_slice %run_scoped3A_3[%dma_start3A_2170, %dma_start3A_2171, %dma_start3A_2172] : memref<16x16x128xf32, #tpu.memory_space<vmem>> -> memref<1x16x128xf32, #tpu.memory_space<vmem>>
        %dma_start3A_2174 = tpu.memref_squeeze %dma_start3A_2173 : memref<1x16x128xf32, #tpu.memory_space<vmem>> -> memref<16x128xf32, #tpu.memory_space<vmem>>
        %dma_start3A_2175 = arith.constant 0 : i32
        %dma_start3A_2176 = tpu.memref_slice %arg5[%dma_start3A_2175, %multiple_of3A_2169] : memref<16x1000000xf32, #tpu.memory_space<hbm>> -> memref<16x128xf32, #tpu.memory_space<hbm>>
        %dma_start3A_2177 = arith.constant 0 : i32
        %dma_start3A_2178 = arith.constant 0 : i32
        %dma_start3A_2179 = tpu.memref_slice %run_scoped3A_3[%dma_start3A_2170, %dma_start3A_2177, %dma_start3A_2178] : memref<16x16x128xf32, #tpu.memory_space<vmem>> -> memref<1x16x128xf32, #tpu.memory_space<vmem>>
        %dma_start3A_2180 = tpu.memref_squeeze %dma_start3A_2179 : memref<1x16x128xf32, #tpu.memory_space<vmem>> -> memref<16x128xf32, #tpu.memory_space<vmem>>
        %dma_start3A_2181 = arith.constant 0 : i32
        %dma_start3A_2182 = tpu.memref_slice %arg5[%dma_start3A_2181, %multiple_of3A_2169] : memref<16x1000000xf32, #tpu.memory_space<hbm>> -> memref<16x128xf32, #tpu.memory_space<hbm>>
        tpu.enqueue_dma source(%dma_start3A_2182 : memref<16x128xf32, #tpu.memory_space<hbm>>) target(%dma_start3A_2180 : memref<16x128xf32, #tpu.memory_space<vmem>>) target_semaphore(%run_scoped3A_7 : memref<!tpu.dma_semaphore, #tpu.memory_space<semaphore_mem>>)
        %slice3A_2183 = vector.extract_strided_slice %shift_left3A_2144 {offsets = [2], sizes = [1], strides = [1]} : vector<16xi32> to vector<1xi32>
        %squeeze3A_2184 = vector.extract %slice3A_2183[0] : i32 from vector<1xi32>
        %multiple_of3A_2185 = tpu.assume_multiple %squeeze3A_2184, 128 : i32
        %dma_start3A_2186 = arith.constant 2 : i32
        %dma_start3A_2187 = arith.constant 0 : i32
        %dma_start3A_2188 = arith.constant 0 : i32
        %dma_start3A_2189 = tpu.memref_slice %run_scoped3A_3[%dma_start3A_2186, %dma_start3A_2187, %dma_start3A_2188] : memref<16x16x128xf32, #tpu.memory_space<vmem>> -> memref<1x16x128xf32, #tpu.memory_space<vmem>>
        %dma_start3A_2190 = tpu.memref_squeeze %dma_start3A_2189 : memref<1x16x128xf32, #tpu.memory_space<vmem>> -> memref<16x128xf32, #tpu.memory_space<vmem>>
        %dma_start3A_2191 = arith.constant 0 : i32
        %dma_start3A_2192 = tpu.memref_slice %arg5[%dma_start3A_2191, %multiple_of3A_2185] : memref<16x1000000xf32, #tpu.memory_space<hbm>> -> memref<16x128xf32, #tpu.memory_space<hbm>>
        %dma_start3A_2193 = arith.constant 0 : i32
        %dma_start3A_2194 = arith.constant 0 : i32
        %dma_start3A_2195 = tpu.memref_slice %run_scoped3A_3[%dma_start3A_2186, %dma_start3A_2193, %dma_start3A_2194] : memref<16x16x128xf32, #tpu.memory_space<vmem>> -> memref<1x16x128xf32, #tpu.memory_space<vmem>>
        %dma_start3A_2196 = tpu.memref_squeeze %dma_start3A_2195 : memref<1x16x128xf32, #tpu.memory_space<vmem>> -> memref<16x128xf32, #tpu.memory_space<vmem>>
        %dma_start3A_2197 = arith.constant 0 : i32
        %dma_start3A_2198 = tpu.memref_slice %arg5[%dma_start3A_2197, %multiple_of3A_2185] : memref<16x1000000xf32, #tpu.memory_space<hbm>> -> memref<16x128xf32, #tpu.memory_space<hbm>>
        tpu.enqueue_dma source(%dma_start3A_2198 : memref<16x128xf32, #tpu.memory_space<hbm>>) target(%dma_start3A_2196 : memref<16x128xf32, #tpu.memory_space<vmem>>) target_semaphore(%run_scoped3A_7 : memref<!tpu.dma_semaphore, #tpu.memory_space<semaphore_mem>>)
        %slice3A_2199 = vector.extract_strided_slice %shift_left3A_2144 {offsets = [3], sizes = [1], strides = [1]} : vector<16xi32> to vector<1xi32>
        %squeeze3A_2200 = vector.extract %slice3A_2199[0] : i32 from vector<1xi32>
        %multiple_of3A_2201 = tpu.assume_multiple %squeeze3A_2200, 128 : i32
        %dma_start3A_2202 = arith.constant 3 : i32
        %dma_start3A_2203 = arith.constant 0 : i32
        %dma_start3A_2204 = arith.constant 0 : i32
        %dma_start3A_2205 = tpu.memref_slice %run_scoped3A_3[%dma_start3A_2202, %dma_start3A_2203, %dma_start3A_2204] : memref<16x16x128xf32, #tpu.memory_space<vmem>> -> memref<1x16x128xf32, #tpu.memory_space<vmem>>
        %dma_start3A_2206 = tpu.memref_squeeze %dma_start3A_2205 : memref<1x16x128xf32, #tpu.memory_space<vmem>> -> memref<16x128xf32, #tpu.memory_space<vmem>>
        %dma_start3A_2207 = arith.constant 0 : i32
        %dma_start3A_2208 = tpu.memref_slice %arg5[%dma_start3A_2207, %multiple_of3A_2201] : memref<16x1000000xf32, #tpu.memory_space<hbm>> -> memref<16x128xf32, #tpu.memory_space<hbm>>
        %dma_start3A_2209 = arith.constant 0 : i32
        %dma_start3A_2210 = arith.constant 0 : i32
        %dma_start3A_2211 = tpu.memref_slice %run_scoped3A_3[%dma_start3A_2202, %dma_start3A_2209, %dma_start3A_2210] : memref<16x16x128xf32, #tpu.memory_space<vmem>> -> memref<1x16x128xf32, #tpu.memory_space<vmem>>
        %dma_start3A_2212 = tpu.memref_squeeze %dma_start3A_2211 : memref<1x16x128xf32, #tpu.memory_space<vmem>> -> memref<16x128xf32, #tpu.memory_space<vmem>>
        %dma_start3A_2213 = arith.constant 0 : i32
        %dma_start3A_2214 = tpu.memref_slice %arg5[%dma_start3A_2213, %multiple_of3A_2201] : memref<16x1000000xf32, #tpu.memory_space<hbm>> -> memref<16x128xf32, #tpu.memory_space<hbm>>
        tpu.enqueue_dma source(%dma_start3A_2214 : memref<16x128xf32, #tpu.memory_space<hbm>>) target(%dma_start3A_2212 : memref<16x128xf32, #tpu.memory_space<vmem>>) target_semaphore(%run_scoped3A_7 : memref<!tpu.dma_semaphore, #tpu.memory_space<semaphore_mem>>)
        %slice3A_2215 = vector.extract_strided_slice %shift_left3A_2144 {offsets = [4], sizes = [1], strides = [1]} : vector<16xi32> to vector<1xi32>
        %squeeze3A_2216 = vector.extract %slice3A_2215[0] : i32 from vector<1xi32>
        %multiple_of3A_2217 = tpu.assume_multiple %squeeze3A_2216, 128 : i32
        %dma_start3A_2218 = arith.constant 4 : i32
        %dma_start3A_2219 = arith.constant 0 : i32
        %dma_start3A_2220 = arith.constant 0 : i32
        %dma_start3A_2221 = tpu.memref_slice %run_scoped3A_3[%dma_start3A_2218, %dma_start3A_2219, %dma_start3A_2220] : memref<16x16x128xf32, #tpu.memory_space<vmem>> -> memref<1x16x128xf32, #tpu.memory_space<vmem>>
        %dma_start3A_2222 = tpu.memref_squeeze %dma_start3A_2221 : memref<1x16x128xf32, #tpu.memory_space<vmem>> -> memref<16x128xf32, #tpu.memory_space<vmem>>
        %dma_start3A_2223 = arith.constant 0 : i32
        %dma_start3A_2224 = tpu.memref_slice %arg5[%dma_start3A_2223, %multiple_of3A_2217] : memref<16x1000000xf32, #tpu.memory_space<hbm>> -> memref<16x128xf32, #tpu.memory_space<hbm>>
        %dma_start3A_2225 = arith.constant 0 : i32
        %dma_start3A_2226 = arith.constant 0 : i32
        %dma_start3A_2227 = tpu.memref_slice %run_scoped3A_3[%dma_start3A_2218, %dma_start3A_2225, %dma_start3A_2226] : memref<16x16x128xf32, #tpu.memory_space<vmem>> -> memref<1x16x128xf32, #tpu.memory_space<vmem>>
        %dma_start3A_2228 = tpu.memref_squeeze %dma_start3A_2227 : memref<1x16x128xf32, #tpu.memory_space<vmem>> -> memref<16x128xf32, #tpu.memory_space<vmem>>
        %dma_start3A_2229 = arith.constant 0 : i32
        %dma_start3A_2230 = tpu.memref_slice %arg5[%dma_start3A_2229, %multiple_of3A_2217] : memref<16x1000000xf32, #tpu.memory_space<hbm>> -> memref<16x128xf32, #tpu.memory_space<hbm>>
        tpu.enqueue_dma source(%dma_start3A_2230 : memref<16x128xf32, #tpu.memory_space<hbm>>) target(%dma_start3A_2228 : memref<16x128xf32, #tpu.memory_space<vmem>>) target_semaphore(%run_scoped3A_7 : memref<!tpu.dma_semaphore, #tpu.memory_space<semaphore_mem>>)
        %slice3A_2231 = vector.extract_strided_slice %shift_left3A_2144 {offsets = [5], sizes = [1], strides = [1]} : vector<16xi32> to vector<1xi32>
        %squeeze3A_2232 = vector.extract %slice3A_2231[0] : i32 from vector<1xi32>
        %multiple_of3A_2233 = tpu.assume_multiple %squeeze3A_2232, 128 : i32
        %dma_start3A_2234 = arith.constant 5 : i32
        %dma_start3A_2235 = arith.constant 0 : i32
        %dma_start3A_2236 = arith.constant 0 : i32
        %dma_start3A_2237 = tpu.memref_slice %run_scoped3A_3[%dma_start3A_2234, %dma_start3A_2235, %dma_start3A_2236] : memref<16x16x128xf32, #tpu.memory_space<vmem>> -> memref<1x16x128xf32, #tpu.memory_space<vmem>>
        %dma_start3A_2238 = tpu.memref_squeeze %dma_start3A_2237 : memref<1x16x128xf32, #tpu.memory_space<vmem>> -> memref<16x128xf32, #tpu.memory_space<vmem>>
        %dma_start3A_2239 = arith.constant 0 : i32
        %dma_start3A_2240 = tpu.memref_slice %arg5[%dma_start3A_2239, %multiple_of3A_2233] : memref<16x1000000xf32, #tpu.memory_space<hbm>> -> memref<16x128xf32, #tpu.memory_space<hbm>>
        %dma_start3A_2241 = arith.constant 0 : i32
        %dma_start3A_2242 = arith.constant 0 : i32
        %dma_start3A_2243 = tpu.memref_slice %run_scoped3A_3[%dma_start3A_2234, %dma_start3A_2241, %dma_start3A_2242] : memref<16x16x128xf32, #tpu.memory_space<vmem>> -> memref<1x16x128xf32, #tpu.memory_space<vmem>>
        %dma_start3A_2244 = tpu.memref_squeeze %dma_start3A_2243 : memref<1x16x128xf32, #tpu.memory_space<vmem>> -> memref<16x128xf32, #tpu.memory_space<vmem>>
        %dma_start3A_2245 = arith.constant 0 : i32
        %dma_start3A_2246 = tpu.memref_slice %arg5[%dma_start3A_2245, %multiple_of3A_2233] : memref<16x1000000xf32, #tpu.memory_space<hbm>> -> memref<16x128xf32, #tpu.memory_space<hbm>>
        tpu.enqueue_dma source(%dma_start3A_2246 : memref<16x128xf32, #tpu.memory_space<hbm>>) target(%dma_start3A_2244 : memref<16x128xf32, #tpu.memory_space<vmem>>) target_semaphore(%run_scoped3A_7 : memref<!tpu.dma_semaphore, #tpu.memory_space<semaphore_mem>>)
        %slice3A_2247 = vector.extract_strided_slice %shift_left3A_2144 {offsets = [6], sizes = [1], strides = [1]} : vector<16xi32> to vector<1xi32>
        %squeeze3A_2248 = vector.extract %slice3A_2247[0] : i32 from vector<1xi32>
        %multiple_of3A_2249 = tpu.assume_multiple %squeeze3A_2248, 128 : i32
        %dma_start3A_2250 = arith.constant 6 : i32
        %dma_start3A_2251 = arith.constant 0 : i32
        %dma_start3A_2252 = arith.constant 0 : i32
        %dma_start3A_2253 = tpu.memref_slice %run_scoped3A_3[%dma_start3A_2250, %dma_start3A_2251, %dma_start3A_2252] : memref<16x16x128xf32, #tpu.memory_space<vmem>> -> memref<1x16x128xf32, #tpu.memory_space<vmem>>
        %dma_start3A_2254 = tpu.memref_squeeze %dma_start3A_2253 : memref<1x16x128xf32, #tpu.memory_space<vmem>> -> memref<16x128xf32, #tpu.memory_space<vmem>>
        %dma_start3A_2255 = arith.constant 0 : i32
        %dma_start3A_2256 = tpu.memref_slice %arg5[%dma_start3A_2255, %multiple_of3A_2249] : memref<16x1000000xf32, #tpu.memory_space<hbm>> -> memref<16x128xf32, #tpu.memory_space<hbm>>
        %dma_start3A_2257 = arith.constant 0 : i32
        %dma_start3A_2258 = arith.constant 0 : i32
        %dma_start3A_2259 = tpu.memref_slice %run_scoped3A_3[%dma_start3A_2250, %dma_start3A_2257, %dma_start3A_2258] : memref<16x16x128xf32, #tpu.memory_space<vmem>> -> memref<1x16x128xf32, #tpu.memory_space<vmem>>
        %dma_start3A_2260 = tpu.memref_squeeze %dma_start3A_2259 : memref<1x16x128xf32, #tpu.memory_space<vmem>> -> memref<16x128xf32, #tpu.memory_space<vmem>>
        %dma_start3A_2261 = arith.constant 0 : i32
        %dma_start3A_2262 = tpu.memref_slice %arg5[%dma_start3A_2261, %multiple_of3A_2249] : memref<16x1000000xf32, #tpu.memory_space<hbm>> -> memref<16x128xf32, #tpu.memory_space<hbm>>
        tpu.enqueue_dma source(%dma_start3A_2262 : memref<16x128xf32, #tpu.memory_space<hbm>>) target(%dma_start3A_2260 : memref<16x128xf32, #tpu.memory_space<vmem>>) target_semaphore(%run_scoped3A_7 : memref<!tpu.dma_semaphore, #tpu.memory_space<semaphore_mem>>)
        %slice3A_2263 = vector.extract_strided_slice %shift_left3A_2144 {offsets = [7], sizes = [1], strides = [1]} : vector<16xi32> to vector<1xi32>
        %squeeze3A_2264 = vector.extract %slice3A_2263[0] : i32 from vector<1xi32>
        %multiple_of3A_2265 = tpu.assume_multiple %squeeze3A_2264, 128 : i32
        %dma_start3A_2266 = arith.constant 7 : i32
        %dma_start3A_2267 = arith.constant 0 : i32
        %dma_start3A_2268 = arith.constant 0 : i32
        %dma_start3A_2269 = tpu.memref_slice %run_scoped3A_3[%dma_start3A_2266, %dma_start3A_2267, %dma_start3A_2268] : memref<16x16x128xf32, #tpu.memory_space<vmem>> -> memref<1x16x128xf32, #tpu.memory_space<vmem>>
        %dma_start3A_2270 = tpu.memref_squeeze %dma_start3A_2269 : memref<1x16x128xf32, #tpu.memory_space<vmem>> -> memref<16x128xf32, #tpu.memory_space<vmem>>
        %dma_start3A_2271 = arith.constant 0 : i32
        %dma_start3A_2272 = tpu.memref_slice %arg5[%dma_start3A_2271, %multiple_of3A_2265] : memref<16x1000000xf32, #tpu.memory_space<hbm>> -> memref<16x128xf32, #tpu.memory_space<hbm>>
        %dma_start3A_2273 = arith.constant 0 : i32
        %dma_start3A_2274 = arith.constant 0 : i32
        %dma_start3A_2275 = tpu.memref_slice %run_scoped3A_3[%dma_start3A_2266, %dma_start3A_2273, %dma_start3A_2274] : memref<16x16x128xf32, #tpu.memory_space<vmem>> -> memref<1x16x128xf32, #tpu.memory_space<vmem>>
        %dma_start3A_2276 = tpu.memref_squeeze %dma_start3A_2275 : memref<1x16x128xf32, #tpu.memory_space<vmem>> -> memref<16x128xf32, #tpu.memory_space<vmem>>
        %dma_start3A_2277 = arith.constant 0 : i32
        %dma_start3A_2278 = tpu.memref_slice %arg5[%dma_start3A_2277, %multiple_of3A_2265] : memref<16x1000000xf32, #tpu.memory_space<hbm>> -> memref<16x128xf32, #tpu.memory_space<hbm>>
        tpu.enqueue_dma source(%dma_start3A_2278 : memref<16x128xf32, #tpu.memory_space<hbm>>) target(%dma_start3A_2276 : memref<16x128xf32, #tpu.memory_space<vmem>>) target_semaphore(%run_scoped3A_7 : memref<!tpu.dma_semaphore, #tpu.memory_space<semaphore_mem>>)
        %slice3A_2279 = vector.extract_strided_slice %shift_left3A_2144 {offsets = [8], sizes = [1], strides = [1]} : vector<16xi32> to vector<1xi32>
        %squeeze3A_2280 = vector.extract %slice3A_2279[0] : i32 from vector<1xi32>
        %multiple_of3A_2281 = tpu.assume_multiple %squeeze3A_2280, 128 : i32
        %dma_start3A_2282 = arith.constant 8 : i32
        %dma_start3A_2283 = arith.constant 0 : i32
        %dma_start3A_2284 = arith.constant 0 : i32
        %dma_start3A_2285 = tpu.memref_slice %run_scoped3A_3[%dma_start3A_2282, %dma_start3A_2283, %dma_start3A_2284] : memref<16x16x128xf32, #tpu.memory_space<vmem>> -> memref<1x16x128xf32, #tpu.memory_space<vmem>>
        %dma_start3A_2286 = tpu.memref_squeeze %dma_start3A_2285 : memref<1x16x128xf32, #tpu.memory_space<vmem>> -> memref<16x128xf32, #tpu.memory_space<vmem>>
        %dma_start3A_2287 = arith.constant 0 : i32
        %dma_start3A_2288 = tpu.memref_slice %arg5[%dma_start3A_2287, %multiple_of3A_2281] : memref<16x1000000xf32, #tpu.memory_space<hbm>> -> memref<16x128xf32, #tpu.memory_space<hbm>>
        %dma_start3A_2289 = arith.constant 0 : i32
        %dma_start3A_2290 = arith.constant 0 : i32
        %dma_start3A_2291 = tpu.memref_slice %run_scoped3A_3[%dma_start3A_2282, %dma_start3A_2289, %dma_start3A_2290] : memref<16x16x128xf32, #tpu.memory_space<vmem>> -> memref<1x16x128xf32, #tpu.memory_space<vmem>>
        %dma_start3A_2292 = tpu.memref_squeeze %dma_start3A_2291 : memref<1x16x128xf32, #tpu.memory_space<vmem>> -> memref<16x128xf32, #tpu.memory_space<vmem>>
        %dma_start3A_2293 = arith.constant 0 : i32
        %dma_start3A_2294 = tpu.memref_slice %arg5[%dma_start3A_2293, %multiple_of3A_2281] : memref<16x1000000xf32, #tpu.memory_space<hbm>> -> memref<16x128xf32, #tpu.memory_space<hbm>>
        tpu.enqueue_dma source(%dma_start3A_2294 : memref<16x128xf32, #tpu.memory_space<hbm>>) target(%dma_start3A_2292 : memref<16x128xf32, #tpu.memory_space<vmem>>) target_semaphore(%run_scoped3A_7 : memref<!tpu.dma_semaphore, #tpu.memory_space<semaphore_mem>>)
        %slice3A_2295 = vector.extract_strided_slice %shift_left3A_2144 {offsets = [9], sizes = [1], strides = [1]} : vector<16xi32> to vector<1xi32>
        %squeeze3A_2296 = vector.extract %slice3A_2295[0] : i32 from vector<1xi32>
        %multiple_of3A_2297 = tpu.assume_multiple %squeeze3A_2296, 128 : i32
        %dma_start3A_2298 = arith.constant 9 : i32
        %dma_start3A_2299 = arith.constant 0 : i32
        %dma_start3A_2300 = arith.constant 0 : i32
        %dma_start3A_2301 = tpu.memref_slice %run_scoped3A_3[%dma_start3A_2298, %dma_start3A_2299, %dma_start3A_2300] : memref<16x16x128xf32, #tpu.memory_space<vmem>> -> memref<1x16x128xf32, #tpu.memory_space<vmem>>
        %dma_start3A_2302 = tpu.memref_squeeze %dma_start3A_2301 : memref<1x16x128xf32, #tpu.memory_space<vmem>> -> memref<16x128xf32, #tpu.memory_space<vmem>>
        %dma_start3A_2303 = arith.constant 0 : i32
        %dma_start3A_2304 = tpu.memref_slice %arg5[%dma_start3A_2303, %multiple_of3A_2297] : memref<16x1000000xf32, #tpu.memory_space<hbm>> -> memref<16x128xf32, #tpu.memory_space<hbm>>
        %dma_start3A_2305 = arith.constant 0 : i32
        %dma_start3A_2306 = arith.constant 0 : i32
        %dma_start3A_2307 = tpu.memref_slice %run_scoped3A_3[%dma_start3A_2298, %dma_start3A_2305, %dma_start3A_2306] : memref<16x16x128xf32, #tpu.memory_space<vmem>> -> memref<1x16x128xf32, #tpu.memory_space<vmem>>
        %dma_start3A_2308 = tpu.memref_squeeze %dma_start3A_2307 : memref<1x16x128xf32, #tpu.memory_space<vmem>> -> memref<16x128xf32, #tpu.memory_space<vmem>>
        %dma_start3A_2309 = arith.constant 0 : i32
        %dma_start3A_2310 = tpu.memref_slice %arg5[%dma_start3A_2309, %multiple_of3A_2297] : memref<16x1000000xf32, #tpu.memory_space<hbm>> -> memref<16x128xf32, #tpu.memory_space<hbm>>
        tpu.enqueue_dma source(%dma_start3A_2310 : memref<16x128xf32, #tpu.memory_space<hbm>>) target(%dma_start3A_2308 : memref<16x128xf32, #tpu.memory_space<vmem>>) target_semaphore(%run_scoped3A_7 : memref<!tpu.dma_semaphore, #tpu.memory_space<semaphore_mem>>)
        %slice3A_2311 = vector.extract_strided_slice %shift_left3A_2144 {offsets = [10], sizes = [1], strides = [1]} : vector<16xi32> to vector<1xi32>
        %squeeze3A_2312 = vector.extract %slice3A_2311[0] : i32 from vector<1xi32>
        %multiple_of3A_2313 = tpu.assume_multiple %squeeze3A_2312, 128 : i32
        %dma_start3A_2314 = arith.constant 10 : i32
        %dma_start3A_2315 = arith.constant 0 : i32
        %dma_start3A_2316 = arith.constant 0 : i32
        %dma_start3A_2317 = tpu.memref_slice %run_scoped3A_3[%dma_start3A_2314, %dma_start3A_2315, %dma_start3A_2316] : memref<16x16x128xf32, #tpu.memory_space<vmem>> -> memref<1x16x128xf32, #tpu.memory_space<vmem>>
        %dma_start3A_2318 = tpu.memref_squeeze %dma_start3A_2317 : memref<1x16x128xf32, #tpu.memory_space<vmem>> -> memref<16x128xf32, #tpu.memory_space<vmem>>
        %dma_start3A_2319 = arith.constant 0 : i32
        %dma_start3A_2320 = tpu.memref_slice %arg5[%dma_start3A_2319, %multiple_of3A_2313] : memref<16x1000000xf32, #tpu.memory_space<hbm>> -> memref<16x128xf32, #tpu.memory_space<hbm>>
        %dma_start3A_2321 = arith.constant 0 : i32
        %dma_start3A_2322 = arith.constant 0 : i32
        %dma_start3A_2323 = tpu.memref_slice %run_scoped3A_3[%dma_start3A_2314, %dma_start3A_2321, %dma_start3A_2322] : memref<16x16x128xf32, #tpu.memory_space<vmem>> -> memref<1x16x128xf32, #tpu.memory_space<vmem>>
        %dma_start3A_2324 = tpu.memref_squeeze %dma_start3A_2323 : memref<1x16x128xf32, #tpu.memory_space<vmem>> -> memref<16x128xf32, #tpu.memory_space<vmem>>
        %dma_start3A_2325 = arith.constant 0 : i32
        %dma_start3A_2326 = tpu.memref_slice %arg5[%dma_start3A_2325, %multiple_of3A_2313] : memref<16x1000000xf32, #tpu.memory_space<hbm>> -> memref<16x128xf32, #tpu.memory_space<hbm>>
        tpu.enqueue_dma source(%dma_start3A_2326 : memref<16x128xf32, #tpu.memory_space<hbm>>) target(%dma_start3A_2324 : memref<16x128xf32, #tpu.memory_space<vmem>>) target_semaphore(%run_scoped3A_7 : memref<!tpu.dma_semaphore, #tpu.memory_space<semaphore_mem>>)
        %slice3A_2327 = vector.extract_strided_slice %shift_left3A_2144 {offsets = [11], sizes = [1], strides = [1]} : vector<16xi32> to vector<1xi32>
        %squeeze3A_2328 = vector.extract %slice3A_2327[0] : i32 from vector<1xi32>
        %multiple_of3A_2329 = tpu.assume_multiple %squeeze3A_2328, 128 : i32
        %dma_start3A_2330 = arith.constant 11 : i32
        %dma_start3A_2331 = arith.constant 0 : i32
        %dma_start3A_2332 = arith.constant 0 : i32
        %dma_start3A_2333 = tpu.memref_slice %run_scoped3A_3[%dma_start3A_2330, %dma_start3A_2331, %dma_start3A_2332] : memref<16x16x128xf32, #tpu.memory_space<vmem>> -> memref<1x16x128xf32, #tpu.memory_space<vmem>>
        %dma_start3A_2334 = tpu.memref_squeeze %dma_start3A_2333 : memref<1x16x128xf32, #tpu.memory_space<vmem>> -> memref<16x128xf32, #tpu.memory_space<vmem>>
        %dma_start3A_2335 = arith.constant 0 : i32
        %dma_start3A_2336 = tpu.memref_slice %arg5[%dma_start3A_2335, %multiple_of3A_2329] : memref<16x1000000xf32, #tpu.memory_space<hbm>> -> memref<16x128xf32, #tpu.memory_space<hbm>>
        %dma_start3A_2337 = arith.constant 0 : i32
        %dma_start3A_2338 = arith.constant 0 : i32
        %dma_start3A_2339 = tpu.memref_slice %run_scoped3A_3[%dma_start3A_2330, %dma_start3A_2337, %dma_start3A_2338] : memref<16x16x128xf32, #tpu.memory_space<vmem>> -> memref<1x16x128xf32, #tpu.memory_space<vmem>>
        %dma_start3A_2340 = tpu.memref_squeeze %dma_start3A_2339 : memref<1x16x128xf32, #tpu.memory_space<vmem>> -> memref<16x128xf32, #tpu.memory_space<vmem>>
        %dma_start3A_2341 = arith.constant 0 : i32
        %dma_start3A_2342 = tpu.memref_slice %arg5[%dma_start3A_2341, %multiple_of3A_2329] : memref<16x1000000xf32, #tpu.memory_space<hbm>> -> memref<16x128xf32, #tpu.memory_space<hbm>>
        tpu.enqueue_dma source(%dma_start3A_2342 : memref<16x128xf32, #tpu.memory_space<hbm>>) target(%dma_start3A_2340 : memref<16x128xf32, #tpu.memory_space<vmem>>) target_semaphore(%run_scoped3A_7 : memref<!tpu.dma_semaphore, #tpu.memory_space<semaphore_mem>>)
        %slice3A_2343 = vector.extract_strided_slice %shift_left3A_2144 {offsets = [12], sizes = [1], strides = [1]} : vector<16xi32> to vector<1xi32>
        %squeeze3A_2344 = vector.extract %slice3A_2343[0] : i32 from vector<1xi32>
        %multiple_of3A_2345 = tpu.assume_multiple %squeeze3A_2344, 128 : i32
        %dma_start3A_2346 = arith.constant 12 : i32
        %dma_start3A_2347 = arith.constant 0 : i32
        %dma_start3A_2348 = arith.constant 0 : i32
        %dma_start3A_2349 = tpu.memref_slice %run_scoped3A_3[%dma_start3A_2346, %dma_start3A_2347, %dma_start3A_2348] : memref<16x16x128xf32, #tpu.memory_space<vmem>> -> memref<1x16x128xf32, #tpu.memory_space<vmem>>
        %dma_start3A_2350 = tpu.memref_squeeze %dma_start3A_2349 : memref<1x16x128xf32, #tpu.memory_space<vmem>> -> memref<16x128xf32, #tpu.memory_space<vmem>>
        %dma_start3A_2351 = arith.constant 0 : i32
        %dma_start3A_2352 = tpu.memref_slice %arg5[%dma_start3A_2351, %multiple_of3A_2345] : memref<16x1000000xf32, #tpu.memory_space<hbm>> -> memref<16x128xf32, #tpu.memory_space<hbm>>
        %dma_start3A_2353 = arith.constant 0 : i32
        %dma_start3A_2354 = arith.constant 0 : i32
        %dma_start3A_2355 = tpu.memref_slice %run_scoped3A_3[%dma_start3A_2346, %dma_start3A_2353, %dma_start3A_2354] : memref<16x16x128xf32, #tpu.memory_space<vmem>> -> memref<1x16x128xf32, #tpu.memory_space<vmem>>
        %dma_start3A_2356 = tpu.memref_squeeze %dma_start3A_2355 : memref<1x16x128xf32, #tpu.memory_space<vmem>> -> memref<16x128xf32, #tpu.memory_space<vmem>>
        %dma_start3A_2357 = arith.constant 0 : i32
        %dma_start3A_2358 = tpu.memref_slice %arg5[%dma_start3A_2357, %multiple_of3A_2345] : memref<16x1000000xf32, #tpu.memory_space<hbm>> -> memref<16x128xf32, #tpu.memory_space<hbm>>
        tpu.enqueue_dma source(%dma_start3A_2358 : memref<16x128xf32, #tpu.memory_space<hbm>>) target(%dma_start3A_2356 : memref<16x128xf32, #tpu.memory_space<vmem>>) target_semaphore(%run_scoped3A_7 : memref<!tpu.dma_semaphore, #tpu.memory_space<semaphore_mem>>)
        %slice3A_2359 = vector.extract_strided_slice %shift_left3A_2144 {offsets = [13], sizes = [1], strides = [1]} : vector<16xi32> to vector<1xi32>
        %squeeze3A_2360 = vector.extract %slice3A_2359[0] : i32 from vector<1xi32>
        %multiple_of3A_2361 = tpu.assume_multiple %squeeze3A_2360, 128 : i32
        %dma_start3A_2362 = arith.constant 13 : i32
        %dma_start3A_2363 = arith.constant 0 : i32
        %dma_start3A_2364 = arith.constant 0 : i32
        %dma_start3A_2365 = tpu.memref_slice %run_scoped3A_3[%dma_start3A_2362, %dma_start3A_2363, %dma_start3A_2364] : memref<16x16x128xf32, #tpu.memory_space<vmem>> -> memref<1x16x128xf32, #tpu.memory_space<vmem>>
        %dma_start3A_2366 = tpu.memref_squeeze %dma_start3A_2365 : memref<1x16x128xf32, #tpu.memory_space<vmem>> -> memref<16x128xf32, #tpu.memory_space<vmem>>
        %dma_start3A_2367 = arith.constant 0 : i32
        %dma_start3A_2368 = tpu.memref_slice %arg5[%dma_start3A_2367, %multiple_of3A_2361] : memref<16x1000000xf32, #tpu.memory_space<hbm>> -> memref<16x128xf32, #tpu.memory_space<hbm>>
        %dma_start3A_2369 = arith.constant 0 : i32
        %dma_start3A_2370 = arith.constant 0 : i32
        %dma_start3A_2371 = tpu.memref_slice %run_scoped3A_3[%dma_start3A_2362, %dma_start3A_2369, %dma_start3A_2370] : memref<16x16x128xf32, #tpu.memory_space<vmem>> -> memref<1x16x128xf32, #tpu.memory_space<vmem>>
        %dma_start3A_2372 = tpu.memref_squeeze %dma_start3A_2371 : memref<1x16x128xf32, #tpu.memory_space<vmem>> -> memref<16x128xf32, #tpu.memory_space<vmem>>
        %dma_start3A_2373 = arith.constant 0 : i32
        %dma_start3A_2374 = tpu.memref_slice %arg5[%dma_start3A_2373, %multiple_of3A_2361] : memref<16x1000000xf32, #tpu.memory_space<hbm>> -> memref<16x128xf32, #tpu.memory_space<hbm>>
        tpu.enqueue_dma source(%dma_start3A_2374 : memref<16x128xf32, #tpu.memory_space<hbm>>) target(%dma_start3A_2372 : memref<16x128xf32, #tpu.memory_space<vmem>>) target_semaphore(%run_scoped3A_7 : memref<!tpu.dma_semaphore, #tpu.memory_space<semaphore_mem>>)
        %slice3A_2375 = vector.extract_strided_slice %shift_left3A_2144 {offsets = [14], sizes = [1], strides = [1]} : vector<16xi32> to vector<1xi32>
        %squeeze3A_2376 = vector.extract %slice3A_2375[0] : i32 from vector<1xi32>
        %multiple_of3A_2377 = tpu.assume_multiple %squeeze3A_2376, 128 : i32
        %dma_start3A_2378 = arith.constant 14 : i32
        %dma_start3A_2379 = arith.constant 0 : i32
        %dma_start3A_2380 = arith.constant 0 : i32
        %dma_start3A_2381 = tpu.memref_slice %run_scoped3A_3[%dma_start3A_2378, %dma_start3A_2379, %dma_start3A_2380] : memref<16x16x128xf32, #tpu.memory_space<vmem>> -> memref<1x16x128xf32, #tpu.memory_space<vmem>>
        %dma_start3A_2382 = tpu.memref_squeeze %dma_start3A_2381 : memref<1x16x128xf32, #tpu.memory_space<vmem>> -> memref<16x128xf32, #tpu.memory_space<vmem>>
        %dma_start3A_2383 = arith.constant 0 : i32
        %dma_start3A_2384 = tpu.memref_slice %arg5[%dma_start3A_2383, %multiple_of3A_2377] : memref<16x1000000xf32, #tpu.memory_space<hbm>> -> memref<16x128xf32, #tpu.memory_space<hbm>>
        %dma_start3A_2385 = arith.constant 0 : i32
        %dma_start3A_2386 = arith.constant 0 : i32
        %dma_start3A_2387 = tpu.memref_slice %run_scoped3A_3[%dma_start3A_2378, %dma_start3A_2385, %dma_start3A_2386] : memref<16x16x128xf32, #tpu.memory_space<vmem>> -> memref<1x16x128xf32, #tpu.memory_space<vmem>>
        %dma_start3A_2388 = tpu.memref_squeeze %dma_start3A_2387 : memref<1x16x128xf32, #tpu.memory_space<vmem>> -> memref<16x128xf32, #tpu.memory_space<vmem>>
        %dma_start3A_2389 = arith.constant 0 : i32
        %dma_start3A_2390 = tpu.memref_slice %arg5[%dma_start3A_2389, %multiple_of3A_2377] : memref<16x1000000xf32, #tpu.memory_space<hbm>> -> memref<16x128xf32, #tpu.memory_space<hbm>>
        tpu.enqueue_dma source(%dma_start3A_2390 : memref<16x128xf32, #tpu.memory_space<hbm>>) target(%dma_start3A_2388 : memref<16x128xf32, #tpu.memory_space<vmem>>) target_semaphore(%run_scoped3A_7 : memref<!tpu.dma_semaphore, #tpu.memory_space<semaphore_mem>>)
        %slice3A_2391 = vector.extract_strided_slice %shift_left3A_2144 {offsets = [15], sizes = [1], strides = [1]} : vector<16xi32> to vector<1xi32>
        %squeeze3A_2392 = vector.extract %slice3A_2391[0] : i32 from vector<1xi32>
        %multiple_of3A_2393 = tpu.assume_multiple %squeeze3A_2392, 128 : i32
        %dma_start3A_2394 = arith.constant 15 : i32
        %dma_start3A_2395 = arith.constant 0 : i32
        %dma_start3A_2396 = arith.constant 0 : i32
        %dma_start3A_2397 = tpu.memref_slice %run_scoped3A_3[%dma_start3A_2394, %dma_start3A_2395, %dma_start3A_2396] : memref<16x16x128xf32, #tpu.memory_space<vmem>> -> memref<1x16x128xf32, #tpu.memory_space<vmem>>
        %dma_start3A_2398 = tpu.memref_squeeze %dma_start3A_2397 : memref<1x16x128xf32, #tpu.memory_space<vmem>> -> memref<16x128xf32, #tpu.memory_space<vmem>>
        %dma_start3A_2399 = arith.constant 0 : i32
        %dma_start3A_2400 = tpu.memref_slice %arg5[%dma_start3A_2399, %multiple_of3A_2393] : memref<16x1000000xf32, #tpu.memory_space<hbm>> -> memref<16x128xf32, #tpu.memory_space<hbm>>
        %dma_start3A_2401 = arith.constant 0 : i32
        %dma_start3A_2402 = arith.constant 0 : i32
        %dma_start3A_2403 = tpu.memref_slice %run_scoped3A_3[%dma_start3A_2394, %dma_start3A_2401, %dma_start3A_2402] : memref<16x16x128xf32, #tpu.memory_space<vmem>> -> memref<1x16x128xf32, #tpu.memory_space<vmem>>
        %dma_start3A_2404 = tpu.memref_squeeze %dma_start3A_2403 : memref<1x16x128xf32, #tpu.memory_space<vmem>> -> memref<16x128xf32, #tpu.memory_space<vmem>>
        %dma_start3A_2405 = arith.constant 0 : i32
        %dma_start3A_2406 = tpu.memref_slice %arg5[%dma_start3A_2405, %multiple_of3A_2393] : memref<16x1000000xf32, #tpu.memory_space<hbm>> -> memref<16x128xf32, #tpu.memory_space<hbm>>
        tpu.enqueue_dma source(%dma_start3A_2406 : memref<16x128xf32, #tpu.memory_space<hbm>>) target(%dma_start3A_2404 : memref<16x128xf32, #tpu.memory_space<vmem>>) target_semaphore(%run_scoped3A_7 : memref<!tpu.dma_semaphore, #tpu.memory_space<semaphore_mem>>)
        %dma_wait3A_2407 = arith.constant 0 : i32
        %dma_wait3A_2408 = arith.constant 0 : i32
        %dma_wait3A_2409 = arith.constant 0 : i32
        %dma_wait3A_2410 = tpu.memref_slice %run_scoped3A_2[%dma_wait3A_2407, %dma_wait3A_2408, %dma_wait3A_2409] : memref<16x16x128xf32, #tpu.memory_space<vmem>> -> memref<1x16x128xf32, #tpu.memory_space<vmem>>
        %dma_wait3A_2411 = tpu.memref_squeeze %dma_wait3A_2410 : memref<1x16x128xf32, #tpu.memory_space<vmem>> -> memref<16x128xf32, #tpu.memory_space<vmem>>
        %dma_wait3A_2412 = arith.constant 0 : i32
        %dma_wait3A_2413 = arith.constant 0 : i32
        %dma_wait3A_2414 = tpu.memref_slice %arg4[%dma_wait3A_2412, %dma_wait3A_2413] : memref<16x1000000xf32, #tpu.memory_space<hbm>> -> memref<16x128xf32, #tpu.memory_space<hbm>>
        %dma_wait3A_2415 = arith.constant 0 : i32
        %dma_wait3A_2416 = arith.constant 0 : i32
        %dma_wait3A_2417 = tpu.memref_slice %run_scoped3A_2[%dma_wait3A_2407, %dma_wait3A_2415, %dma_wait3A_2416] : memref<16x16x128xf32, #tpu.memory_space<vmem>> -> memref<1x16x128xf32, #tpu.memory_space<vmem>>
        %dma_wait3A_2418 = tpu.memref_squeeze %dma_wait3A_2417 : memref<1x16x128xf32, #tpu.memory_space<vmem>> -> memref<16x128xf32, #tpu.memory_space<vmem>>
        %dma_wait3A_2419 = arith.constant 0 : i32
        %dma_wait3A_2420 = arith.constant 0 : i32
        %dma_wait3A_2421 = tpu.memref_slice %arg4[%dma_wait3A_2419, %dma_wait3A_2420] : memref<16x1000000xf32, #tpu.memory_space<hbm>> -> memref<16x128xf32, #tpu.memory_space<hbm>>
        tpu.wait_dma2 semaphore(%run_scoped3A_6 : memref<!tpu.dma_semaphore, #tpu.memory_space<semaphore_mem>>) src(%dma_wait3A_2421 : memref<16x128xf32, #tpu.memory_space<hbm>>) dst(%dma_wait3A_2418 : memref<16x128xf32, #tpu.memory_space<vmem>>)
        %dma_wait3A_2422 = arith.constant 1 : i32
        %dma_wait3A_2423 = arith.constant 0 : i32
        %dma_wait3A_2424 = arith.constant 0 : i32
        %dma_wait3A_2425 = tpu.memref_slice %run_scoped3A_2[%dma_wait3A_2422, %dma_wait3A_2423, %dma_wait3A_2424] : memref<16x16x128xf32, #tpu.memory_space<vmem>> -> memref<1x16x128xf32, #tpu.memory_space<vmem>>
        %dma_wait3A_2426 = tpu.memref_squeeze %dma_wait3A_2425 : memref<1x16x128xf32, #tpu.memory_space<vmem>> -> memref<16x128xf32, #tpu.memory_space<vmem>>
        %dma_wait3A_2427 = arith.constant 0 : i32
        %dma_wait3A_2428 = arith.constant 0 : i32
        %dma_wait3A_2429 = tpu.memref_slice %arg4[%dma_wait3A_2427, %dma_wait3A_2428] : memref<16x1000000xf32, #tpu.memory_space<hbm>> -> memref<16x128xf32, #tpu.memory_space<hbm>>
        %dma_wait3A_2430 = arith.constant 0 : i32
        %dma_wait3A_2431 = arith.constant 0 : i32
        %dma_wait3A_2432 = tpu.memref_slice %run_scoped3A_2[%dma_wait3A_2422, %dma_wait3A_2430, %dma_wait3A_2431] : memref<16x16x128xf32, #tpu.memory_space<vmem>> -> memref<1x16x128xf32, #tpu.memory_space<vmem>>
        %dma_wait3A_2433 = tpu.memref_squeeze %dma_wait3A_2432 : memref<1x16x128xf32, #tpu.memory_space<vmem>> -> memref<16x128xf32, #tpu.memory_space<vmem>>
        %dma_wait3A_2434 = arith.constant 0 : i32
        %dma_wait3A_2435 = arith.constant 0 : i32
        %dma_wait3A_2436 = tpu.memref_slice %arg4[%dma_wait3A_2434, %dma_wait3A_2435] : memref<16x1000000xf32, #tpu.memory_space<hbm>> -> memref<16x128xf32, #tpu.memory_space<hbm>>
        tpu.wait_dma2 semaphore(%run_scoped3A_6 : memref<!tpu.dma_semaphore, #tpu.memory_space<semaphore_mem>>) src(%dma_wait3A_2436 : memref<16x128xf32, #tpu.memory_space<hbm>>) dst(%dma_wait3A_2433 : memref<16x128xf32, #tpu.memory_space<vmem>>)
        %dma_wait3A_2437 = arith.constant 2 : i32
        %dma_wait3A_2438 = arith.constant 0 : i32
        %dma_wait3A_2439 = arith.constant 0 : i32
        %dma_wait3A_2440 = tpu.memref_slice %run_scoped3A_2[%dma_wait3A_2437, %dma_wait3A_2438, %dma_wait3A_2439] : memref<16x16x128xf32, #tpu.memory_space<vmem>> -> memref<1x16x128xf32, #tpu.memory_space<vmem>>
        %dma_wait3A_2441 = tpu.memref_squeeze %dma_wait3A_2440 : memref<1x16x128xf32, #tpu.memory_space<vmem>> -> memref<16x128xf32, #tpu.memory_space<vmem>>
        %dma_wait3A_2442 = arith.constant 0 : i32
        %dma_wait3A_2443 = arith.constant 0 : i32
        %dma_wait3A_2444 = tpu.memref_slice %arg4[%dma_wait3A_2442, %dma_wait3A_2443] : memref<16x1000000xf32, #tpu.memory_space<hbm>> -> memref<16x128xf32, #tpu.memory_space<hbm>>
        %dma_wait3A_2445 = arith.constant 0 : i32
        %dma_wait3A_2446 = arith.constant 0 : i32
        %dma_wait3A_2447 = tpu.memref_slice %run_scoped3A_2[%dma_wait3A_2437, %dma_wait3A_2445, %dma_wait3A_2446] : memref<16x16x128xf32, #tpu.memory_space<vmem>> -> memref<1x16x128xf32, #tpu.memory_space<vmem>>
        %dma_wait3A_2448 = tpu.memref_squeeze %dma_wait3A_2447 : memref<1x16x128xf32, #tpu.memory_space<vmem>> -> memref<16x128xf32, #tpu.memory_space<vmem>>
        %dma_wait3A_2449 = arith.constant 0 : i32
        %dma_wait3A_2450 = arith.constant 0 : i32
        %dma_wait3A_2451 = tpu.memref_slice %arg4[%dma_wait3A_2449, %dma_wait3A_2450] : memref<16x1000000xf32, #tpu.memory_space<hbm>> -> memref<16x128xf32, #tpu.memory_space<hbm>>
        tpu.wait_dma2 semaphore(%run_scoped3A_6 : memref<!tpu.dma_semaphore, #tpu.memory_space<semaphore_mem>>) src(%dma_wait3A_2451 : memref<16x128xf32, #tpu.memory_space<hbm>>) dst(%dma_wait3A_2448 : memref<16x128xf32, #tpu.memory_space<vmem>>)
        %dma_wait3A_2452 = arith.constant 3 : i32
        %dma_wait3A_2453 = arith.constant 0 : i32
        %dma_wait3A_2454 = arith.constant 0 : i32
        %dma_wait3A_2455 = tpu.memref_slice %run_scoped3A_2[%dma_wait3A_2452, %dma_wait3A_2453, %dma_wait3A_2454] : memref<16x16x128xf32, #tpu.memory_space<vmem>> -> memref<1x16x128xf32, #tpu.memory_space<vmem>>
        %dma_wait3A_2456 = tpu.memref_squeeze %dma_wait3A_2455 : memref<1x16x128xf32, #tpu.memory_space<vmem>> -> memref<16x128xf32, #tpu.memory_space<vmem>>
        %dma_wait3A_2457 = arith.constant 0 : i32
        %dma_wait3A_2458 = arith.constant 0 : i32
        %dma_wait3A_2459 = tpu.memref_slice %arg4[%dma_wait3A_2457, %dma_wait3A_2458] : memref<16x1000000xf32, #tpu.memory_space<hbm>> -> memref<16x128xf32, #tpu.memory_space<hbm>>
        %dma_wait3A_2460 = arith.constant 0 : i32
        %dma_wait3A_2461 = arith.constant 0 : i32
        %dma_wait3A_2462 = tpu.memref_slice %run_scoped3A_2[%dma_wait3A_2452, %dma_wait3A_2460, %dma_wait3A_2461] : memref<16x16x128xf32, #tpu.memory_space<vmem>> -> memref<1x16x128xf32, #tpu.memory_space<vmem>>
        %dma_wait3A_2463 = tpu.memref_squeeze %dma_wait3A_2462 : memref<1x16x128xf32, #tpu.memory_space<vmem>> -> memref<16x128xf32, #tpu.memory_space<vmem>>
        %dma_wait3A_2464 = arith.constant 0 : i32
        %dma_wait3A_2465 = arith.constant 0 : i32
        %dma_wait3A_2466 = tpu.memref_slice %arg4[%dma_wait3A_2464, %dma_wait3A_2465] : memref<16x1000000xf32, #tpu.memory_space<hbm>> -> memref<16x128xf32, #tpu.memory_space<hbm>>
        tpu.wait_dma2 semaphore(%run_scoped3A_6 : memref<!tpu.dma_semaphore, #tpu.memory_space<semaphore_mem>>) src(%dma_wait3A_2466 : memref<16x128xf32, #tpu.memory_space<hbm>>) dst(%dma_wait3A_2463 : memref<16x128xf32, #tpu.memory_space<vmem>>)
        %dma_wait3A_2467 = arith.constant 4 : i32
        %dma_wait3A_2468 = arith.constant 0 : i32
        %dma_wait3A_2469 = arith.constant 0 : i32
        %dma_wait3A_2470 = tpu.memref_slice %run_scoped3A_2[%dma_wait3A_2467, %dma_wait3A_2468, %dma_wait3A_2469] : memref<16x16x128xf32, #tpu.memory_space<vmem>> -> memref<1x16x128xf32, #tpu.memory_space<vmem>>
        %dma_wait3A_2471 = tpu.memref_squeeze %dma_wait3A_2470 : memref<1x16x128xf32, #tpu.memory_space<vmem>> -> memref<16x128xf32, #tpu.memory_space<vmem>>
        %dma_wait3A_2472 = arith.constant 0 : i32
        %dma_wait3A_2473 = arith.constant 0 : i32
        %dma_wait3A_2474 = tpu.memref_slice %arg4[%dma_wait3A_2472, %dma_wait3A_2473] : memref<16x1000000xf32, #tpu.memory_space<hbm>> -> memref<16x128xf32, #tpu.memory_space<hbm>>
        %dma_wait3A_2475 = arith.constant 0 : i32
        %dma_wait3A_2476 = arith.constant 0 : i32
        %dma_wait3A_2477 = tpu.memref_slice %run_scoped3A_2[%dma_wait3A_2467, %dma_wait3A_2475, %dma_wait3A_2476] : memref<16x16x128xf32, #tpu.memory_space<vmem>> -> memref<1x16x128xf32, #tpu.memory_space<vmem>>
        %dma_wait3A_2478 = tpu.memref_squeeze %dma_wait3A_2477 : memref<1x16x128xf32, #tpu.memory_space<vmem>> -> memref<16x128xf32, #tpu.memory_space<vmem>>
        %dma_wait3A_2479 = arith.constant 0 : i32
        %dma_wait3A_2480 = arith.constant 0 : i32
        %dma_wait3A_2481 = tpu.memref_slice %arg4[%dma_wait3A_2479, %dma_wait3A_2480] : memref<16x1000000xf32, #tpu.memory_space<hbm>> -> memref<16x128xf32, #tpu.memory_space<hbm>>
        tpu.wait_dma2 semaphore(%run_scoped3A_6 : memref<!tpu.dma_semaphore, #tpu.memory_space<semaphore_mem>>) src(%dma_wait3A_2481 : memref<16x128xf32, #tpu.memory_space<hbm>>) dst(%dma_wait3A_2478 : memref<16x128xf32, #tpu.memory_space<vmem>>)
        %dma_wait3A_2482 = arith.constant 5 : i32
        %dma_wait3A_2483 = arith.constant 0 : i32
        %dma_wait3A_2484 = arith.constant 0 : i32
        %dma_wait3A_2485 = tpu.memref_slice %run_scoped3A_2[%dma_wait3A_2482, %dma_wait3A_2483, %dma_wait3A_2484] : memref<16x16x128xf32, #tpu.memory_space<vmem>> -> memref<1x16x128xf32, #tpu.memory_space<vmem>>
        %dma_wait3A_2486 = tpu.memref_squeeze %dma_wait3A_2485 : memref<1x16x128xf32, #tpu.memory_space<vmem>> -> memref<16x128xf32, #tpu.memory_space<vmem>>
        %dma_wait3A_2487 = arith.constant 0 : i32
        %dma_wait3A_2488 = arith.constant 0 : i32
        %dma_wait3A_2489 = tpu.memref_slice %arg4[%dma_wait3A_2487, %dma_wait3A_2488] : memref<16x1000000xf32, #tpu.memory_space<hbm>> -> memref<16x128xf32, #tpu.memory_space<hbm>>
        %dma_wait3A_2490 = arith.constant 0 : i32
        %dma_wait3A_2491 = arith.constant 0 : i32
        %dma_wait3A_2492 = tpu.memref_slice %run_scoped3A_2[%dma_wait3A_2482, %dma_wait3A_2490, %dma_wait3A_2491] : memref<16x16x128xf32, #tpu.memory_space<vmem>> -> memref<1x16x128xf32, #tpu.memory_space<vmem>>
        %dma_wait3A_2493 = tpu.memref_squeeze %dma_wait3A_2492 : memref<1x16x128xf32, #tpu.memory_space<vmem>> -> memref<16x128xf32, #tpu.memory_space<vmem>>
        %dma_wait3A_2494 = arith.constant 0 : i32
        %dma_wait3A_2495 = arith.constant 0 : i32
        %dma_wait3A_2496 = tpu.memref_slice %arg4[%dma_wait3A_2494, %dma_wait3A_2495] : memref<16x1000000xf32, #tpu.memory_space<hbm>> -> memref<16x128xf32, #tpu.memory_space<hbm>>
        tpu.wait_dma2 semaphore(%run_scoped3A_6 : memref<!tpu.dma_semaphore, #tpu.memory_space<semaphore_mem>>) src(%dma_wait3A_2496 : memref<16x128xf32, #tpu.memory_space<hbm>>) dst(%dma_wait3A_2493 : memref<16x128xf32, #tpu.memory_space<vmem>>)
        %dma_wait3A_2497 = arith.constant 6 : i32
        %dma_wait3A_2498 = arith.constant 0 : i32
        %dma_wait3A_2499 = arith.constant 0 : i32
        %dma_wait3A_2500 = tpu.memref_slice %run_scoped3A_2[%dma_wait3A_2497, %dma_wait3A_2498, %dma_wait3A_2499] : memref<16x16x128xf32, #tpu.memory_space<vmem>> -> memref<1x16x128xf32, #tpu.memory_space<vmem>>
        %dma_wait3A_2501 = tpu.memref_squeeze %dma_wait3A_2500 : memref<1x16x128xf32, #tpu.memory_space<vmem>> -> memref<16x128xf32, #tpu.memory_space<vmem>>
        %dma_wait3A_2502 = arith.constant 0 : i32
        %dma_wait3A_2503 = arith.constant 0 : i32
        %dma_wait3A_2504 = tpu.memref_slice %arg4[%dma_wait3A_2502, %dma_wait3A_2503] : memref<16x1000000xf32, #tpu.memory_space<hbm>> -> memref<16x128xf32, #tpu.memory_space<hbm>>
        %dma_wait3A_2505 = arith.constant 0 : i32
        %dma_wait3A_2506 = arith.constant 0 : i32
        %dma_wait3A_2507 = tpu.memref_slice %run_scoped3A_2[%dma_wait3A_2497, %dma_wait3A_2505, %dma_wait3A_2506] : memref<16x16x128xf32, #tpu.memory_space<vmem>> -> memref<1x16x128xf32, #tpu.memory_space<vmem>>
        %dma_wait3A_2508 = tpu.memref_squeeze %dma_wait3A_2507 : memref<1x16x128xf32, #tpu.memory_space<vmem>> -> memref<16x128xf32, #tpu.memory_space<vmem>>
        %dma_wait3A_2509 = arith.constant 0 : i32
        %dma_wait3A_2510 = arith.constant 0 : i32
        %dma_wait3A_2511 = tpu.memref_slice %arg4[%dma_wait3A_2509, %dma_wait3A_2510] : memref<16x1000000xf32, #tpu.memory_space<hbm>> -> memref<16x128xf32, #tpu.memory_space<hbm>>
        tpu.wait_dma2 semaphore(%run_scoped3A_6 : memref<!tpu.dma_semaphore, #tpu.memory_space<semaphore_mem>>) src(%dma_wait3A_2511 : memref<16x128xf32, #tpu.memory_space<hbm>>) dst(%dma_wait3A_2508 : memref<16x128xf32, #tpu.memory_space<vmem>>)
        %dma_wait3A_2512 = arith.constant 7 : i32
        %dma_wait3A_2513 = arith.constant 0 : i32
        %dma_wait3A_2514 = arith.constant 0 : i32
        %dma_wait3A_2515 = tpu.memref_slice %run_scoped3A_2[%dma_wait3A_2512, %dma_wait3A_2513, %dma_wait3A_2514] : memref<16x16x128xf32, #tpu.memory_space<vmem>> -> memref<1x16x128xf32, #tpu.memory_space<vmem>>
        %dma_wait3A_2516 = tpu.memref_squeeze %dma_wait3A_2515 : memref<1x16x128xf32, #tpu.memory_space<vmem>> -> memref<16x128xf32, #tpu.memory_space<vmem>>
        %dma_wait3A_2517 = arith.constant 0 : i32
        %dma_wait3A_2518 = arith.constant 0 : i32
        %dma_wait3A_2519 = tpu.memref_slice %arg4[%dma_wait3A_2517, %dma_wait3A_2518] : memref<16x1000000xf32, #tpu.memory_space<hbm>> -> memref<16x128xf32, #tpu.memory_space<hbm>>
        %dma_wait3A_2520 = arith.constant 0 : i32
        %dma_wait3A_2521 = arith.constant 0 : i32
        %dma_wait3A_2522 = tpu.memref_slice %run_scoped3A_2[%dma_wait3A_2512, %dma_wait3A_2520, %dma_wait3A_2521] : memref<16x16x128xf32, #tpu.memory_space<vmem>> -> memref<1x16x128xf32, #tpu.memory_space<vmem>>
        %dma_wait3A_2523 = tpu.memref_squeeze %dma_wait3A_2522 : memref<1x16x128xf32, #tpu.memory_space<vmem>> -> memref<16x128xf32, #tpu.memory_space<vmem>>
        %dma_wait3A_2524 = arith.constant 0 : i32
        %dma_wait3A_2525 = arith.constant 0 : i32
        %dma_wait3A_2526 = tpu.memref_slice %arg4[%dma_wait3A_2524, %dma_wait3A_2525] : memref<16x1000000xf32, #tpu.memory_space<hbm>> -> memref<16x128xf32, #tpu.memory_space<hbm>>
        tpu.wait_dma2 semaphore(%run_scoped3A_6 : memref<!tpu.dma_semaphore, #tpu.memory_space<semaphore_mem>>) src(%dma_wait3A_2526 : memref<16x128xf32, #tpu.memory_space<hbm>>) dst(%dma_wait3A_2523 : memref<16x128xf32, #tpu.memory_space<vmem>>)
        %dma_wait3A_2527 = arith.constant 8 : i32
        %dma_wait3A_2528 = arith.constant 0 : i32
        %dma_wait3A_2529 = arith.constant 0 : i32
        %dma_wait3A_2530 = tpu.memref_slice %run_scoped3A_2[%dma_wait3A_2527, %dma_wait3A_2528, %dma_wait3A_2529] : memref<16x16x128xf32, #tpu.memory_space<vmem>> -> memref<1x16x128xf32, #tpu.memory_space<vmem>>
        %dma_wait3A_2531 = tpu.memref_squeeze %dma_wait3A_2530 : memref<1x16x128xf32, #tpu.memory_space<vmem>> -> memref<16x128xf32, #tpu.memory_space<vmem>>
        %dma_wait3A_2532 = arith.constant 0 : i32
        %dma_wait3A_2533 = arith.constant 0 : i32
        %dma_wait3A_2534 = tpu.memref_slice %arg4[%dma_wait3A_2532, %dma_wait3A_2533] : memref<16x1000000xf32, #tpu.memory_space<hbm>> -> memref<16x128xf32, #tpu.memory_space<hbm>>
        %dma_wait3A_2535 = arith.constant 0 : i32
        %dma_wait3A_2536 = arith.constant 0 : i32
        %dma_wait3A_2537 = tpu.memref_slice %run_scoped3A_2[%dma_wait3A_2527, %dma_wait3A_2535, %dma_wait3A_2536] : memref<16x16x128xf32, #tpu.memory_space<vmem>> -> memref<1x16x128xf32, #tpu.memory_space<vmem>>
        %dma_wait3A_2538 = tpu.memref_squeeze %dma_wait3A_2537 : memref<1x16x128xf32, #tpu.memory_space<vmem>> -> memref<16x128xf32, #tpu.memory_space<vmem>>
        %dma_wait3A_2539 = arith.constant 0 : i32
        %dma_wait3A_2540 = arith.constant 0 : i32
        %dma_wait3A_2541 = tpu.memref_slice %arg4[%dma_wait3A_2539, %dma_wait3A_2540] : memref<16x1000000xf32, #tpu.memory_space<hbm>> -> memref<16x128xf32, #tpu.memory_space<hbm>>
        tpu.wait_dma2 semaphore(%run_scoped3A_6 : memref<!tpu.dma_semaphore, #tpu.memory_space<semaphore_mem>>) src(%dma_wait3A_2541 : memref<16x128xf32, #tpu.memory_space<hbm>>) dst(%dma_wait3A_2538 : memref<16x128xf32, #tpu.memory_space<vmem>>)
        %dma_wait3A_2542 = arith.constant 9 : i32
        %dma_wait3A_2543 = arith.constant 0 : i32
        %dma_wait3A_2544 = arith.constant 0 : i32
        %dma_wait3A_2545 = tpu.memref_slice %run_scoped3A_2[%dma_wait3A_2542, %dma_wait3A_2543, %dma_wait3A_2544] : memref<16x16x128xf32, #tpu.memory_space<vmem>> -> memref<1x16x128xf32, #tpu.memory_space<vmem>>
        %dma_wait3A_2546 = tpu.memref_squeeze %dma_wait3A_2545 : memref<1x16x128xf32, #tpu.memory_space<vmem>> -> memref<16x128xf32, #tpu.memory_space<vmem>>
        %dma_wait3A_2547 = arith.constant 0 : i32
        %dma_wait3A_2548 = arith.constant 0 : i32
        %dma_wait3A_2549 = tpu.memref_slice %arg4[%dma_wait3A_2547, %dma_wait3A_2548] : memref<16x1000000xf32, #tpu.memory_space<hbm>> -> memref<16x128xf32, #tpu.memory_space<hbm>>
        %dma_wait3A_2550 = arith.constant 0 : i32
        %dma_wait3A_2551 = arith.constant 0 : i32
        %dma_wait3A_2552 = tpu.memref_slice %run_scoped3A_2[%dma_wait3A_2542, %dma_wait3A_2550, %dma_wait3A_2551] : memref<16x16x128xf32, #tpu.memory_space<vmem>> -> memref<1x16x128xf32, #tpu.memory_space<vmem>>
        %dma_wait3A_2553 = tpu.memref_squeeze %dma_wait3A_2552 : memref<1x16x128xf32, #tpu.memory_space<vmem>> -> memref<16x128xf32, #tpu.memory_space<vmem>>
        %dma_wait3A_2554 = arith.constant 0 : i32
        %dma_wait3A_2555 = arith.constant 0 : i32
        %dma_wait3A_2556 = tpu.memref_slice %arg4[%dma_wait3A_2554, %dma_wait3A_2555] : memref<16x1000000xf32, #tpu.memory_space<hbm>> -> memref<16x128xf32, #tpu.memory_space<hbm>>
        tpu.wait_dma2 semaphore(%run_scoped3A_6 : memref<!tpu.dma_semaphore, #tpu.memory_space<semaphore_mem>>) src(%dma_wait3A_2556 : memref<16x128xf32, #tpu.memory_space<hbm>>) dst(%dma_wait3A_2553 : memref<16x128xf32, #tpu.memory_space<vmem>>)
        %dma_wait3A_2557 = arith.constant 10 : i32
        %dma_wait3A_2558 = arith.constant 0 : i32
        %dma_wait3A_2559 = arith.constant 0 : i32
        %dma_wait3A_2560 = tpu.memref_slice %run_scoped3A_2[%dma_wait3A_2557, %dma_wait3A_2558, %dma_wait3A_2559] : memref<16x16x128xf32, #tpu.memory_space<vmem>> -> memref<1x16x128xf32, #tpu.memory_space<vmem>>
        %dma_wait3A_2561 = tpu.memref_squeeze %dma_wait3A_2560 : memref<1x16x128xf32, #tpu.memory_space<vmem>> -> memref<16x128xf32, #tpu.memory_space<vmem>>
        %dma_wait3A_2562 = arith.constant 0 : i32
        %dma_wait3A_2563 = arith.constant 0 : i32
        %dma_wait3A_2564 = tpu.memref_slice %arg4[%dma_wait3A_2562, %dma_wait3A_2563] : memref<16x1000000xf32, #tpu.memory_space<hbm>> -> memref<16x128xf32, #tpu.memory_space<hbm>>
        %dma_wait3A_2565 = arith.constant 0 : i32
        %dma_wait3A_2566 = arith.constant 0 : i32
        %dma_wait3A_2567 = tpu.memref_slice %run_scoped3A_2[%dma_wait3A_2557, %dma_wait3A_2565, %dma_wait3A_2566] : memref<16x16x128xf32, #tpu.memory_space<vmem>> -> memref<1x16x128xf32, #tpu.memory_space<vmem>>
        %dma_wait3A_2568 = tpu.memref_squeeze %dma_wait3A_2567 : memref<1x16x128xf32, #tpu.memory_space<vmem>> -> memref<16x128xf32, #tpu.memory_space<vmem>>
        %dma_wait3A_2569 = arith.constant 0 : i32
        %dma_wait3A_2570 = arith.constant 0 : i32
        %dma_wait3A_2571 = tpu.memref_slice %arg4[%dma_wait3A_2569, %dma_wait3A_2570] : memref<16x1000000xf32, #tpu.memory_space<hbm>> -> memref<16x128xf32, #tpu.memory_space<hbm>>
        tpu.wait_dma2 semaphore(%run_scoped3A_6 : memref<!tpu.dma_semaphore, #tpu.memory_space<semaphore_mem>>) src(%dma_wait3A_2571 : memref<16x128xf32, #tpu.memory_space<hbm>>) dst(%dma_wait3A_2568 : memref<16x128xf32, #tpu.memory_space<vmem>>)
        %dma_wait3A_2572 = arith.constant 11 : i32
        %dma_wait3A_2573 = arith.constant 0 : i32
        %dma_wait3A_2574 = arith.constant 0 : i32
        %dma_wait3A_2575 = tpu.memref_slice %run_scoped3A_2[%dma_wait3A_2572, %dma_wait3A_2573, %dma_wait3A_2574] : memref<16x16x128xf32, #tpu.memory_space<vmem>> -> memref<1x16x128xf32, #tpu.memory_space<vmem>>
        %dma_wait3A_2576 = tpu.memref_squeeze %dma_wait3A_2575 : memref<1x16x128xf32, #tpu.memory_space<vmem>> -> memref<16x128xf32, #tpu.memory_space<vmem>>
        %dma_wait3A_2577 = arith.constant 0 : i32
        %dma_wait3A_2578 = arith.constant 0 : i32
        %dma_wait3A_2579 = tpu.memref_slice %arg4[%dma_wait3A_2577, %dma_wait3A_2578] : memref<16x1000000xf32, #tpu.memory_space<hbm>> -> memref<16x128xf32, #tpu.memory_space<hbm>>
        %dma_wait3A_2580 = arith.constant 0 : i32
        %dma_wait3A_2581 = arith.constant 0 : i32
        %dma_wait3A_2582 = tpu.memref_slice %run_scoped3A_2[%dma_wait3A_2572, %dma_wait3A_2580, %dma_wait3A_2581] : memref<16x16x128xf32, #tpu.memory_space<vmem>> -> memref<1x16x128xf32, #tpu.memory_space<vmem>>
        %dma_wait3A_2583 = tpu.memref_squeeze %dma_wait3A_2582 : memref<1x16x128xf32, #tpu.memory_space<vmem>> -> memref<16x128xf32, #tpu.memory_space<vmem>>
        %dma_wait3A_2584 = arith.constant 0 : i32
        %dma_wait3A_2585 = arith.constant 0 : i32
        %dma_wait3A_2586 = tpu.memref_slice %arg4[%dma_wait3A_2584, %dma_wait3A_2585] : memref<16x1000000xf32, #tpu.memory_space<hbm>> -> memref<16x128xf32, #tpu.memory_space<hbm>>
        tpu.wait_dma2 semaphore(%run_scoped3A_6 : memref<!tpu.dma_semaphore, #tpu.memory_space<semaphore_mem>>) src(%dma_wait3A_2586 : memref<16x128xf32, #tpu.memory_space<hbm>>) dst(%dma_wait3A_2583 : memref<16x128xf32, #tpu.memory_space<vmem>>)
        %dma_wait3A_2587 = arith.constant 12 : i32
        %dma_wait3A_2588 = arith.constant 0 : i32
        %dma_wait3A_2589 = arith.constant 0 : i32
        %dma_wait3A_2590 = tpu.memref_slice %run_scoped3A_2[%dma_wait3A_2587, %dma_wait3A_2588, %dma_wait3A_2589] : memref<16x16x128xf32, #tpu.memory_space<vmem>> -> memref<1x16x128xf32, #tpu.memory_space<vmem>>
        %dma_wait3A_2591 = tpu.memref_squeeze %dma_wait3A_2590 : memref<1x16x128xf32, #tpu.memory_space<vmem>> -> memref<16x128xf32, #tpu.memory_space<vmem>>
        %dma_wait3A_2592 = arith.constant 0 : i32
        %dma_wait3A_2593 = arith.constant 0 : i32
        %dma_wait3A_2594 = tpu.memref_slice %arg4[%dma_wait3A_2592, %dma_wait3A_2593] : memref<16x1000000xf32, #tpu.memory_space<hbm>> -> memref<16x128xf32, #tpu.memory_space<hbm>>
        %dma_wait3A_2595 = arith.constant 0 : i32
        %dma_wait3A_2596 = arith.constant 0 : i32
        %dma_wait3A_2597 = tpu.memref_slice %run_scoped3A_2[%dma_wait3A_2587, %dma_wait3A_2595, %dma_wait3A_2596] : memref<16x16x128xf32, #tpu.memory_space<vmem>> -> memref<1x16x128xf32, #tpu.memory_space<vmem>>
        %dma_wait3A_2598 = tpu.memref_squeeze %dma_wait3A_2597 : memref<1x16x128xf32, #tpu.memory_space<vmem>> -> memref<16x128xf32, #tpu.memory_space<vmem>>
        %dma_wait3A_2599 = arith.constant 0 : i32
        %dma_wait3A_2600 = arith.constant 0 : i32
        %dma_wait3A_2601 = tpu.memref_slice %arg4[%dma_wait3A_2599, %dma_wait3A_2600] : memref<16x1000000xf32, #tpu.memory_space<hbm>> -> memref<16x128xf32, #tpu.memory_space<hbm>>
        tpu.wait_dma2 semaphore(%run_scoped3A_6 : memref<!tpu.dma_semaphore, #tpu.memory_space<semaphore_mem>>) src(%dma_wait3A_2601 : memref<16x128xf32, #tpu.memory_space<hbm>>) dst(%dma_wait3A_2598 : memref<16x128xf32, #tpu.memory_space<vmem>>)
        %dma_wait3A_2602 = arith.constant 13 : i32
        %dma_wait3A_2603 = arith.constant 0 : i32
        %dma_wait3A_2604 = arith.constant 0 : i32
        %dma_wait3A_2605 = tpu.memref_slice %run_scoped3A_2[%dma_wait3A_2602, %dma_wait3A_2603, %dma_wait3A_2604] : memref<16x16x128xf32, #tpu.memory_space<vmem>> -> memref<1x16x128xf32, #tpu.memory_space<vmem>>
        %dma_wait3A_2606 = tpu.memref_squeeze %dma_wait3A_2605 : memref<1x16x128xf32, #tpu.memory_space<vmem>> -> memref<16x128xf32, #tpu.memory_space<vmem>>
        %dma_wait3A_2607 = arith.constant 0 : i32
        %dma_wait3A_2608 = arith.constant 0 : i32
        %dma_wait3A_2609 = tpu.memref_slice %arg4[%dma_wait3A_2607, %dma_wait3A_2608] : memref<16x1000000xf32, #tpu.memory_space<hbm>> -> memref<16x128xf32, #tpu.memory_space<hbm>>
        %dma_wait3A_2610 = arith.constant 0 : i32
        %dma_wait3A_2611 = arith.constant 0 : i32
        %dma_wait3A_2612 = tpu.memref_slice %run_scoped3A_2[%dma_wait3A_2602, %dma_wait3A_2610, %dma_wait3A_2611] : memref<16x16x128xf32, #tpu.memory_space<vmem>> -> memref<1x16x128xf32, #tpu.memory_space<vmem>>
        %dma_wait3A_2613 = tpu.memref_squeeze %dma_wait3A_2612 : memref<1x16x128xf32, #tpu.memory_space<vmem>> -> memref<16x128xf32, #tpu.memory_space<vmem>>
        %dma_wait3A_2614 = arith.constant 0 : i32
        %dma_wait3A_2615 = arith.constant 0 : i32
        %dma_wait3A_2616 = tpu.memref_slice %arg4[%dma_wait3A_2614, %dma_wait3A_2615] : memref<16x1000000xf32, #tpu.memory_space<hbm>> -> memref<16x128xf32, #tpu.memory_space<hbm>>
        tpu.wait_dma2 semaphore(%run_scoped3A_6 : memref<!tpu.dma_semaphore, #tpu.memory_space<semaphore_mem>>) src(%dma_wait3A_2616 : memref<16x128xf32, #tpu.memory_space<hbm>>) dst(%dma_wait3A_2613 : memref<16x128xf32, #tpu.memory_space<vmem>>)
        %dma_wait3A_2617 = arith.constant 14 : i32
        %dma_wait3A_2618 = arith.constant 0 : i32
        %dma_wait3A_2619 = arith.constant 0 : i32
        %dma_wait3A_2620 = tpu.memref_slice %run_scoped3A_2[%dma_wait3A_2617, %dma_wait3A_2618, %dma_wait3A_2619] : memref<16x16x128xf32, #tpu.memory_space<vmem>> -> memref<1x16x128xf32, #tpu.memory_space<vmem>>
        %dma_wait3A_2621 = tpu.memref_squeeze %dma_wait3A_2620 : memref<1x16x128xf32, #tpu.memory_space<vmem>> -> memref<16x128xf32, #tpu.memory_space<vmem>>
        %dma_wait3A_2622 = arith.constant 0 : i32
        %dma_wait3A_2623 = arith.constant 0 : i32
        %dma_wait3A_2624 = tpu.memref_slice %arg4[%dma_wait3A_2622, %dma_wait3A_2623] : memref<16x1000000xf32, #tpu.memory_space<hbm>> -> memref<16x128xf32, #tpu.memory_space<hbm>>
        %dma_wait3A_2625 = arith.constant 0 : i32
        %dma_wait3A_2626 = arith.constant 0 : i32
        %dma_wait3A_2627 = tpu.memref_slice %run_scoped3A_2[%dma_wait3A_2617, %dma_wait3A_2625, %dma_wait3A_2626] : memref<16x16x128xf32, #tpu.memory_space<vmem>> -> memref<1x16x128xf32, #tpu.memory_space<vmem>>
        %dma_wait3A_2628 = tpu.memref_squeeze %dma_wait3A_2627 : memref<1x16x128xf32, #tpu.memory_space<vmem>> -> memref<16x128xf32, #tpu.memory_space<vmem>>
        %dma_wait3A_2629 = arith.constant 0 : i32
        %dma_wait3A_2630 = arith.constant 0 : i32
        %dma_wait3A_2631 = tpu.memref_slice %arg4[%dma_wait3A_2629, %dma_wait3A_2630] : memref<16x1000000xf32, #tpu.memory_space<hbm>> -> memref<16x128xf32, #tpu.memory_space<hbm>>
        tpu.wait_dma2 semaphore(%run_scoped3A_6 : memref<!tpu.dma_semaphore, #tpu.memory_space<semaphore_mem>>) src(%dma_wait3A_2631 : memref<16x128xf32, #tpu.memory_space<hbm>>) dst(%dma_wait3A_2628 : memref<16x128xf32, #tpu.memory_space<vmem>>)
        %dma_wait3A_2632 = arith.constant 15 : i32
        %dma_wait3A_2633 = arith.constant 0 : i32
        %dma_wait3A_2634 = arith.constant 0 : i32
        %dma_wait3A_2635 = tpu.memref_slice %run_scoped3A_2[%dma_wait3A_2632, %dma_wait3A_2633, %dma_wait3A_2634] : memref<16x16x128xf32, #tpu.memory_space<vmem>> -> memref<1x16x128xf32, #tpu.memory_space<vmem>>
        %dma_wait3A_2636 = tpu.memref_squeeze %dma_wait3A_2635 : memref<1x16x128xf32, #tpu.memory_space<vmem>> -> memref<16x128xf32, #tpu.memory_space<vmem>>
        %dma_wait3A_2637 = arith.constant 0 : i32
        %dma_wait3A_2638 = arith.constant 0 : i32
        %dma_wait3A_2639 = tpu.memref_slice %arg4[%dma_wait3A_2637, %dma_wait3A_2638] : memref<16x1000000xf32, #tpu.memory_space<hbm>> -> memref<16x128xf32, #tpu.memory_space<hbm>>
        %dma_wait3A_2640 = arith.constant 0 : i32
        %dma_wait3A_2641 = arith.constant 0 : i32
        %dma_wait3A_2642 = tpu.memref_slice %run_scoped3A_2[%dma_wait3A_2632, %dma_wait3A_2640, %dma_wait3A_2641] : memref<16x16x128xf32, #tpu.memory_space<vmem>> -> memref<1x16x128xf32, #tpu.memory_space<vmem>>
        %dma_wait3A_2643 = tpu.memref_squeeze %dma_wait3A_2642 : memref<1x16x128xf32, #tpu.memory_space<vmem>> -> memref<16x128xf32, #tpu.memory_space<vmem>>
        %dma_wait3A_2644 = arith.constant 0 : i32
        %dma_wait3A_2645 = arith.constant 0 : i32
        %dma_wait3A_2646 = tpu.memref_slice %arg4[%dma_wait3A_2644, %dma_wait3A_2645] : memref<16x1000000xf32, #tpu.memory_space<hbm>> -> memref<16x128xf32, #tpu.memory_space<hbm>>
        tpu.wait_dma2 semaphore(%run_scoped3A_6 : memref<!tpu.dma_semaphore, #tpu.memory_space<semaphore_mem>>) src(%dma_wait3A_2646 : memref<16x128xf32, #tpu.memory_space<hbm>>) dst(%dma_wait3A_2643 : memref<16x128xf32, #tpu.memory_space<vmem>>)
        %dma_wait3A_2647 = arith.constant 0 : i32
        %dma_wait3A_2648 = arith.constant 0 : i32
        %dma_wait3A_2649 = arith.constant 0 : i32
        %dma_wait3A_2650 = tpu.memref_slice %run_scoped3A_3[%dma_wait3A_2647, %dma_wait3A_2648, %dma_wait3A_2649] : memref<16x16x128xf32, #tpu.memory_space<vmem>> -> memref<1x16x128xf32, #tpu.memory_space<vmem>>
        %dma_wait3A_2651 = tpu.memref_squeeze %dma_wait3A_2650 : memref<1x16x128xf32, #tpu.memory_space<vmem>> -> memref<16x128xf32, #tpu.memory_space<vmem>>
        %dma_wait3A_2652 = arith.constant 0 : i32
        %dma_wait3A_2653 = tpu.memref_slice %arg5[%dma_wait3A_2652, %multiple_of3A_2153] : memref<16x1000000xf32, #tpu.memory_space<hbm>> -> memref<16x128xf32, #tpu.memory_space<hbm>>
        %dma_wait3A_2654 = arith.constant 0 : i32
        %dma_wait3A_2655 = arith.constant 0 : i32
        %dma_wait3A_2656 = tpu.memref_slice %run_scoped3A_3[%dma_wait3A_2647, %dma_wait3A_2654, %dma_wait3A_2655] : memref<16x16x128xf32, #tpu.memory_space<vmem>> -> memref<1x16x128xf32, #tpu.memory_space<vmem>>
        %dma_wait3A_2657 = tpu.memref_squeeze %dma_wait3A_2656 : memref<1x16x128xf32, #tpu.memory_space<vmem>> -> memref<16x128xf32, #tpu.memory_space<vmem>>
        %dma_wait3A_2658 = arith.constant 0 : i32
        %dma_wait3A_2659 = tpu.memref_slice %arg5[%dma_wait3A_2658, %multiple_of3A_2153] : memref<16x1000000xf32, #tpu.memory_space<hbm>> -> memref<16x128xf32, #tpu.memory_space<hbm>>
        tpu.wait_dma2 semaphore(%run_scoped3A_7 : memref<!tpu.dma_semaphore, #tpu.memory_space<semaphore_mem>>) src(%dma_wait3A_2659 : memref<16x128xf32, #tpu.memory_space<hbm>>) dst(%dma_wait3A_2657 : memref<16x128xf32, #tpu.memory_space<vmem>>)
        %dma_wait3A_2660 = arith.constant 1 : i32
        %dma_wait3A_2661 = arith.constant 0 : i32
        %dma_wait3A_2662 = arith.constant 0 : i32
        %dma_wait3A_2663 = tpu.memref_slice %run_scoped3A_3[%dma_wait3A_2660, %dma_wait3A_2661, %dma_wait3A_2662] : memref<16x16x128xf32, #tpu.memory_space<vmem>> -> memref<1x16x128xf32, #tpu.memory_space<vmem>>
        %dma_wait3A_2664 = tpu.memref_squeeze %dma_wait3A_2663 : memref<1x16x128xf32, #tpu.memory_space<vmem>> -> memref<16x128xf32, #tpu.memory_space<vmem>>
        %dma_wait3A_2665 = arith.constant 0 : i32
        %dma_wait3A_2666 = tpu.memref_slice %arg5[%dma_wait3A_2665, %multiple_of3A_2169] : memref<16x1000000xf32, #tpu.memory_space<hbm>> -> memref<16x128xf32, #tpu.memory_space<hbm>>
        %dma_wait3A_2667 = arith.constant 0 : i32
        %dma_wait3A_2668 = arith.constant 0 : i32
        %dma_wait3A_2669 = tpu.memref_slice %run_scoped3A_3[%dma_wait3A_2660, %dma_wait3A_2667, %dma_wait3A_2668] : memref<16x16x128xf32, #tpu.memory_space<vmem>> -> memref<1x16x128xf32, #tpu.memory_space<vmem>>
        %dma_wait3A_2670 = tpu.memref_squeeze %dma_wait3A_2669 : memref<1x16x128xf32, #tpu.memory_space<vmem>> -> memref<16x128xf32, #tpu.memory_space<vmem>>
        %dma_wait3A_2671 = arith.constant 0 : i32
        %dma_wait3A_2672 = tpu.memref_slice %arg5[%dma_wait3A_2671, %multiple_of3A_2169] : memref<16x1000000xf32, #tpu.memory_space<hbm>> -> memref<16x128xf32, #tpu.memory_space<hbm>>
        tpu.wait_dma2 semaphore(%run_scoped3A_7 : memref<!tpu.dma_semaphore, #tpu.memory_space<semaphore_mem>>) src(%dma_wait3A_2672 : memref<16x128xf32, #tpu.memory_space<hbm>>) dst(%dma_wait3A_2670 : memref<16x128xf32, #tpu.memory_space<vmem>>)
        %dma_wait3A_2673 = arith.constant 2 : i32
        %dma_wait3A_2674 = arith.constant 0 : i32
        %dma_wait3A_2675 = arith.constant 0 : i32
        %dma_wait3A_2676 = tpu.memref_slice %run_scoped3A_3[%dma_wait3A_2673, %dma_wait3A_2674, %dma_wait3A_2675] : memref<16x16x128xf32, #tpu.memory_space<vmem>> -> memref<1x16x128xf32, #tpu.memory_space<vmem>>
        %dma_wait3A_2677 = tpu.memref_squeeze %dma_wait3A_2676 : memref<1x16x128xf32, #tpu.memory_space<vmem>> -> memref<16x128xf32, #tpu.memory_space<vmem>>
        %dma_wait3A_2678 = arith.constant 0 : i32
        %dma_wait3A_2679 = tpu.memref_slice %arg5[%dma_wait3A_2678, %multiple_of3A_2185] : memref<16x1000000xf32, #tpu.memory_space<hbm>> -> memref<16x128xf32, #tpu.memory_space<hbm>>
        %dma_wait3A_2680 = arith.constant 0 : i32
        %dma_wait3A_2681 = arith.constant 0 : i32
        %dma_wait3A_2682 = tpu.memref_slice %run_scoped3A_3[%dma_wait3A_2673, %dma_wait3A_2680, %dma_wait3A_2681] : memref<16x16x128xf32, #tpu.memory_space<vmem>> -> memref<1x16x128xf32, #tpu.memory_space<vmem>>
        %dma_wait3A_2683 = tpu.memref_squeeze %dma_wait3A_2682 : memref<1x16x128xf32, #tpu.memory_space<vmem>> -> memref<16x128xf32, #tpu.memory_space<vmem>>
        %dma_wait3A_2684 = arith.constant 0 : i32
        %dma_wait3A_2685 = tpu.memref_slice %arg5[%dma_wait3A_2684, %multiple_of3A_2185] : memref<16x1000000xf32, #tpu.memory_space<hbm>> -> memref<16x128xf32, #tpu.memory_space<hbm>>
        tpu.wait_dma2 semaphore(%run_scoped3A_7 : memref<!tpu.dma_semaphore, #tpu.memory_space<semaphore_mem>>) src(%dma_wait3A_2685 : memref<16x128xf32, #tpu.memory_space<hbm>>) dst(%dma_wait3A_2683 : memref<16x128xf32, #tpu.memory_space<vmem>>)
        %dma_wait3A_2686 = arith.constant 3 : i32
        %dma_wait3A_2687 = arith.constant 0 : i32
        %dma_wait3A_2688 = arith.constant 0 : i32
        %dma_wait3A_2689 = tpu.memref_slice %run_scoped3A_3[%dma_wait3A_2686, %dma_wait3A_2687, %dma_wait3A_2688] : memref<16x16x128xf32, #tpu.memory_space<vmem>> -> memref<1x16x128xf32, #tpu.memory_space<vmem>>
        %dma_wait3A_2690 = tpu.memref_squeeze %dma_wait3A_2689 : memref<1x16x128xf32, #tpu.memory_space<vmem>> -> memref<16x128xf32, #tpu.memory_space<vmem>>
        %dma_wait3A_2691 = arith.constant 0 : i32
        %dma_wait3A_2692 = tpu.memref_slice %arg5[%dma_wait3A_2691, %multiple_of3A_2201] : memref<16x1000000xf32, #tpu.memory_space<hbm>> -> memref<16x128xf32, #tpu.memory_space<hbm>>
        %dma_wait3A_2693 = arith.constant 0 : i32
        %dma_wait3A_2694 = arith.constant 0 : i32
        %dma_wait3A_2695 = tpu.memref_slice %run_scoped3A_3[%dma_wait3A_2686, %dma_wait3A_2693, %dma_wait3A_2694] : memref<16x16x128xf32, #tpu.memory_space<vmem>> -> memref<1x16x128xf32, #tpu.memory_space<vmem>>
        %dma_wait3A_2696 = tpu.memref_squeeze %dma_wait3A_2695 : memref<1x16x128xf32, #tpu.memory_space<vmem>> -> memref<16x128xf32, #tpu.memory_space<vmem>>
        %dma_wait3A_2697 = arith.constant 0 : i32
        %dma_wait3A_2698 = tpu.memref_slice %arg5[%dma_wait3A_2697, %multiple_of3A_2201] : memref<16x1000000xf32, #tpu.memory_space<hbm>> -> memref<16x128xf32, #tpu.memory_space<hbm>>
        tpu.wait_dma2 semaphore(%run_scoped3A_7 : memref<!tpu.dma_semaphore, #tpu.memory_space<semaphore_mem>>) src(%dma_wait3A_2698 : memref<16x128xf32, #tpu.memory_space<hbm>>) dst(%dma_wait3A_2696 : memref<16x128xf32, #tpu.memory_space<vmem>>)
        %dma_wait3A_2699 = arith.constant 4 : i32
        %dma_wait3A_2700 = arith.constant 0 : i32
        %dma_wait3A_2701 = arith.constant 0 : i32
        %dma_wait3A_2702 = tpu.memref_slice %run_scoped3A_3[%dma_wait3A_2699, %dma_wait3A_2700, %dma_wait3A_2701] : memref<16x16x128xf32, #tpu.memory_space<vmem>> -> memref<1x16x128xf32, #tpu.memory_space<vmem>>
        %dma_wait3A_2703 = tpu.memref_squeeze %dma_wait3A_2702 : memref<1x16x128xf32, #tpu.memory_space<vmem>> -> memref<16x128xf32, #tpu.memory_space<vmem>>
        %dma_wait3A_2704 = arith.constant 0 : i32
        %dma_wait3A_2705 = tpu.memref_slice %arg5[%dma_wait3A_2704, %multiple_of3A_2217] : memref<16x1000000xf32, #tpu.memory_space<hbm>> -> memref<16x128xf32, #tpu.memory_space<hbm>>
        %dma_wait3A_2706 = arith.constant 0 : i32
        %dma_wait3A_2707 = arith.constant 0 : i32
        %dma_wait3A_2708 = tpu.memref_slice %run_scoped3A_3[%dma_wait3A_2699, %dma_wait3A_2706, %dma_wait3A_2707] : memref<16x16x128xf32, #tpu.memory_space<vmem>> -> memref<1x16x128xf32, #tpu.memory_space<vmem>>
        %dma_wait3A_2709 = tpu.memref_squeeze %dma_wait3A_2708 : memref<1x16x128xf32, #tpu.memory_space<vmem>> -> memref<16x128xf32, #tpu.memory_space<vmem>>
        %dma_wait3A_2710 = arith.constant 0 : i32
        %dma_wait3A_2711 = tpu.memref_slice %arg5[%dma_wait3A_2710, %multiple_of3A_2217] : memref<16x1000000xf32, #tpu.memory_space<hbm>> -> memref<16x128xf32, #tpu.memory_space<hbm>>
        tpu.wait_dma2 semaphore(%run_scoped3A_7 : memref<!tpu.dma_semaphore, #tpu.memory_space<semaphore_mem>>) src(%dma_wait3A_2711 : memref<16x128xf32, #tpu.memory_space<hbm>>) dst(%dma_wait3A_2709 : memref<16x128xf32, #tpu.memory_space<vmem>>)
        %dma_wait3A_2712 = arith.constant 5 : i32
        %dma_wait3A_2713 = arith.constant 0 : i32
        %dma_wait3A_2714 = arith.constant 0 : i32
        %dma_wait3A_2715 = tpu.memref_slice %run_scoped3A_3[%dma_wait3A_2712, %dma_wait3A_2713, %dma_wait3A_2714] : memref<16x16x128xf32, #tpu.memory_space<vmem>> -> memref<1x16x128xf32, #tpu.memory_space<vmem>>
        %dma_wait3A_2716 = tpu.memref_squeeze %dma_wait3A_2715 : memref<1x16x128xf32, #tpu.memory_space<vmem>> -> memref<16x128xf32, #tpu.memory_space<vmem>>
        %dma_wait3A_2717 = arith.constant 0 : i32
        %dma_wait3A_2718 = tpu.memref_slice %arg5[%dma_wait3A_2717, %multiple_of3A_2233] : memref<16x1000000xf32, #tpu.memory_space<hbm>> -> memref<16x128xf32, #tpu.memory_space<hbm>>
        %dma_wait3A_2719 = arith.constant 0 : i32
        %dma_wait3A_2720 = arith.constant 0 : i32
        %dma_wait3A_2721 = tpu.memref_slice %run_scoped3A_3[%dma_wait3A_2712, %dma_wait3A_2719, %dma_wait3A_2720] : memref<16x16x128xf32, #tpu.memory_space<vmem>> -> memref<1x16x128xf32, #tpu.memory_space<vmem>>
        %dma_wait3A_2722 = tpu.memref_squeeze %dma_wait3A_2721 : memref<1x16x128xf32, #tpu.memory_space<vmem>> -> memref<16x128xf32, #tpu.memory_space<vmem>>
        %dma_wait3A_2723 = arith.constant 0 : i32
        %dma_wait3A_2724 = tpu.memref_slice %arg5[%dma_wait3A_2723, %multiple_of3A_2233] : memref<16x1000000xf32, #tpu.memory_space<hbm>> -> memref<16x128xf32, #tpu.memory_space<hbm>>
        tpu.wait_dma2 semaphore(%run_scoped3A_7 : memref<!tpu.dma_semaphore, #tpu.memory_space<semaphore_mem>>) src(%dma_wait3A_2724 : memref<16x128xf32, #tpu.memory_space<hbm>>) dst(%dma_wait3A_2722 : memref<16x128xf32, #tpu.memory_space<vmem>>)
        %dma_wait3A_2725 = arith.constant 6 : i32
        %dma_wait3A_2726 = arith.constant 0 : i32
        %dma_wait3A_2727 = arith.constant 0 : i32
        %dma_wait3A_2728 = tpu.memref_slice %run_scoped3A_3[%dma_wait3A_2725, %dma_wait3A_2726, %dma_wait3A_2727] : memref<16x16x128xf32, #tpu.memory_space<vmem>> -> memref<1x16x128xf32, #tpu.memory_space<vmem>>
        %dma_wait3A_2729 = tpu.memref_squeeze %dma_wait3A_2728 : memref<1x16x128xf32, #tpu.memory_space<vmem>> -> memref<16x128xf32, #tpu.memory_space<vmem>>
        %dma_wait3A_2730 = arith.constant 0 : i32
        %dma_wait3A_2731 = tpu.memref_slice %arg5[%dma_wait3A_2730, %multiple_of3A_2249] : memref<16x1000000xf32, #tpu.memory_space<hbm>> -> memref<16x128xf32, #tpu.memory_space<hbm>>
        %dma_wait3A_2732 = arith.constant 0 : i32
        %dma_wait3A_2733 = arith.constant 0 : i32
        %dma_wait3A_2734 = tpu.memref_slice %run_scoped3A_3[%dma_wait3A_2725, %dma_wait3A_2732, %dma_wait3A_2733] : memref<16x16x128xf32, #tpu.memory_space<vmem>> -> memref<1x16x128xf32, #tpu.memory_space<vmem>>
        %dma_wait3A_2735 = tpu.memref_squeeze %dma_wait3A_2734 : memref<1x16x128xf32, #tpu.memory_space<vmem>> -> memref<16x128xf32, #tpu.memory_space<vmem>>
        %dma_wait3A_2736 = arith.constant 0 : i32
        %dma_wait3A_2737 = tpu.memref_slice %arg5[%dma_wait3A_2736, %multiple_of3A_2249] : memref<16x1000000xf32, #tpu.memory_space<hbm>> -> memref<16x128xf32, #tpu.memory_space<hbm>>
        tpu.wait_dma2 semaphore(%run_scoped3A_7 : memref<!tpu.dma_semaphore, #tpu.memory_space<semaphore_mem>>) src(%dma_wait3A_2737 : memref<16x128xf32, #tpu.memory_space<hbm>>) dst(%dma_wait3A_2735 : memref<16x128xf32, #tpu.memory_space<vmem>>)
        %dma_wait3A_2738 = arith.constant 7 : i32
        %dma_wait3A_2739 = arith.constant 0 : i32
        %dma_wait3A_2740 = arith.constant 0 : i32
        %dma_wait3A_2741 = tpu.memref_slice %run_scoped3A_3[%dma_wait3A_2738, %dma_wait3A_2739, %dma_wait3A_2740] : memref<16x16x128xf32, #tpu.memory_space<vmem>> -> memref<1x16x128xf32, #tpu.memory_space<vmem>>
        %dma_wait3A_2742 = tpu.memref_squeeze %dma_wait3A_2741 : memref<1x16x128xf32, #tpu.memory_space<vmem>> -> memref<16x128xf32, #tpu.memory_space<vmem>>
        %dma_wait3A_2743 = arith.constant 0 : i32
        %dma_wait3A_2744 = tpu.memref_slice %arg5[%dma_wait3A_2743, %multiple_of3A_2265] : memref<16x1000000xf32, #tpu.memory_space<hbm>> -> memref<16x128xf32, #tpu.memory_space<hbm>>
        %dma_wait3A_2745 = arith.constant 0 : i32
        %dma_wait3A_2746 = arith.constant 0 : i32
        %dma_wait3A_2747 = tpu.memref_slice %run_scoped3A_3[%dma_wait3A_2738, %dma_wait3A_2745, %dma_wait3A_2746] : memref<16x16x128xf32, #tpu.memory_space<vmem>> -> memref<1x16x128xf32, #tpu.memory_space<vmem>>
        %dma_wait3A_2748 = tpu.memref_squeeze %dma_wait3A_2747 : memref<1x16x128xf32, #tpu.memory_space<vmem>> -> memref<16x128xf32, #tpu.memory_space<vmem>>
        %dma_wait3A_2749 = arith.constant 0 : i32
        %dma_wait3A_2750 = tpu.memref_slice %arg5[%dma_wait3A_2749, %multiple_of3A_2265] : memref<16x1000000xf32, #tpu.memory_space<hbm>> -> memref<16x128xf32, #tpu.memory_space<hbm>>
        tpu.wait_dma2 semaphore(%run_scoped3A_7 : memref<!tpu.dma_semaphore, #tpu.memory_space<semaphore_mem>>) src(%dma_wait3A_2750 : memref<16x128xf32, #tpu.memory_space<hbm>>) dst(%dma_wait3A_2748 : memref<16x128xf32, #tpu.memory_space<vmem>>)
        %dma_wait3A_2751 = arith.constant 8 : i32
        %dma_wait3A_2752 = arith.constant 0 : i32
        %dma_wait3A_2753 = arith.constant 0 : i32
        %dma_wait3A_2754 = tpu.memref_slice %run_scoped3A_3[%dma_wait3A_2751, %dma_wait3A_2752, %dma_wait3A_2753] : memref<16x16x128xf32, #tpu.memory_space<vmem>> -> memref<1x16x128xf32, #tpu.memory_space<vmem>>
        %dma_wait3A_2755 = tpu.memref_squeeze %dma_wait3A_2754 : memref<1x16x128xf32, #tpu.memory_space<vmem>> -> memref<16x128xf32, #tpu.memory_space<vmem>>
        %dma_wait3A_2756 = arith.constant 0 : i32
        %dma_wait3A_2757 = tpu.memref_slice %arg5[%dma_wait3A_2756, %multiple_of3A_2281] : memref<16x1000000xf32, #tpu.memory_space<hbm>> -> memref<16x128xf32, #tpu.memory_space<hbm>>
        %dma_wait3A_2758 = arith.constant 0 : i32
        %dma_wait3A_2759 = arith.constant 0 : i32
        %dma_wait3A_2760 = tpu.memref_slice %run_scoped3A_3[%dma_wait3A_2751, %dma_wait3A_2758, %dma_wait3A_2759] : memref<16x16x128xf32, #tpu.memory_space<vmem>> -> memref<1x16x128xf32, #tpu.memory_space<vmem>>
        %dma_wait3A_2761 = tpu.memref_squeeze %dma_wait3A_2760 : memref<1x16x128xf32, #tpu.memory_space<vmem>> -> memref<16x128xf32, #tpu.memory_space<vmem>>
        %dma_wait3A_2762 = arith.constant 0 : i32
        %dma_wait3A_2763 = tpu.memref_slice %arg5[%dma_wait3A_2762, %multiple_of3A_2281] : memref<16x1000000xf32, #tpu.memory_space<hbm>> -> memref<16x128xf32, #tpu.memory_space<hbm>>
        tpu.wait_dma2 semaphore(%run_scoped3A_7 : memref<!tpu.dma_semaphore, #tpu.memory_space<semaphore_mem>>) src(%dma_wait3A_2763 : memref<16x128xf32, #tpu.memory_space<hbm>>) dst(%dma_wait3A_2761 : memref<16x128xf32, #tpu.memory_space<vmem>>)
        %dma_wait3A_2764 = arith.constant 9 : i32
        %dma_wait3A_2765 = arith.constant 0 : i32
        %dma_wait3A_2766 = arith.constant 0 : i32
        %dma_wait3A_2767 = tpu.memref_slice %run_scoped3A_3[%dma_wait3A_2764, %dma_wait3A_2765, %dma_wait3A_2766] : memref<16x16x128xf32, #tpu.memory_space<vmem>> -> memref<1x16x128xf32, #tpu.memory_space<vmem>>
        %dma_wait3A_2768 = tpu.memref_squeeze %dma_wait3A_2767 : memref<1x16x128xf32, #tpu.memory_space<vmem>> -> memref<16x128xf32, #tpu.memory_space<vmem>>
        %dma_wait3A_2769 = arith.constant 0 : i32
        %dma_wait3A_2770 = tpu.memref_slice %arg5[%dma_wait3A_2769, %multiple_of3A_2297] : memref<16x1000000xf32, #tpu.memory_space<hbm>> -> memref<16x128xf32, #tpu.memory_space<hbm>>
        %dma_wait3A_2771 = arith.constant 0 : i32
        %dma_wait3A_2772 = arith.constant 0 : i32
        %dma_wait3A_2773 = tpu.memref_slice %run_scoped3A_3[%dma_wait3A_2764, %dma_wait3A_2771, %dma_wait3A_2772] : memref<16x16x128xf32, #tpu.memory_space<vmem>> -> memref<1x16x128xf32, #tpu.memory_space<vmem>>
        %dma_wait3A_2774 = tpu.memref_squeeze %dma_wait3A_2773 : memref<1x16x128xf32, #tpu.memory_space<vmem>> -> memref<16x128xf32, #tpu.memory_space<vmem>>
        %dma_wait3A_2775 = arith.constant 0 : i32
        %dma_wait3A_2776 = tpu.memref_slice %arg5[%dma_wait3A_2775, %multiple_of3A_2297] : memref<16x1000000xf32, #tpu.memory_space<hbm>> -> memref<16x128xf32, #tpu.memory_space<hbm>>
        tpu.wait_dma2 semaphore(%run_scoped3A_7 : memref<!tpu.dma_semaphore, #tpu.memory_space<semaphore_mem>>) src(%dma_wait3A_2776 : memref<16x128xf32, #tpu.memory_space<hbm>>) dst(%dma_wait3A_2774 : memref<16x128xf32, #tpu.memory_space<vmem>>)
        %dma_wait3A_2777 = arith.constant 10 : i32
        %dma_wait3A_2778 = arith.constant 0 : i32
        %dma_wait3A_2779 = arith.constant 0 : i32
        %dma_wait3A_2780 = tpu.memref_slice %run_scoped3A_3[%dma_wait3A_2777, %dma_wait3A_2778, %dma_wait3A_2779] : memref<16x16x128xf32, #tpu.memory_space<vmem>> -> memref<1x16x128xf32, #tpu.memory_space<vmem>>
        %dma_wait3A_2781 = tpu.memref_squeeze %dma_wait3A_2780 : memref<1x16x128xf32, #tpu.memory_space<vmem>> -> memref<16x128xf32, #tpu.memory_space<vmem>>
        %dma_wait3A_2782 = arith.constant 0 : i32
        %dma_wait3A_2783 = tpu.memref_slice %arg5[%dma_wait3A_2782, %multiple_of3A_2313] : memref<16x1000000xf32, #tpu.memory_space<hbm>> -> memref<16x128xf32, #tpu.memory_space<hbm>>
        %dma_wait3A_2784 = arith.constant 0 : i32
        %dma_wait3A_2785 = arith.constant 0 : i32
        %dma_wait3A_2786 = tpu.memref_slice %run_scoped3A_3[%dma_wait3A_2777, %dma_wait3A_2784, %dma_wait3A_2785] : memref<16x16x128xf32, #tpu.memory_space<vmem>> -> memref<1x16x128xf32, #tpu.memory_space<vmem>>
        %dma_wait3A_2787 = tpu.memref_squeeze %dma_wait3A_2786 : memref<1x16x128xf32, #tpu.memory_space<vmem>> -> memref<16x128xf32, #tpu.memory_space<vmem>>
        %dma_wait3A_2788 = arith.constant 0 : i32
        %dma_wait3A_2789 = tpu.memref_slice %arg5[%dma_wait3A_2788, %multiple_of3A_2313] : memref<16x1000000xf32, #tpu.memory_space<hbm>> -> memref<16x128xf32, #tpu.memory_space<hbm>>
        tpu.wait_dma2 semaphore(%run_scoped3A_7 : memref<!tpu.dma_semaphore, #tpu.memory_space<semaphore_mem>>) src(%dma_wait3A_2789 : memref<16x128xf32, #tpu.memory_space<hbm>>) dst(%dma_wait3A_2787 : memref<16x128xf32, #tpu.memory_space<vmem>>)
        %dma_wait3A_2790 = arith.constant 11 : i32
        %dma_wait3A_2791 = arith.constant 0 : i32
        %dma_wait3A_2792 = arith.constant 0 : i32
        %dma_wait3A_2793 = tpu.memref_slice %run_scoped3A_3[%dma_wait3A_2790, %dma_wait3A_2791, %dma_wait3A_2792] : memref<16x16x128xf32, #tpu.memory_space<vmem>> -> memref<1x16x128xf32, #tpu.memory_space<vmem>>
        %dma_wait3A_2794 = tpu.memref_squeeze %dma_wait3A_2793 : memref<1x16x128xf32, #tpu.memory_space<vmem>> -> memref<16x128xf32, #tpu.memory_space<vmem>>
        %dma_wait3A_2795 = arith.constant 0 : i32
        %dma_wait3A_2796 = tpu.memref_slice %arg5[%dma_wait3A_2795, %multiple_of3A_2329] : memref<16x1000000xf32, #tpu.memory_space<hbm>> -> memref<16x128xf32, #tpu.memory_space<hbm>>
        %dma_wait3A_2797 = arith.constant 0 : i32
        %dma_wait3A_2798 = arith.constant 0 : i32
        %dma_wait3A_2799 = tpu.memref_slice %run_scoped3A_3[%dma_wait3A_2790, %dma_wait3A_2797, %dma_wait3A_2798] : memref<16x16x128xf32, #tpu.memory_space<vmem>> -> memref<1x16x128xf32, #tpu.memory_space<vmem>>
        %dma_wait3A_2800 = tpu.memref_squeeze %dma_wait3A_2799 : memref<1x16x128xf32, #tpu.memory_space<vmem>> -> memref<16x128xf32, #tpu.memory_space<vmem>>
        %dma_wait3A_2801 = arith.constant 0 : i32
        %dma_wait3A_2802 = tpu.memref_slice %arg5[%dma_wait3A_2801, %multiple_of3A_2329] : memref<16x1000000xf32, #tpu.memory_space<hbm>> -> memref<16x128xf32, #tpu.memory_space<hbm>>
        tpu.wait_dma2 semaphore(%run_scoped3A_7 : memref<!tpu.dma_semaphore, #tpu.memory_space<semaphore_mem>>) src(%dma_wait3A_2802 : memref<16x128xf32, #tpu.memory_space<hbm>>) dst(%dma_wait3A_2800 : memref<16x128xf32, #tpu.memory_space<vmem>>)
        %dma_wait3A_2803 = arith.constant 12 : i32
        %dma_wait3A_2804 = arith.constant 0 : i32
        %dma_wait3A_2805 = arith.constant 0 : i32
        %dma_wait3A_2806 = tpu.memref_slice %run_scoped3A_3[%dma_wait3A_2803, %dma_wait3A_2804, %dma_wait3A_2805] : memref<16x16x128xf32, #tpu.memory_space<vmem>> -> memref<1x16x128xf32, #tpu.memory_space<vmem>>
        %dma_wait3A_2807 = tpu.memref_squeeze %dma_wait3A_2806 : memref<1x16x128xf32, #tpu.memory_space<vmem>> -> memref<16x128xf32, #tpu.memory_space<vmem>>
        %dma_wait3A_2808 = arith.constant 0 : i32
        %dma_wait3A_2809 = tpu.memref_slice %arg5[%dma_wait3A_2808, %multiple_of3A_2345] : memref<16x1000000xf32, #tpu.memory_space<hbm>> -> memref<16x128xf32, #tpu.memory_space<hbm>>
        %dma_wait3A_2810 = arith.constant 0 : i32
        %dma_wait3A_2811 = arith.constant 0 : i32
        %dma_wait3A_2812 = tpu.memref_slice %run_scoped3A_3[%dma_wait3A_2803, %dma_wait3A_2810, %dma_wait3A_2811] : memref<16x16x128xf32, #tpu.memory_space<vmem>> -> memref<1x16x128xf32, #tpu.memory_space<vmem>>
        %dma_wait3A_2813 = tpu.memref_squeeze %dma_wait3A_2812 : memref<1x16x128xf32, #tpu.memory_space<vmem>> -> memref<16x128xf32, #tpu.memory_space<vmem>>
        %dma_wait3A_2814 = arith.constant 0 : i32
        %dma_wait3A_2815 = tpu.memref_slice %arg5[%dma_wait3A_2814, %multiple_of3A_2345] : memref<16x1000000xf32, #tpu.memory_space<hbm>> -> memref<16x128xf32, #tpu.memory_space<hbm>>
        tpu.wait_dma2 semaphore(%run_scoped3A_7 : memref<!tpu.dma_semaphore, #tpu.memory_space<semaphore_mem>>) src(%dma_wait3A_2815 : memref<16x128xf32, #tpu.memory_space<hbm>>) dst(%dma_wait3A_2813 : memref<16x128xf32, #tpu.memory_space<vmem>>)
        %dma_wait3A_2816 = arith.constant 13 : i32
        %dma_wait3A_2817 = arith.constant 0 : i32
        %dma_wait3A_2818 = arith.constant 0 : i32
        %dma_wait3A_2819 = tpu.memref_slice %run_scoped3A_3[%dma_wait3A_2816, %dma_wait3A_2817, %dma_wait3A_2818] : memref<16x16x128xf32, #tpu.memory_space<vmem>> -> memref<1x16x128xf32, #tpu.memory_space<vmem>>
        %dma_wait3A_2820 = tpu.memref_squeeze %dma_wait3A_2819 : memref<1x16x128xf32, #tpu.memory_space<vmem>> -> memref<16x128xf32, #tpu.memory_space<vmem>>
        %dma_wait3A_2821 = arith.constant 0 : i32
        %dma_wait3A_2822 = tpu.memref_slice %arg5[%dma_wait3A_2821, %multiple_of3A_2361] : memref<16x1000000xf32, #tpu.memory_space<hbm>> -> memref<16x128xf32, #tpu.memory_space<hbm>>
        %dma_wait3A_2823 = arith.constant 0 : i32
        %dma_wait3A_2824 = arith.constant 0 : i32
        %dma_wait3A_2825 = tpu.memref_slice %run_scoped3A_3[%dma_wait3A_2816, %dma_wait3A_2823, %dma_wait3A_2824] : memref<16x16x128xf32, #tpu.memory_space<vmem>> -> memref<1x16x128xf32, #tpu.memory_space<vmem>>
        %dma_wait3A_2826 = tpu.memref_squeeze %dma_wait3A_2825 : memref<1x16x128xf32, #tpu.memory_space<vmem>> -> memref<16x128xf32, #tpu.memory_space<vmem>>
        %dma_wait3A_2827 = arith.constant 0 : i32
        %dma_wait3A_2828 = tpu.memref_slice %arg5[%dma_wait3A_2827, %multiple_of3A_2361] : memref<16x1000000xf32, #tpu.memory_space<hbm>> -> memref<16x128xf32, #tpu.memory_space<hbm>>
        tpu.wait_dma2 semaphore(%run_scoped3A_7 : memref<!tpu.dma_semaphore, #tpu.memory_space<semaphore_mem>>) src(%dma_wait3A_2828 : memref<16x128xf32, #tpu.memory_space<hbm>>) dst(%dma_wait3A_2826 : memref<16x128xf32, #tpu.memory_space<vmem>>)
        %dma_wait3A_2829 = arith.constant 14 : i32
        %dma_wait3A_2830 = arith.constant 0 : i32
        %dma_wait3A_2831 = arith.constant 0 : i32
        %dma_wait3A_2832 = tpu.memref_slice %run_scoped3A_3[%dma_wait3A_2829, %dma_wait3A_2830, %dma_wait3A_2831] : memref<16x16x128xf32, #tpu.memory_space<vmem>> -> memref<1x16x128xf32, #tpu.memory_space<vmem>>
        %dma_wait3A_2833 = tpu.memref_squeeze %dma_wait3A_2832 : memref<1x16x128xf32, #tpu.memory_space<vmem>> -> memref<16x128xf32, #tpu.memory_space<vmem>>
        %dma_wait3A_2834 = arith.constant 0 : i32
        %dma_wait3A_2835 = tpu.memref_slice %arg5[%dma_wait3A_2834, %multiple_of3A_2377] : memref<16x1000000xf32, #tpu.memory_space<hbm>> -> memref<16x128xf32, #tpu.memory_space<hbm>>
        %dma_wait3A_2836 = arith.constant 0 : i32
        %dma_wait3A_2837 = arith.constant 0 : i32
        %dma_wait3A_2838 = tpu.memref_slice %run_scoped3A_3[%dma_wait3A_2829, %dma_wait3A_2836, %dma_wait3A_2837] : memref<16x16x128xf32, #tpu.memory_space<vmem>> -> memref<1x16x128xf32, #tpu.memory_space<vmem>>
        %dma_wait3A_2839 = tpu.memref_squeeze %dma_wait3A_2838 : memref<1x16x128xf32, #tpu.memory_space<vmem>> -> memref<16x128xf32, #tpu.memory_space<vmem>>
        %dma_wait3A_2840 = arith.constant 0 : i32
        %dma_wait3A_2841 = tpu.memref_slice %arg5[%dma_wait3A_2840, %multiple_of3A_2377] : memref<16x1000000xf32, #tpu.memory_space<hbm>> -> memref<16x128xf32, #tpu.memory_space<hbm>>
        tpu.wait_dma2 semaphore(%run_scoped3A_7 : memref<!tpu.dma_semaphore, #tpu.memory_space<semaphore_mem>>) src(%dma_wait3A_2841 : memref<16x128xf32, #tpu.memory_space<hbm>>) dst(%dma_wait3A_2839 : memref<16x128xf32, #tpu.memory_space<vmem>>)
        %dma_wait3A_2842 = arith.constant 15 : i32
        %dma_wait3A_2843 = arith.constant 0 : i32
        %dma_wait3A_2844 = arith.constant 0 : i32
        %dma_wait3A_2845 = tpu.memref_slice %run_scoped3A_3[%dma_wait3A_2842, %dma_wait3A_2843, %dma_wait3A_2844] : memref<16x16x128xf32, #tpu.memory_space<vmem>> -> memref<1x16x128xf32, #tpu.memory_space<vmem>>
        %dma_wait3A_2846 = tpu.memref_squeeze %dma_wait3A_2845 : memref<1x16x128xf32, #tpu.memory_space<vmem>> -> memref<16x128xf32, #tpu.memory_space<vmem>>
        %dma_wait3A_2847 = arith.constant 0 : i32
        %dma_wait3A_2848 = tpu.memref_slice %arg5[%dma_wait3A_2847, %multiple_of3A_2393] : memref<16x1000000xf32, #tpu.memory_space<hbm>> -> memref<16x128xf32, #tpu.memory_space<hbm>>
        %dma_wait3A_2849 = arith.constant 0 : i32
        %dma_wait3A_2850 = arith.constant 0 : i32
        %dma_wait3A_2851 = tpu.memref_slice %run_scoped3A_3[%dma_wait3A_2842, %dma_wait3A_2849, %dma_wait3A_2850] : memref<16x16x128xf32, #tpu.memory_space<vmem>> -> memref<1x16x128xf32, #tpu.memory_space<vmem>>
        %dma_wait3A_2852 = tpu.memref_squeeze %dma_wait3A_2851 : memref<1x16x128xf32, #tpu.memory_space<vmem>> -> memref<16x128xf32, #tpu.memory_space<vmem>>
        %dma_wait3A_2853 = arith.constant 0 : i32
        %dma_wait3A_2854 = tpu.memref_slice %arg5[%dma_wait3A_2853, %multiple_of3A_2393] : memref<16x1000000xf32, #tpu.memory_space<hbm>> -> memref<16x128xf32, #tpu.memory_space<hbm>>
        tpu.wait_dma2 semaphore(%run_scoped3A_7 : memref<!tpu.dma_semaphore, #tpu.memory_space<semaphore_mem>>) src(%dma_wait3A_2854 : memref<16x128xf32, #tpu.memory_space<hbm>>) dst(%dma_wait3A_2852 : memref<16x128xf32, #tpu.memory_space<vmem>>)
        %broadcast_in_dim3A_2855 = arith.constant 0.000000e+00 : f32
        %broadcast_in_dim3A_2856 = vector.broadcast %broadcast_in_dim3A_2855 : f32 to vector<16xf32>
        %broadcast_in_dim3A_2857 = arith.constant 0 : i32
        %broadcast_in_dim3A_2858 = vector.broadcast %broadcast_in_dim3A_2857 : i32 to vector<16xi32>
        %gather3A_2859 = tpu.vector_load_idx %run_scoped3A_2[%iota3A, %broadcast_in_dim3A_2858, %and3A_2147] : memref<16x16x128xf32, #tpu.memory_space<vmem>>[vector<16xi32>, vector<16xi32>, vector<16xi32>], vector<16xf32>,
        %gather3A_2860 = tpu.vector_load_idx %run_scoped3A_3[%iota3A, %broadcast_in_dim3A_2858, %and3A_2150] : memref<16x16x128xf32, #tpu.memory_space<vmem>>[vector<16xi32>, vector<16xi32>, vector<16xi32>], vector<16xf32>,
        %mul3A_2861 = arith.mulf %gather3A_2859, %gather3A_2860 : vector<16xf32>
        %add3A_2862 = arith.addf %broadcast_in_dim3A_2856, %mul3A_2861 : vector<16xf32>
        %broadcast_in_dim3A_2863 = arith.constant 1 : i32
        %broadcast_in_dim3A_2864 = vector.broadcast %broadcast_in_dim3A_2863 : i32 to vector<16xi32>
        %gather3A_2865 = tpu.vector_load_idx %run_scoped3A_2[%iota3A, %broadcast_in_dim3A_2864, %and3A_2147] : memref<16x16x128xf32, #tpu.memory_space<vmem>>[vector<16xi32>, vector<16xi32>, vector<16xi32>], vector<16xf32>,
        %gather3A_2866 = tpu.vector_load_idx %run_scoped3A_3[%iota3A, %broadcast_in_dim3A_2864, %and3A_2150] : memref<16x16x128xf32, #tpu.memory_space<vmem>>[vector<16xi32>, vector<16xi32>, vector<16xi32>], vector<16xf32>,
        %mul3A_2867 = arith.mulf %gather3A_2865, %gather3A_2866 : vector<16xf32>
        %add3A_2868 = arith.addf %add3A_2862, %mul3A_2867 : vector<16xf32>
        %broadcast_in_dim3A_2869 = arith.constant 2 : i32
        %broadcast_in_dim3A_2870 = vector.broadcast %broadcast_in_dim3A_2869 : i32 to vector<16xi32>
        %gather3A_2871 = tpu.vector_load_idx %run_scoped3A_2[%iota3A, %broadcast_in_dim3A_2870, %and3A_2147] : memref<16x16x128xf32, #tpu.memory_space<vmem>>[vector<16xi32>, vector<16xi32>, vector<16xi32>], vector<16xf32>,
        %gather3A_2872 = tpu.vector_load_idx %run_scoped3A_3[%iota3A, %broadcast_in_dim3A_2870, %and3A_2150] : memref<16x16x128xf32, #tpu.memory_space<vmem>>[vector<16xi32>, vector<16xi32>, vector<16xi32>], vector<16xf32>,
        %mul3A_2873 = arith.mulf %gather3A_2871, %gather3A_2872 : vector<16xf32>
        %add3A_2874 = arith.addf %add3A_2868, %mul3A_2873 : vector<16xf32>
        %broadcast_in_dim3A_2875 = arith.constant 3 : i32
        %broadcast_in_dim3A_2876 = vector.broadcast %broadcast_in_dim3A_2875 : i32 to vector<16xi32>
        %gather3A_2877 = tpu.vector_load_idx %run_scoped3A_2[%iota3A, %broadcast_in_dim3A_2876, %and3A_2147] : memref<16x16x128xf32, #tpu.memory_space<vmem>>[vector<16xi32>, vector<16xi32>, vector<16xi32>], vector<16xf32>,
        %gather3A_2878 = tpu.vector_load_idx %run_scoped3A_3[%iota3A, %broadcast_in_dim3A_2876, %and3A_2150] : memref<16x16x128xf32, #tpu.memory_space<vmem>>[vector<16xi32>, vector<16xi32>, vector<16xi32>], vector<16xf32>,
        %mul3A_2879 = arith.mulf %gather3A_2877, %gather3A_2878 : vector<16xf32>
        %add3A_2880 = arith.addf %add3A_2874, %mul3A_2879 : vector<16xf32>
        %broadcast_in_dim3A_2881 = arith.constant 4 : i32
        %broadcast_in_dim3A_2882 = vector.broadcast %broadcast_in_dim3A_2881 : i32 to vector<16xi32>
        %gather3A_2883 = tpu.vector_load_idx %run_scoped3A_2[%iota3A, %broadcast_in_dim3A_2882, %and3A_2147] : memref<16x16x128xf32, #tpu.memory_space<vmem>>[vector<16xi32>, vector<16xi32>, vector<16xi32>], vector<16xf32>,
        %gather3A_2884 = tpu.vector_load_idx %run_scoped3A_3[%iota3A, %broadcast_in_dim3A_2882, %and3A_2150] : memref<16x16x128xf32, #tpu.memory_space<vmem>>[vector<16xi32>, vector<16xi32>, vector<16xi32>], vector<16xf32>,
        %mul3A_2885 = arith.mulf %gather3A_2883, %gather3A_2884 : vector<16xf32>
        %add3A_2886 = arith.addf %add3A_2880, %mul3A_2885 : vector<16xf32>
        %broadcast_in_dim3A_2887 = arith.constant 5 : i32
        %broadcast_in_dim3A_2888 = vector.broadcast %broadcast_in_dim3A_2887 : i32 to vector<16xi32>
        %gather3A_2889 = tpu.vector_load_idx %run_scoped3A_2[%iota3A, %broadcast_in_dim3A_2888, %and3A_2147] : memref<16x16x128xf32, #tpu.memory_space<vmem>>[vector<16xi32>, vector<16xi32>, vector<16xi32>], vector<16xf32>,
        %gather3A_2890 = tpu.vector_load_idx %run_scoped3A_3[%iota3A, %broadcast_in_dim3A_2888, %and3A_2150] : memref<16x16x128xf32, #tpu.memory_space<vmem>>[vector<16xi32>, vector<16xi32>, vector<16xi32>], vector<16xf32>,
        %mul3A_2891 = arith.mulf %gather3A_2889, %gather3A_2890 : vector<16xf32>
        %add3A_2892 = arith.addf %add3A_2886, %mul3A_2891 : vector<16xf32>
        %broadcast_in_dim3A_2893 = arith.constant 6 : i32
        %broadcast_in_dim3A_2894 = vector.broadcast %broadcast_in_dim3A_2893 : i32 to vector<16xi32>
        %gather3A_2895 = tpu.vector_load_idx %run_scoped3A_2[%iota3A, %broadcast_in_dim3A_2894, %and3A_2147] : memref<16x16x128xf32, #tpu.memory_space<vmem>>[vector<16xi32>, vector<16xi32>, vector<16xi32>], vector<16xf32>,
        %gather3A_2896 = tpu.vector_load_idx %run_scoped3A_3[%iota3A, %broadcast_in_dim3A_2894, %and3A_2150] : memref<16x16x128xf32, #tpu.memory_space<vmem>>[vector<16xi32>, vector<16xi32>, vector<16xi32>], vector<16xf32>,
        %mul3A_2897 = arith.mulf %gather3A_2895, %gather3A_2896 : vector<16xf32>
        %add3A_2898 = arith.addf %add3A_2892, %mul3A_2897 : vector<16xf32>
        %broadcast_in_dim3A_2899 = arith.constant 7 : i32
        %broadcast_in_dim3A_2900 = vector.broadcast %broadcast_in_dim3A_2899 : i32 to vector<16xi32>
        %gather3A_2901 = tpu.vector_load_idx %run_scoped3A_2[%iota3A, %broadcast_in_dim3A_2900, %and3A_2147] : memref<16x16x128xf32, #tpu.memory_space<vmem>>[vector<16xi32>, vector<16xi32>, vector<16xi32>], vector<16xf32>,
        %gather3A_2902 = tpu.vector_load_idx %run_scoped3A_3[%iota3A, %broadcast_in_dim3A_2900, %and3A_2150] : memref<16x16x128xf32, #tpu.memory_space<vmem>>[vector<16xi32>, vector<16xi32>, vector<16xi32>], vector<16xf32>,
        %mul3A_2903 = arith.mulf %gather3A_2901, %gather3A_2902 : vector<16xf32>
        %add3A_2904 = arith.addf %add3A_2898, %mul3A_2903 : vector<16xf32>
        %broadcast_in_dim3A_2905 = arith.constant 8 : i32
        %broadcast_in_dim3A_2906 = vector.broadcast %broadcast_in_dim3A_2905 : i32 to vector<16xi32>
        %gather3A_2907 = tpu.vector_load_idx %run_scoped3A_2[%iota3A, %broadcast_in_dim3A_2906, %and3A_2147] : memref<16x16x128xf32, #tpu.memory_space<vmem>>[vector<16xi32>, vector<16xi32>, vector<16xi32>], vector<16xf32>,
        %gather3A_2908 = tpu.vector_load_idx %run_scoped3A_3[%iota3A, %broadcast_in_dim3A_2906, %and3A_2150] : memref<16x16x128xf32, #tpu.memory_space<vmem>>[vector<16xi32>, vector<16xi32>, vector<16xi32>], vector<16xf32>,
        %mul3A_2909 = arith.mulf %gather3A_2907, %gather3A_2908 : vector<16xf32>
        %add3A_2910 = arith.addf %add3A_2904, %mul3A_2909 : vector<16xf32>
        %broadcast_in_dim3A_2911 = arith.constant 9 : i32
        %broadcast_in_dim3A_2912 = vector.broadcast %broadcast_in_dim3A_2911 : i32 to vector<16xi32>
        %gather3A_2913 = tpu.vector_load_idx %run_scoped3A_2[%iota3A, %broadcast_in_dim3A_2912, %and3A_2147] : memref<16x16x128xf32, #tpu.memory_space<vmem>>[vector<16xi32>, vector<16xi32>, vector<16xi32>], vector<16xf32>,
        %gather3A_2914 = tpu.vector_load_idx %run_scoped3A_3[%iota3A, %broadcast_in_dim3A_2912, %and3A_2150] : memref<16x16x128xf32, #tpu.memory_space<vmem>>[vector<16xi32>, vector<16xi32>, vector<16xi32>], vector<16xf32>,
        %mul3A_2915 = arith.mulf %gather3A_2913, %gather3A_2914 : vector<16xf32>
        %add3A_2916 = arith.addf %add3A_2910, %mul3A_2915 : vector<16xf32>
        %broadcast_in_dim3A_2917 = arith.constant 10 : i32
        %broadcast_in_dim3A_2918 = vector.broadcast %broadcast_in_dim3A_2917 : i32 to vector<16xi32>
        %gather3A_2919 = tpu.vector_load_idx %run_scoped3A_2[%iota3A, %broadcast_in_dim3A_2918, %and3A_2147] : memref<16x16x128xf32, #tpu.memory_space<vmem>>[vector<16xi32>, vector<16xi32>, vector<16xi32>], vector<16xf32>,
        %gather3A_2920 = tpu.vector_load_idx %run_scoped3A_3[%iota3A, %broadcast_in_dim3A_2918, %and3A_2150] : memref<16x16x128xf32, #tpu.memory_space<vmem>>[vector<16xi32>, vector<16xi32>, vector<16xi32>], vector<16xf32>,
        %mul3A_2921 = arith.mulf %gather3A_2919, %gather3A_2920 : vector<16xf32>
        %add3A_2922 = arith.addf %add3A_2916, %mul3A_2921 : vector<16xf32>
        %broadcast_in_dim3A_2923 = arith.constant 11 : i32
        %broadcast_in_dim3A_2924 = vector.broadcast %broadcast_in_dim3A_2923 : i32 to vector<16xi32>
        %gather3A_2925 = tpu.vector_load_idx %run_scoped3A_2[%iota3A, %broadcast_in_dim3A_2924, %and3A_2147] : memref<16x16x128xf32, #tpu.memory_space<vmem>>[vector<16xi32>, vector<16xi32>, vector<16xi32>], vector<16xf32>,
        %gather3A_2926 = tpu.vector_load_idx %run_scoped3A_3[%iota3A, %broadcast_in_dim3A_2924, %and3A_2150] : memref<16x16x128xf32, #tpu.memory_space<vmem>>[vector<16xi32>, vector<16xi32>, vector<16xi32>], vector<16xf32>,
        %mul3A_2927 = arith.mulf %gather3A_2925, %gather3A_2926 : vector<16xf32>
        %add3A_2928 = arith.addf %add3A_2922, %mul3A_2927 : vector<16xf32>
        %broadcast_in_dim3A_2929 = arith.constant 12 : i32
        %broadcast_in_dim3A_2930 = vector.broadcast %broadcast_in_dim3A_2929 : i32 to vector<16xi32>
        %gather3A_2931 = tpu.vector_load_idx %run_scoped3A_2[%iota3A, %broadcast_in_dim3A_2930, %and3A_2147] : memref<16x16x128xf32, #tpu.memory_space<vmem>>[vector<16xi32>, vector<16xi32>, vector<16xi32>], vector<16xf32>,
        %gather3A_2932 = tpu.vector_load_idx %run_scoped3A_3[%iota3A, %broadcast_in_dim3A_2930, %and3A_2150] : memref<16x16x128xf32, #tpu.memory_space<vmem>>[vector<16xi32>, vector<16xi32>, vector<16xi32>], vector<16xf32>,
        %mul3A_2933 = arith.mulf %gather3A_2931, %gather3A_2932 : vector<16xf32>
        %add3A_2934 = arith.addf %add3A_2928, %mul3A_2933 : vector<16xf32>
        %broadcast_in_dim3A_2935 = arith.constant 13 : i32
        %broadcast_in_dim3A_2936 = vector.broadcast %broadcast_in_dim3A_2935 : i32 to vector<16xi32>
        %gather3A_2937 = tpu.vector_load_idx %run_scoped3A_2[%iota3A, %broadcast_in_dim3A_2936, %and3A_2147] : memref<16x16x128xf32, #tpu.memory_space<vmem>>[vector<16xi32>, vector<16xi32>, vector<16xi32>], vector<16xf32>,
        %gather3A_2938 = tpu.vector_load_idx %run_scoped3A_3[%iota3A, %broadcast_in_dim3A_2936, %and3A_2150] : memref<16x16x128xf32, #tpu.memory_space<vmem>>[vector<16xi32>, vector<16xi32>, vector<16xi32>], vector<16xf32>,
        %mul3A_2939 = arith.mulf %gather3A_2937, %gather3A_2938 : vector<16xf32>
        %add3A_2940 = arith.addf %add3A_2934, %mul3A_2939 : vector<16xf32>
        %broadcast_in_dim3A_2941 = arith.constant 14 : i32
        %broadcast_in_dim3A_2942 = vector.broadcast %broadcast_in_dim3A_2941 : i32 to vector<16xi32>
        %gather3A_2943 = tpu.vector_load_idx %run_scoped3A_2[%iota3A, %broadcast_in_dim3A_2942, %and3A_2147] : memref<16x16x128xf32, #tpu.memory_space<vmem>>[vector<16xi32>, vector<16xi32>, vector<16xi32>], vector<16xf32>,
        %gather3A_2944 = tpu.vector_load_idx %run_scoped3A_3[%iota3A, %broadcast_in_dim3A_2942, %and3A_2150] : memref<16x16x128xf32, #tpu.memory_space<vmem>>[vector<16xi32>, vector<16xi32>, vector<16xi32>], vector<16xf32>,
        %mul3A_2945 = arith.mulf %gather3A_2943, %gather3A_2944 : vector<16xf32>
        %add3A_2946 = arith.addf %add3A_2940, %mul3A_2945 : vector<16xf32>
        %broadcast_in_dim3A_2947 = arith.constant 15 : i32
        %broadcast_in_dim3A_2948 = vector.broadcast %broadcast_in_dim3A_2947 : i32 to vector<16xi32>
        %gather3A_2949 = tpu.vector_load_idx %run_scoped3A_2[%iota3A, %broadcast_in_dim3A_2948, %and3A_2147] : memref<16x16x128xf32, #tpu.memory_space<vmem>>[vector<16xi32>, vector<16xi32>, vector<16xi32>], vector<16xf32>,
        %gather3A_2950 = tpu.vector_load_idx %run_scoped3A_3[%iota3A, %broadcast_in_dim3A_2948, %and3A_2150] : memref<16x16x128xf32, #tpu.memory_space<vmem>>[vector<16xi32>, vector<16xi32>, vector<16xi32>], vector<16xf32>,
        %mul3A_2951 = arith.mulf %gather3A_2949, %gather3A_2950 : vector<16xf32>
        %add3A_2952 = arith.addf %add3A_2946, %mul3A_2951 : vector<16xf32>
        %neg3A_2953 = arith.constant 0.000000e+00 : f32
        %neg3A_2954 = vector.broadcast %neg3A_2953 : f32 to vector<16xf32>
        %neg3A_2955 = arith.subf %neg3A_2954, %add3A_2952 : vector<16xf32>
        %exp3A_2956 = math.exp %neg3A_2955 : vector<16xf32>
        %add3A_2957 = arith.constant 1.000000e+00 : f32
        %add3A_2958 = vector.broadcast %add3A_2957 : f32 to vector<16xf32>
        %add3A_2959 = arith.addf %add3A_2958, %exp3A_2956 : vector<16xf32>
        %div3A_2960 = arith.constant 1.000000e+00 : f32
        %div3A_2961 = vector.broadcast %div3A_2960 : f32 to vector<16xf32>
        %div3A_2962 = arith.divf %div3A_2961, %add3A_2959 : vector<16xf32>
        %mul3A_2963 = arith.constant 16 : i32
        %mul3A_2964 = arith.muli %add3A_2130, %mul3A_2963 : i32
        %swap3A_2965 = arith.index_cast %mul3A_2964 : i32 to index
        %swap3A_2966 = tpu.vector_load %run_scoped3A_4[%swap3A_2965] {strides = array<i32>} : memref<512xf32, #tpu.memory_space<vmem>>, vector<16xf32>,
        tpu.vector_store %run_scoped3A_4[%swap3A_2965], %div3A_2962 {strides = array<i32>} : memref<512xf32, #tpu.memory_space<vmem>>, vector<16xf32>,
        %add3A_2967 = arith.constant 2 : i32
        %add3A_2968 = arith.addi %add3A_2130, %add3A_2967 : i32
        %min3A_2969 = arith.constant 31 : i32
        %min3A_2970 = arith.minsi %add3A_2968, %min3A_2969 : i32
        %mul3A_2971 = arith.constant 16 : i32
        %mul3A_2972 = arith.muli %min3A_2970, %mul3A_2971 : i32
        %get3A_2973 = arith.index_cast %mul3A_2972 : i32 to index
        %get3A_2974 = tpu.vector_load %run_scoped3A[%get3A_2973] {strides = array<i32>} : memref<512xi32, #tpu.memory_space<vmem>>, vector<16xi32>,
        %shift_right_arithmetic3A_2975 = arith.constant 7 : i32
        %shift_right_arithmetic3A_2976 = vector.broadcast %shift_right_arithmetic3A_2975 : i32 to vector<16xi32>
        %shift_right_arithmetic3A_2977 = arith.shrsi %get3A_2974, %shift_right_arithmetic3A_2976 : vector<16xi32>
        %shift_left3A_2978 = arith.constant 7 : i32
        %shift_left3A_2979 = vector.broadcast %shift_left3A_2978 : i32 to vector<16xi32>
        %shift_left3A_2980 = arith.shli %shift_right_arithmetic3A_2977, %shift_left3A_2979 : vector<16xi32>
        %slice3A_2981 = vector.extract_strided_slice %shift_left3A_2980 {offsets = [0], sizes = [1], strides = [1]} : vector<16xi32> to vector<1xi32>
        %squeeze3A_2982 = vector.extract %slice3A_2981[0] : i32 from vector<1xi32>
        %multiple_of3A_2983 = tpu.assume_multiple %squeeze3A_2982, 128 : i32
        %dma_start3A_2984 = arith.constant 0 : i32
        %dma_start3A_2985 = arith.constant 0 : i32
        %dma_start3A_2986 = arith.constant 0 : i32
        %dma_start3A_2987 = tpu.memref_slice %run_scoped3A_2[%dma_start3A_2984, %dma_start3A_2985, %dma_start3A_2986] : memref<16x16x128xf32, #tpu.memory_space<vmem>> -> memref<1x16x128xf32, #tpu.memory_space<vmem>>
        %dma_start3A_2988 = tpu.memref_squeeze %dma_start3A_2987 : memref<1x16x128xf32, #tpu.memory_space<vmem>> -> memref<16x128xf32, #tpu.memory_space<vmem>>
        %dma_start3A_2989 = arith.constant 0 : i32
        %dma_start3A_2990 = tpu.memref_slice %arg4[%dma_start3A_2989, %multiple_of3A_2983] : memref<16x1000000xf32, #tpu.memory_space<hbm>> -> memref<16x128xf32, #tpu.memory_space<hbm>>
        %dma_start3A_2991 = arith.constant 0 : i32
        %dma_start3A_2992 = arith.constant 0 : i32
        %dma_start3A_2993 = tpu.memref_slice %run_scoped3A_2[%dma_start3A_2984, %dma_start3A_2991, %dma_start3A_2992] : memref<16x16x128xf32, #tpu.memory_space<vmem>> -> memref<1x16x128xf32, #tpu.memory_space<vmem>>
        %dma_start3A_2994 = tpu.memref_squeeze %dma_start3A_2993 : memref<1x16x128xf32, #tpu.memory_space<vmem>> -> memref<16x128xf32, #tpu.memory_space<vmem>>
        %dma_start3A_2995 = arith.constant 0 : i32
        %dma_start3A_2996 = tpu.memref_slice %arg4[%dma_start3A_2995, %multiple_of3A_2983] : memref<16x1000000xf32, #tpu.memory_space<hbm>> -> memref<16x128xf32, #tpu.memory_space<hbm>>
        tpu.enqueue_dma source(%dma_start3A_2996 : memref<16x128xf32, #tpu.memory_space<hbm>>) target(%dma_start3A_2994 : memref<16x128xf32, #tpu.memory_space<vmem>>) target_semaphore(%run_scoped3A_6 : memref<!tpu.dma_semaphore, #tpu.memory_space<semaphore_mem>>)
        %slice3A_2997 = vector.extract_strided_slice %shift_left3A_2980 {offsets = [1], sizes = [1], strides = [1]} : vector<16xi32> to vector<1xi32>
        %squeeze3A_2998 = vector.extract %slice3A_2997[0] : i32 from vector<1xi32>
        %multiple_of3A_2999 = tpu.assume_multiple %squeeze3A_2998, 128 : i32
        %dma_start3A_3000 = arith.constant 1 : i32
        %dma_start3A_3001 = arith.constant 0 : i32
        %dma_start3A_3002 = arith.constant 0 : i32
        %dma_start3A_3003 = tpu.memref_slice %run_scoped3A_2[%dma_start3A_3000, %dma_start3A_3001, %dma_start3A_3002] : memref<16x16x128xf32, #tpu.memory_space<vmem>> -> memref<1x16x128xf32, #tpu.memory_space<vmem>>
        %dma_start3A_3004 = tpu.memref_squeeze %dma_start3A_3003 : memref<1x16x128xf32, #tpu.memory_space<vmem>> -> memref<16x128xf32, #tpu.memory_space<vmem>>
        %dma_start3A_3005 = arith.constant 0 : i32
        %dma_start3A_3006 = tpu.memref_slice %arg4[%dma_start3A_3005, %multiple_of3A_2999] : memref<16x1000000xf32, #tpu.memory_space<hbm>> -> memref<16x128xf32, #tpu.memory_space<hbm>>
        %dma_start3A_3007 = arith.constant 0 : i32
        %dma_start3A_3008 = arith.constant 0 : i32
        %dma_start3A_3009 = tpu.memref_slice %run_scoped3A_2[%dma_start3A_3000, %dma_start3A_3007, %dma_start3A_3008] : memref<16x16x128xf32, #tpu.memory_space<vmem>> -> memref<1x16x128xf32, #tpu.memory_space<vmem>>
        %dma_start3A_3010 = tpu.memref_squeeze %dma_start3A_3009 : memref<1x16x128xf32, #tpu.memory_space<vmem>> -> memref<16x128xf32, #tpu.memory_space<vmem>>
        %dma_start3A_3011 = arith.constant 0 : i32
        %dma_start3A_3012 = tpu.memref_slice %arg4[%dma_start3A_3011, %multiple_of3A_2999] : memref<16x1000000xf32, #tpu.memory_space<hbm>> -> memref<16x128xf32, #tpu.memory_space<hbm>>
        tpu.enqueue_dma source(%dma_start3A_3012 : memref<16x128xf32, #tpu.memory_space<hbm>>) target(%dma_start3A_3010 : memref<16x128xf32, #tpu.memory_space<vmem>>) target_semaphore(%run_scoped3A_6 : memref<!tpu.dma_semaphore, #tpu.memory_space<semaphore_mem>>)
        %slice3A_3013 = vector.extract_strided_slice %shift_left3A_2980 {offsets = [2], sizes = [1], strides = [1]} : vector<16xi32> to vector<1xi32>
        %squeeze3A_3014 = vector.extract %slice3A_3013[0] : i32 from vector<1xi32>
        %multiple_of3A_3015 = tpu.assume_multiple %squeeze3A_3014, 128 : i32
        %dma_start3A_3016 = arith.constant 2 : i32
        %dma_start3A_3017 = arith.constant 0 : i32
        %dma_start3A_3018 = arith.constant 0 : i32
        %dma_start3A_3019 = tpu.memref_slice %run_scoped3A_2[%dma_start3A_3016, %dma_start3A_3017, %dma_start3A_3018] : memref<16x16x128xf32, #tpu.memory_space<vmem>> -> memref<1x16x128xf32, #tpu.memory_space<vmem>>
        %dma_start3A_3020 = tpu.memref_squeeze %dma_start3A_3019 : memref<1x16x128xf32, #tpu.memory_space<vmem>> -> memref<16x128xf32, #tpu.memory_space<vmem>>
        %dma_start3A_3021 = arith.constant 0 : i32
        %dma_start3A_3022 = tpu.memref_slice %arg4[%dma_start3A_3021, %multiple_of3A_3015] : memref<16x1000000xf32, #tpu.memory_space<hbm>> -> memref<16x128xf32, #tpu.memory_space<hbm>>
        %dma_start3A_3023 = arith.constant 0 : i32
        %dma_start3A_3024 = arith.constant 0 : i32
        %dma_start3A_3025 = tpu.memref_slice %run_scoped3A_2[%dma_start3A_3016, %dma_start3A_3023, %dma_start3A_3024] : memref<16x16x128xf32, #tpu.memory_space<vmem>> -> memref<1x16x128xf32, #tpu.memory_space<vmem>>
        %dma_start3A_3026 = tpu.memref_squeeze %dma_start3A_3025 : memref<1x16x128xf32, #tpu.memory_space<vmem>> -> memref<16x128xf32, #tpu.memory_space<vmem>>
        %dma_start3A_3027 = arith.constant 0 : i32
        %dma_start3A_3028 = tpu.memref_slice %arg4[%dma_start3A_3027, %multiple_of3A_3015] : memref<16x1000000xf32, #tpu.memory_space<hbm>> -> memref<16x128xf32, #tpu.memory_space<hbm>>
        tpu.enqueue_dma source(%dma_start3A_3028 : memref<16x128xf32, #tpu.memory_space<hbm>>) target(%dma_start3A_3026 : memref<16x128xf32, #tpu.memory_space<vmem>>) target_semaphore(%run_scoped3A_6 : memref<!tpu.dma_semaphore, #tpu.memory_space<semaphore_mem>>)
        %slice3A_3029 = vector.extract_strided_slice %shift_left3A_2980 {offsets = [3], sizes = [1], strides = [1]} : vector<16xi32> to vector<1xi32>
        %squeeze3A_3030 = vector.extract %slice3A_3029[0] : i32 from vector<1xi32>
        %multiple_of3A_3031 = tpu.assume_multiple %squeeze3A_3030, 128 : i32
        %dma_start3A_3032 = arith.constant 3 : i32
        %dma_start3A_3033 = arith.constant 0 : i32
        %dma_start3A_3034 = arith.constant 0 : i32
        %dma_start3A_3035 = tpu.memref_slice %run_scoped3A_2[%dma_start3A_3032, %dma_start3A_3033, %dma_start3A_3034] : memref<16x16x128xf32, #tpu.memory_space<vmem>> -> memref<1x16x128xf32, #tpu.memory_space<vmem>>
        %dma_start3A_3036 = tpu.memref_squeeze %dma_start3A_3035 : memref<1x16x128xf32, #tpu.memory_space<vmem>> -> memref<16x128xf32, #tpu.memory_space<vmem>>
        %dma_start3A_3037 = arith.constant 0 : i32
        %dma_start3A_3038 = tpu.memref_slice %arg4[%dma_start3A_3037, %multiple_of3A_3031] : memref<16x1000000xf32, #tpu.memory_space<hbm>> -> memref<16x128xf32, #tpu.memory_space<hbm>>
        %dma_start3A_3039 = arith.constant 0 : i32
        %dma_start3A_3040 = arith.constant 0 : i32
        %dma_start3A_3041 = tpu.memref_slice %run_scoped3A_2[%dma_start3A_3032, %dma_start3A_3039, %dma_start3A_3040] : memref<16x16x128xf32, #tpu.memory_space<vmem>> -> memref<1x16x128xf32, #tpu.memory_space<vmem>>
        %dma_start3A_3042 = tpu.memref_squeeze %dma_start3A_3041 : memref<1x16x128xf32, #tpu.memory_space<vmem>> -> memref<16x128xf32, #tpu.memory_space<vmem>>
        %dma_start3A_3043 = arith.constant 0 : i32
        %dma_start3A_3044 = tpu.memref_slice %arg4[%dma_start3A_3043, %multiple_of3A_3031] : memref<16x1000000xf32, #tpu.memory_space<hbm>> -> memref<16x128xf32, #tpu.memory_space<hbm>>
        tpu.enqueue_dma source(%dma_start3A_3044 : memref<16x128xf32, #tpu.memory_space<hbm>>) target(%dma_start3A_3042 : memref<16x128xf32, #tpu.memory_space<vmem>>) target_semaphore(%run_scoped3A_6 : memref<!tpu.dma_semaphore, #tpu.memory_space<semaphore_mem>>)
        %slice3A_3045 = vector.extract_strided_slice %shift_left3A_2980 {offsets = [4], sizes = [1], strides = [1]} : vector<16xi32> to vector<1xi32>
        %squeeze3A_3046 = vector.extract %slice3A_3045[0] : i32 from vector<1xi32>
        %multiple_of3A_3047 = tpu.assume_multiple %squeeze3A_3046, 128 : i32
        %dma_start3A_3048 = arith.constant 4 : i32
        %dma_start3A_3049 = arith.constant 0 : i32
        %dma_start3A_3050 = arith.constant 0 : i32
        %dma_start3A_3051 = tpu.memref_slice %run_scoped3A_2[%dma_start3A_3048, %dma_start3A_3049, %dma_start3A_3050] : memref<16x16x128xf32, #tpu.memory_space<vmem>> -> memref<1x16x128xf32, #tpu.memory_space<vmem>>
        %dma_start3A_3052 = tpu.memref_squeeze %dma_start3A_3051 : memref<1x16x128xf32, #tpu.memory_space<vmem>> -> memref<16x128xf32, #tpu.memory_space<vmem>>
        %dma_start3A_3053 = arith.constant 0 : i32
        %dma_start3A_3054 = tpu.memref_slice %arg4[%dma_start3A_3053, %multiple_of3A_3047] : memref<16x1000000xf32, #tpu.memory_space<hbm>> -> memref<16x128xf32, #tpu.memory_space<hbm>>
        %dma_start3A_3055 = arith.constant 0 : i32
        %dma_start3A_3056 = arith.constant 0 : i32
        %dma_start3A_3057 = tpu.memref_slice %run_scoped3A_2[%dma_start3A_3048, %dma_start3A_3055, %dma_start3A_3056] : memref<16x16x128xf32, #tpu.memory_space<vmem>> -> memref<1x16x128xf32, #tpu.memory_space<vmem>>
        %dma_start3A_3058 = tpu.memref_squeeze %dma_start3A_3057 : memref<1x16x128xf32, #tpu.memory_space<vmem>> -> memref<16x128xf32, #tpu.memory_space<vmem>>
        %dma_start3A_3059 = arith.constant 0 : i32
        %dma_start3A_3060 = tpu.memref_slice %arg4[%dma_start3A_3059, %multiple_of3A_3047] : memref<16x1000000xf32, #tpu.memory_space<hbm>> -> memref<16x128xf32, #tpu.memory_space<hbm>>
        tpu.enqueue_dma source(%dma_start3A_3060 : memref<16x128xf32, #tpu.memory_space<hbm>>) target(%dma_start3A_3058 : memref<16x128xf32, #tpu.memory_space<vmem>>) target_semaphore(%run_scoped3A_6 : memref<!tpu.dma_semaphore, #tpu.memory_space<semaphore_mem>>)
        %slice3A_3061 = vector.extract_strided_slice %shift_left3A_2980 {offsets = [5], sizes = [1], strides = [1]} : vector<16xi32> to vector<1xi32>
        %squeeze3A_3062 = vector.extract %slice3A_3061[0] : i32 from vector<1xi32>
        %multiple_of3A_3063 = tpu.assume_multiple %squeeze3A_3062, 128 : i32
        %dma_start3A_3064 = arith.constant 5 : i32
        %dma_start3A_3065 = arith.constant 0 : i32
        %dma_start3A_3066 = arith.constant 0 : i32
        %dma_start3A_3067 = tpu.memref_slice %run_scoped3A_2[%dma_start3A_3064, %dma_start3A_3065, %dma_start3A_3066] : memref<16x16x128xf32, #tpu.memory_space<vmem>> -> memref<1x16x128xf32, #tpu.memory_space<vmem>>
        %dma_start3A_3068 = tpu.memref_squeeze %dma_start3A_3067 : memref<1x16x128xf32, #tpu.memory_space<vmem>> -> memref<16x128xf32, #tpu.memory_space<vmem>>
        %dma_start3A_3069 = arith.constant 0 : i32
        %dma_start3A_3070 = tpu.memref_slice %arg4[%dma_start3A_3069, %multiple_of3A_3063] : memref<16x1000000xf32, #tpu.memory_space<hbm>> -> memref<16x128xf32, #tpu.memory_space<hbm>>
        %dma_start3A_3071 = arith.constant 0 : i32
        %dma_start3A_3072 = arith.constant 0 : i32
        %dma_start3A_3073 = tpu.memref_slice %run_scoped3A_2[%dma_start3A_3064, %dma_start3A_3071, %dma_start3A_3072] : memref<16x16x128xf32, #tpu.memory_space<vmem>> -> memref<1x16x128xf32, #tpu.memory_space<vmem>>
        %dma_start3A_3074 = tpu.memref_squeeze %dma_start3A_3073 : memref<1x16x128xf32, #tpu.memory_space<vmem>> -> memref<16x128xf32, #tpu.memory_space<vmem>>
        %dma_start3A_3075 = arith.constant 0 : i32
        %dma_start3A_3076 = tpu.memref_slice %arg4[%dma_start3A_3075, %multiple_of3A_3063] : memref<16x1000000xf32, #tpu.memory_space<hbm>> -> memref<16x128xf32, #tpu.memory_space<hbm>>
        tpu.enqueue_dma source(%dma_start3A_3076 : memref<16x128xf32, #tpu.memory_space<hbm>>) target(%dma_start3A_3074 : memref<16x128xf32, #tpu.memory_space<vmem>>) target_semaphore(%run_scoped3A_6 : memref<!tpu.dma_semaphore, #tpu.memory_space<semaphore_mem>>)
        %slice3A_3077 = vector.extract_strided_slice %shift_left3A_2980 {offsets = [6], sizes = [1], strides = [1]} : vector<16xi32> to vector<1xi32>
        %squeeze3A_3078 = vector.extract %slice3A_3077[0] : i32 from vector<1xi32>
        %multiple_of3A_3079 = tpu.assume_multiple %squeeze3A_3078, 128 : i32
        %dma_start3A_3080 = arith.constant 6 : i32
        %dma_start3A_3081 = arith.constant 0 : i32
        %dma_start3A_3082 = arith.constant 0 : i32
        %dma_start3A_3083 = tpu.memref_slice %run_scoped3A_2[%dma_start3A_3080, %dma_start3A_3081, %dma_start3A_3082] : memref<16x16x128xf32, #tpu.memory_space<vmem>> -> memref<1x16x128xf32, #tpu.memory_space<vmem>>
        %dma_start3A_3084 = tpu.memref_squeeze %dma_start3A_3083 : memref<1x16x128xf32, #tpu.memory_space<vmem>> -> memref<16x128xf32, #tpu.memory_space<vmem>>
        %dma_start3A_3085 = arith.constant 0 : i32
        %dma_start3A_3086 = tpu.memref_slice %arg4[%dma_start3A_3085, %multiple_of3A_3079] : memref<16x1000000xf32, #tpu.memory_space<hbm>> -> memref<16x128xf32, #tpu.memory_space<hbm>>
        %dma_start3A_3087 = arith.constant 0 : i32
        %dma_start3A_3088 = arith.constant 0 : i32
        %dma_start3A_3089 = tpu.memref_slice %run_scoped3A_2[%dma_start3A_3080, %dma_start3A_3087, %dma_start3A_3088] : memref<16x16x128xf32, #tpu.memory_space<vmem>> -> memref<1x16x128xf32, #tpu.memory_space<vmem>>
        %dma_start3A_3090 = tpu.memref_squeeze %dma_start3A_3089 : memref<1x16x128xf32, #tpu.memory_space<vmem>> -> memref<16x128xf32, #tpu.memory_space<vmem>>
        %dma_start3A_3091 = arith.constant 0 : i32
        %dma_start3A_3092 = tpu.memref_slice %arg4[%dma_start3A_3091, %multiple_of3A_3079] : memref<16x1000000xf32, #tpu.memory_space<hbm>> -> memref<16x128xf32, #tpu.memory_space<hbm>>
        tpu.enqueue_dma source(%dma_start3A_3092 : memref<16x128xf32, #tpu.memory_space<hbm>>) target(%dma_start3A_3090 : memref<16x128xf32, #tpu.memory_space<vmem>>) target_semaphore(%run_scoped3A_6 : memref<!tpu.dma_semaphore, #tpu.memory_space<semaphore_mem>>)
        %slice3A_3093 = vector.extract_strided_slice %shift_left3A_2980 {offsets = [7], sizes = [1], strides = [1]} : vector<16xi32> to vector<1xi32>
        %squeeze3A_3094 = vector.extract %slice3A_3093[0] : i32 from vector<1xi32>
        %multiple_of3A_3095 = tpu.assume_multiple %squeeze3A_3094, 128 : i32
        %dma_start3A_3096 = arith.constant 7 : i32
        %dma_start3A_3097 = arith.constant 0 : i32
        %dma_start3A_3098 = arith.constant 0 : i32
        %dma_start3A_3099 = tpu.memref_slice %run_scoped3A_2[%dma_start3A_3096, %dma_start3A_3097, %dma_start3A_3098] : memref<16x16x128xf32, #tpu.memory_space<vmem>> -> memref<1x16x128xf32, #tpu.memory_space<vmem>>
        %dma_start3A_3100 = tpu.memref_squeeze %dma_start3A_3099 : memref<1x16x128xf32, #tpu.memory_space<vmem>> -> memref<16x128xf32, #tpu.memory_space<vmem>>
        %dma_start3A_3101 = arith.constant 0 : i32
        %dma_start3A_3102 = tpu.memref_slice %arg4[%dma_start3A_3101, %multiple_of3A_3095] : memref<16x1000000xf32, #tpu.memory_space<hbm>> -> memref<16x128xf32, #tpu.memory_space<hbm>>
        %dma_start3A_3103 = arith.constant 0 : i32
        %dma_start3A_3104 = arith.constant 0 : i32
        %dma_start3A_3105 = tpu.memref_slice %run_scoped3A_2[%dma_start3A_3096, %dma_start3A_3103, %dma_start3A_3104] : memref<16x16x128xf32, #tpu.memory_space<vmem>> -> memref<1x16x128xf32, #tpu.memory_space<vmem>>
        %dma_start3A_3106 = tpu.memref_squeeze %dma_start3A_3105 : memref<1x16x128xf32, #tpu.memory_space<vmem>> -> memref<16x128xf32, #tpu.memory_space<vmem>>
        %dma_start3A_3107 = arith.constant 0 : i32
        %dma_start3A_3108 = tpu.memref_slice %arg4[%dma_start3A_3107, %multiple_of3A_3095] : memref<16x1000000xf32, #tpu.memory_space<hbm>> -> memref<16x128xf32, #tpu.memory_space<hbm>>
        tpu.enqueue_dma source(%dma_start3A_3108 : memref<16x128xf32, #tpu.memory_space<hbm>>) target(%dma_start3A_3106 : memref<16x128xf32, #tpu.memory_space<vmem>>) target_semaphore(%run_scoped3A_6 : memref<!tpu.dma_semaphore, #tpu.memory_space<semaphore_mem>>)
        %slice3A_3109 = vector.extract_strided_slice %shift_left3A_2980 {offsets = [8], sizes = [1], strides = [1]} : vector<16xi32> to vector<1xi32>
        %squeeze3A_3110 = vector.extract %slice3A_3109[0] : i32 from vector<1xi32>
        %multiple_of3A_3111 = tpu.assume_multiple %squeeze3A_3110, 128 : i32
        %dma_start3A_3112 = arith.constant 8 : i32
        %dma_start3A_3113 = arith.constant 0 : i32
        %dma_start3A_3114 = arith.constant 0 : i32
        %dma_start3A_3115 = tpu.memref_slice %run_scoped3A_2[%dma_start3A_3112, %dma_start3A_3113, %dma_start3A_3114] : memref<16x16x128xf32, #tpu.memory_space<vmem>> -> memref<1x16x128xf32, #tpu.memory_space<vmem>>
        %dma_start3A_3116 = tpu.memref_squeeze %dma_start3A_3115 : memref<1x16x128xf32, #tpu.memory_space<vmem>> -> memref<16x128xf32, #tpu.memory_space<vmem>>
        %dma_start3A_3117 = arith.constant 0 : i32
        %dma_start3A_3118 = tpu.memref_slice %arg4[%dma_start3A_3117, %multiple_of3A_3111] : memref<16x1000000xf32, #tpu.memory_space<hbm>> -> memref<16x128xf32, #tpu.memory_space<hbm>>
        %dma_start3A_3119 = arith.constant 0 : i32
        %dma_start3A_3120 = arith.constant 0 : i32
        %dma_start3A_3121 = tpu.memref_slice %run_scoped3A_2[%dma_start3A_3112, %dma_start3A_3119, %dma_start3A_3120] : memref<16x16x128xf32, #tpu.memory_space<vmem>> -> memref<1x16x128xf32, #tpu.memory_space<vmem>>
        %dma_start3A_3122 = tpu.memref_squeeze %dma_start3A_3121 : memref<1x16x128xf32, #tpu.memory_space<vmem>> -> memref<16x128xf32, #tpu.memory_space<vmem>>
        %dma_start3A_3123 = arith.constant 0 : i32
        %dma_start3A_3124 = tpu.memref_slice %arg4[%dma_start3A_3123, %multiple_of3A_3111] : memref<16x1000000xf32, #tpu.memory_space<hbm>> -> memref<16x128xf32, #tpu.memory_space<hbm>>
        tpu.enqueue_dma source(%dma_start3A_3124 : memref<16x128xf32, #tpu.memory_space<hbm>>) target(%dma_start3A_3122 : memref<16x128xf32, #tpu.memory_space<vmem>>) target_semaphore(%run_scoped3A_6 : memref<!tpu.dma_semaphore, #tpu.memory_space<semaphore_mem>>)
        %slice3A_3125 = vector.extract_strided_slice %shift_left3A_2980 {offsets = [9], sizes = [1], strides = [1]} : vector<16xi32> to vector<1xi32>
        %squeeze3A_3126 = vector.extract %slice3A_3125[0] : i32 from vector<1xi32>
        %multiple_of3A_3127 = tpu.assume_multiple %squeeze3A_3126, 128 : i32
        %dma_start3A_3128 = arith.constant 9 : i32
        %dma_start3A_3129 = arith.constant 0 : i32
        %dma_start3A_3130 = arith.constant 0 : i32
        %dma_start3A_3131 = tpu.memref_slice %run_scoped3A_2[%dma_start3A_3128, %dma_start3A_3129, %dma_start3A_3130] : memref<16x16x128xf32, #tpu.memory_space<vmem>> -> memref<1x16x128xf32, #tpu.memory_space<vmem>>
        %dma_start3A_3132 = tpu.memref_squeeze %dma_start3A_3131 : memref<1x16x128xf32, #tpu.memory_space<vmem>> -> memref<16x128xf32, #tpu.memory_space<vmem>>
        %dma_start3A_3133 = arith.constant 0 : i32
        %dma_start3A_3134 = tpu.memref_slice %arg4[%dma_start3A_3133, %multiple_of3A_3127] : memref<16x1000000xf32, #tpu.memory_space<hbm>> -> memref<16x128xf32, #tpu.memory_space<hbm>>
        %dma_start3A_3135 = arith.constant 0 : i32
        %dma_start3A_3136 = arith.constant 0 : i32
        %dma_start3A_3137 = tpu.memref_slice %run_scoped3A_2[%dma_start3A_3128, %dma_start3A_3135, %dma_start3A_3136] : memref<16x16x128xf32, #tpu.memory_space<vmem>> -> memref<1x16x128xf32, #tpu.memory_space<vmem>>
        %dma_start3A_3138 = tpu.memref_squeeze %dma_start3A_3137 : memref<1x16x128xf32, #tpu.memory_space<vmem>> -> memref<16x128xf32, #tpu.memory_space<vmem>>
        %dma_start3A_3139 = arith.constant 0 : i32
        %dma_start3A_3140 = tpu.memref_slice %arg4[%dma_start3A_3139, %multiple_of3A_3127] : memref<16x1000000xf32, #tpu.memory_space<hbm>> -> memref<16x128xf32, #tpu.memory_space<hbm>>
        tpu.enqueue_dma source(%dma_start3A_3140 : memref<16x128xf32, #tpu.memory_space<hbm>>) target(%dma_start3A_3138 : memref<16x128xf32, #tpu.memory_space<vmem>>) target_semaphore(%run_scoped3A_6 : memref<!tpu.dma_semaphore, #tpu.memory_space<semaphore_mem>>)
        %slice3A_3141 = vector.extract_strided_slice %shift_left3A_2980 {offsets = [10], sizes = [1], strides = [1]} : vector<16xi32> to vector<1xi32>
        %squeeze3A_3142 = vector.extract %slice3A_3141[0] : i32 from vector<1xi32>
        %multiple_of3A_3143 = tpu.assume_multiple %squeeze3A_3142, 128 : i32
        %dma_start3A_3144 = arith.constant 10 : i32
        %dma_start3A_3145 = arith.constant 0 : i32
        %dma_start3A_3146 = arith.constant 0 : i32
        %dma_start3A_3147 = tpu.memref_slice %run_scoped3A_2[%dma_start3A_3144, %dma_start3A_3145, %dma_start3A_3146] : memref<16x16x128xf32, #tpu.memory_space<vmem>> -> memref<1x16x128xf32, #tpu.memory_space<vmem>>
        %dma_start3A_3148 = tpu.memref_squeeze %dma_start3A_3147 : memref<1x16x128xf32, #tpu.memory_space<vmem>> -> memref<16x128xf32, #tpu.memory_space<vmem>>
        %dma_start3A_3149 = arith.constant 0 : i32
        %dma_start3A_3150 = tpu.memref_slice %arg4[%dma_start3A_3149, %multiple_of3A_3143] : memref<16x1000000xf32, #tpu.memory_space<hbm>> -> memref<16x128xf32, #tpu.memory_space<hbm>>
        %dma_start3A_3151 = arith.constant 0 : i32
        %dma_start3A_3152 = arith.constant 0 : i32
        %dma_start3A_3153 = tpu.memref_slice %run_scoped3A_2[%dma_start3A_3144, %dma_start3A_3151, %dma_start3A_3152] : memref<16x16x128xf32, #tpu.memory_space<vmem>> -> memref<1x16x128xf32, #tpu.memory_space<vmem>>
        %dma_start3A_3154 = tpu.memref_squeeze %dma_start3A_3153 : memref<1x16x128xf32, #tpu.memory_space<vmem>> -> memref<16x128xf32, #tpu.memory_space<vmem>>
        %dma_start3A_3155 = arith.constant 0 : i32
        %dma_start3A_3156 = tpu.memref_slice %arg4[%dma_start3A_3155, %multiple_of3A_3143] : memref<16x1000000xf32, #tpu.memory_space<hbm>> -> memref<16x128xf32, #tpu.memory_space<hbm>>
        tpu.enqueue_dma source(%dma_start3A_3156 : memref<16x128xf32, #tpu.memory_space<hbm>>) target(%dma_start3A_3154 : memref<16x128xf32, #tpu.memory_space<vmem>>) target_semaphore(%run_scoped3A_6 : memref<!tpu.dma_semaphore, #tpu.memory_space<semaphore_mem>>)
        %slice3A_3157 = vector.extract_strided_slice %shift_left3A_2980 {offsets = [11], sizes = [1], strides = [1]} : vector<16xi32> to vector<1xi32>
        %squeeze3A_3158 = vector.extract %slice3A_3157[0] : i32 from vector<1xi32>
        %multiple_of3A_3159 = tpu.assume_multiple %squeeze3A_3158, 128 : i32
        %dma_start3A_3160 = arith.constant 11 : i32
        %dma_start3A_3161 = arith.constant 0 : i32
        %dma_start3A_3162 = arith.constant 0 : i32
        %dma_start3A_3163 = tpu.memref_slice %run_scoped3A_2[%dma_start3A_3160, %dma_start3A_3161, %dma_start3A_3162] : memref<16x16x128xf32, #tpu.memory_space<vmem>> -> memref<1x16x128xf32, #tpu.memory_space<vmem>>
        %dma_start3A_3164 = tpu.memref_squeeze %dma_start3A_3163 : memref<1x16x128xf32, #tpu.memory_space<vmem>> -> memref<16x128xf32, #tpu.memory_space<vmem>>
        %dma_start3A_3165 = arith.constant 0 : i32
        %dma_start3A_3166 = tpu.memref_slice %arg4[%dma_start3A_3165, %multiple_of3A_3159] : memref<16x1000000xf32, #tpu.memory_space<hbm>> -> memref<16x128xf32, #tpu.memory_space<hbm>>
        %dma_start3A_3167 = arith.constant 0 : i32
        %dma_start3A_3168 = arith.constant 0 : i32
        %dma_start3A_3169 = tpu.memref_slice %run_scoped3A_2[%dma_start3A_3160, %dma_start3A_3167, %dma_start3A_3168] : memref<16x16x128xf32, #tpu.memory_space<vmem>> -> memref<1x16x128xf32, #tpu.memory_space<vmem>>
        %dma_start3A_3170 = tpu.memref_squeeze %dma_start3A_3169 : memref<1x16x128xf32, #tpu.memory_space<vmem>> -> memref<16x128xf32, #tpu.memory_space<vmem>>
        %dma_start3A_3171 = arith.constant 0 : i32
        %dma_start3A_3172 = tpu.memref_slice %arg4[%dma_start3A_3171, %multiple_of3A_3159] : memref<16x1000000xf32, #tpu.memory_space<hbm>> -> memref<16x128xf32, #tpu.memory_space<hbm>>
        tpu.enqueue_dma source(%dma_start3A_3172 : memref<16x128xf32, #tpu.memory_space<hbm>>) target(%dma_start3A_3170 : memref<16x128xf32, #tpu.memory_space<vmem>>) target_semaphore(%run_scoped3A_6 : memref<!tpu.dma_semaphore, #tpu.memory_space<semaphore_mem>>)
        %slice3A_3173 = vector.extract_strided_slice %shift_left3A_2980 {offsets = [12], sizes = [1], strides = [1]} : vector<16xi32> to vector<1xi32>
        %squeeze3A_3174 = vector.extract %slice3A_3173[0] : i32 from vector<1xi32>
        %multiple_of3A_3175 = tpu.assume_multiple %squeeze3A_3174, 128 : i32
        %dma_start3A_3176 = arith.constant 12 : i32
        %dma_start3A_3177 = arith.constant 0 : i32
        %dma_start3A_3178 = arith.constant 0 : i32
        %dma_start3A_3179 = tpu.memref_slice %run_scoped3A_2[%dma_start3A_3176, %dma_start3A_3177, %dma_start3A_3178] : memref<16x16x128xf32, #tpu.memory_space<vmem>> -> memref<1x16x128xf32, #tpu.memory_space<vmem>>
        %dma_start3A_3180 = tpu.memref_squeeze %dma_start3A_3179 : memref<1x16x128xf32, #tpu.memory_space<vmem>> -> memref<16x128xf32, #tpu.memory_space<vmem>>
        %dma_start3A_3181 = arith.constant 0 : i32
        %dma_start3A_3182 = tpu.memref_slice %arg4[%dma_start3A_3181, %multiple_of3A_3175] : memref<16x1000000xf32, #tpu.memory_space<hbm>> -> memref<16x128xf32, #tpu.memory_space<hbm>>
        %dma_start3A_3183 = arith.constant 0 : i32
        %dma_start3A_3184 = arith.constant 0 : i32
        %dma_start3A_3185 = tpu.memref_slice %run_scoped3A_2[%dma_start3A_3176, %dma_start3A_3183, %dma_start3A_3184] : memref<16x16x128xf32, #tpu.memory_space<vmem>> -> memref<1x16x128xf32, #tpu.memory_space<vmem>>
        %dma_start3A_3186 = tpu.memref_squeeze %dma_start3A_3185 : memref<1x16x128xf32, #tpu.memory_space<vmem>> -> memref<16x128xf32, #tpu.memory_space<vmem>>
        %dma_start3A_3187 = arith.constant 0 : i32
        %dma_start3A_3188 = tpu.memref_slice %arg4[%dma_start3A_3187, %multiple_of3A_3175] : memref<16x1000000xf32, #tpu.memory_space<hbm>> -> memref<16x128xf32, #tpu.memory_space<hbm>>
        tpu.enqueue_dma source(%dma_start3A_3188 : memref<16x128xf32, #tpu.memory_space<hbm>>) target(%dma_start3A_3186 : memref<16x128xf32, #tpu.memory_space<vmem>>) target_semaphore(%run_scoped3A_6 : memref<!tpu.dma_semaphore, #tpu.memory_space<semaphore_mem>>)
        %slice3A_3189 = vector.extract_strided_slice %shift_left3A_2980 {offsets = [13], sizes = [1], strides = [1]} : vector<16xi32> to vector<1xi32>
        %squeeze3A_3190 = vector.extract %slice3A_3189[0] : i32 from vector<1xi32>
        %multiple_of3A_3191 = tpu.assume_multiple %squeeze3A_3190, 128 : i32
        %dma_start3A_3192 = arith.constant 13 : i32
        %dma_start3A_3193 = arith.constant 0 : i32
        %dma_start3A_3194 = arith.constant 0 : i32
        %dma_start3A_3195 = tpu.memref_slice %run_scoped3A_2[%dma_start3A_3192, %dma_start3A_3193, %dma_start3A_3194] : memref<16x16x128xf32, #tpu.memory_space<vmem>> -> memref<1x16x128xf32, #tpu.memory_space<vmem>>
        %dma_start3A_3196 = tpu.memref_squeeze %dma_start3A_3195 : memref<1x16x128xf32, #tpu.memory_space<vmem>> -> memref<16x128xf32, #tpu.memory_space<vmem>>
        %dma_start3A_3197 = arith.constant 0 : i32
        %dma_start3A_3198 = tpu.memref_slice %arg4[%dma_start3A_3197, %multiple_of3A_3191] : memref<16x1000000xf32, #tpu.memory_space<hbm>> -> memref<16x128xf32, #tpu.memory_space<hbm>>
        %dma_start3A_3199 = arith.constant 0 : i32
        %dma_start3A_3200 = arith.constant 0 : i32
        %dma_start3A_3201 = tpu.memref_slice %run_scoped3A_2[%dma_start3A_3192, %dma_start3A_3199, %dma_start3A_3200] : memref<16x16x128xf32, #tpu.memory_space<vmem>> -> memref<1x16x128xf32, #tpu.memory_space<vmem>>
        %dma_start3A_3202 = tpu.memref_squeeze %dma_start3A_3201 : memref<1x16x128xf32, #tpu.memory_space<vmem>> -> memref<16x128xf32, #tpu.memory_space<vmem>>
        %dma_start3A_3203 = arith.constant 0 : i32
        %dma_start3A_3204 = tpu.memref_slice %arg4[%dma_start3A_3203, %multiple_of3A_3191] : memref<16x1000000xf32, #tpu.memory_space<hbm>> -> memref<16x128xf32, #tpu.memory_space<hbm>>
        tpu.enqueue_dma source(%dma_start3A_3204 : memref<16x128xf32, #tpu.memory_space<hbm>>) target(%dma_start3A_3202 : memref<16x128xf32, #tpu.memory_space<vmem>>) target_semaphore(%run_scoped3A_6 : memref<!tpu.dma_semaphore, #tpu.memory_space<semaphore_mem>>)
        %slice3A_3205 = vector.extract_strided_slice %shift_left3A_2980 {offsets = [14], sizes = [1], strides = [1]} : vector<16xi32> to vector<1xi32>
        %squeeze3A_3206 = vector.extract %slice3A_3205[0] : i32 from vector<1xi32>
        %multiple_of3A_3207 = tpu.assume_multiple %squeeze3A_3206, 128 : i32
        %dma_start3A_3208 = arith.constant 14 : i32
        %dma_start3A_3209 = arith.constant 0 : i32
        %dma_start3A_3210 = arith.constant 0 : i32
        %dma_start3A_3211 = tpu.memref_slice %run_scoped3A_2[%dma_start3A_3208, %dma_start3A_3209, %dma_start3A_3210] : memref<16x16x128xf32, #tpu.memory_space<vmem>> -> memref<1x16x128xf32, #tpu.memory_space<vmem>>
        %dma_start3A_3212 = tpu.memref_squeeze %dma_start3A_3211 : memref<1x16x128xf32, #tpu.memory_space<vmem>> -> memref<16x128xf32, #tpu.memory_space<vmem>>
        %dma_start3A_3213 = arith.constant 0 : i32
        %dma_start3A_3214 = tpu.memref_slice %arg4[%dma_start3A_3213, %multiple_of3A_3207] : memref<16x1000000xf32, #tpu.memory_space<hbm>> -> memref<16x128xf32, #tpu.memory_space<hbm>>
        %dma_start3A_3215 = arith.constant 0 : i32
        %dma_start3A_3216 = arith.constant 0 : i32
        %dma_start3A_3217 = tpu.memref_slice %run_scoped3A_2[%dma_start3A_3208, %dma_start3A_3215, %dma_start3A_3216] : memref<16x16x128xf32, #tpu.memory_space<vmem>> -> memref<1x16x128xf32, #tpu.memory_space<vmem>>
        %dma_start3A_3218 = tpu.memref_squeeze %dma_start3A_3217 : memref<1x16x128xf32, #tpu.memory_space<vmem>> -> memref<16x128xf32, #tpu.memory_space<vmem>>
        %dma_start3A_3219 = arith.constant 0 : i32
        %dma_start3A_3220 = tpu.memref_slice %arg4[%dma_start3A_3219, %multiple_of3A_3207] : memref<16x1000000xf32, #tpu.memory_space<hbm>> -> memref<16x128xf32, #tpu.memory_space<hbm>>
        tpu.enqueue_dma source(%dma_start3A_3220 : memref<16x128xf32, #tpu.memory_space<hbm>>) target(%dma_start3A_3218 : memref<16x128xf32, #tpu.memory_space<vmem>>) target_semaphore(%run_scoped3A_6 : memref<!tpu.dma_semaphore, #tpu.memory_space<semaphore_mem>>)
        %slice3A_3221 = vector.extract_strided_slice %shift_left3A_2980 {offsets = [15], sizes = [1], strides = [1]} : vector<16xi32> to vector<1xi32>
        %squeeze3A_3222 = vector.extract %slice3A_3221[0] : i32 from vector<1xi32>
        %multiple_of3A_3223 = tpu.assume_multiple %squeeze3A_3222, 128 : i32
        %dma_start3A_3224 = arith.constant 15 : i32
        %dma_start3A_3225 = arith.constant 0 : i32
        %dma_start3A_3226 = arith.constant 0 : i32
        %dma_start3A_3227 = tpu.memref_slice %run_scoped3A_2[%dma_start3A_3224, %dma_start3A_3225, %dma_start3A_3226] : memref<16x16x128xf32, #tpu.memory_space<vmem>> -> memref<1x16x128xf32, #tpu.memory_space<vmem>>
        %dma_start3A_3228 = tpu.memref_squeeze %dma_start3A_3227 : memref<1x16x128xf32, #tpu.memory_space<vmem>> -> memref<16x128xf32, #tpu.memory_space<vmem>>
        %dma_start3A_3229 = arith.constant 0 : i32
        %dma_start3A_3230 = tpu.memref_slice %arg4[%dma_start3A_3229, %multiple_of3A_3223] : memref<16x1000000xf32, #tpu.memory_space<hbm>> -> memref<16x128xf32, #tpu.memory_space<hbm>>
        %dma_start3A_3231 = arith.constant 0 : i32
        %dma_start3A_3232 = arith.constant 0 : i32
        %dma_start3A_3233 = tpu.memref_slice %run_scoped3A_2[%dma_start3A_3224, %dma_start3A_3231, %dma_start3A_3232] : memref<16x16x128xf32, #tpu.memory_space<vmem>> -> memref<1x16x128xf32, #tpu.memory_space<vmem>>
        %dma_start3A_3234 = tpu.memref_squeeze %dma_start3A_3233 : memref<1x16x128xf32, #tpu.memory_space<vmem>> -> memref<16x128xf32, #tpu.memory_space<vmem>>
        %dma_start3A_3235 = arith.constant 0 : i32
        %dma_start3A_3236 = tpu.memref_slice %arg4[%dma_start3A_3235, %multiple_of3A_3223] : memref<16x1000000xf32, #tpu.memory_space<hbm>> -> memref<16x128xf32, #tpu.memory_space<hbm>>
        tpu.enqueue_dma source(%dma_start3A_3236 : memref<16x128xf32, #tpu.memory_space<hbm>>) target(%dma_start3A_3234 : memref<16x128xf32, #tpu.memory_space<vmem>>) target_semaphore(%run_scoped3A_6 : memref<!tpu.dma_semaphore, #tpu.memory_space<semaphore_mem>>)
      }
      %scan3A_545 = arith.constant 16 : i32
      %dma_wait3A = arith.constant 0 : i32
      %dma_wait3A_546 = arith.constant 0 : i32
      %dma_wait3A_547 = arith.constant 0 : i32
      %dma_wait3A_548 = tpu.memref_slice %run_scoped3A_1[%dma_wait3A, %dma_wait3A_546, %dma_wait3A_547] : memref<16x16x128xf32, #tpu.memory_space<vmem>> -> memref<1x16x128xf32, #tpu.memory_space<vmem>>
      %dma_wait3A_549 = tpu.memref_squeeze %dma_wait3A_548 : memref<1x16x128xf32, #tpu.memory_space<vmem>> -> memref<16x128xf32, #tpu.memory_space<vmem>>
      %dma_wait3A_550 = arith.constant 0 : i32
      %dma_wait3A_551 = arith.constant 0 : i32
      %dma_wait3A_552 = tpu.memref_slice %arg4[%dma_wait3A_550, %dma_wait3A_551] : memref<16x1000000xf32, #tpu.memory_space<hbm>> -> memref<16x128xf32, #tpu.memory_space<hbm>>
      %dma_wait3A_553 = arith.constant 0 : i32
      %dma_wait3A_554 = arith.constant 0 : i32
      %dma_wait3A_555 = tpu.memref_slice %run_scoped3A_1[%dma_wait3A, %dma_wait3A_553, %dma_wait3A_554] : memref<16x16x128xf32, #tpu.memory_space<vmem>> -> memref<1x16x128xf32, #tpu.memory_space<vmem>>
      %dma_wait3A_556 = tpu.memref_squeeze %dma_wait3A_555 : memref<1x16x128xf32, #tpu.memory_space<vmem>> -> memref<16x128xf32, #tpu.memory_space<vmem>>
      %dma_wait3A_557 = arith.constant 0 : i32
      %dma_wait3A_558 = arith.constant 0 : i32
      %dma_wait3A_559 = tpu.memref_slice %arg4[%dma_wait3A_557, %dma_wait3A_558] : memref<16x1000000xf32, #tpu.memory_space<hbm>> -> memref<16x128xf32, #tpu.memory_space<hbm>>
      tpu.wait_dma2 semaphore(%run_scoped3A_5 : memref<!tpu.dma_semaphore, #tpu.memory_space<semaphore_mem>>) src(%dma_wait3A_559 : memref<16x128xf32, #tpu.memory_space<hbm>>) dst(%dma_wait3A_556 : memref<16x128xf32, #tpu.memory_space<vmem>>)
      %dma_wait3A_560 = arith.constant 1 : i32
      %dma_wait3A_561 = arith.constant 0 : i32
      %dma_wait3A_562 = arith.constant 0 : i32
      %dma_wait3A_563 = tpu.memref_slice %run_scoped3A_1[%dma_wait3A_560, %dma_wait3A_561, %dma_wait3A_562] : memref<16x16x128xf32, #tpu.memory_space<vmem>> -> memref<1x16x128xf32, #tpu.memory_space<vmem>>
      %dma_wait3A_564 = tpu.memref_squeeze %dma_wait3A_563 : memref<1x16x128xf32, #tpu.memory_space<vmem>> -> memref<16x128xf32, #tpu.memory_space<vmem>>
      %dma_wait3A_565 = arith.constant 0 : i32
      %dma_wait3A_566 = arith.constant 0 : i32
      %dma_wait3A_567 = tpu.memref_slice %arg4[%dma_wait3A_565, %dma_wait3A_566] : memref<16x1000000xf32, #tpu.memory_space<hbm>> -> memref<16x128xf32, #tpu.memory_space<hbm>>
      %dma_wait3A_568 = arith.constant 0 : i32
      %dma_wait3A_569 = arith.constant 0 : i32
      %dma_wait3A_570 = tpu.memref_slice %run_scoped3A_1[%dma_wait3A_560, %dma_wait3A_568, %dma_wait3A_569] : memref<16x16x128xf32, #tpu.memory_space<vmem>> -> memref<1x16x128xf32, #tpu.memory_space<vmem>>
      %dma_wait3A_571 = tpu.memref_squeeze %dma_wait3A_570 : memref<1x16x128xf32, #tpu.memory_space<vmem>> -> memref<16x128xf32, #tpu.memory_space<vmem>>
      %dma_wait3A_572 = arith.constant 0 : i32
      %dma_wait3A_573 = arith.constant 0 : i32
      %dma_wait3A_574 = tpu.memref_slice %arg4[%dma_wait3A_572, %dma_wait3A_573] : memref<16x1000000xf32, #tpu.memory_space<hbm>> -> memref<16x128xf32, #tpu.memory_space<hbm>>
      tpu.wait_dma2 semaphore(%run_scoped3A_5 : memref<!tpu.dma_semaphore, #tpu.memory_space<semaphore_mem>>) src(%dma_wait3A_574 : memref<16x128xf32, #tpu.memory_space<hbm>>) dst(%dma_wait3A_571 : memref<16x128xf32, #tpu.memory_space<vmem>>)
      %dma_wait3A_575 = arith.constant 2 : i32
      %dma_wait3A_576 = arith.constant 0 : i32
      %dma_wait3A_577 = arith.constant 0 : i32
      %dma_wait3A_578 = tpu.memref_slice %run_scoped3A_1[%dma_wait3A_575, %dma_wait3A_576, %dma_wait3A_577] : memref<16x16x128xf32, #tpu.memory_space<vmem>> -> memref<1x16x128xf32, #tpu.memory_space<vmem>>
      %dma_wait3A_579 = tpu.memref_squeeze %dma_wait3A_578 : memref<1x16x128xf32, #tpu.memory_space<vmem>> -> memref<16x128xf32, #tpu.memory_space<vmem>>
      %dma_wait3A_580 = arith.constant 0 : i32
      %dma_wait3A_581 = arith.constant 0 : i32
      %dma_wait3A_582 = tpu.memref_slice %arg4[%dma_wait3A_580, %dma_wait3A_581] : memref<16x1000000xf32, #tpu.memory_space<hbm>> -> memref<16x128xf32, #tpu.memory_space<hbm>>
      %dma_wait3A_583 = arith.constant 0 : i32
      %dma_wait3A_584 = arith.constant 0 : i32
      %dma_wait3A_585 = tpu.memref_slice %run_scoped3A_1[%dma_wait3A_575, %dma_wait3A_583, %dma_wait3A_584] : memref<16x16x128xf32, #tpu.memory_space<vmem>> -> memref<1x16x128xf32, #tpu.memory_space<vmem>>
      %dma_wait3A_586 = tpu.memref_squeeze %dma_wait3A_585 : memref<1x16x128xf32, #tpu.memory_space<vmem>> -> memref<16x128xf32, #tpu.memory_space<vmem>>
      %dma_wait3A_587 = arith.constant 0 : i32
      %dma_wait3A_588 = arith.constant 0 : i32
      %dma_wait3A_589 = tpu.memref_slice %arg4[%dma_wait3A_587, %dma_wait3A_588] : memref<16x1000000xf32, #tpu.memory_space<hbm>> -> memref<16x128xf32, #tpu.memory_space<hbm>>
      tpu.wait_dma2 semaphore(%run_scoped3A_5 : memref<!tpu.dma_semaphore, #tpu.memory_space<semaphore_mem>>) src(%dma_wait3A_589 : memref<16x128xf32, #tpu.memory_space<hbm>>) dst(%dma_wait3A_586 : memref<16x128xf32, #tpu.memory_space<vmem>>)
      %dma_wait3A_590 = arith.constant 3 : i32
      %dma_wait3A_591 = arith.constant 0 : i32
      %dma_wait3A_592 = arith.constant 0 : i32
      %dma_wait3A_593 = tpu.memref_slice %run_scoped3A_1[%dma_wait3A_590, %dma_wait3A_591, %dma_wait3A_592] : memref<16x16x128xf32, #tpu.memory_space<vmem>> -> memref<1x16x128xf32, #tpu.memory_space<vmem>>
      %dma_wait3A_594 = tpu.memref_squeeze %dma_wait3A_593 : memref<1x16x128xf32, #tpu.memory_space<vmem>> -> memref<16x128xf32, #tpu.memory_space<vmem>>
      %dma_wait3A_595 = arith.constant 0 : i32
      %dma_wait3A_596 = arith.constant 0 : i32
      %dma_wait3A_597 = tpu.memref_slice %arg4[%dma_wait3A_595, %dma_wait3A_596] : memref<16x1000000xf32, #tpu.memory_space<hbm>> -> memref<16x128xf32, #tpu.memory_space<hbm>>
      %dma_wait3A_598 = arith.constant 0 : i32
      %dma_wait3A_599 = arith.constant 0 : i32
      %dma_wait3A_600 = tpu.memref_slice %run_scoped3A_1[%dma_wait3A_590, %dma_wait3A_598, %dma_wait3A_599] : memref<16x16x128xf32, #tpu.memory_space<vmem>> -> memref<1x16x128xf32, #tpu.memory_space<vmem>>
      %dma_wait3A_601 = tpu.memref_squeeze %dma_wait3A_600 : memref<1x16x128xf32, #tpu.memory_space<vmem>> -> memref<16x128xf32, #tpu.memory_space<vmem>>
      %dma_wait3A_602 = arith.constant 0 : i32
      %dma_wait3A_603 = arith.constant 0 : i32
      %dma_wait3A_604 = tpu.memref_slice %arg4[%dma_wait3A_602, %dma_wait3A_603] : memref<16x1000000xf32, #tpu.memory_space<hbm>> -> memref<16x128xf32, #tpu.memory_space<hbm>>
      tpu.wait_dma2 semaphore(%run_scoped3A_5 : memref<!tpu.dma_semaphore, #tpu.memory_space<semaphore_mem>>) src(%dma_wait3A_604 : memref<16x128xf32, #tpu.memory_space<hbm>>) dst(%dma_wait3A_601 : memref<16x128xf32, #tpu.memory_space<vmem>>)
      %dma_wait3A_605 = arith.constant 4 : i32
      %dma_wait3A_606 = arith.constant 0 : i32
      %dma_wait3A_607 = arith.constant 0 : i32
      %dma_wait3A_608 = tpu.memref_slice %run_scoped3A_1[%dma_wait3A_605, %dma_wait3A_606, %dma_wait3A_607] : memref<16x16x128xf32, #tpu.memory_space<vmem>> -> memref<1x16x128xf32, #tpu.memory_space<vmem>>
      %dma_wait3A_609 = tpu.memref_squeeze %dma_wait3A_608 : memref<1x16x128xf32, #tpu.memory_space<vmem>> -> memref<16x128xf32, #tpu.memory_space<vmem>>
      %dma_wait3A_610 = arith.constant 0 : i32
      %dma_wait3A_611 = arith.constant 0 : i32
      %dma_wait3A_612 = tpu.memref_slice %arg4[%dma_wait3A_610, %dma_wait3A_611] : memref<16x1000000xf32, #tpu.memory_space<hbm>> -> memref<16x128xf32, #tpu.memory_space<hbm>>
      %dma_wait3A_613 = arith.constant 0 : i32
      %dma_wait3A_614 = arith.constant 0 : i32
      %dma_wait3A_615 = tpu.memref_slice %run_scoped3A_1[%dma_wait3A_605, %dma_wait3A_613, %dma_wait3A_614] : memref<16x16x128xf32, #tpu.memory_space<vmem>> -> memref<1x16x128xf32, #tpu.memory_space<vmem>>
      %dma_wait3A_616 = tpu.memref_squeeze %dma_wait3A_615 : memref<1x16x128xf32, #tpu.memory_space<vmem>> -> memref<16x128xf32, #tpu.memory_space<vmem>>
      %dma_wait3A_617 = arith.constant 0 : i32
      %dma_wait3A_618 = arith.constant 0 : i32
      %dma_wait3A_619 = tpu.memref_slice %arg4[%dma_wait3A_617, %dma_wait3A_618] : memref<16x1000000xf32, #tpu.memory_space<hbm>> -> memref<16x128xf32, #tpu.memory_space<hbm>>
      tpu.wait_dma2 semaphore(%run_scoped3A_5 : memref<!tpu.dma_semaphore, #tpu.memory_space<semaphore_mem>>) src(%dma_wait3A_619 : memref<16x128xf32, #tpu.memory_space<hbm>>) dst(%dma_wait3A_616 : memref<16x128xf32, #tpu.memory_space<vmem>>)
      %dma_wait3A_620 = arith.constant 5 : i32
      %dma_wait3A_621 = arith.constant 0 : i32
      %dma_wait3A_622 = arith.constant 0 : i32
      %dma_wait3A_623 = tpu.memref_slice %run_scoped3A_1[%dma_wait3A_620, %dma_wait3A_621, %dma_wait3A_622] : memref<16x16x128xf32, #tpu.memory_space<vmem>> -> memref<1x16x128xf32, #tpu.memory_space<vmem>>
      %dma_wait3A_624 = tpu.memref_squeeze %dma_wait3A_623 : memref<1x16x128xf32, #tpu.memory_space<vmem>> -> memref<16x128xf32, #tpu.memory_space<vmem>>
      %dma_wait3A_625 = arith.constant 0 : i32
      %dma_wait3A_626 = arith.constant 0 : i32
      %dma_wait3A_627 = tpu.memref_slice %arg4[%dma_wait3A_625, %dma_wait3A_626] : memref<16x1000000xf32, #tpu.memory_space<hbm>> -> memref<16x128xf32, #tpu.memory_space<hbm>>
      %dma_wait3A_628 = arith.constant 0 : i32
      %dma_wait3A_629 = arith.constant 0 : i32
      %dma_wait3A_630 = tpu.memref_slice %run_scoped3A_1[%dma_wait3A_620, %dma_wait3A_628, %dma_wait3A_629] : memref<16x16x128xf32, #tpu.memory_space<vmem>> -> memref<1x16x128xf32, #tpu.memory_space<vmem>>
      %dma_wait3A_631 = tpu.memref_squeeze %dma_wait3A_630 : memref<1x16x128xf32, #tpu.memory_space<vmem>> -> memref<16x128xf32, #tpu.memory_space<vmem>>
      %dma_wait3A_632 = arith.constant 0 : i32
      %dma_wait3A_633 = arith.constant 0 : i32
      %dma_wait3A_634 = tpu.memref_slice %arg4[%dma_wait3A_632, %dma_wait3A_633] : memref<16x1000000xf32, #tpu.memory_space<hbm>> -> memref<16x128xf32, #tpu.memory_space<hbm>>
      tpu.wait_dma2 semaphore(%run_scoped3A_5 : memref<!tpu.dma_semaphore, #tpu.memory_space<semaphore_mem>>) src(%dma_wait3A_634 : memref<16x128xf32, #tpu.memory_space<hbm>>) dst(%dma_wait3A_631 : memref<16x128xf32, #tpu.memory_space<vmem>>)
      %dma_wait3A_635 = arith.constant 6 : i32
      %dma_wait3A_636 = arith.constant 0 : i32
      %dma_wait3A_637 = arith.constant 0 : i32
      %dma_wait3A_638 = tpu.memref_slice %run_scoped3A_1[%dma_wait3A_635, %dma_wait3A_636, %dma_wait3A_637] : memref<16x16x128xf32, #tpu.memory_space<vmem>> -> memref<1x16x128xf32, #tpu.memory_space<vmem>>
      %dma_wait3A_639 = tpu.memref_squeeze %dma_wait3A_638 : memref<1x16x128xf32, #tpu.memory_space<vmem>> -> memref<16x128xf32, #tpu.memory_space<vmem>>
      %dma_wait3A_640 = arith.constant 0 : i32
      %dma_wait3A_641 = arith.constant 0 : i32
      %dma_wait3A_642 = tpu.memref_slice %arg4[%dma_wait3A_640, %dma_wait3A_641] : memref<16x1000000xf32, #tpu.memory_space<hbm>> -> memref<16x128xf32, #tpu.memory_space<hbm>>
      %dma_wait3A_643 = arith.constant 0 : i32
      %dma_wait3A_644 = arith.constant 0 : i32
      %dma_wait3A_645 = tpu.memref_slice %run_scoped3A_1[%dma_wait3A_635, %dma_wait3A_643, %dma_wait3A_644] : memref<16x16x128xf32, #tpu.memory_space<vmem>> -> memref<1x16x128xf32, #tpu.memory_space<vmem>>
      %dma_wait3A_646 = tpu.memref_squeeze %dma_wait3A_645 : memref<1x16x128xf32, #tpu.memory_space<vmem>> -> memref<16x128xf32, #tpu.memory_space<vmem>>
      %dma_wait3A_647 = arith.constant 0 : i32
      %dma_wait3A_648 = arith.constant 0 : i32
      %dma_wait3A_649 = tpu.memref_slice %arg4[%dma_wait3A_647, %dma_wait3A_648] : memref<16x1000000xf32, #tpu.memory_space<hbm>> -> memref<16x128xf32, #tpu.memory_space<hbm>>
      tpu.wait_dma2 semaphore(%run_scoped3A_5 : memref<!tpu.dma_semaphore, #tpu.memory_space<semaphore_mem>>) src(%dma_wait3A_649 : memref<16x128xf32, #tpu.memory_space<hbm>>) dst(%dma_wait3A_646 : memref<16x128xf32, #tpu.memory_space<vmem>>)
      %dma_wait3A_650 = arith.constant 7 : i32
      %dma_wait3A_651 = arith.constant 0 : i32
      %dma_wait3A_652 = arith.constant 0 : i32
      %dma_wait3A_653 = tpu.memref_slice %run_scoped3A_1[%dma_wait3A_650, %dma_wait3A_651, %dma_wait3A_652] : memref<16x16x128xf32, #tpu.memory_space<vmem>> -> memref<1x16x128xf32, #tpu.memory_space<vmem>>
      %dma_wait3A_654 = tpu.memref_squeeze %dma_wait3A_653 : memref<1x16x128xf32, #tpu.memory_space<vmem>> -> memref<16x128xf32, #tpu.memory_space<vmem>>
      %dma_wait3A_655 = arith.constant 0 : i32
      %dma_wait3A_656 = arith.constant 0 : i32
      %dma_wait3A_657 = tpu.memref_slice %arg4[%dma_wait3A_655, %dma_wait3A_656] : memref<16x1000000xf32, #tpu.memory_space<hbm>> -> memref<16x128xf32, #tpu.memory_space<hbm>>
      %dma_wait3A_658 = arith.constant 0 : i32
      %dma_wait3A_659 = arith.constant 0 : i32
      %dma_wait3A_660 = tpu.memref_slice %run_scoped3A_1[%dma_wait3A_650, %dma_wait3A_658, %dma_wait3A_659] : memref<16x16x128xf32, #tpu.memory_space<vmem>> -> memref<1x16x128xf32, #tpu.memory_space<vmem>>
      %dma_wait3A_661 = tpu.memref_squeeze %dma_wait3A_660 : memref<1x16x128xf32, #tpu.memory_space<vmem>> -> memref<16x128xf32, #tpu.memory_space<vmem>>
      %dma_wait3A_662 = arith.constant 0 : i32
      %dma_wait3A_663 = arith.constant 0 : i32
      %dma_wait3A_664 = tpu.memref_slice %arg4[%dma_wait3A_662, %dma_wait3A_663] : memref<16x1000000xf32, #tpu.memory_space<hbm>> -> memref<16x128xf32, #tpu.memory_space<hbm>>
      tpu.wait_dma2 semaphore(%run_scoped3A_5 : memref<!tpu.dma_semaphore, #tpu.memory_space<semaphore_mem>>) src(%dma_wait3A_664 : memref<16x128xf32, #tpu.memory_space<hbm>>) dst(%dma_wait3A_661 : memref<16x128xf32, #tpu.memory_space<vmem>>)
      %dma_wait3A_665 = arith.constant 8 : i32
      %dma_wait3A_666 = arith.constant 0 : i32
      %dma_wait3A_667 = arith.constant 0 : i32
      %dma_wait3A_668 = tpu.memref_slice %run_scoped3A_1[%dma_wait3A_665, %dma_wait3A_666, %dma_wait3A_667] : memref<16x16x128xf32, #tpu.memory_space<vmem>> -> memref<1x16x128xf32, #tpu.memory_space<vmem>>
      %dma_wait3A_669 = tpu.memref_squeeze %dma_wait3A_668 : memref<1x16x128xf32, #tpu.memory_space<vmem>> -> memref<16x128xf32, #tpu.memory_space<vmem>>
      %dma_wait3A_670 = arith.constant 0 : i32
      %dma_wait3A_671 = arith.constant 0 : i32
      %dma_wait3A_672 = tpu.memref_slice %arg4[%dma_wait3A_670, %dma_wait3A_671] : memref<16x1000000xf32, #tpu.memory_space<hbm>> -> memref<16x128xf32, #tpu.memory_space<hbm>>
      %dma_wait3A_673 = arith.constant 0 : i32
      %dma_wait3A_674 = arith.constant 0 : i32
      %dma_wait3A_675 = tpu.memref_slice %run_scoped3A_1[%dma_wait3A_665, %dma_wait3A_673, %dma_wait3A_674] : memref<16x16x128xf32, #tpu.memory_space<vmem>> -> memref<1x16x128xf32, #tpu.memory_space<vmem>>
      %dma_wait3A_676 = tpu.memref_squeeze %dma_wait3A_675 : memref<1x16x128xf32, #tpu.memory_space<vmem>> -> memref<16x128xf32, #tpu.memory_space<vmem>>
      %dma_wait3A_677 = arith.constant 0 : i32
      %dma_wait3A_678 = arith.constant 0 : i32
      %dma_wait3A_679 = tpu.memref_slice %arg4[%dma_wait3A_677, %dma_wait3A_678] : memref<16x1000000xf32, #tpu.memory_space<hbm>> -> memref<16x128xf32, #tpu.memory_space<hbm>>
      tpu.wait_dma2 semaphore(%run_scoped3A_5 : memref<!tpu.dma_semaphore, #tpu.memory_space<semaphore_mem>>) src(%dma_wait3A_679 : memref<16x128xf32, #tpu.memory_space<hbm>>) dst(%dma_wait3A_676 : memref<16x128xf32, #tpu.memory_space<vmem>>)
      %dma_wait3A_680 = arith.constant 9 : i32
      %dma_wait3A_681 = arith.constant 0 : i32
      %dma_wait3A_682 = arith.constant 0 : i32
      %dma_wait3A_683 = tpu.memref_slice %run_scoped3A_1[%dma_wait3A_680, %dma_wait3A_681, %dma_wait3A_682] : memref<16x16x128xf32, #tpu.memory_space<vmem>> -> memref<1x16x128xf32, #tpu.memory_space<vmem>>
      %dma_wait3A_684 = tpu.memref_squeeze %dma_wait3A_683 : memref<1x16x128xf32, #tpu.memory_space<vmem>> -> memref<16x128xf32, #tpu.memory_space<vmem>>
      %dma_wait3A_685 = arith.constant 0 : i32
      %dma_wait3A_686 = arith.constant 0 : i32
      %dma_wait3A_687 = tpu.memref_slice %arg4[%dma_wait3A_685, %dma_wait3A_686] : memref<16x1000000xf32, #tpu.memory_space<hbm>> -> memref<16x128xf32, #tpu.memory_space<hbm>>
      %dma_wait3A_688 = arith.constant 0 : i32
      %dma_wait3A_689 = arith.constant 0 : i32
      %dma_wait3A_690 = tpu.memref_slice %run_scoped3A_1[%dma_wait3A_680, %dma_wait3A_688, %dma_wait3A_689] : memref<16x16x128xf32, #tpu.memory_space<vmem>> -> memref<1x16x128xf32, #tpu.memory_space<vmem>>
      %dma_wait3A_691 = tpu.memref_squeeze %dma_wait3A_690 : memref<1x16x128xf32, #tpu.memory_space<vmem>> -> memref<16x128xf32, #tpu.memory_space<vmem>>
      %dma_wait3A_692 = arith.constant 0 : i32
      %dma_wait3A_693 = arith.constant 0 : i32
      %dma_wait3A_694 = tpu.memref_slice %arg4[%dma_wait3A_692, %dma_wait3A_693] : memref<16x1000000xf32, #tpu.memory_space<hbm>> -> memref<16x128xf32, #tpu.memory_space<hbm>>
      tpu.wait_dma2 semaphore(%run_scoped3A_5 : memref<!tpu.dma_semaphore, #tpu.memory_space<semaphore_mem>>) src(%dma_wait3A_694 : memref<16x128xf32, #tpu.memory_space<hbm>>) dst(%dma_wait3A_691 : memref<16x128xf32, #tpu.memory_space<vmem>>)
      %dma_wait3A_695 = arith.constant 10 : i32
      %dma_wait3A_696 = arith.constant 0 : i32
      %dma_wait3A_697 = arith.constant 0 : i32
      %dma_wait3A_698 = tpu.memref_slice %run_scoped3A_1[%dma_wait3A_695, %dma_wait3A_696, %dma_wait3A_697] : memref<16x16x128xf32, #tpu.memory_space<vmem>> -> memref<1x16x128xf32, #tpu.memory_space<vmem>>
      %dma_wait3A_699 = tpu.memref_squeeze %dma_wait3A_698 : memref<1x16x128xf32, #tpu.memory_space<vmem>> -> memref<16x128xf32, #tpu.memory_space<vmem>>
      %dma_wait3A_700 = arith.constant 0 : i32
      %dma_wait3A_701 = arith.constant 0 : i32
      %dma_wait3A_702 = tpu.memref_slice %arg4[%dma_wait3A_700, %dma_wait3A_701] : memref<16x1000000xf32, #tpu.memory_space<hbm>> -> memref<16x128xf32, #tpu.memory_space<hbm>>
      %dma_wait3A_703 = arith.constant 0 : i32
      %dma_wait3A_704 = arith.constant 0 : i32
      %dma_wait3A_705 = tpu.memref_slice %run_scoped3A_1[%dma_wait3A_695, %dma_wait3A_703, %dma_wait3A_704] : memref<16x16x128xf32, #tpu.memory_space<vmem>> -> memref<1x16x128xf32, #tpu.memory_space<vmem>>
      %dma_wait3A_706 = tpu.memref_squeeze %dma_wait3A_705 : memref<1x16x128xf32, #tpu.memory_space<vmem>> -> memref<16x128xf32, #tpu.memory_space<vmem>>
      %dma_wait3A_707 = arith.constant 0 : i32
      %dma_wait3A_708 = arith.constant 0 : i32
      %dma_wait3A_709 = tpu.memref_slice %arg4[%dma_wait3A_707, %dma_wait3A_708] : memref<16x1000000xf32, #tpu.memory_space<hbm>> -> memref<16x128xf32, #tpu.memory_space<hbm>>
      tpu.wait_dma2 semaphore(%run_scoped3A_5 : memref<!tpu.dma_semaphore, #tpu.memory_space<semaphore_mem>>) src(%dma_wait3A_709 : memref<16x128xf32, #tpu.memory_space<hbm>>) dst(%dma_wait3A_706 : memref<16x128xf32, #tpu.memory_space<vmem>>)
      %dma_wait3A_710 = arith.constant 11 : i32
      %dma_wait3A_711 = arith.constant 0 : i32
      %dma_wait3A_712 = arith.constant 0 : i32
      %dma_wait3A_713 = tpu.memref_slice %run_scoped3A_1[%dma_wait3A_710, %dma_wait3A_711, %dma_wait3A_712] : memref<16x16x128xf32, #tpu.memory_space<vmem>> -> memref<1x16x128xf32, #tpu.memory_space<vmem>>
      %dma_wait3A_714 = tpu.memref_squeeze %dma_wait3A_713 : memref<1x16x128xf32, #tpu.memory_space<vmem>> -> memref<16x128xf32, #tpu.memory_space<vmem>>
      %dma_wait3A_715 = arith.constant 0 : i32
      %dma_wait3A_716 = arith.constant 0 : i32
      %dma_wait3A_717 = tpu.memref_slice %arg4[%dma_wait3A_715, %dma_wait3A_716] : memref<16x1000000xf32, #tpu.memory_space<hbm>> -> memref<16x128xf32, #tpu.memory_space<hbm>>
      %dma_wait3A_718 = arith.constant 0 : i32
      %dma_wait3A_719 = arith.constant 0 : i32
      %dma_wait3A_720 = tpu.memref_slice %run_scoped3A_1[%dma_wait3A_710, %dma_wait3A_718, %dma_wait3A_719] : memref<16x16x128xf32, #tpu.memory_space<vmem>> -> memref<1x16x128xf32, #tpu.memory_space<vmem>>
      %dma_wait3A_721 = tpu.memref_squeeze %dma_wait3A_720 : memref<1x16x128xf32, #tpu.memory_space<vmem>> -> memref<16x128xf32, #tpu.memory_space<vmem>>
      %dma_wait3A_722 = arith.constant 0 : i32
      %dma_wait3A_723 = arith.constant 0 : i32
      %dma_wait3A_724 = tpu.memref_slice %arg4[%dma_wait3A_722, %dma_wait3A_723] : memref<16x1000000xf32, #tpu.memory_space<hbm>> -> memref<16x128xf32, #tpu.memory_space<hbm>>
      tpu.wait_dma2 semaphore(%run_scoped3A_5 : memref<!tpu.dma_semaphore, #tpu.memory_space<semaphore_mem>>) src(%dma_wait3A_724 : memref<16x128xf32, #tpu.memory_space<hbm>>) dst(%dma_wait3A_721 : memref<16x128xf32, #tpu.memory_space<vmem>>)
      %dma_wait3A_725 = arith.constant 12 : i32
      %dma_wait3A_726 = arith.constant 0 : i32
      %dma_wait3A_727 = arith.constant 0 : i32
      %dma_wait3A_728 = tpu.memref_slice %run_scoped3A_1[%dma_wait3A_725, %dma_wait3A_726, %dma_wait3A_727] : memref<16x16x128xf32, #tpu.memory_space<vmem>> -> memref<1x16x128xf32, #tpu.memory_space<vmem>>
      %dma_wait3A_729 = tpu.memref_squeeze %dma_wait3A_728 : memref<1x16x128xf32, #tpu.memory_space<vmem>> -> memref<16x128xf32, #tpu.memory_space<vmem>>
      %dma_wait3A_730 = arith.constant 0 : i32
      %dma_wait3A_731 = arith.constant 0 : i32
      %dma_wait3A_732 = tpu.memref_slice %arg4[%dma_wait3A_730, %dma_wait3A_731] : memref<16x1000000xf32, #tpu.memory_space<hbm>> -> memref<16x128xf32, #tpu.memory_space<hbm>>
      %dma_wait3A_733 = arith.constant 0 : i32
      %dma_wait3A_734 = arith.constant 0 : i32
      %dma_wait3A_735 = tpu.memref_slice %run_scoped3A_1[%dma_wait3A_725, %dma_wait3A_733, %dma_wait3A_734] : memref<16x16x128xf32, #tpu.memory_space<vmem>> -> memref<1x16x128xf32, #tpu.memory_space<vmem>>
      %dma_wait3A_736 = tpu.memref_squeeze %dma_wait3A_735 : memref<1x16x128xf32, #tpu.memory_space<vmem>> -> memref<16x128xf32, #tpu.memory_space<vmem>>
      %dma_wait3A_737 = arith.constant 0 : i32
      %dma_wait3A_738 = arith.constant 0 : i32
      %dma_wait3A_739 = tpu.memref_slice %arg4[%dma_wait3A_737, %dma_wait3A_738] : memref<16x1000000xf32, #tpu.memory_space<hbm>> -> memref<16x128xf32, #tpu.memory_space<hbm>>
      tpu.wait_dma2 semaphore(%run_scoped3A_5 : memref<!tpu.dma_semaphore, #tpu.memory_space<semaphore_mem>>) src(%dma_wait3A_739 : memref<16x128xf32, #tpu.memory_space<hbm>>) dst(%dma_wait3A_736 : memref<16x128xf32, #tpu.memory_space<vmem>>)
      %dma_wait3A_740 = arith.constant 13 : i32
      %dma_wait3A_741 = arith.constant 0 : i32
      %dma_wait3A_742 = arith.constant 0 : i32
      %dma_wait3A_743 = tpu.memref_slice %run_scoped3A_1[%dma_wait3A_740, %dma_wait3A_741, %dma_wait3A_742] : memref<16x16x128xf32, #tpu.memory_space<vmem>> -> memref<1x16x128xf32, #tpu.memory_space<vmem>>
      %dma_wait3A_744 = tpu.memref_squeeze %dma_wait3A_743 : memref<1x16x128xf32, #tpu.memory_space<vmem>> -> memref<16x128xf32, #tpu.memory_space<vmem>>
      %dma_wait3A_745 = arith.constant 0 : i32
      %dma_wait3A_746 = arith.constant 0 : i32
      %dma_wait3A_747 = tpu.memref_slice %arg4[%dma_wait3A_745, %dma_wait3A_746] : memref<16x1000000xf32, #tpu.memory_space<hbm>> -> memref<16x128xf32, #tpu.memory_space<hbm>>
      %dma_wait3A_748 = arith.constant 0 : i32
      %dma_wait3A_749 = arith.constant 0 : i32
      %dma_wait3A_750 = tpu.memref_slice %run_scoped3A_1[%dma_wait3A_740, %dma_wait3A_748, %dma_wait3A_749] : memref<16x16x128xf32, #tpu.memory_space<vmem>> -> memref<1x16x128xf32, #tpu.memory_space<vmem>>
      %dma_wait3A_751 = tpu.memref_squeeze %dma_wait3A_750 : memref<1x16x128xf32, #tpu.memory_space<vmem>> -> memref<16x128xf32, #tpu.memory_space<vmem>>
      %dma_wait3A_752 = arith.constant 0 : i32
      %dma_wait3A_753 = arith.constant 0 : i32
      %dma_wait3A_754 = tpu.memref_slice %arg4[%dma_wait3A_752, %dma_wait3A_753] : memref<16x1000000xf32, #tpu.memory_space<hbm>> -> memref<16x128xf32, #tpu.memory_space<hbm>>
      tpu.wait_dma2 semaphore(%run_scoped3A_5 : memref<!tpu.dma_semaphore, #tpu.memory_space<semaphore_mem>>) src(%dma_wait3A_754 : memref<16x128xf32, #tpu.memory_space<hbm>>) dst(%dma_wait3A_751 : memref<16x128xf32, #tpu.memory_space<vmem>>)
      %dma_wait3A_755 = arith.constant 14 : i32
      %dma_wait3A_756 = arith.constant 0 : i32
      %dma_wait3A_757 = arith.constant 0 : i32
      %dma_wait3A_758 = tpu.memref_slice %run_scoped3A_1[%dma_wait3A_755, %dma_wait3A_756, %dma_wait3A_757] : memref<16x16x128xf32, #tpu.memory_space<vmem>> -> memref<1x16x128xf32, #tpu.memory_space<vmem>>
      %dma_wait3A_759 = tpu.memref_squeeze %dma_wait3A_758 : memref<1x16x128xf32, #tpu.memory_space<vmem>> -> memref<16x128xf32, #tpu.memory_space<vmem>>
      %dma_wait3A_760 = arith.constant 0 : i32
      %dma_wait3A_761 = arith.constant 0 : i32
      %dma_wait3A_762 = tpu.memref_slice %arg4[%dma_wait3A_760, %dma_wait3A_761] : memref<16x1000000xf32, #tpu.memory_space<hbm>> -> memref<16x128xf32, #tpu.memory_space<hbm>>
      %dma_wait3A_763 = arith.constant 0 : i32
      %dma_wait3A_764 = arith.constant 0 : i32
      %dma_wait3A_765 = tpu.memref_slice %run_scoped3A_1[%dma_wait3A_755, %dma_wait3A_763, %dma_wait3A_764] : memref<16x16x128xf32, #tpu.memory_space<vmem>> -> memref<1x16x128xf32, #tpu.memory_space<vmem>>
      %dma_wait3A_766 = tpu.memref_squeeze %dma_wait3A_765 : memref<1x16x128xf32, #tpu.memory_space<vmem>> -> memref<16x128xf32, #tpu.memory_space<vmem>>
      %dma_wait3A_767 = arith.constant 0 : i32
      %dma_wait3A_768 = arith.constant 0 : i32
      %dma_wait3A_769 = tpu.memref_slice %arg4[%dma_wait3A_767, %dma_wait3A_768] : memref<16x1000000xf32, #tpu.memory_space<hbm>> -> memref<16x128xf32, #tpu.memory_space<hbm>>
      tpu.wait_dma2 semaphore(%run_scoped3A_5 : memref<!tpu.dma_semaphore, #tpu.memory_space<semaphore_mem>>) src(%dma_wait3A_769 : memref<16x128xf32, #tpu.memory_space<hbm>>) dst(%dma_wait3A_766 : memref<16x128xf32, #tpu.memory_space<vmem>>)
      %dma_wait3A_770 = arith.constant 15 : i32
      %dma_wait3A_771 = arith.constant 0 : i32
      %dma_wait3A_772 = arith.constant 0 : i32
      %dma_wait3A_773 = tpu.memref_slice %run_scoped3A_1[%dma_wait3A_770, %dma_wait3A_771, %dma_wait3A_772] : memref<16x16x128xf32, #tpu.memory_space<vmem>> -> memref<1x16x128xf32, #tpu.memory_space<vmem>>
      %dma_wait3A_774 = tpu.memref_squeeze %dma_wait3A_773 : memref<1x16x128xf32, #tpu.memory_space<vmem>> -> memref<16x128xf32, #tpu.memory_space<vmem>>
      %dma_wait3A_775 = arith.constant 0 : i32
      %dma_wait3A_776 = arith.constant 0 : i32
      %dma_wait3A_777 = tpu.memref_slice %arg4[%dma_wait3A_775, %dma_wait3A_776] : memref<16x1000000xf32, #tpu.memory_space<hbm>> -> memref<16x128xf32, #tpu.memory_space<hbm>>
      %dma_wait3A_778 = arith.constant 0 : i32
      %dma_wait3A_779 = arith.constant 0 : i32
      %dma_wait3A_780 = tpu.memref_slice %run_scoped3A_1[%dma_wait3A_770, %dma_wait3A_778, %dma_wait3A_779] : memref<16x16x128xf32, #tpu.memory_space<vmem>> -> memref<1x16x128xf32, #tpu.memory_space<vmem>>
      %dma_wait3A_781 = tpu.memref_squeeze %dma_wait3A_780 : memref<1x16x128xf32, #tpu.memory_space<vmem>> -> memref<16x128xf32, #tpu.memory_space<vmem>>
      %dma_wait3A_782 = arith.constant 0 : i32
      %dma_wait3A_783 = arith.constant 0 : i32
      %dma_wait3A_784 = tpu.memref_slice %arg4[%dma_wait3A_782, %dma_wait3A_783] : memref<16x1000000xf32, #tpu.memory_space<hbm>> -> memref<16x128xf32, #tpu.memory_space<hbm>>
      tpu.wait_dma2 semaphore(%run_scoped3A_5 : memref<!tpu.dma_semaphore, #tpu.memory_space<semaphore_mem>>) src(%dma_wait3A_784 : memref<16x128xf32, #tpu.memory_space<hbm>>) dst(%dma_wait3A_781 : memref<16x128xf32, #tpu.memory_space<vmem>>)
      %dma_wait3A_785 = arith.constant 0 : i32
      %dma_wait3A_786 = arith.constant 0 : i32
      %dma_wait3A_787 = arith.constant 0 : i32
      %dma_wait3A_788 = tpu.memref_slice %run_scoped3A_2[%dma_wait3A_785, %dma_wait3A_786, %dma_wait3A_787] : memref<16x16x128xf32, #tpu.memory_space<vmem>> -> memref<1x16x128xf32, #tpu.memory_space<vmem>>
      %dma_wait3A_789 = tpu.memref_squeeze %dma_wait3A_788 : memref<1x16x128xf32, #tpu.memory_space<vmem>> -> memref<16x128xf32, #tpu.memory_space<vmem>>
      %dma_wait3A_790 = arith.constant 0 : i32
      %dma_wait3A_791 = arith.constant 0 : i32
      %dma_wait3A_792 = tpu.memref_slice %arg4[%dma_wait3A_790, %dma_wait3A_791] : memref<16x1000000xf32, #tpu.memory_space<hbm>> -> memref<16x128xf32, #tpu.memory_space<hbm>>
      %dma_wait3A_793 = arith.constant 0 : i32
      %dma_wait3A_794 = arith.constant 0 : i32
      %dma_wait3A_795 = tpu.memref_slice %run_scoped3A_2[%dma_wait3A_785, %dma_wait3A_793, %dma_wait3A_794] : memref<16x16x128xf32, #tpu.memory_space<vmem>> -> memref<1x16x128xf32, #tpu.memory_space<vmem>>
      %dma_wait3A_796 = tpu.memref_squeeze %dma_wait3A_795 : memref<1x16x128xf32, #tpu.memory_space<vmem>> -> memref<16x128xf32, #tpu.memory_space<vmem>>
      %dma_wait3A_797 = arith.constant 0 : i32
      %dma_wait3A_798 = arith.constant 0 : i32
      %dma_wait3A_799 = tpu.memref_slice %arg4[%dma_wait3A_797, %dma_wait3A_798] : memref<16x1000000xf32, #tpu.memory_space<hbm>> -> memref<16x128xf32, #tpu.memory_space<hbm>>
      tpu.wait_dma2 semaphore(%run_scoped3A_6 : memref<!tpu.dma_semaphore, #tpu.memory_space<semaphore_mem>>) src(%dma_wait3A_799 : memref<16x128xf32, #tpu.memory_space<hbm>>) dst(%dma_wait3A_796 : memref<16x128xf32, #tpu.memory_space<vmem>>)
      %dma_wait3A_800 = arith.constant 1 : i32
      %dma_wait3A_801 = arith.constant 0 : i32
      %dma_wait3A_802 = arith.constant 0 : i32
      %dma_wait3A_803 = tpu.memref_slice %run_scoped3A_2[%dma_wait3A_800, %dma_wait3A_801, %dma_wait3A_802] : memref<16x16x128xf32, #tpu.memory_space<vmem>> -> memref<1x16x128xf32, #tpu.memory_space<vmem>>
      %dma_wait3A_804 = tpu.memref_squeeze %dma_wait3A_803 : memref<1x16x128xf32, #tpu.memory_space<vmem>> -> memref<16x128xf32, #tpu.memory_space<vmem>>
      %dma_wait3A_805 = arith.constant 0 : i32
      %dma_wait3A_806 = arith.constant 0 : i32
      %dma_wait3A_807 = tpu.memref_slice %arg4[%dma_wait3A_805, %dma_wait3A_806] : memref<16x1000000xf32, #tpu.memory_space<hbm>> -> memref<16x128xf32, #tpu.memory_space<hbm>>
      %dma_wait3A_808 = arith.constant 0 : i32
      %dma_wait3A_809 = arith.constant 0 : i32
      %dma_wait3A_810 = tpu.memref_slice %run_scoped3A_2[%dma_wait3A_800, %dma_wait3A_808, %dma_wait3A_809] : memref<16x16x128xf32, #tpu.memory_space<vmem>> -> memref<1x16x128xf32, #tpu.memory_space<vmem>>
      %dma_wait3A_811 = tpu.memref_squeeze %dma_wait3A_810 : memref<1x16x128xf32, #tpu.memory_space<vmem>> -> memref<16x128xf32, #tpu.memory_space<vmem>>
      %dma_wait3A_812 = arith.constant 0 : i32
      %dma_wait3A_813 = arith.constant 0 : i32
      %dma_wait3A_814 = tpu.memref_slice %arg4[%dma_wait3A_812, %dma_wait3A_813] : memref<16x1000000xf32, #tpu.memory_space<hbm>> -> memref<16x128xf32, #tpu.memory_space<hbm>>
      tpu.wait_dma2 semaphore(%run_scoped3A_6 : memref<!tpu.dma_semaphore, #tpu.memory_space<semaphore_mem>>) src(%dma_wait3A_814 : memref<16x128xf32, #tpu.memory_space<hbm>>) dst(%dma_wait3A_811 : memref<16x128xf32, #tpu.memory_space<vmem>>)
      %dma_wait3A_815 = arith.constant 2 : i32
      %dma_wait3A_816 = arith.constant 0 : i32
      %dma_wait3A_817 = arith.constant 0 : i32
      %dma_wait3A_818 = tpu.memref_slice %run_scoped3A_2[%dma_wait3A_815, %dma_wait3A_816, %dma_wait3A_817] : memref<16x16x128xf32, #tpu.memory_space<vmem>> -> memref<1x16x128xf32, #tpu.memory_space<vmem>>
      %dma_wait3A_819 = tpu.memref_squeeze %dma_wait3A_818 : memref<1x16x128xf32, #tpu.memory_space<vmem>> -> memref<16x128xf32, #tpu.memory_space<vmem>>
      %dma_wait3A_820 = arith.constant 0 : i32
      %dma_wait3A_821 = arith.constant 0 : i32
      %dma_wait3A_822 = tpu.memref_slice %arg4[%dma_wait3A_820, %dma_wait3A_821] : memref<16x1000000xf32, #tpu.memory_space<hbm>> -> memref<16x128xf32, #tpu.memory_space<hbm>>
      %dma_wait3A_823 = arith.constant 0 : i32
      %dma_wait3A_824 = arith.constant 0 : i32
      %dma_wait3A_825 = tpu.memref_slice %run_scoped3A_2[%dma_wait3A_815, %dma_wait3A_823, %dma_wait3A_824] : memref<16x16x128xf32, #tpu.memory_space<vmem>> -> memref<1x16x128xf32, #tpu.memory_space<vmem>>
      %dma_wait3A_826 = tpu.memref_squeeze %dma_wait3A_825 : memref<1x16x128xf32, #tpu.memory_space<vmem>> -> memref<16x128xf32, #tpu.memory_space<vmem>>
      %dma_wait3A_827 = arith.constant 0 : i32
      %dma_wait3A_828 = arith.constant 0 : i32
      %dma_wait3A_829 = tpu.memref_slice %arg4[%dma_wait3A_827, %dma_wait3A_828] : memref<16x1000000xf32, #tpu.memory_space<hbm>> -> memref<16x128xf32, #tpu.memory_space<hbm>>
      tpu.wait_dma2 semaphore(%run_scoped3A_6 : memref<!tpu.dma_semaphore, #tpu.memory_space<semaphore_mem>>) src(%dma_wait3A_829 : memref<16x128xf32, #tpu.memory_space<hbm>>) dst(%dma_wait3A_826 : memref<16x128xf32, #tpu.memory_space<vmem>>)
      %dma_wait3A_830 = arith.constant 3 : i32
      %dma_wait3A_831 = arith.constant 0 : i32
      %dma_wait3A_832 = arith.constant 0 : i32
      %dma_wait3A_833 = tpu.memref_slice %run_scoped3A_2[%dma_wait3A_830, %dma_wait3A_831, %dma_wait3A_832] : memref<16x16x128xf32, #tpu.memory_space<vmem>> -> memref<1x16x128xf32, #tpu.memory_space<vmem>>
      %dma_wait3A_834 = tpu.memref_squeeze %dma_wait3A_833 : memref<1x16x128xf32, #tpu.memory_space<vmem>> -> memref<16x128xf32, #tpu.memory_space<vmem>>
      %dma_wait3A_835 = arith.constant 0 : i32
      %dma_wait3A_836 = arith.constant 0 : i32
      %dma_wait3A_837 = tpu.memref_slice %arg4[%dma_wait3A_835, %dma_wait3A_836] : memref<16x1000000xf32, #tpu.memory_space<hbm>> -> memref<16x128xf32, #tpu.memory_space<hbm>>
      %dma_wait3A_838 = arith.constant 0 : i32
      %dma_wait3A_839 = arith.constant 0 : i32
      %dma_wait3A_840 = tpu.memref_slice %run_scoped3A_2[%dma_wait3A_830, %dma_wait3A_838, %dma_wait3A_839] : memref<16x16x128xf32, #tpu.memory_space<vmem>> -> memref<1x16x128xf32, #tpu.memory_space<vmem>>
      %dma_wait3A_841 = tpu.memref_squeeze %dma_wait3A_840 : memref<1x16x128xf32, #tpu.memory_space<vmem>> -> memref<16x128xf32, #tpu.memory_space<vmem>>
      %dma_wait3A_842 = arith.constant 0 : i32
      %dma_wait3A_843 = arith.constant 0 : i32
      %dma_wait3A_844 = tpu.memref_slice %arg4[%dma_wait3A_842, %dma_wait3A_843] : memref<16x1000000xf32, #tpu.memory_space<hbm>> -> memref<16x128xf32, #tpu.memory_space<hbm>>
      tpu.wait_dma2 semaphore(%run_scoped3A_6 : memref<!tpu.dma_semaphore, #tpu.memory_space<semaphore_mem>>) src(%dma_wait3A_844 : memref<16x128xf32, #tpu.memory_space<hbm>>) dst(%dma_wait3A_841 : memref<16x128xf32, #tpu.memory_space<vmem>>)
      %dma_wait3A_845 = arith.constant 4 : i32
      %dma_wait3A_846 = arith.constant 0 : i32
      %dma_wait3A_847 = arith.constant 0 : i32
      %dma_wait3A_848 = tpu.memref_slice %run_scoped3A_2[%dma_wait3A_845, %dma_wait3A_846, %dma_wait3A_847] : memref<16x16x128xf32, #tpu.memory_space<vmem>> -> memref<1x16x128xf32, #tpu.memory_space<vmem>>
      %dma_wait3A_849 = tpu.memref_squeeze %dma_wait3A_848 : memref<1x16x128xf32, #tpu.memory_space<vmem>> -> memref<16x128xf32, #tpu.memory_space<vmem>>
      %dma_wait3A_850 = arith.constant 0 : i32
      %dma_wait3A_851 = arith.constant 0 : i32
      %dma_wait3A_852 = tpu.memref_slice %arg4[%dma_wait3A_850, %dma_wait3A_851] : memref<16x1000000xf32, #tpu.memory_space<hbm>> -> memref<16x128xf32, #tpu.memory_space<hbm>>
      %dma_wait3A_853 = arith.constant 0 : i32
      %dma_wait3A_854 = arith.constant 0 : i32
      %dma_wait3A_855 = tpu.memref_slice %run_scoped3A_2[%dma_wait3A_845, %dma_wait3A_853, %dma_wait3A_854] : memref<16x16x128xf32, #tpu.memory_space<vmem>> -> memref<1x16x128xf32, #tpu.memory_space<vmem>>
      %dma_wait3A_856 = tpu.memref_squeeze %dma_wait3A_855 : memref<1x16x128xf32, #tpu.memory_space<vmem>> -> memref<16x128xf32, #tpu.memory_space<vmem>>
      %dma_wait3A_857 = arith.constant 0 : i32
      %dma_wait3A_858 = arith.constant 0 : i32
      %dma_wait3A_859 = tpu.memref_slice %arg4[%dma_wait3A_857, %dma_wait3A_858] : memref<16x1000000xf32, #tpu.memory_space<hbm>> -> memref<16x128xf32, #tpu.memory_space<hbm>>
      tpu.wait_dma2 semaphore(%run_scoped3A_6 : memref<!tpu.dma_semaphore, #tpu.memory_space<semaphore_mem>>) src(%dma_wait3A_859 : memref<16x128xf32, #tpu.memory_space<hbm>>) dst(%dma_wait3A_856 : memref<16x128xf32, #tpu.memory_space<vmem>>)
      %dma_wait3A_860 = arith.constant 5 : i32
      %dma_wait3A_861 = arith.constant 0 : i32
      %dma_wait3A_862 = arith.constant 0 : i32
      %dma_wait3A_863 = tpu.memref_slice %run_scoped3A_2[%dma_wait3A_860, %dma_wait3A_861, %dma_wait3A_862] : memref<16x16x128xf32, #tpu.memory_space<vmem>> -> memref<1x16x128xf32, #tpu.memory_space<vmem>>
      %dma_wait3A_864 = tpu.memref_squeeze %dma_wait3A_863 : memref<1x16x128xf32, #tpu.memory_space<vmem>> -> memref<16x128xf32, #tpu.memory_space<vmem>>
      %dma_wait3A_865 = arith.constant 0 : i32
      %dma_wait3A_866 = arith.constant 0 : i32
      %dma_wait3A_867 = tpu.memref_slice %arg4[%dma_wait3A_865, %dma_wait3A_866] : memref<16x1000000xf32, #tpu.memory_space<hbm>> -> memref<16x128xf32, #tpu.memory_space<hbm>>
      %dma_wait3A_868 = arith.constant 0 : i32
      %dma_wait3A_869 = arith.constant 0 : i32
      %dma_wait3A_870 = tpu.memref_slice %run_scoped3A_2[%dma_wait3A_860, %dma_wait3A_868, %dma_wait3A_869] : memref<16x16x128xf32, #tpu.memory_space<vmem>> -> memref<1x16x128xf32, #tpu.memory_space<vmem>>
      %dma_wait3A_871 = tpu.memref_squeeze %dma_wait3A_870 : memref<1x16x128xf32, #tpu.memory_space<vmem>> -> memref<16x128xf32, #tpu.memory_space<vmem>>
      %dma_wait3A_872 = arith.constant 0 : i32
      %dma_wait3A_873 = arith.constant 0 : i32
      %dma_wait3A_874 = tpu.memref_slice %arg4[%dma_wait3A_872, %dma_wait3A_873] : memref<16x1000000xf32, #tpu.memory_space<hbm>> -> memref<16x128xf32, #tpu.memory_space<hbm>>
      tpu.wait_dma2 semaphore(%run_scoped3A_6 : memref<!tpu.dma_semaphore, #tpu.memory_space<semaphore_mem>>) src(%dma_wait3A_874 : memref<16x128xf32, #tpu.memory_space<hbm>>) dst(%dma_wait3A_871 : memref<16x128xf32, #tpu.memory_space<vmem>>)
      %dma_wait3A_875 = arith.constant 6 : i32
      %dma_wait3A_876 = arith.constant 0 : i32
      %dma_wait3A_877 = arith.constant 0 : i32
      %dma_wait3A_878 = tpu.memref_slice %run_scoped3A_2[%dma_wait3A_875, %dma_wait3A_876, %dma_wait3A_877] : memref<16x16x128xf32, #tpu.memory_space<vmem>> -> memref<1x16x128xf32, #tpu.memory_space<vmem>>
      %dma_wait3A_879 = tpu.memref_squeeze %dma_wait3A_878 : memref<1x16x128xf32, #tpu.memory_space<vmem>> -> memref<16x128xf32, #tpu.memory_space<vmem>>
      %dma_wait3A_880 = arith.constant 0 : i32
      %dma_wait3A_881 = arith.constant 0 : i32
      %dma_wait3A_882 = tpu.memref_slice %arg4[%dma_wait3A_880, %dma_wait3A_881] : memref<16x1000000xf32, #tpu.memory_space<hbm>> -> memref<16x128xf32, #tpu.memory_space<hbm>>
      %dma_wait3A_883 = arith.constant 0 : i32
      %dma_wait3A_884 = arith.constant 0 : i32
      %dma_wait3A_885 = tpu.memref_slice %run_scoped3A_2[%dma_wait3A_875, %dma_wait3A_883, %dma_wait3A_884] : memref<16x16x128xf32, #tpu.memory_space<vmem>> -> memref<1x16x128xf32, #tpu.memory_space<vmem>>
      %dma_wait3A_886 = tpu.memref_squeeze %dma_wait3A_885 : memref<1x16x128xf32, #tpu.memory_space<vmem>> -> memref<16x128xf32, #tpu.memory_space<vmem>>
      %dma_wait3A_887 = arith.constant 0 : i32
      %dma_wait3A_888 = arith.constant 0 : i32
      %dma_wait3A_889 = tpu.memref_slice %arg4[%dma_wait3A_887, %dma_wait3A_888] : memref<16x1000000xf32, #tpu.memory_space<hbm>> -> memref<16x128xf32, #tpu.memory_space<hbm>>
      tpu.wait_dma2 semaphore(%run_scoped3A_6 : memref<!tpu.dma_semaphore, #tpu.memory_space<semaphore_mem>>) src(%dma_wait3A_889 : memref<16x128xf32, #tpu.memory_space<hbm>>) dst(%dma_wait3A_886 : memref<16x128xf32, #tpu.memory_space<vmem>>)
      %dma_wait3A_890 = arith.constant 7 : i32
      %dma_wait3A_891 = arith.constant 0 : i32
      %dma_wait3A_892 = arith.constant 0 : i32
      %dma_wait3A_893 = tpu.memref_slice %run_scoped3A_2[%dma_wait3A_890, %dma_wait3A_891, %dma_wait3A_892] : memref<16x16x128xf32, #tpu.memory_space<vmem>> -> memref<1x16x128xf32, #tpu.memory_space<vmem>>
      %dma_wait3A_894 = tpu.memref_squeeze %dma_wait3A_893 : memref<1x16x128xf32, #tpu.memory_space<vmem>> -> memref<16x128xf32, #tpu.memory_space<vmem>>
      %dma_wait3A_895 = arith.constant 0 : i32
      %dma_wait3A_896 = arith.constant 0 : i32
      %dma_wait3A_897 = tpu.memref_slice %arg4[%dma_wait3A_895, %dma_wait3A_896] : memref<16x1000000xf32, #tpu.memory_space<hbm>> -> memref<16x128xf32, #tpu.memory_space<hbm>>
      %dma_wait3A_898 = arith.constant 0 : i32
      %dma_wait3A_899 = arith.constant 0 : i32
      %dma_wait3A_900 = tpu.memref_slice %run_scoped3A_2[%dma_wait3A_890, %dma_wait3A_898, %dma_wait3A_899] : memref<16x16x128xf32, #tpu.memory_space<vmem>> -> memref<1x16x128xf32, #tpu.memory_space<vmem>>
      %dma_wait3A_901 = tpu.memref_squeeze %dma_wait3A_900 : memref<1x16x128xf32, #tpu.memory_space<vmem>> -> memref<16x128xf32, #tpu.memory_space<vmem>>
      %dma_wait3A_902 = arith.constant 0 : i32
      %dma_wait3A_903 = arith.constant 0 : i32
      %dma_wait3A_904 = tpu.memref_slice %arg4[%dma_wait3A_902, %dma_wait3A_903] : memref<16x1000000xf32, #tpu.memory_space<hbm>> -> memref<16x128xf32, #tpu.memory_space<hbm>>
      tpu.wait_dma2 semaphore(%run_scoped3A_6 : memref<!tpu.dma_semaphore, #tpu.memory_space<semaphore_mem>>) src(%dma_wait3A_904 : memref<16x128xf32, #tpu.memory_space<hbm>>) dst(%dma_wait3A_901 : memref<16x128xf32, #tpu.memory_space<vmem>>)
      %dma_wait3A_905 = arith.constant 8 : i32
      %dma_wait3A_906 = arith.constant 0 : i32
      %dma_wait3A_907 = arith.constant 0 : i32
      %dma_wait3A_908 = tpu.memref_slice %run_scoped3A_2[%dma_wait3A_905, %dma_wait3A_906, %dma_wait3A_907] : memref<16x16x128xf32, #tpu.memory_space<vmem>> -> memref<1x16x128xf32, #tpu.memory_space<vmem>>
      %dma_wait3A_909 = tpu.memref_squeeze %dma_wait3A_908 : memref<1x16x128xf32, #tpu.memory_space<vmem>> -> memref<16x128xf32, #tpu.memory_space<vmem>>
      %dma_wait3A_910 = arith.constant 0 : i32
      %dma_wait3A_911 = arith.constant 0 : i32
      %dma_wait3A_912 = tpu.memref_slice %arg4[%dma_wait3A_910, %dma_wait3A_911] : memref<16x1000000xf32, #tpu.memory_space<hbm>> -> memref<16x128xf32, #tpu.memory_space<hbm>>
      %dma_wait3A_913 = arith.constant 0 : i32
      %dma_wait3A_914 = arith.constant 0 : i32
      %dma_wait3A_915 = tpu.memref_slice %run_scoped3A_2[%dma_wait3A_905, %dma_wait3A_913, %dma_wait3A_914] : memref<16x16x128xf32, #tpu.memory_space<vmem>> -> memref<1x16x128xf32, #tpu.memory_space<vmem>>
      %dma_wait3A_916 = tpu.memref_squeeze %dma_wait3A_915 : memref<1x16x128xf32, #tpu.memory_space<vmem>> -> memref<16x128xf32, #tpu.memory_space<vmem>>
      %dma_wait3A_917 = arith.constant 0 : i32
      %dma_wait3A_918 = arith.constant 0 : i32
      %dma_wait3A_919 = tpu.memref_slice %arg4[%dma_wait3A_917, %dma_wait3A_918] : memref<16x1000000xf32, #tpu.memory_space<hbm>> -> memref<16x128xf32, #tpu.memory_space<hbm>>
      tpu.wait_dma2 semaphore(%run_scoped3A_6 : memref<!tpu.dma_semaphore, #tpu.memory_space<semaphore_mem>>) src(%dma_wait3A_919 : memref<16x128xf32, #tpu.memory_space<hbm>>) dst(%dma_wait3A_916 : memref<16x128xf32, #tpu.memory_space<vmem>>)
      %dma_wait3A_920 = arith.constant 9 : i32
      %dma_wait3A_921 = arith.constant 0 : i32
      %dma_wait3A_922 = arith.constant 0 : i32
      %dma_wait3A_923 = tpu.memref_slice %run_scoped3A_2[%dma_wait3A_920, %dma_wait3A_921, %dma_wait3A_922] : memref<16x16x128xf32, #tpu.memory_space<vmem>> -> memref<1x16x128xf32, #tpu.memory_space<vmem>>
      %dma_wait3A_924 = tpu.memref_squeeze %dma_wait3A_923 : memref<1x16x128xf32, #tpu.memory_space<vmem>> -> memref<16x128xf32, #tpu.memory_space<vmem>>
      %dma_wait3A_925 = arith.constant 0 : i32
      %dma_wait3A_926 = arith.constant 0 : i32
      %dma_wait3A_927 = tpu.memref_slice %arg4[%dma_wait3A_925, %dma_wait3A_926] : memref<16x1000000xf32, #tpu.memory_space<hbm>> -> memref<16x128xf32, #tpu.memory_space<hbm>>
      %dma_wait3A_928 = arith.constant 0 : i32
      %dma_wait3A_929 = arith.constant 0 : i32
      %dma_wait3A_930 = tpu.memref_slice %run_scoped3A_2[%dma_wait3A_920, %dma_wait3A_928, %dma_wait3A_929] : memref<16x16x128xf32, #tpu.memory_space<vmem>> -> memref<1x16x128xf32, #tpu.memory_space<vmem>>
      %dma_wait3A_931 = tpu.memref_squeeze %dma_wait3A_930 : memref<1x16x128xf32, #tpu.memory_space<vmem>> -> memref<16x128xf32, #tpu.memory_space<vmem>>
      %dma_wait3A_932 = arith.constant 0 : i32
      %dma_wait3A_933 = arith.constant 0 : i32
      %dma_wait3A_934 = tpu.memref_slice %arg4[%dma_wait3A_932, %dma_wait3A_933] : memref<16x1000000xf32, #tpu.memory_space<hbm>> -> memref<16x128xf32, #tpu.memory_space<hbm>>
      tpu.wait_dma2 semaphore(%run_scoped3A_6 : memref<!tpu.dma_semaphore, #tpu.memory_space<semaphore_mem>>) src(%dma_wait3A_934 : memref<16x128xf32, #tpu.memory_space<hbm>>) dst(%dma_wait3A_931 : memref<16x128xf32, #tpu.memory_space<vmem>>)
      %dma_wait3A_935 = arith.constant 10 : i32
      %dma_wait3A_936 = arith.constant 0 : i32
      %dma_wait3A_937 = arith.constant 0 : i32
      %dma_wait3A_938 = tpu.memref_slice %run_scoped3A_2[%dma_wait3A_935, %dma_wait3A_936, %dma_wait3A_937] : memref<16x16x128xf32, #tpu.memory_space<vmem>> -> memref<1x16x128xf32, #tpu.memory_space<vmem>>
      %dma_wait3A_939 = tpu.memref_squeeze %dma_wait3A_938 : memref<1x16x128xf32, #tpu.memory_space<vmem>> -> memref<16x128xf32, #tpu.memory_space<vmem>>
      %dma_wait3A_940 = arith.constant 0 : i32
      %dma_wait3A_941 = arith.constant 0 : i32
      %dma_wait3A_942 = tpu.memref_slice %arg4[%dma_wait3A_940, %dma_wait3A_941] : memref<16x1000000xf32, #tpu.memory_space<hbm>> -> memref<16x128xf32, #tpu.memory_space<hbm>>
      %dma_wait3A_943 = arith.constant 0 : i32
      %dma_wait3A_944 = arith.constant 0 : i32
      %dma_wait3A_945 = tpu.memref_slice %run_scoped3A_2[%dma_wait3A_935, %dma_wait3A_943, %dma_wait3A_944] : memref<16x16x128xf32, #tpu.memory_space<vmem>> -> memref<1x16x128xf32, #tpu.memory_space<vmem>>
      %dma_wait3A_946 = tpu.memref_squeeze %dma_wait3A_945 : memref<1x16x128xf32, #tpu.memory_space<vmem>> -> memref<16x128xf32, #tpu.memory_space<vmem>>
      %dma_wait3A_947 = arith.constant 0 : i32
      %dma_wait3A_948 = arith.constant 0 : i32
      %dma_wait3A_949 = tpu.memref_slice %arg4[%dma_wait3A_947, %dma_wait3A_948] : memref<16x1000000xf32, #tpu.memory_space<hbm>> -> memref<16x128xf32, #tpu.memory_space<hbm>>
      tpu.wait_dma2 semaphore(%run_scoped3A_6 : memref<!tpu.dma_semaphore, #tpu.memory_space<semaphore_mem>>) src(%dma_wait3A_949 : memref<16x128xf32, #tpu.memory_space<hbm>>) dst(%dma_wait3A_946 : memref<16x128xf32, #tpu.memory_space<vmem>>)
      %dma_wait3A_950 = arith.constant 11 : i32
      %dma_wait3A_951 = arith.constant 0 : i32
      %dma_wait3A_952 = arith.constant 0 : i32
      %dma_wait3A_953 = tpu.memref_slice %run_scoped3A_2[%dma_wait3A_950, %dma_wait3A_951, %dma_wait3A_952] : memref<16x16x128xf32, #tpu.memory_space<vmem>> -> memref<1x16x128xf32, #tpu.memory_space<vmem>>
      %dma_wait3A_954 = tpu.memref_squeeze %dma_wait3A_953 : memref<1x16x128xf32, #tpu.memory_space<vmem>> -> memref<16x128xf32, #tpu.memory_space<vmem>>
      %dma_wait3A_955 = arith.constant 0 : i32
      %dma_wait3A_956 = arith.constant 0 : i32
      %dma_wait3A_957 = tpu.memref_slice %arg4[%dma_wait3A_955, %dma_wait3A_956] : memref<16x1000000xf32, #tpu.memory_space<hbm>> -> memref<16x128xf32, #tpu.memory_space<hbm>>
      %dma_wait3A_958 = arith.constant 0 : i32
      %dma_wait3A_959 = arith.constant 0 : i32
      %dma_wait3A_960 = tpu.memref_slice %run_scoped3A_2[%dma_wait3A_950, %dma_wait3A_958, %dma_wait3A_959] : memref<16x16x128xf32, #tpu.memory_space<vmem>> -> memref<1x16x128xf32, #tpu.memory_space<vmem>>
      %dma_wait3A_961 = tpu.memref_squeeze %dma_wait3A_960 : memref<1x16x128xf32, #tpu.memory_space<vmem>> -> memref<16x128xf32, #tpu.memory_space<vmem>>
      %dma_wait3A_962 = arith.constant 0 : i32
      %dma_wait3A_963 = arith.constant 0 : i32
      %dma_wait3A_964 = tpu.memref_slice %arg4[%dma_wait3A_962, %dma_wait3A_963] : memref<16x1000000xf32, #tpu.memory_space<hbm>> -> memref<16x128xf32, #tpu.memory_space<hbm>>
      tpu.wait_dma2 semaphore(%run_scoped3A_6 : memref<!tpu.dma_semaphore, #tpu.memory_space<semaphore_mem>>) src(%dma_wait3A_964 : memref<16x128xf32, #tpu.memory_space<hbm>>) dst(%dma_wait3A_961 : memref<16x128xf32, #tpu.memory_space<vmem>>)
      %dma_wait3A_965 = arith.constant 12 : i32
      %dma_wait3A_966 = arith.constant 0 : i32
      %dma_wait3A_967 = arith.constant 0 : i32
      %dma_wait3A_968 = tpu.memref_slice %run_scoped3A_2[%dma_wait3A_965, %dma_wait3A_966, %dma_wait3A_967] : memref<16x16x128xf32, #tpu.memory_space<vmem>> -> memref<1x16x128xf32, #tpu.memory_space<vmem>>
      %dma_wait3A_969 = tpu.memref_squeeze %dma_wait3A_968 : memref<1x16x128xf32, #tpu.memory_space<vmem>> -> memref<16x128xf32, #tpu.memory_space<vmem>>
      %dma_wait3A_970 = arith.constant 0 : i32
      %dma_wait3A_971 = arith.constant 0 : i32
      %dma_wait3A_972 = tpu.memref_slice %arg4[%dma_wait3A_970, %dma_wait3A_971] : memref<16x1000000xf32, #tpu.memory_space<hbm>> -> memref<16x128xf32, #tpu.memory_space<hbm>>
      %dma_wait3A_973 = arith.constant 0 : i32
      %dma_wait3A_974 = arith.constant 0 : i32
      %dma_wait3A_975 = tpu.memref_slice %run_scoped3A_2[%dma_wait3A_965, %dma_wait3A_973, %dma_wait3A_974] : memref<16x16x128xf32, #tpu.memory_space<vmem>> -> memref<1x16x128xf32, #tpu.memory_space<vmem>>
      %dma_wait3A_976 = tpu.memref_squeeze %dma_wait3A_975 : memref<1x16x128xf32, #tpu.memory_space<vmem>> -> memref<16x128xf32, #tpu.memory_space<vmem>>
      %dma_wait3A_977 = arith.constant 0 : i32
      %dma_wait3A_978 = arith.constant 0 : i32
      %dma_wait3A_979 = tpu.memref_slice %arg4[%dma_wait3A_977, %dma_wait3A_978] : memref<16x1000000xf32, #tpu.memory_space<hbm>> -> memref<16x128xf32, #tpu.memory_space<hbm>>
      tpu.wait_dma2 semaphore(%run_scoped3A_6 : memref<!tpu.dma_semaphore, #tpu.memory_space<semaphore_mem>>) src(%dma_wait3A_979 : memref<16x128xf32, #tpu.memory_space<hbm>>) dst(%dma_wait3A_976 : memref<16x128xf32, #tpu.memory_space<vmem>>)
      %dma_wait3A_980 = arith.constant 13 : i32
      %dma_wait3A_981 = arith.constant 0 : i32
      %dma_wait3A_982 = arith.constant 0 : i32
      %dma_wait3A_983 = tpu.memref_slice %run_scoped3A_2[%dma_wait3A_980, %dma_wait3A_981, %dma_wait3A_982] : memref<16x16x128xf32, #tpu.memory_space<vmem>> -> memref<1x16x128xf32, #tpu.memory_space<vmem>>
      %dma_wait3A_984 = tpu.memref_squeeze %dma_wait3A_983 : memref<1x16x128xf32, #tpu.memory_space<vmem>> -> memref<16x128xf32, #tpu.memory_space<vmem>>
      %dma_wait3A_985 = arith.constant 0 : i32
      %dma_wait3A_986 = arith.constant 0 : i32
      %dma_wait3A_987 = tpu.memref_slice %arg4[%dma_wait3A_985, %dma_wait3A_986] : memref<16x1000000xf32, #tpu.memory_space<hbm>> -> memref<16x128xf32, #tpu.memory_space<hbm>>
      %dma_wait3A_988 = arith.constant 0 : i32
      %dma_wait3A_989 = arith.constant 0 : i32
      %dma_wait3A_990 = tpu.memref_slice %run_scoped3A_2[%dma_wait3A_980, %dma_wait3A_988, %dma_wait3A_989] : memref<16x16x128xf32, #tpu.memory_space<vmem>> -> memref<1x16x128xf32, #tpu.memory_space<vmem>>
      %dma_wait3A_991 = tpu.memref_squeeze %dma_wait3A_990 : memref<1x16x128xf32, #tpu.memory_space<vmem>> -> memref<16x128xf32, #tpu.memory_space<vmem>>
      %dma_wait3A_992 = arith.constant 0 : i32
      %dma_wait3A_993 = arith.constant 0 : i32
      %dma_wait3A_994 = tpu.memref_slice %arg4[%dma_wait3A_992, %dma_wait3A_993] : memref<16x1000000xf32, #tpu.memory_space<hbm>> -> memref<16x128xf32, #tpu.memory_space<hbm>>
      tpu.wait_dma2 semaphore(%run_scoped3A_6 : memref<!tpu.dma_semaphore, #tpu.memory_space<semaphore_mem>>) src(%dma_wait3A_994 : memref<16x128xf32, #tpu.memory_space<hbm>>) dst(%dma_wait3A_991 : memref<16x128xf32, #tpu.memory_space<vmem>>)
      %dma_wait3A_995 = arith.constant 14 : i32
      %dma_wait3A_996 = arith.constant 0 : i32
      %dma_wait3A_997 = arith.constant 0 : i32
      %dma_wait3A_998 = tpu.memref_slice %run_scoped3A_2[%dma_wait3A_995, %dma_wait3A_996, %dma_wait3A_997] : memref<16x16x128xf32, #tpu.memory_space<vmem>> -> memref<1x16x128xf32, #tpu.memory_space<vmem>>
      %dma_wait3A_999 = tpu.memref_squeeze %dma_wait3A_998 : memref<1x16x128xf32, #tpu.memory_space<vmem>> -> memref<16x128xf32, #tpu.memory_space<vmem>>
      %dma_wait3A_1000 = arith.constant 0 : i32
      %dma_wait3A_1001 = arith.constant 0 : i32
      %dma_wait3A_1002 = tpu.memref_slice %arg4[%dma_wait3A_1000, %dma_wait3A_1001] : memref<16x1000000xf32, #tpu.memory_space<hbm>> -> memref<16x128xf32, #tpu.memory_space<hbm>>
      %dma_wait3A_1003 = arith.constant 0 : i32
      %dma_wait3A_1004 = arith.constant 0 : i32
      %dma_wait3A_1005 = tpu.memref_slice %run_scoped3A_2[%dma_wait3A_995, %dma_wait3A_1003, %dma_wait3A_1004] : memref<16x16x128xf32, #tpu.memory_space<vmem>> -> memref<1x16x128xf32, #tpu.memory_space<vmem>>
      %dma_wait3A_1006 = tpu.memref_squeeze %dma_wait3A_1005 : memref<1x16x128xf32, #tpu.memory_space<vmem>> -> memref<16x128xf32, #tpu.memory_space<vmem>>
      %dma_wait3A_1007 = arith.constant 0 : i32
      %dma_wait3A_1008 = arith.constant 0 : i32
      %dma_wait3A_1009 = tpu.memref_slice %arg4[%dma_wait3A_1007, %dma_wait3A_1008] : memref<16x1000000xf32, #tpu.memory_space<hbm>> -> memref<16x128xf32, #tpu.memory_space<hbm>>
      tpu.wait_dma2 semaphore(%run_scoped3A_6 : memref<!tpu.dma_semaphore, #tpu.memory_space<semaphore_mem>>) src(%dma_wait3A_1009 : memref<16x128xf32, #tpu.memory_space<hbm>>) dst(%dma_wait3A_1006 : memref<16x128xf32, #tpu.memory_space<vmem>>)
      %dma_wait3A_1010 = arith.constant 15 : i32
      %dma_wait3A_1011 = arith.constant 0 : i32
      %dma_wait3A_1012 = arith.constant 0 : i32
      %dma_wait3A_1013 = tpu.memref_slice %run_scoped3A_2[%dma_wait3A_1010, %dma_wait3A_1011, %dma_wait3A_1012] : memref<16x16x128xf32, #tpu.memory_space<vmem>> -> memref<1x16x128xf32, #tpu.memory_space<vmem>>
      %dma_wait3A_1014 = tpu.memref_squeeze %dma_wait3A_1013 : memref<1x16x128xf32, #tpu.memory_space<vmem>> -> memref<16x128xf32, #tpu.memory_space<vmem>>
      %dma_wait3A_1015 = arith.constant 0 : i32
      %dma_wait3A_1016 = arith.constant 0 : i32
      %dma_wait3A_1017 = tpu.memref_slice %arg4[%dma_wait3A_1015, %dma_wait3A_1016] : memref<16x1000000xf32, #tpu.memory_space<hbm>> -> memref<16x128xf32, #tpu.memory_space<hbm>>
      %dma_wait3A_1018 = arith.constant 0 : i32
      %dma_wait3A_1019 = arith.constant 0 : i32
      %dma_wait3A_1020 = tpu.memref_slice %run_scoped3A_2[%dma_wait3A_1010, %dma_wait3A_1018, %dma_wait3A_1019] : memref<16x16x128xf32, #tpu.memory_space<vmem>> -> memref<1x16x128xf32, #tpu.memory_space<vmem>>
      %dma_wait3A_1021 = tpu.memref_squeeze %dma_wait3A_1020 : memref<1x16x128xf32, #tpu.memory_space<vmem>> -> memref<16x128xf32, #tpu.memory_space<vmem>>
      %dma_wait3A_1022 = arith.constant 0 : i32
      %dma_wait3A_1023 = arith.constant 0 : i32
      %dma_wait3A_1024 = tpu.memref_slice %arg4[%dma_wait3A_1022, %dma_wait3A_1023] : memref<16x1000000xf32, #tpu.memory_space<hbm>> -> memref<16x128xf32, #tpu.memory_space<hbm>>
      tpu.wait_dma2 semaphore(%run_scoped3A_6 : memref<!tpu.dma_semaphore, #tpu.memory_space<semaphore_mem>>) src(%dma_wait3A_1024 : memref<16x128xf32, #tpu.memory_space<hbm>>) dst(%dma_wait3A_1021 : memref<16x128xf32, #tpu.memory_space<vmem>>)
      "tpu.region"() ({
        %run_scoped3A_1025 = tpu.sem_alloc : memref<!tpu.dma_semaphore, #tpu.memory_space<semaphore_mem>>
        %dma_start3A_1026 = tpu.memref_slice %arg6[%mul3A_10] : memref<16384xf32, #tpu.memory_space<hbm>> -> memref<512xf32, #tpu.memory_space<hbm>>
        %dma_start3A_1027 = tpu.memref_slice %arg6[%mul3A_10] : memref<16384xf32, #tpu.memory_space<hbm>> -> memref<512xf32, #tpu.memory_space<hbm>>
        tpu.enqueue_dma source(%run_scoped3A_4 : memref<512xf32, #tpu.memory_space<vmem>>) target(%dma_start3A_1027 : memref<512xf32, #tpu.memory_space<hbm>>) target_semaphore(%run_scoped3A_1025 : memref<!tpu.dma_semaphore, #tpu.memory_space<semaphore_mem>>)
        %dma_wait3A_1028 = tpu.memref_slice %arg6[%mul3A_10] : memref<16384xf32, #tpu.memory_space<hbm>> -> memref<512xf32, #tpu.memory_space<hbm>>
        %dma_wait3A_1029 = tpu.memref_slice %arg6[%mul3A_10] : memref<16384xf32, #tpu.memory_space<hbm>> -> memref<512xf32, #tpu.memory_space<hbm>>
        tpu.wait_dma2 semaphore(%run_scoped3A_1025 : memref<!tpu.dma_semaphore, #tpu.memory_space<semaphore_mem>>) src(%run_scoped3A_4 : memref<512xf32, #tpu.memory_space<vmem>>) dst(%dma_wait3A_1029 : memref<512xf32, #tpu.memory_space<hbm>>)
        tpu.yield
      }) : () -> ()
      tpu.yield
    }) : () -> ()
    return
  }
}

</mosaic_0001>

<sc_bundles>
// kernel: kernel.3.cloned.1.call-start
scs
__scs_entry_jumppad:
0x0: {  	(pc) =	sbr.rel $0x88, $3  }
0x1: {  	(tag) =	ssettag $0x0;
	lr =	simm.s32 $0x1  }
0x2: {  	[smem:$0x3F9E] =	sst lr;
	_ =	strace $0xD0000000  }
0x3: {  	_ = 	snop  }
0x4: {  	_ = 	snop  }
0x5: {  	_ = 	snop  }
0x6: {  	_ = 	snop  }
0x7: {  	_ = 	snop  }
__scs_overlays_trampoline_lowered:
0x8: {  	[smem:$0x3FAD] =	sst s0  }
0x9: {  	[smem:$0x3FAE] =	sst s1  }
0xa: {  	[smem:$0x3FAF] =	sst s2  }
0xb: {  	[smem:$0x3FB0] =	sst s3  }
0xc: {  	[smem:$0x3FB1] =	sst s4  }
0xd: {  	[smem:$0x3FB2] =	sst s5  }
0xe: {  	[smem:$0x3FB3] =	sst s6  }
0xf: {  	[smem:$0x3FB4] =	sst s7  }
0x10: {  	[smem:$0x3FB5] =	sst s8  }
0x11: {  	[smem:$0x3FB6] =	sst s9;
	s0 =	simm.s32 @!p0 $0x0  }
0x12: {  	s1 =	sld [smem:$0x3F9C];
	s0 =	simm.s32 @p0 $0x1  }
0x13: {  	[smem:$0x3FB7] =	sst s0;
	s0 =	simm.s32 @!p1 $0x0  }
0x14: {  	s2 =	sld [smem:$0x3F9B];
	s0 =	simm.s32 @p1 $0x1  }
0x15: {  	[smem:$0x3FB8] =	sst s0;
	s0 =	simm.s32 @!p2 $0x0  }
0x16: {  	s3 =	sld [smem:$0x3FDB];
	s0 =	simm.s32 @p2 $0x1  }
0x17: {  	s4 =	simm.s32 $0x1BF5;
	[smem:$0x3FBA] =	sst s0  }
0x18: {  	s0 =	sld [smem:$0x3F9D];
	_ =	swait.ge [sflag:s4], $0x0  }
0x19: {  	s7 =	sld [smem:$0x3F9E]  }
0x1a: {  	s8 =	sadd.s32 $0xFFFFE003, lr  }
0x1b: {  	s9 =	sadd.s32 $0xFFFFFEF7, lr;
	s5 =	simm.s32 $0xFFFFFFFF;
	p2 =	slt.u32 s8, $0xFFFFF086  }
0x1c: {  	p1 =	slt.u32 s9, $0xF7A;
	s5 =	simm.s32 @!p2 $0x0  }
0x1d: {  	s5 =	simm.s32 @p1 $0x1;
	p0 =	seq.s32 s7, s2  }
0x1e: {  	s7 =	smul.u32 @!p0 $0xF7A, s2;
	p2 =	seq.s32 @!p0 s5, $0x0  }
0x1f: {  	s9 =	smul.u32 $0xF7A, s1;
	s8 =	simm.s32 @!p0 $0x1BF5;
	p2 =	por !p2, p0  }
0x20: {  	[sflag:s8] =	ssyncset.s32 @!p0 $0xFFFFF086;
	s6 =	sadd.s32 @!p0 s3, s7;
	s7 =	simm.s32 @!p0 $0x108  }
0x21: {  	s3 =	sadd.s32 s3, s9;
	s6 =	sadd.s32 @!p0 $0x88, s6;
	s7 =	simm.s32 @p2 $0x1082  }
0x22: {  	[simem:s7], [sflag:s8] =	dma.local @!p0 [hbm:s6], $0xF7A  }
0x23: {  	s9 =	sor.u32 $0xD0000000, s2;
	s6 =	simm.s32 $0x108;
	_ =	swait.ge @!p0 [sflag:s8], $0x0  }
0x24: {  	s3 =	sadd.s32 $0x88, s3;
	s6 =	simm.s32 @!p1 $0x1082;
	[sflag:s4] =	ssyncset.s32 $0xFFFFF086  }
0x25: {  	[simem:s6], [sflag:s4] =	dma.local [hbm:s3], $0xF7A  }
0x26: {  	[smem:$0x3F9E] =	sst s1;
	(tag) =	ssettag s2;
	_ =	strace s9  }
0x27: {  	s1 =	sld [smem:$0x3FAE]  }
0x28: {  	s2 =	sld [smem:$0x3FAF]  }
0x29: {  	s4 =	sld [smem:$0x3FB1]  }
0x2a: {  	p0 =	seq.s32 s5, $0x0;
	s5 =	sld [smem:$0x3FB2]  }
0x2b: {  	s6 =	sld [smem:$0x3FB3]  }
0x2c: {  	s7 =	sld [smem:$0x3FB4]  }
0x2d: {  	s3 =	simm.s32 $0x108;
	s8 =	sld [smem:$0x3FB5]  }
0x2e: {  	s3 =	simm.s32 @!p0 $0x1082;
	s9 =	sld [smem:$0x3FB6]  }
0x2f: {  	lr =	sadd.s32 s0, s3;
	s0 =	sld [smem:$0x3FAD]  }
0x30: {  	s3 =	sld [smem:$0x3FB0]  }
0x31: {  	[smem:$0x3FB9] =	sst s10  }
0x32: {  	s10 =	sld [smem:$0x3FB7];
	_ =	sdelay $0x3  }
0x33: {  	p0 =	seq.s32 s10, $0x1;
	s10 =	sld [smem:$0x3FB9];
	_ =	sdelay $0x3  }
0x34: {  	[smem:$0x3FB9] =	sst s10  }
0x35: {  	s10 =	sld [smem:$0x3FB8];
	_ =	sdelay $0x3  }
0x36: {  	p1 =	seq.s32 s10, $0x1;
	s10 =	sld [smem:$0x3FB9];
	_ =	sdelay $0x3  }
0x37: {  	[smem:$0x3FB9] =	sst s10  }
0x38: {  	s10 =	sld [smem:$0x3FBA]  }
0x39: {  	_ = 	snop;
	(pc) =	sbr.ind lr, $3  }
0x3a: {  	_ = 	snop  }
0x3b: {  	_ = 	snop  }
0x3c: {  	p2 =	seq.s32 s10, $0x1;
	s10 =	sld [smem:$0x3FB9]  }
0x3d: {  	_ =	shalt  }
0x3e: {  	_ =	shalt  }
0x3f: {  	_ =	shalt  }
0x40: {  	_ =	shalt  }
0x41: {  	_ =	shalt  }
0x42: {  	_ =	shalt  }
0x43: {  	_ =	shalt  }
0x44: {  	_ =	shalt  }
0x45: {  	_ =	shalt  }
0x46: {  	_ =	shalt  }
0x47: {  	_ =	shalt  }
0x48: {  	_ =	shalt  }
0x49: {  	_ =	shalt  }
0x4a: {  	_ =	shalt  }
0x4b: {  	_ =	shalt  }
0x4c: {  	_ =	shalt  }
0x4d: {  	_ =	shalt  }
0x4e: {  	_ =	shalt  }
0x4f: {  	_ =	shalt  }
0x50: {  	_ =	shalt  }
0x51: {  	_ =	shalt  }
0x52: {  	_ =	shalt  }
0x53: {  	_ =	shalt  }
0x54: {  	_ =	shalt  }
0x55: {  	_ =	shalt  }
0x56: {  	_ =	shalt  }
0x57: {  	_ =	shalt  }
0x58: {  	_ =	shalt  }
0x59: {  	_ =	shalt  }
0x5a: {  	_ =	shalt  }
0x5b: {  	_ =	shalt  }
0x5c: {  	_ =	shalt  }
0x5d: {  	_ =	shalt  }
0x5e: {  	_ =	shalt  }
0x5f: {  	_ =	shalt  }
0x60: {  	_ =	shalt  }
0x61: {  	_ =	shalt  }
0x62: {  	_ =	shalt  }
0x63: {  	_ =	shalt  }
0x64: {  	_ =	shalt  }
0x65: {  	_ =	shalt  }
0x66: {  	_ =	shalt  }
0x67: {  	_ =	shalt  }
0x68: {  	_ =	shalt  }
0x69: {  	_ =	shalt  }
0x6a: {  	_ =	shalt  }
0x6b: {  	_ =	shalt  }
0x6c: {  	_ =	shalt  }
0x6d: {  	_ =	shalt  }
0x6e: {  	_ =	shalt  }
0x6f: {  	_ =	shalt  }
0x70: {  	_ =	shalt  }
0x71: {  	_ =	shalt  }
0x72: {  	_ =	shalt  }
0x73: {  	_ =	shalt  }
0x74: {  	_ =	shalt  }
0x75: {  	_ =	shalt  }
0x76: {  	_ =	shalt  }
0x77: {  	_ =	shalt  }
0x78: {  	_ =	shalt  }
0x79: {  	_ =	shalt  }
0x7a: {  	_ =	shalt  }
0x7b: {  	_ =	shalt  }
0x7c: {  	_ =	shalt  }
0x7d: {  	_ =	shalt  }
0x7e: {  	_ =	shalt  }
0x7f: {  	_ =	shalt  }
0x80: {  	_ =	shalt  }
0x81: {  	_ =	shalt  }
0x82: {  	_ =	shalt  }
0x83: {  	_ =	shalt  }
0x84: {  	_ =	shalt  }
0x85: {  	_ =	shalt  }
0x86: {  	_ =	shalt  }
0x87: {  	_ =	shalt  }
.Lfunc_end0:
.L_simem_size_0:
called_computation_lowered:
.L_overlay_start_0:
0x88: {  	s2 =	sld [smem:$0x3FD9]  }
0x89: {  	s3 =	sld [smem:$0x3FFE];
	_ =	sdelay $0x1  }
0x8a: {  	s1 =	srdreg.scid  }
0x8b: {  	s0 =	sand.u32 $0x1, s1  }
0x8c: {  	s17 =	sshll.u32 s0, $0xA;
	s2 =	sadd.s32 s3, s2  }
0x8d: {  	s2 =	sadd.s32 s2, s17  }
0x8e: {  	[smem:$0x3FC5] =	sst s2  }
0x8f: {  	_ = 	snop  }
0x90: {  	s2 =	sld [smem:$0x3FC8]  }
0x91: {  	s18 =	sld [smem:$0x3FC7]  }
0x92: {  	s4 =	sld [smem:$0x3FD0];
	(tm) =	ssettm $0x1  }
0x93: {  	s5 =	sld [smem:$0x3FFB];
	_ =	sdelay $0x3  }
0x94: {  	_ =	strace s5  }
0x95: {  	s5 =	sld [smem:$0x3FFC];
	_ =	sdelay $0x3  }
0x96: {  	_ =	strace s5  }
0x97: {  	s5 =	sld [smem:$0x3FFD];
	_ =	sdelay $0x3  }
0x98: {  	_ =	strace s5  }
0x99: {  	_ =	strace $0x8FFFFFFF  }
0x9a: {  	s19 =	sld [smem:$0x3FDB];
	_ =	sdelay $0x1  }
0x9b: {  	s6 =	simm.s32 $_scs_section_size  }
0x9c: {  	s7 =	simm.s32 $_size__tile_overlayer_lowered;
	s8 =	simm.s32 $_tile_overlayer_lowered  }
0x9d: {  	s22 =	simm.s32 $0x1BFF;
	s21 =	sshll.u32 s8, $0x1;
	s5 =	sadd.s32 s6, s19  }
0x9e: {  	s9 =	simm.s32 $0x0;
	s20 =	sshll.u32 s7, $0x1;
	s7 =	sadd.s32 s21, s5  }
0x9f: {  	[timem:s9], [sflag:s22] =	dma.local [hbm:s7], s20  }
0xa0: {  	_ =	swait.ge [sflag:s22], s20  }
0xa1: {  	s6 =	ssub.s32 $0x0, s20;
	[sflag:s22] =	ssyncset.done $0x0  }
0xa2: {  	[sflag:s22] =	ssyncadd.s32 s6;
	_ =	sdelay $0x1  }
0xa3: {  	s23 =	simm.s32 $0x1B8B  }
0xa4: {  	_ =	swait.ge [sflag:s23], $0x1  }
0xa5: {  	[sflag:s23] =	ssyncset.done $0x0  }
0xa6: {  	s25 =	simm.s32 $0x1B8E;
	s24 =	sld [smem:$0x3FFE];
	[sflag:s23] =	ssyncadd.s32 $0xFFFFFFFF  }
0xa7: {  	s26 =	simm.s32 $execute0_lowered;
	[smem:$0x3FD2] =	sst s25  }
0xa8: {  	s7 =	sshll.u32 s26, $0x1;
	_ =	strace $0x80000046;
	[dreg:$0x1] =	wrdreg $0xFFFFFFFF  }
0xa9: {  	s28 =	simm.s32 $_size_execute0_lowered;
	s5 =	sadd.s32 s5, s7;
	[dreg:$0x0] =	wrdreg $0x0  }
0xaa: {  	s7 =	sshll.u32 s28, $0x1;
	[dreg:$0x2] =	wrdreg s5  }
0xab: {  	[dreg:$0x3] =	wrdreg s7  }
0xac: {  	[dreg:$0x4] =	wrdreg $0xC0  }
0xad: {  	_ =	task [dreg:s9], $0x5FFFF  }
0xae: {  	[dreg:$0x1] =	wrdreg $0xFFFFFFFF  }
0xaf: {  	[dreg:$0x0] =	wrdreg $0x60  }
0xb0: {  	[dreg:$0x2] =	wrdreg s24  }
0xb1: {  	[dreg:$0x3] =	wrdreg s2  }
0xb2: {  	[dreg:$0x4] =	wrdreg s18  }
0xb3: {  	[dreg:$0x5] =	wrdreg s4  }
0xb4: {  	[dreg:$0x6] =	wrdreg $0x9  }
0xb5: {  	_ =	task.clear_ibuf [dreg:s9], $0x7FFFF;
	_ =	strace $0x90000046  }
0xb6: {  	s29 =	simm.s32 $0x9;
	_ =	strace $0x80000048  }
0xb7: {  	_ =	swait.ge [sflag:s29], $0x1  }
0xb8: {  	[sflag:s29] =	ssyncadd.s32 $0xFFFFFFFF  }
0xb9: {  	_ =	strace $0x90000048  }
0xba: {  	_ =	sfence  }
0xbb: {  	s30 =	sld [smem:$0x0];
	_ =	sdelay $0x2  }
0xbc: {  	s31 =	sshll.u32 s1, $0xD;
	s1 =	sshrl.u32 s1, $0x2  }
0xbd: {  	s3 =	sand.u32 $0x4000, s31;
	s1 =	sadd.s32 s1, s30  }
0xbe: {  	s0 =	sor.u32 s3, s0;
	s1 =	sshll.u32 s1, $0x11  }
0xbf: {  	s0 =	sor.u32 s1, s0  }
0xc0: {  	s0 =	sadd.s32 $0x8F2B, s0  }
0xc1: {  	[sflag:s0] =	ssyncadd.remote.s32 $0x1  }
0xc2: {  	_ =	sfence.sel $0xFFFF  }
0xc3: {  	[dreg:$0x0] =	wrdreg $0xFFFFFFFF;
	(pc) =	sbr.abs _section_cstart, $3  }
0xc4: {  	[dreg:$0x1] =	wrdreg $0xFFFFFFFF  }
0xc5: {  	_ =	task.clear_ibuf [dreg:s9], $0x2FFFF;
	_ =	strace $0x9FFFFFFF  }
0xc6: {  	(tm) =	ssettm $0x7FFFFFFF  }
0xc7: {  	_ =	shalt  }
tec
execute0_lowered:
.L_overlay_start_1:
0x0: {  	(tag) =	ssettag $0x1  }
0x1: {  	s0 =	rddreg [dreg:$0x0]  }
0x2: {  	s1 =	rddreg [dreg:$0x1]  }
0x3: {  	s2 =	rddreg [dreg:$0x2]  }
0x4: {  	s3 =	rddreg [dreg:$0x3]  }
0x5: {  	s4 =	srdreg.scid;
	s14 =	simm.s32 $0x0;
	s5 =	stileid.u32  }
0x6: {  	s8 =	simm.s32 $0x4;
	s11 =	simm.s32 $0x7A1400;
	s12 =	simm.s32 $0x400  }
0x7: {  	s15 =	simm.s32 $0xC00;
	s16 =	simm.s32 $0x1400;
	s13 =	simm.s32 $0x1C00  }
0x8: {  	s29 =	simm.s32 $0x8400;
	s17 =	simm.s32 $0x10400;
	s18 =	simm.s32 $0x10C00  }
0x9: {  	s19 =	simm.s32 $0x11400;
	s20 =	simm.s32 $0x11C00;
	s21 =	simm.s32 $0x12400  }
0xa: {  	s22 =	simm.s32 $0x12C00;
	s28 =	simm.s32 $0x15400;
	s30 =	simm.s32 $0x15C00  }
0xb: {  	s31 =	simm.s32 $0x16400;
	s10 =	simm.s32 $0x17C00;
	s7 =	simm.s32 $0x2  }
0xc: {  	s9 =	simm.s32 $0x0;
	s4 =	sand.u32 $0x1, s4;
	s5 =	sshll.u32 s5, $0x7  }
0xd: {  	v0 =	vlaneseq.u32;
	[smem:$0x7FF] =	sst s14;
	s6 =	sshll.u32 s4, $0x6;
	s4 =	ssub.s32 $0x2, s4  }
0xe: {  	v0 =	vmul.u32 $0x800, v0;
	_ =	strace $0x80000047;
	s5 =	sor.u32 s6, s5;
	s23 =	sshrl.u32 s4, $0x1  }
0xf: {  	s6 =	simm.s32 $0x3;
	s0 =	sadd.s32 s5, s0;
	s25 =	sadd.s32 s3, s5  }
0x10: {  	v1 =	vor.u32 $0x80, v0;
	v2 =	vor.u32 $0x100, v0;
	v3 =	vor.u32 $0x180, v0;
	s4 =	ssub.s32 s4, s23;
	s24 =	sadd.s32 $0xE00, s0;
	[dreg:$0x7] =	wrdreg s25  }
0x11: {  	v4 =	vor.u32 $0x200, v0;
	v5 =	vor.u32 $0x280, v0;
	v6 =	vor.u32 $0x300, v0;
	s23 =	simm.s32 $0x13400;
	s0 =	sadd.s32 $0x600, s0;
	[dreg:$0x5] =	wrdreg s24  }
0x12: {  	v7 =	vor.u32 $0x380, v0;
	v8 =	vor.u32 $0x400, v0;
	v9 =	vor.u32 $0x480, v0;
	s3 =	simm.s32 $0x17400;
	s26 =	smax.u32 s4, $0x1;
	[dreg:$0x6] =	wrdreg s0  }
0x13: {  	v10 =	vor.u32 $0x500, v0;
	v11 =	vor.u32 $0x580, v0;
	v12 =	vor.u32 $0x600, v0;
	s5 =	simm.s32 $0x1;
	s25 =	simm.s32 $0x14400;
	[dreg:$0x8] =	wrdreg s26  }
0x14: {  	v13 =	vor.u32 $0x680, v0;
	v14 =	vor.u32 $0x700, v0;
	v15 =	vor.u32 $0x780, v0;
	s24 =	simm.s32 $0x13C00;
	s26 =	simm.s32 $0x14C00;
	s0 =	simm.s32 $0x16C00  }
.LBB2_1:
0x15: {  	[dreg:$0x9] =	wrdreg s9  }
0x16: {  	s4 =	rddreg [dreg:$0x5]  }
0x17: {  	[tilespmem:s14], [sflag:$0x4] =	stream.linear.gather [hbm4b:s4+s14], $0x200, $0x38;
	[tilespmem:$0x18600] =	vst v63  }
0x18: {  	_ =	swait.ge [sflag:s8], $0x200  }
0x19: {  	[sflag:s8] =	ssyncset.done $0x0  }
0x1a: {  	s9 =	simm.s32 $0x200;
	[sflag:s8] =	ssyncadd.s32 $0xFFFFFE00;
	s4 =	rddreg [dreg:$0x6]  }
0x1b: {  	[tilespmem:s9], [sflag:$0x4] =	stream.linear.gather [hbm4b:s4+s14], $0x200, $0x38;
	[tilespmem:$0x18600] =	vst v63  }
0x1c: {  	_ =	swait.ge [sflag:s8], $0x200  }
0x1d: {  	[sflag:s8] =	ssyncset.done $0x0  }
0x1e: {  	[sflag:s8] =	ssyncadd.s32 $0xFFFFFE00  }
0x1f: {  	v16 =	vld [tilespmem:$0x0];
	_ =	sdelay $0x4  }
0x20: {  	v16 =	vand.u32 $0xFFFFFF80, v16  }
0x21: {  	v16 =	vadd.s32 s1, v16  }
0x22: {  	(v2sf) =	vpush v16, $0x0;
	_ =	sdelay $0x1  }
0x23: {  	(v2sf) =	vpush v16, $0x1;
	_ =	sdelay $0x1  }
0x24: {  	(v2sf) =	vpush v16, $0x2;
	_ =	sdelay $0x1  }
0x25: {  	(v2sf) =	vpush v16, $0x3;
	_ =	sdelay $0x1  }
0x26: {  	(v2sf) =	vpush v16, $0x4;
	_ =	sdelay $0x1  }
0x27: {  	(v2sf) =	vpush v16, $0x5;
	_ =	sdelay $0x1  }
0x28: {  	(v2sf) =	vpush v16, $0x6;
	_ =	sdelay $0x1  }
0x29: {  	(v2sf) =	vpush v16, $0x7  }
0x2a: {  	s9 =	spop (v2sf)  }
0x2b: {  	(v2sf) =	vpush v16, $0x8;
	[tilespmem:s12], [sflag:$0x1] =	stream.strided.gather [hbm4b:s9+s12], $0x800, s11, s12, $0x38;
	[tilespmem:$0x18600] =	vst v63  }
0x2c: {  	s8 =	spop (v2sf)  }
0x2d: {  	(v2sf) =	vpush v16, $0x9;
	[tilespmem:s15], [sflag:$0x1] =	stream.strided.gather [hbm4b:s8+s12], $0x800, s11, s12, $0x38;
	[tilespmem:$0x18600] =	vst v63  }
0x2e: {  	s9 =	spop (v2sf)  }
0x2f: {  	(v2sf) =	vpush v16, $0xA;
	[tilespmem:s16], [sflag:$0x1] =	stream.strided.gather [hbm4b:s9+s12], $0x800, s11, s12, $0x38;
	[tilespmem:$0x18600] =	vst v63  }
0x30: {  	s8 =	spop (v2sf)  }
0x31: {  	(v2sf) =	vpush v16, $0xB;
	[tilespmem:s13], [sflag:$0x1] =	stream.strided.gather [hbm4b:s8+s12], $0x800, s11, s12, $0x38;
	[tilespmem:$0x18600] =	vst v63  }
0x32: {  	s9 =	spop (v2sf);
	s13 =	simm.s32 $0x2400  }
0x33: {  	(v2sf) =	vpush v16, $0xC;
	[tilespmem:s13], [sflag:$0x1] =	stream.strided.gather [hbm4b:s9+s12], $0x800, s11, s12, $0x38;
	[tilespmem:$0x18600] =	vst v63  }
0x34: {  	s9 =	spop (v2sf);
	s13 =	simm.s32 $0x2C00  }
0x35: {  	(v2sf) =	vpush v16, $0xD;
	[tilespmem:s13], [sflag:$0x1] =	stream.strided.gather [hbm4b:s9+s12], $0x800, s11, s12, $0x38;
	[tilespmem:$0x18600] =	vst v63  }
0x36: {  	s9 =	spop (v2sf);
	s13 =	simm.s32 $0x3400  }
0x37: {  	(v2sf) =	vpush v16, $0xE;
	[tilespmem:s13], [sflag:$0x1] =	stream.strided.gather [hbm4b:s9+s12], $0x800, s11, s12, $0x38;
	[tilespmem:$0x18600] =	vst v63  }
0x38: {  	s9 =	spop (v2sf);
	s13 =	simm.s32 $0x3C00  }
0x39: {  	(v2sf) =	vpush v16, $0xF;
	[tilespmem:s13], [sflag:$0x1] =	stream.strided.gather [hbm4b:s9+s12], $0x800, s11, s12, $0x38;
	[tilespmem:$0x18600] =	vst v63  }
0x3a: {  	s9 =	spop (v2sf);
	s13 =	simm.s32 $0x4400  }
0x3b: {  	[tilespmem:s13], [sflag:$0x1] =	stream.strided.gather [hbm4b:s9+s12], $0x800, s11, s12, $0x38;
	[tilespmem:$0x18600] =	vst v63  }
0x3c: {  	s9 =	spop (v2sf);
	s13 =	simm.s32 $0x4C00  }
0x3d: {  	[tilespmem:s13], [sflag:$0x1] =	stream.strided.gather [hbm4b:s9+s12], $0x800, s11, s12, $0x38;
	[tilespmem:$0x18600] =	vst v63  }
0x3e: {  	s9 =	spop (v2sf);
	s13 =	simm.s32 $0x5400  }
0x3f: {  	[tilespmem:s13], [sflag:$0x1] =	stream.strided.gather [hbm4b:s9+s12], $0x800, s11, s12, $0x38;
	[tilespmem:$0x18600] =	vst v63  }
0x40: {  	s9 =	spop (v2sf);
	s13 =	simm.s32 $0x5C00  }
0x41: {  	[tilespmem:s13], [sflag:$0x1] =	stream.strided.gather [hbm4b:s9+s12], $0x800, s11, s12, $0x38;
	[tilespmem:$0x18600] =	vst v63  }
0x42: {  	s9 =	spop (v2sf);
	s13 =	simm.s32 $0x6400  }
0x43: {  	[tilespmem:s13], [sflag:$0x1] =	stream.strided.gather [hbm4b:s9+s12], $0x800, s11, s12, $0x38;
	[tilespmem:$0x18600] =	vst v63  }
0x44: {  	s9 =	spop (v2sf);
	s13 =	simm.s32 $0x6C00  }
0x45: {  	[tilespmem:s13], [sflag:$0x1] =	stream.strided.gather [hbm4b:s9+s12], $0x800, s11, s12, $0x38;
	[tilespmem:$0x18600] =	vst v63  }
0x46: {  	s9 =	spop (v2sf);
	s13 =	simm.s32 $0x7400  }
0x47: {  	[tilespmem:s13], [sflag:$0x1] =	stream.strided.gather [hbm4b:s9+s12], $0x800, s11, s12, $0x38;
	[tilespmem:$0x18600] =	vst v63  }
0x48: {  	s9 =	spop (v2sf);
	s13 =	simm.s32 $0x7C00  }
0x49: {  	[tilespmem:s13], [sflag:$0x1] =	stream.strided.gather [hbm4b:s9+s12], $0x800, s11, s12, $0x38;
	[tilespmem:$0x18600] =	vst v63  }
0x4a: {  	v16 =	vld [tilespmem:$0x10];
	_ =	sdelay $0x4  }
0x4b: {  	v16 =	vand.u32 $0xFFFFFF80, v16  }
0x4c: {  	v16 =	vadd.s32 s1, v16  }
0x4d: {  	(v2sf) =	vpush v16, $0x0;
	_ =	sdelay $0x1  }
0x4e: {  	(v2sf) =	vpush v16, $0x1;
	_ =	sdelay $0x1  }
0x4f: {  	(v2sf) =	vpush v16, $0x2;
	_ =	sdelay $0x1  }
0x50: {  	(v2sf) =	vpush v16, $0x3;
	_ =	sdelay $0x1  }
0x51: {  	(v2sf) =	vpush v16, $0x4;
	_ =	sdelay $0x1  }
0x52: {  	(v2sf) =	vpush v16, $0x5;
	_ =	sdelay $0x1  }
0x53: {  	(v2sf) =	vpush v16, $0x6;
	_ =	sdelay $0x1  }
0x54: {  	(v2sf) =	vpush v16, $0x7  }
0x55: {  	s8 =	spop (v2sf)  }
0x56: {  	(v2sf) =	vpush v16, $0x8;
	[tilespmem:s29], [sflag:$0x2] =	stream.strided.gather [hbm4b:s8+s12], $0x800, s11, s12, $0x38;
	[tilespmem:$0x18600] =	vst v63  }
0x57: {  	s13 =	simm.s32 $0x8C00;
	s9 =	spop (v2sf)  }
0x58: {  	(v2sf) =	vpush v16, $0x9;
	[tilespmem:s13], [sflag:$0x2] =	stream.strided.gather [hbm4b:s9+s12], $0x800, s11, s12, $0x38;
	[tilespmem:$0x18600] =	vst v63  }
0x59: {  	s9 =	spop (v2sf);
	s13 =	simm.s32 $0x9400  }
0x5a: {  	(v2sf) =	vpush v16, $0xA;
	[tilespmem:s13], [sflag:$0x2] =	stream.strided.gather [hbm4b:s9+s12], $0x800, s11, s12, $0x38;
	[tilespmem:$0x18600] =	vst v63  }
0x5b: {  	s9 =	spop (v2sf);
	s13 =	simm.s32 $0x9C00  }
0x5c: {  	(v2sf) =	vpush v16, $0xB;
	[tilespmem:s13], [sflag:$0x2] =	stream.strided.gather [hbm4b:s9+s12], $0x800, s11, s12, $0x38;
	[tilespmem:$0x18600] =	vst v63  }
0x5d: {  	s9 =	spop (v2sf);
	s13 =	simm.s32 $0xA400  }
0x5e: {  	(v2sf) =	vpush v16, $0xC;
	[tilespmem:s13], [sflag:$0x2] =	stream.strided.gather [hbm4b:s9+s12], $0x800, s11, s12, $0x38;
	[tilespmem:$0x18600] =	vst v63  }
0x5f: {  	s9 =	spop (v2sf);
	s13 =	simm.s32 $0xAC00  }
0x60: {  	(v2sf) =	vpush v16, $0xD;
	[tilespmem:s13], [sflag:$0x2] =	stream.strided.gather [hbm4b:s9+s12], $0x800, s11, s12, $0x38;
	[tilespmem:$0x18600] =	vst v63  }
0x61: {  	s9 =	spop (v2sf);
	s13 =	simm.s32 $0xB400  }
0x62: {  	(v2sf) =	vpush v16, $0xE;
	[tilespmem:s13], [sflag:$0x2] =	stream.strided.gather [hbm4b:s9+s12], $0x800, s11, s12, $0x38;
	[tilespmem:$0x18600] =	vst v63  }
0x63: {  	s9 =	spop (v2sf);
	s13 =	simm.s32 $0xBC00  }
0x64: {  	(v2sf) =	vpush v16, $0xF;
	[tilespmem:s13], [sflag:$0x2] =	stream.strided.gather [hbm4b:s9+s12], $0x800, s11, s12, $0x38;
	[tilespmem:$0x18600] =	vst v63  }
0x65: {  	s9 =	spop (v2sf);
	s13 =	simm.s32 $0xC400  }
0x66: {  	[tilespmem:s13], [sflag:$0x2] =	stream.strided.gather [hbm4b:s9+s12], $0x800, s11, s12, $0x38;
	[tilespmem:$0x18600] =	vst v63  }
0x67: {  	s9 =	spop (v2sf);
	s13 =	simm.s32 $0xCC00  }
0x68: {  	[tilespmem:s13], [sflag:$0x2] =	stream.strided.gather [hbm4b:s9+s12], $0x800, s11, s12, $0x38;
	[tilespmem:$0x18600] =	vst v63  }
0x69: {  	s9 =	spop (v2sf);
	s13 =	simm.s32 $0xD400  }
0x6a: {  	[tilespmem:s13], [sflag:$0x2] =	stream.strided.gather [hbm4b:s9+s12], $0x800, s11, s12, $0x38;
	[tilespmem:$0x18600] =	vst v63  }
0x6b: {  	s9 =	spop (v2sf);
	s13 =	simm.s32 $0xDC00  }
0x6c: {  	[tilespmem:s13], [sflag:$0x2] =	stream.strided.gather [hbm4b:s9+s12], $0x800, s11, s12, $0x38;
	[tilespmem:$0x18600] =	vst v63  }
0x6d: {  	s9 =	spop (v2sf);
	s13 =	simm.s32 $0xE400  }
0x6e: {  	[tilespmem:s13], [sflag:$0x2] =	stream.strided.gather [hbm4b:s9+s12], $0x800, s11, s12, $0x38;
	[tilespmem:$0x18600] =	vst v63  }
0x6f: {  	s9 =	spop (v2sf);
	s13 =	simm.s32 $0xEC00  }
0x70: {  	[tilespmem:s13], [sflag:$0x2] =	stream.strided.gather [hbm4b:s9+s12], $0x800, s11, s12, $0x38;
	[tilespmem:$0x18600] =	vst v63  }
0x71: {  	s9 =	spop (v2sf);
	s13 =	simm.s32 $0xF400  }
0x72: {  	[tilespmem:s13], [sflag:$0x2] =	stream.strided.gather [hbm4b:s9+s12], $0x800, s11, s12, $0x38;
	[tilespmem:$0x18600] =	vst v63  }
0x73: {  	s8 =	simm.s32 $0x210;
	s9 =	spop (v2sf);
	s13 =	simm.s32 $0xFC00  }
0x74: {  	[tilespmem:s13], [sflag:$0x2] =	stream.strided.gather [hbm4b:s9+s12], $0x800, s11, s12, $0x38;
	[tilespmem:$0x18600] =	vst v63  }
0x75: {  	v16 =	vld [tilespmem:s8+$0xFFFFFFF0];
	_ =	sdelay $0x4  }
0x76: {  	v17 =	vand.u32 $0xFFFFFF80, v16  }
0x77: {  	v18 =	vadd.s32 s2, v17  }
0x78: {  	(v2sf) =	vpush v18, $0x0;
	_ =	sdelay $0x1  }
0x79: {  	(v2sf) =	vpush v18, $0x1;
	_ =	sdelay $0x1  }
0x7a: {  	(v2sf) =	vpush v18, $0x2;
	_ =	sdelay $0x1  }
0x7b: {  	(v2sf) =	vpush v18, $0x3;
	_ =	sdelay $0x1  }
0x7c: {  	(v2sf) =	vpush v18, $0x4;
	_ =	sdelay $0x1  }
0x7d: {  	(v2sf) =	vpush v18, $0x5;
	_ =	sdelay $0x1  }
0x7e: {  	(v2sf) =	vpush v18, $0x6;
	_ =	sdelay $0x1  }
0x7f: {  	(v2sf) =	vpush v18, $0x7  }
0x80: {  	s9 =	simm.s32 $0x10;
	s13 =	spop (v2sf)  }
0x81: {  	v17 =	vld [tilespmem:s9+$0xFFFFFFF0];
	(v2sf) =	vpush v18, $0x8;
	[tilespmem:s17], [sflag:$0x3] =	stream.strided.gather [hbm4b:s13+s12], $0x800, s11, s12, $0x38  }
0x82: {  	s9 =	spop (v2sf)  }
0x83: {  	(v2sf) =	vpush v18, $0x9;
	[tilespmem:s18], [sflag:$0x3] =	stream.strided.gather [hbm4b:s9+s12], $0x800, s11, s12, $0x38;
	[tilespmem:$0x18600] =	vst v63  }
0x84: {  	s13 =	spop (v2sf)  }
0x85: {  	(v2sf) =	vpush v18, $0xA;
	[tilespmem:s19], [sflag:$0x3] =	stream.strided.gather [hbm4b:s13+s12], $0x800, s11, s12, $0x38;
	[tilespmem:$0x18600] =	vst v63  }
0x86: {  	s9 =	spop (v2sf)  }
0x87: {  	(v2sf) =	vpush v18, $0xB;
	[tilespmem:s20], [sflag:$0x3] =	stream.strided.gather [hbm4b:s9+s12], $0x800, s11, s12, $0x38;
	[tilespmem:$0x18600] =	vst v63  }
0x88: {  	s13 =	spop (v2sf)  }
0x89: {  	(v2sf) =	vpush v18, $0xC;
	[tilespmem:s21], [sflag:$0x3] =	stream.strided.gather [hbm4b:s13+s12], $0x800, s11, s12, $0x38;
	[tilespmem:$0x18600] =	vst v63  }
0x8a: {  	s9 =	spop (v2sf)  }
0x8b: {  	(v2sf) =	vpush v18, $0xD;
	[tilespmem:s22], [sflag:$0x3] =	stream.strided.gather [hbm4b:s9+s12], $0x800, s11, s12, $0x38;
	[tilespmem:$0x18600] =	vst v63  }
0x8c: {  	s13 =	spop (v2sf)  }
0x8d: {  	(v2sf) =	vpush v18, $0xE;
	[tilespmem:s23], [sflag:$0x3] =	stream.strided.gather [hbm4b:s13+s12], $0x800, s11, s12, $0x38;
	[tilespmem:$0x18600] =	vst v63  }
0x8e: {  	s9 =	spop (v2sf)  }
0x8f: {  	(v2sf) =	vpush v18, $0xF;
	[tilespmem:s24], [sflag:$0x3] =	stream.strided.gather [hbm4b:s9+s12], $0x800, s11, s12, $0x38;
	[tilespmem:$0x18600] =	vst v63  }
0x90: {  	s13 =	spop (v2sf)  }
0x91: {  	[tilespmem:s25], [sflag:$0x3] =	stream.strided.gather [hbm4b:s13+s12], $0x800, s11, s12, $0x38;
	[tilespmem:$0x18600] =	vst v63  }
0x92: {  	s9 =	spop (v2sf)  }
0x93: {  	[tilespmem:s26], [sflag:$0x3] =	stream.strided.gather [hbm4b:s9+s12], $0x800, s11, s12, $0x38;
	[tilespmem:$0x18600] =	vst v63  }
0x94: {  	s13 =	spop (v2sf)  }
0x95: {  	[tilespmem:s28], [sflag:$0x3] =	stream.strided.gather [hbm4b:s13+s12], $0x800, s11, s12, $0x38;
	[tilespmem:$0x18600] =	vst v63  }
0x96: {  	s9 =	spop (v2sf)  }
0x97: {  	[tilespmem:s30], [sflag:$0x3] =	stream.strided.gather [hbm4b:s9+s12], $0x800, s11, s12, $0x38;
	[tilespmem:$0x18600] =	vst v63  }
0x98: {  	s13 =	spop (v2sf)  }
0x99: {  	[tilespmem:s31], [sflag:$0x3] =	stream.strided.gather [hbm4b:s13+s12], $0x800, s11, s12, $0x38;
	[tilespmem:$0x18600] =	vst v63  }
0x9a: {  	s9 =	spop (v2sf)  }
0x9b: {  	[tilespmem:s0], [sflag:$0x3] =	stream.strided.gather [hbm4b:s9+s12], $0x800, s11, s12, $0x38;
	[tilespmem:$0x18600] =	vst v63  }
0x9c: {  	s13 =	spop (v2sf)  }
0x9d: {  	[tilespmem:s3], [sflag:$0x3] =	stream.strided.gather [hbm4b:s13+s12], $0x800, s11, s12, $0x38;
	[tilespmem:$0x18600] =	vst v63  }
0x9e: {  	s9 =	spop (v2sf)  }
0x9f: {  	[tilespmem:s10], [sflag:$0x3] =	stream.strided.gather [hbm4b:s9+s12], $0x800, s11, s12, $0x38;
	[tilespmem:$0x18600] =	vst v63  }
0xa0: {  	_ =	swait.ge [sflag:s5], $0x800  }
0xa1: {  	[sflag:s5] =	ssyncset.done $0x0  }
0xa2: {  	[sflag:s5] =	ssyncadd.s32 $0xFFFFF800  }
0xa3: {  	_ =	swait.ge [sflag:s5], $0x800  }
0xa4: {  	[sflag:s5] =	ssyncset.done $0x0  }
0xa5: {  	[sflag:s5] =	ssyncadd.s32 $0xFFFFF800  }
0xa6: {  	_ =	swait.ge [sflag:s5], $0x800  }
0xa7: {  	[sflag:s5] =	ssyncset.done $0x0  }
0xa8: {  	[sflag:s5] =	ssyncadd.s32 $0xFFFFF800  }
0xa9: {  	_ =	swait.ge [sflag:s5], $0x800  }
0xaa: {  	[sflag:s5] =	ssyncset.done $0x0  }
0xab: {  	[sflag:s5] =	ssyncadd.s32 $0xFFFFF800  }
0xac: {  	_ =	swait.ge [sflag:s5], $0x800  }
0xad: {  	[sflag:s5] =	ssyncset.done $0x0  }
0xae: {  	[sflag:s5] =	ssyncadd.s32 $0xFFFFF800  }
0xaf: {  	_ =	swait.ge [sflag:s5], $0x800  }
0xb0: {  	[sflag:s5] =	ssyncset.done $0x0  }
0xb1: {  	[sflag:s5] =	ssyncadd.s32 $0xFFFFF800  }
0xb2: {  	_ =	swait.ge [sflag:s5], $0x800  }
0xb3: {  	[sflag:s5] =	ssyncset.done $0x0  }
0xb4: {  	[sflag:s5] =	ssyncadd.s32 $0xFFFFF800  }
0xb5: {  	_ =	swait.ge [sflag:s5], $0x800  }
0xb6: {  	[sflag:s5] =	ssyncset.done $0x0  }
0xb7: {  	[sflag:s5] =	ssyncadd.s32 $0xFFFFF800  }
0xb8: {  	_ =	swait.ge [sflag:s5], $0x800  }
0xb9: {  	[sflag:s5] =	ssyncset.done $0x0  }
0xba: {  	[sflag:s5] =	ssyncadd.s32 $0xFFFFF800  }
0xbb: {  	_ =	swait.ge [sflag:s5], $0x800  }
0xbc: {  	[sflag:s5] =	ssyncset.done $0x0  }
0xbd: {  	[sflag:s5] =	ssyncadd.s32 $0xFFFFF800  }
0xbe: {  	_ =	swait.ge [sflag:s5], $0x800  }
0xbf: {  	[sflag:s5] =	ssyncset.done $0x0  }
0xc0: {  	[sflag:s5] =	ssyncadd.s32 $0xFFFFF800  }
0xc1: {  	_ =	swait.ge [sflag:s5], $0x800  }
0xc2: {  	[sflag:s5] =	ssyncset.done $0x0  }
0xc3: {  	[sflag:s5] =	ssyncadd.s32 $0xFFFFF800  }
0xc4: {  	_ =	swait.ge [sflag:s5], $0x800  }
0xc5: {  	[sflag:s5] =	ssyncset.done $0x0  }
0xc6: {  	[sflag:s5] =	ssyncadd.s32 $0xFFFFF800  }
0xc7: {  	_ =	swait.ge [sflag:s5], $0x800  }
0xc8: {  	[sflag:s5] =	ssyncset.done $0x0  }
0xc9: {  	[sflag:s5] =	ssyncadd.s32 $0xFFFFF800  }
0xca: {  	_ =	swait.ge [sflag:s5], $0x800  }
0xcb: {  	[sflag:s5] =	ssyncset.done $0x0  }
0xcc: {  	[sflag:s5] =	ssyncadd.s32 $0xFFFFF800  }
0xcd: {  	_ =	swait.ge [sflag:s5], $0x800  }
0xce: {  	[sflag:s5] =	ssyncset.done $0x0  }
0xcf: {  	[sflag:s5] =	ssyncadd.s32 $0xFFFFF800  }
0xd0: {  	_ =	swait.ge [sflag:s6], $0x800  }
0xd1: {  	[sflag:s6] =	ssyncset.done $0x0  }
0xd2: {  	[sflag:s6] =	ssyncadd.s32 $0xFFFFF800  }
0xd3: {  	_ =	swait.ge [sflag:s6], $0x800  }
0xd4: {  	[sflag:s6] =	ssyncset.done $0x0  }
0xd5: {  	[sflag:s6] =	ssyncadd.s32 $0xFFFFF800  }
0xd6: {  	_ =	swait.ge [sflag:s6], $0x800  }
0xd7: {  	[sflag:s6] =	ssyncset.done $0x0  }
0xd8: {  	[sflag:s6] =	ssyncadd.s32 $0xFFFFF800  }
0xd9: {  	_ =	swait.ge [sflag:s6], $0x800  }
0xda: {  	[sflag:s6] =	ssyncset.done $0x0  }
0xdb: {  	[sflag:s6] =	ssyncadd.s32 $0xFFFFF800  }
0xdc: {  	_ =	swait.ge [sflag:s6], $0x800  }
0xdd: {  	[sflag:s6] =	ssyncset.done $0x0  }
0xde: {  	[sflag:s6] =	ssyncadd.s32 $0xFFFFF800  }
0xdf: {  	_ =	swait.ge [sflag:s6], $0x800  }
0xe0: {  	[sflag:s6] =	ssyncset.done $0x0  }
0xe1: {  	[sflag:s6] =	ssyncadd.s32 $0xFFFFF800  }
0xe2: {  	_ =	swait.ge [sflag:s6], $0x800  }
0xe3: {  	[sflag:s6] =	ssyncset.done $0x0  }
0xe4: {  	[sflag:s6] =	ssyncadd.s32 $0xFFFFF800  }
0xe5: {  	_ =	swait.ge [sflag:s6], $0x800  }
0xe6: {  	[sflag:s6] =	ssyncset.done $0x0  }
0xe7: {  	[sflag:s6] =	ssyncadd.s32 $0xFFFFF800  }
0xe8: {  	_ =	swait.ge [sflag:s6], $0x800  }
0xe9: {  	[sflag:s6] =	ssyncset.done $0x0  }
0xea: {  	[sflag:s6] =	ssyncadd.s32 $0xFFFFF800  }
0xeb: {  	_ =	swait.ge [sflag:s6], $0x800  }
0xec: {  	[sflag:s6] =	ssyncset.done $0x0  }
0xed: {  	[sflag:s6] =	ssyncadd.s32 $0xFFFFF800  }
0xee: {  	_ =	swait.ge [sflag:s6], $0x800  }
0xef: {  	[sflag:s6] =	ssyncset.done $0x0  }
0xf0: {  	[sflag:s6] =	ssyncadd.s32 $0xFFFFF800  }
0xf1: {  	_ =	swait.ge [sflag:s6], $0x800  }
0xf2: {  	[sflag:s6] =	ssyncset.done $0x0  }
0xf3: {  	[sflag:s6] =	ssyncadd.s32 $0xFFFFF800  }
0xf4: {  	_ =	swait.ge [sflag:s6], $0x800  }
0xf5: {  	[sflag:s6] =	ssyncset.done $0x0  }
0xf6: {  	[sflag:s6] =	ssyncadd.s32 $0xFFFFF800  }
0xf7: {  	_ =	swait.ge [sflag:s6], $0x800  }
0xf8: {  	[sflag:s6] =	ssyncset.done $0x0  }
0xf9: {  	[sflag:s6] =	ssyncadd.s32 $0xFFFFF800  }
0xfa: {  	v17 =	vand.u32 $0x7F, v17;
	_ =	swait.ge [sflag:s6], $0x800  }
0xfb: {  	v16 =	vand.u32 $0x7F, v16;
	v61 =	vor.u32 v0, v17;
	[sflag:s6] =	ssyncset.done $0x0  }
0xfc: {  	v19 =	vor.u32 v0, v16;
	[sflag:s6] =	ssyncadd.s32 $0xFFFFF800  }
0xfd: {  	v20 =	vor.u32 v1, v16;
	_ =	swait.ge [sflag:s6], $0x800  }
0xfe: {  	v21 =	vor.u32 v1, v17;
	[sflag:s6] =	ssyncset.done $0x0  }
0xff: {  	v22 =	vor.u32 v2, v16;
	[sflag:s6] =	ssyncadd.s32 $0xFFFFF800  }
0x100: {  	v23 =	vor.u32 v2, v17;
	v18 =	vld.idx.msk [tilespmem:v61+s12+$0x0], $0xffff  }
0x101: {  	v24 =	vor.u32 v3, v16;
	v19 =	vld.idx.msk [tilespmem:v19+s17+$0x0], $0xffff  }
0x102: {  	v25 =	vor.u32 v3, v17;
	v20 =	vld.idx.msk [tilespmem:v20+s17+$0x0], $0xffff  }
0x103: {  	v26 =	vor.u32 v4, v16;
	v21 =	vld.idx.msk [tilespmem:v21+s12+$0x0], $0xffff  }
0x104: {  	v27 =	vor.u32 v4, v17;
	v22 =	vld.idx.msk [tilespmem:v22+s17+$0x0], $0xffff  }
0x105: {  	v28 =	vor.u32 v5, v16;
	v23 =	vld.idx.msk [tilespmem:v23+s12+$0x0], $0xffff  }
0x106: {  	v29 =	vor.u32 v5, v17;
	v24 =	vld.idx.msk [tilespmem:v24+s17+$0x0], $0xffff;
	v18 =	vmul.f32 v19, v18  }
0x107: {  	v63 =	vor.u32 v6, v16;
	v62 =	vld.idx.msk [tilespmem:v25+s12+$0x0], $0xffff  }
0x108: {  	v30 =	vor.u32 v6, v17;
	v26 =	vld.idx.msk [tilespmem:v26+s17+$0x0], $0xffff;
	v20 =	vmul.f32 v20, v21;
	v18 =	vadd.f32 $0.0e+00, v18  }
0x109: {  	v34 =	vor.u32 v7, v16;
	v33 =	vld.idx.msk [tilespmem:v27+s12+$0x0], $0xffff  }
0x10a: {  	v31 =	vor.u32 v7, v17;
	v28 =	vld.idx.msk [tilespmem:v28+s17+$0x0], $0xffff;
	v35 =	vmul.f32 v22, v23;
	v18 =	vadd.f32 v20, v18  }
0x10b: {  	v38 =	vor.u32 v8, v17;
	v36 =	vld.idx.msk [tilespmem:v29+s12+$0x0], $0xffff  }
0x10c: {  	v37 =	vor.u32 v8, v16;
	v25 =	vld.idx.msk [tilespmem:v63+s17+$0x0], $0xffff;
	v19 =	vmul.f32 v24, v62;
	v18 =	vadd.f32 v35, v18  }
0x10d: {  	v41 =	vor.u32 v9, v17;
	v39 =	vld.idx.msk [tilespmem:v30+s12+$0x0], $0xffff  }
0x10e: {  	v40 =	vor.u32 v9, v16;
	v27 =	vld.idx.msk [tilespmem:v34+s17+$0x0], $0xffff;
	v42 =	vmul.f32 v26, v33;
	v18 =	vadd.f32 v19, v18  }
0x10f: {  	v45 =	vor.u32 v10, v17;
	v43 =	vld.idx.msk [tilespmem:v31+s12+$0x0], $0xffff  }
0x110: {  	v44 =	vor.u32 v10, v16;
	v47 =	vld.idx.msk [tilespmem:v38+s12+$0x0], $0xffff;
	v46 =	vmul.f32 v28, v36;
	v18 =	vadd.f32 v42, v18  }
0x111: {  	v49 =	vor.u32 v11, v17;
	v23 =	vld.idx.msk [tilespmem:v37+s17+$0x0], $0xffff  }
0x112: {  	v48 =	vor.u32 v11, v16;
	v51 =	vld.idx.msk [tilespmem:v41+s12+$0x0], $0xffff;
	v50 =	vmul.f32 v25, v39;
	v18 =	vadd.f32 v46, v18  }
0x113: {  	v53 =	vor.u32 v12, v17;
	v24 =	vld.idx.msk [tilespmem:v40+s17+$0x0], $0xffff  }
0x114: {  	v52 =	vor.u32 v12, v16;
	v55 =	vld.idx.msk [tilespmem:v45+s12+$0x0], $0xffff;
	v54 =	vmul.f32 v27, v43;
	v18 =	vadd.f32 v50, v18  }
0x115: {  	v56 =	vor.u32 v13, v16;
	v26 =	vld.idx.msk [tilespmem:v44+s17+$0x0], $0xffff  }
0x116: {  	v57 =	vor.u32 v13, v17;
	v59 =	vld.idx.msk [tilespmem:v49+s12+$0x0], $0xffff;
	v58 =	vmul.f32 v23, v47;
	v18 =	vadd.f32 v54, v18  }
0x117: {  	v60 =	vor.u32 v14, v16;
	v28 =	vld.idx.msk [tilespmem:v48+s17+$0x0], $0xffff  }
0x118: {  	v61 =	vor.u32 v14, v17;
	v63 =	vld.idx.msk [tilespmem:v53+s12+$0x0], $0xffff;
	v62 =	vmul.f32 v24, v51;
	v18 =	vadd.f32 v58, v18  }
0x119: {  	v16 =	vor.u32 v15, v16;
	v25 =	vld.idx.msk [tilespmem:v52+s17+$0x0], $0xffff  }
0x11a: {  	v30 =	vld.idx.msk [tilespmem:v56+s17+$0x0], $0xffff;
	v17 =	vor.u32 v15, v17;
	v32 =	vmul.f32 v26, v55;
	v18 =	vadd.f32 v62, v18  }
0x11b: {  	v33 =	vld.idx.msk [tilespmem:v57+s12+$0x0], $0xffff  }
0x11c: {  	v23 =	vld.idx.msk [tilespmem:v60+s17+$0x0], $0xffff;
	v34 =	vmul.f32 v28, v59;
	v18 =	vadd.f32 v32, v18  }
0x11d: {  	v35 =	vld.idx.msk [tilespmem:v61+s12+$0x0], $0xffff  }
0x11e: {  	v16 =	vld.idx.msk [tilespmem:v16+s17+$0x0], $0xffff;
	v36 =	vmul.f32 v25, v63;
	v18 =	vadd.f32 v34, v18  }
0x11f: {  	v17 =	vld.idx.msk [tilespmem:v17+s12+$0x0], $0xffff  }
0x120: {  	v37 =	vmul.f32 v30, v33;
	v18 =	vadd.f32 v36, v18;
	_ =	sdelay $0x1  }
0x121: {  	v38 =	vmul.f32 v23, v35;
	v18 =	vadd.f32 v37, v18;
	_ =	sdelay $0x1  }
0x122: {  	v16 =	vmul.f32 v16, v17;
	v18 =	vadd.f32 v38, v18;
	_ =	sdelay $0x1  }
0x123: {  	v16 =	vadd.f32 v16, v18;
	_ =	sdelay $0x1  }
0x124: {  	v16 =	vsub.f32 $0.0e+00, v16;
	_ =	sdelay $0x1  }
0x125: {  	s13 =	smin.u32 s14, $0x1D;
	v16 =	vmul.f32 $1.442695020e+00, v16  }
0x126: {  	s4 =	sshll.u32 s13, $0x4  }
0x127: {  	v17 =	vld [tilespmem:s4+$0x20];
	(erf) = vpow2.f32 v16;
	_ =	sdelay $0x4  }
0x128: {  	v16 =	vand.u32 $0xFFFFFF80, v17  }
0x129: {  	v16 =	vadd.s32 s1, v16  }
0x12a: {  	(v2sf) =	vpush v16, $0x0;
	_ =	sdelay $0x1  }
0x12b: {  	(v2sf) =	vpush v16, $0x1;
	v17 =	vpop (erf)  }
0x12c: {  	v17 =	vadd.f32 $1.000000000e+00, v17  }
0x12d: {  	(v2sf) =	vpush v16, $0x2  }
0x12e: {  	(erf) = vrcp.f32 v17  }
0x12f: {  	(v2sf) =	vpush v16, $0x3;
	_ =	sdelay $0x1  }
0x130: {  	(v2sf) =	vpush v16, $0x4;
	_ =	sdelay $0x1  }
0x131: {  	(v2sf) =	vpush v16, $0x5;
	_ =	sdelay $0x1  }
0x132: {  	(v2sf) =	vpush v16, $0x6;
	_ =	sdelay $0x1  }
0x133: {  	s4 =	simm.s32 $0x18410;
	(v2sf) =	vpush v16, $0x7;
	v17 =	vpop (erf)  }
0x134: {  	s13 =	spop (v2sf);
	[tilespmem:s4+$0xFFFFFFF0] =	vst v17  }
0x135: {  	(v2sf) =	vpush v16, $0x8;
	[tilespmem:s12], [sflag:$0x1] =	stream.strided.gather [hbm4b:s13+s12], $0x800, s11, s12, $0x38;
	[tilespmem:$0x18600] =	vst v63  }
0x136: {  	s13 =	spop (v2sf)  }
0x137: {  	(v2sf) =	vpush v16, $0x9;
	[tilespmem:s15], [sflag:$0x1] =	stream.strided.gather [hbm4b:s13+s12], $0x800, s11, s12, $0x38;
	[tilespmem:$0x18600] =	vst v63  }
0x138: {  	s15 =	spop (v2sf)  }
0x139: {  	(v2sf) =	vpush v16, $0xA;
	[tilespmem:s16], [sflag:$0x1] =	stream.strided.gather [hbm4b:s15+s12], $0x800, s11, s12, $0x38;
	[tilespmem:$0x18600] =	vst v63  }
0x13a: {  	s9 =	simm.s32 $0x1C00;
	s16 =	spop (v2sf)  }
0x13b: {  	(v2sf) =	vpush v16, $0xB;
	[tilespmem:s9], [sflag:$0x1] =	stream.strided.gather [hbm4b:s16+s12], $0x800, s11, s12, $0x38;
	[tilespmem:$0x18600] =	vst v63  }
0x13c: {  	s15 =	spop (v2sf);
	s16 =	simm.s32 $0x2400  }
0x13d: {  	(v2sf) =	vpush v16, $0xC;
	[tilespmem:s16], [sflag:$0x1] =	stream.strided.gather [hbm4b:s15+s12], $0x800, s11, s12, $0x38;
	[tilespmem:$0x18600] =	vst v63  }
0x13e: {  	s15 =	spop (v2sf);
	s16 =	simm.s32 $0x2C00  }
0x13f: {  	(v2sf) =	vpush v16, $0xD;
	[tilespmem:s16], [sflag:$0x1] =	stream.strided.gather [hbm4b:s15+s12], $0x800, s11, s12, $0x38;
	[tilespmem:$0x18600] =	vst v63  }
0x140: {  	s15 =	spop (v2sf);
	s16 =	simm.s32 $0x3400  }
0x141: {  	(v2sf) =	vpush v16, $0xE;
	[tilespmem:s16], [sflag:$0x1] =	stream.strided.gather [hbm4b:s15+s12], $0x800, s11, s12, $0x38;
	[tilespmem:$0x18600] =	vst v63  }
0x142: {  	s15 =	spop (v2sf);
	s16 =	simm.s32 $0x3C00  }
0x143: {  	(v2sf) =	vpush v16, $0xF;
	[tilespmem:s16], [sflag:$0x1] =	stream.strided.gather [hbm4b:s15+s12], $0x800, s11, s12, $0x38;
	[tilespmem:$0x18600] =	vst v63  }
0x144: {  	s15 =	spop (v2sf);
	s16 =	simm.s32 $0x4400  }
0x145: {  	[tilespmem:s16], [sflag:$0x1] =	stream.strided.gather [hbm4b:s15+s12], $0x800, s11, s12, $0x38;
	[tilespmem:$0x18600] =	vst v63  }
0x146: {  	s15 =	spop (v2sf);
	s16 =	simm.s32 $0x4C00  }
0x147: {  	[tilespmem:s16], [sflag:$0x1] =	stream.strided.gather [hbm4b:s15+s12], $0x800, s11, s12, $0x38;
	[tilespmem:$0x18600] =	vst v63  }
0x148: {  	s15 =	spop (v2sf);
	s16 =	simm.s32 $0x5400  }
0x149: {  	[tilespmem:s16], [sflag:$0x1] =	stream.strided.gather [hbm4b:s15+s12], $0x800, s11, s12, $0x38;
	[tilespmem:$0x18600] =	vst v63  }
0x14a: {  	s15 =	spop (v2sf);
	s16 =	simm.s32 $0x5C00  }
0x14b: {  	[tilespmem:s16], [sflag:$0x1] =	stream.strided.gather [hbm4b:s15+s12], $0x800, s11, s12, $0x38;
	[tilespmem:$0x18600] =	vst v63  }
0x14c: {  	s15 =	spop (v2sf);
	s16 =	simm.s32 $0x6400  }
0x14d: {  	[tilespmem:s16], [sflag:$0x1] =	stream.strided.gather [hbm4b:s15+s12], $0x800, s11, s12, $0x38;
	[tilespmem:$0x18600] =	vst v63  }
0x14e: {  	s15 =	spop (v2sf);
	s16 =	simm.s32 $0x6C00  }
0x14f: {  	[tilespmem:s16], [sflag:$0x1] =	stream.strided.gather [hbm4b:s15+s12], $0x800, s11, s12, $0x38;
	[tilespmem:$0x18600] =	vst v63  }
0x150: {  	s15 =	spop (v2sf);
	s16 =	simm.s32 $0x7400  }
0x151: {  	[tilespmem:s16], [sflag:$0x1] =	stream.strided.gather [hbm4b:s15+s12], $0x800, s11, s12, $0x38;
	[tilespmem:$0x18600] =	vst v63  }
0x152: {  	s15 =	spop (v2sf);
	s16 =	simm.s32 $0x7C00  }
0x153: {  	[tilespmem:s16], [sflag:$0x1] =	stream.strided.gather [hbm4b:s15+s12], $0x800, s11, s12, $0x38;
	[tilespmem:$0x18600] =	vst v63  }
0x154: {  	v16 =	vld [tilespmem:s8+$0x0];
	_ =	sdelay $0x4  }
0x155: {  	v17 =	vand.u32 $0xFFFFFF80, v16  }
0x156: {  	v39 =	vadd.s32 s2, v17  }
0x157: {  	(v2sf) =	vpush v39, $0x0;
	_ =	sdelay $0x1  }
0x158: {  	(v2sf) =	vpush v39, $0x1;
	_ =	sdelay $0x1  }
0x159: {  	(v2sf) =	vpush v39, $0x2;
	_ =	sdelay $0x1  }
0x15a: {  	(v2sf) =	vpush v39, $0x3;
	_ =	sdelay $0x1  }
0x15b: {  	(v2sf) =	vpush v39, $0x4;
	_ =	sdelay $0x1  }
0x15c: {  	(v2sf) =	vpush v39, $0x5;
	_ =	sdelay $0x1  }
0x15d: {  	(v2sf) =	vpush v39, $0x6;
	_ =	sdelay $0x1  }
0x15e: {  	(v2sf) =	vpush v39, $0x7  }
0x15f: {  	s15 =	simm.s32 $0x10;
	s16 =	spop (v2sf)  }
0x160: {  	v17 =	vld [tilespmem:s15+$0x0];
	(v2sf) =	vpush v39, $0x8;
	[tilespmem:s17], [sflag:$0x3] =	stream.strided.gather [hbm4b:s16+s12], $0x800, s11, s12, $0x38  }
0x161: {  	s13 =	spop (v2sf)  }
0x162: {  	(v2sf) =	vpush v39, $0x9;
	[tilespmem:s18], [sflag:$0x3] =	stream.strided.gather [hbm4b:s13+s12], $0x800, s11, s12, $0x38;
	[tilespmem:$0x18600] =	vst v63  }
0x163: {  	s15 =	spop (v2sf)  }
0x164: {  	(v2sf) =	vpush v39, $0xA;
	[tilespmem:s19], [sflag:$0x3] =	stream.strided.gather [hbm4b:s15+s12], $0x800, s11, s12, $0x38;
	[tilespmem:$0x18600] =	vst v63  }
0x165: {  	s16 =	spop (v2sf)  }
0x166: {  	(v2sf) =	vpush v39, $0xB;
	[tilespmem:s20], [sflag:$0x3] =	stream.strided.gather [hbm4b:s16+s12], $0x800, s11, s12, $0x38;
	[tilespmem:$0x18600] =	vst v63  }
0x167: {  	s13 =	spop (v2sf)  }
0x168: {  	(v2sf) =	vpush v39, $0xC;
	[tilespmem:s21], [sflag:$0x3] =	stream.strided.gather [hbm4b:s13+s12], $0x800, s11, s12, $0x38;
	[tilespmem:$0x18600] =	vst v63  }
0x169: {  	s15 =	spop (v2sf)  }
0x16a: {  	(v2sf) =	vpush v39, $0xD;
	[tilespmem:s22], [sflag:$0x3] =	stream.strided.gather [hbm4b:s15+s12], $0x800, s11, s12, $0x38;
	[tilespmem:$0x18600] =	vst v63  }
0x16b: {  	s16 =	spop (v2sf)  }
0x16c: {  	(v2sf) =	vpush v39, $0xE;
	[tilespmem:s23], [sflag:$0x3] =	stream.strided.gather [hbm4b:s16+s12], $0x800, s11, s12, $0x38;
	[tilespmem:$0x18600] =	vst v63  }
0x16d: {  	s13 =	spop (v2sf)  }
0x16e: {  	(v2sf) =	vpush v39, $0xF;
	[tilespmem:s24], [sflag:$0x3] =	stream.strided.gather [hbm4b:s13+s12], $0x800, s11, s12, $0x38;
	[tilespmem:$0x18600] =	vst v63  }
0x16f: {  	s15 =	spop (v2sf)  }
0x170: {  	[tilespmem:s25], [sflag:$0x3] =	stream.strided.gather [hbm4b:s15+s12], $0x800, s11, s12, $0x38;
	[tilespmem:$0x18600] =	vst v63  }
0x171: {  	s16 =	spop (v2sf)  }
0x172: {  	[tilespmem:s26], [sflag:$0x3] =	stream.strided.gather [hbm4b:s16+s12], $0x800, s11, s12, $0x38;
	[tilespmem:$0x18600] =	vst v63  }
0x173: {  	s13 =	spop (v2sf)  }
0x174: {  	[tilespmem:s28], [sflag:$0x3] =	stream.strided.gather [hbm4b:s13+s12], $0x800, s11, s12, $0x38;
	[tilespmem:$0x18600] =	vst v63  }
0x175: {  	s15 =	spop (v2sf)  }
0x176: {  	[tilespmem:s30], [sflag:$0x3] =	stream.strided.gather [hbm4b:s15+s12], $0x800, s11, s12, $0x38;
	[tilespmem:$0x18600] =	vst v63  }
0x177: {  	s16 =	spop (v2sf)  }
0x178: {  	[tilespmem:s31], [sflag:$0x3] =	stream.strided.gather [hbm4b:s16+s12], $0x800, s11, s12, $0x38;
	[tilespmem:$0x18600] =	vst v63  }
0x179: {  	s13 =	spop (v2sf)  }
0x17a: {  	[tilespmem:s0], [sflag:$0x3] =	stream.strided.gather [hbm4b:s13+s12], $0x800, s11, s12, $0x38;
	[tilespmem:$0x18600] =	vst v63  }
0x17b: {  	s15 =	spop (v2sf)  }
0x17c: {  	[tilespmem:s3], [sflag:$0x3] =	stream.strided.gather [hbm4b:s15+s12], $0x800, s11, s12, $0x38;
	[tilespmem:$0x18600] =	vst v63  }
0x17d: {  	s16 =	spop (v2sf)  }
0x17e: {  	[tilespmem:s10], [sflag:$0x3] =	stream.strided.gather [hbm4b:s16+s12], $0x800, s11, s12, $0x38;
	[tilespmem:$0x18600] =	vst v63  }
0x17f: {  	_ =	swait.ge [sflag:s7], $0x800  }
0x180: {  	[sflag:s7] =	ssyncset.done $0x0  }
0x181: {  	[sflag:s7] =	ssyncadd.s32 $0xFFFFF800  }
0x182: {  	_ =	swait.ge [sflag:s7], $0x800  }
0x183: {  	[sflag:s7] =	ssyncset.done $0x0  }
0x184: {  	[sflag:s7] =	ssyncadd.s32 $0xFFFFF800  }
0x185: {  	_ =	swait.ge [sflag:s7], $0x800  }
0x186: {  	[sflag:s7] =	ssyncset.done $0x0  }
0x187: {  	[sflag:s7] =	ssyncadd.s32 $0xFFFFF800  }
0x188: {  	_ =	swait.ge [sflag:s7], $0x800  }
0x189: {  	[sflag:s7] =	ssyncset.done $0x0  }
0x18a: {  	[sflag:s7] =	ssyncadd.s32 $0xFFFFF800  }
0x18b: {  	_ =	swait.ge [sflag:s7], $0x800  }
0x18c: {  	[sflag:s7] =	ssyncset.done $0x0  }
0x18d: {  	[sflag:s7] =	ssyncadd.s32 $0xFFFFF800  }
0x18e: {  	_ =	swait.ge [sflag:s7], $0x800  }
0x18f: {  	[sflag:s7] =	ssyncset.done $0x0  }
0x190: {  	[sflag:s7] =	ssyncadd.s32 $0xFFFFF800  }
0x191: {  	_ =	swait.ge [sflag:s7], $0x800  }
0x192: {  	[sflag:s7] =	ssyncset.done $0x0  }
0x193: {  	[sflag:s7] =	ssyncadd.s32 $0xFFFFF800  }
0x194: {  	_ =	swait.ge [sflag:s7], $0x800  }
0x195: {  	[sflag:s7] =	ssyncset.done $0x0  }
0x196: {  	[sflag:s7] =	ssyncadd.s32 $0xFFFFF800  }
0x197: {  	_ =	swait.ge [sflag:s7], $0x800  }
0x198: {  	[sflag:s7] =	ssyncset.done $0x0  }
0x199: {  	[sflag:s7] =	ssyncadd.s32 $0xFFFFF800  }
0x19a: {  	_ =	swait.ge [sflag:s7], $0x800  }
0x19b: {  	[sflag:s7] =	ssyncset.done $0x0  }
0x19c: {  	[sflag:s7] =	ssyncadd.s32 $0xFFFFF800  }
0x19d: {  	_ =	swait.ge [sflag:s7], $0x800  }
0x19e: {  	[sflag:s7] =	ssyncset.done $0x0  }
0x19f: {  	[sflag:s7] =	ssyncadd.s32 $0xFFFFF800  }
0x1a0: {  	_ =	swait.ge [sflag:s7], $0x800  }
0x1a1: {  	[sflag:s7] =	ssyncset.done $0x0  }
0x1a2: {  	[sflag:s7] =	ssyncadd.s32 $0xFFFFF800  }
0x1a3: {  	_ =	swait.ge [sflag:s7], $0x800  }
0x1a4: {  	[sflag:s7] =	ssyncset.done $0x0  }
0x1a5: {  	[sflag:s7] =	ssyncadd.s32 $0xFFFFF800  }
0x1a6: {  	_ =	swait.ge [sflag:s7], $0x800  }
0x1a7: {  	[sflag:s7] =	ssyncset.done $0x0  }
0x1a8: {  	[sflag:s7] =	ssyncadd.s32 $0xFFFFF800  }
0x1a9: {  	_ =	swait.ge [sflag:s7], $0x800  }
0x1aa: {  	[sflag:s7] =	ssyncset.done $0x0  }
0x1ab: {  	[sflag:s7] =	ssyncadd.s32 $0xFFFFF800  }
0x1ac: {  	_ =	swait.ge [sflag:s7], $0x800  }
0x1ad: {  	[sflag:s7] =	ssyncset.done $0x0  }
0x1ae: {  	[sflag:s7] =	ssyncadd.s32 $0xFFFFF800  }
0x1af: {  	_ =	swait.ge [sflag:s6], $0x800  }
0x1b0: {  	[sflag:s6] =	ssyncset.done $0x0  }
0x1b1: {  	[sflag:s6] =	ssyncadd.s32 $0xFFFFF800  }
0x1b2: {  	_ =	swait.ge [sflag:s6], $0x800  }
0x1b3: {  	[sflag:s6] =	ssyncset.done $0x0  }
0x1b4: {  	[sflag:s6] =	ssyncadd.s32 $0xFFFFF800  }
0x1b5: {  	_ =	swait.ge [sflag:s6], $0x800  }
0x1b6: {  	[sflag:s6] =	ssyncset.done $0x0  }
0x1b7: {  	[sflag:s6] =	ssyncadd.s32 $0xFFFFF800  }
0x1b8: {  	_ =	swait.ge [sflag:s6], $0x800  }
0x1b9: {  	[sflag:s6] =	ssyncset.done $0x0  }
0x1ba: {  	[sflag:s6] =	ssyncadd.s32 $0xFFFFF800  }
0x1bb: {  	_ =	swait.ge [sflag:s6], $0x800  }
0x1bc: {  	[sflag:s6] =	ssyncset.done $0x0  }
0x1bd: {  	[sflag:s6] =	ssyncadd.s32 $0xFFFFF800  }
0x1be: {  	_ =	swait.ge [sflag:s6], $0x800  }
0x1bf: {  	[sflag:s6] =	ssyncset.done $0x0  }
0x1c0: {  	[sflag:s6] =	ssyncadd.s32 $0xFFFFF800  }
0x1c1: {  	_ =	swait.ge [sflag:s6], $0x800  }
0x1c2: {  	[sflag:s6] =	ssyncset.done $0x0  }
0x1c3: {  	[sflag:s6] =	ssyncadd.s32 $0xFFFFF800  }
0x1c4: {  	_ =	swait.ge [sflag:s6], $0x800  }
0x1c5: {  	[sflag:s6] =	ssyncset.done $0x0  }
0x1c6: {  	[sflag:s6] =	ssyncadd.s32 $0xFFFFF800  }
0x1c7: {  	_ =	swait.ge [sflag:s6], $0x800  }
0x1c8: {  	[sflag:s6] =	ssyncset.done $0x0  }
0x1c9: {  	[sflag:s6] =	ssyncadd.s32 $0xFFFFF800  }
0x1ca: {  	_ =	swait.ge [sflag:s6], $0x800  }
0x1cb: {  	[sflag:s6] =	ssyncset.done $0x0  }
0x1cc: {  	[sflag:s6] =	ssyncadd.s32 $0xFFFFF800  }
0x1cd: {  	_ =	swait.ge [sflag:s6], $0x800  }
0x1ce: {  	[sflag:s6] =	ssyncset.done $0x0  }
0x1cf: {  	[sflag:s6] =	ssyncadd.s32 $0xFFFFF800  }
0x1d0: {  	_ =	swait.ge [sflag:s6], $0x800  }
0x1d1: {  	[sflag:s6] =	ssyncset.done $0x0  }
0x1d2: {  	[sflag:s6] =	ssyncadd.s32 $0xFFFFF800  }
0x1d3: {  	_ =	swait.ge [sflag:s6], $0x800  }
0x1d4: {  	[sflag:s6] =	ssyncset.done $0x0  }
0x1d5: {  	[sflag:s6] =	ssyncadd.s32 $0xFFFFF800  }
0x1d6: {  	_ =	swait.ge [sflag:s6], $0x800  }
0x1d7: {  	[sflag:s6] =	ssyncset.done $0x0  }
0x1d8: {  	[sflag:s6] =	ssyncadd.s32 $0xFFFFF800  }
0x1d9: {  	v17 =	vand.u32 $0x7F, v17;
	_ =	swait.ge [sflag:s6], $0x800  }
0x1da: {  	v16 =	vand.u32 $0x7F, v16;
	v40 =	vor.u32 v0, v17;
	[sflag:s6] =	ssyncset.done $0x0  }
0x1db: {  	v41 =	vor.u32 v0, v16;
	[sflag:s6] =	ssyncadd.s32 $0xFFFFF800  }
0x1dc: {  	v42 =	vor.u32 v1, v16;
	_ =	swait.ge [sflag:s6], $0x800  }
0x1dd: {  	v43 =	vor.u32 v1, v17;
	[sflag:s6] =	ssyncset.done $0x0  }
0x1de: {  	v44 =	vor.u32 v2, v16;
	[sflag:s6] =	ssyncadd.s32 $0xFFFFF800  }
0x1df: {  	v45 =	vor.u32 v2, v17;
	v18 =	vld.idx.msk [tilespmem:v40+s29+$0x0], $0xffff  }
0x1e0: {  	v46 =	vor.u32 v3, v16;
	v19 =	vld.idx.msk [tilespmem:v41+s17+$0x0], $0xffff  }
0x1e1: {  	v47 =	vor.u32 v3, v17;
	v20 =	vld.idx.msk [tilespmem:v42+s17+$0x0], $0xffff  }
0x1e2: {  	v48 =	vor.u32 v4, v16;
	v21 =	vld.idx.msk [tilespmem:v43+s29+$0x0], $0xffff  }
0x1e3: {  	v49 =	vor.u32 v4, v17;
	v22 =	vld.idx.msk [tilespmem:v44+s17+$0x0], $0xffff  }
0x1e4: {  	v50 =	vor.u32 v5, v16;
	v23 =	vld.idx.msk [tilespmem:v45+s29+$0x0], $0xffff  }
0x1e5: {  	v51 =	vor.u32 v5, v17;
	v24 =	vld.idx.msk [tilespmem:v46+s17+$0x0], $0xffff;
	v18 =	vmul.f32 v19, v18  }
0x1e6: {  	v53 =	vor.u32 v6, v16;
	v52 =	vld.idx.msk [tilespmem:v47+s29+$0x0], $0xffff  }
0x1e7: {  	v54 =	vor.u32 v6, v17;
	v26 =	vld.idx.msk [tilespmem:v48+s17+$0x0], $0xffff;
	v20 =	vmul.f32 v20, v21;
	v18 =	vadd.f32 $0.0e+00, v18  }
0x1e8: {  	v56 =	vor.u32 v7, v16;
	v55 =	vld.idx.msk [tilespmem:v49+s29+$0x0], $0xffff  }
0x1e9: {  	v57 =	vor.u32 v7, v17;
	v28 =	vld.idx.msk [tilespmem:v50+s17+$0x0], $0xffff;
	v58 =	vmul.f32 v22, v23;
	v18 =	vadd.f32 v20, v18  }
0x1ea: {  	v61 =	vor.u32 v8, v17;
	v59 =	vld.idx.msk [tilespmem:v51+s29+$0x0], $0xffff  }
0x1eb: {  	v60 =	vor.u32 v8, v16;
	v25 =	vld.idx.msk [tilespmem:v53+s17+$0x0], $0xffff;
	v19 =	vmul.f32 v24, v52;
	v18 =	vadd.f32 v58, v18  }
0x1ec: {  	v33 =	vor.u32 v9, v17;
	v62 =	vld.idx.msk [tilespmem:v54+s29+$0x0], $0xffff  }
0x1ed: {  	v63 =	vor.u32 v9, v16;
	v27 =	vld.idx.msk [tilespmem:v56+s17+$0x0], $0xffff;
	v34 =	vmul.f32 v26, v55;
	v18 =	vadd.f32 v19, v18  }
0x1ee: {  	v37 =	vor.u32 v10, v17;
	v35 =	vld.idx.msk [tilespmem:v57+s29+$0x0], $0xffff  }
0x1ef: {  	v36 =	vor.u32 v10, v16;
	v39 =	vld.idx.msk [tilespmem:v61+s29+$0x0], $0xffff;
	v38 =	vmul.f32 v28, v59;
	v18 =	vadd.f32 v34, v18  }
0x1f0: {  	v40 =	vor.u32 v11, v16;
	v23 =	vld.idx.msk [tilespmem:v60+s17+$0x0], $0xffff  }
0x1f1: {  	v41 =	vor.u32 v11, v17;
	v43 =	vld.idx.msk [tilespmem:v33+s29+$0x0], $0xffff;
	v42 =	vmul.f32 v25, v62;
	v18 =	vadd.f32 v38, v18  }
0x1f2: {  	v44 =	vor.u32 v12, v16;
	v24 =	vld.idx.msk [tilespmem:v63+s17+$0x0], $0xffff  }
0x1f3: {  	v45 =	vor.u32 v12, v17;
	v47 =	vld.idx.msk [tilespmem:v37+s29+$0x0], $0xffff;
	v46 =	vmul.f32 v27, v35;
	v18 =	vadd.f32 v42, v18  }
0x1f4: {  	v48 =	vor.u32 v13, v16;
	v26 =	vld.idx.msk [tilespmem:v36+s17+$0x0], $0xffff  }
0x1f5: {  	v49 =	vor.u32 v13, v17;
	v28 =	vld.idx.msk [tilespmem:v40+s17+$0x0], $0xffff;
	v50 =	vmul.f32 v23, v39;
	v18 =	vadd.f32 v46, v18  }
0x1f6: {  	v53 =	vor.u32 v14, v17;
	v51 =	vld.idx.msk [tilespmem:v41+s29+$0x0], $0xffff  }
0x1f7: {  	v52 =	vor.u32 v14, v16;
	v25 =	vld.idx.msk [tilespmem:v44+s17+$0x0], $0xffff;
	v54 =	vmul.f32 v24, v43;
	v18 =	vadd.f32 v50, v18  }
0x1f8: {  	v17 =	vor.u32 v15, v17;
	v55 =	vld.idx.msk [tilespmem:v45+s29+$0x0], $0xffff  }
0x1f9: {  	v16 =	vor.u32 v15, v16;
	v56 =	vld.idx.msk [tilespmem:v48+s17+$0x0], $0xffff;
	v57 =	vmul.f32 v26, v47;
	v18 =	vadd.f32 v54, v18  }
0x1fa: {  	v58 =	vld.idx.msk [tilespmem:v49+s29+$0x0], $0xffff  }
0x1fb: {  	v60 =	vld.idx.msk [tilespmem:v53+s29+$0x0], $0xffff;
	v59 =	vmul.f32 v28, v51;
	v18 =	vadd.f32 v57, v18  }
0x1fc: {  	v23 =	vld.idx.msk [tilespmem:v52+s17+$0x0], $0xffff  }
0x1fd: {  	v17 =	vld.idx.msk [tilespmem:v17+s29+$0x0], $0xffff;
	v61 =	vmul.f32 v25, v55;
	v18 =	vadd.f32 v59, v18  }
0x1fe: {  	v16 =	vld.idx.msk [tilespmem:v16+s17+$0x0], $0xffff  }
0x1ff: {  	v62 =	vmul.f32 v56, v58;
	v18 =	vadd.f32 v61, v18;
	_ =	sdelay $0x1  }
0x200: {  	v63 =	vmul.f32 v23, v60;
	v18 =	vadd.f32 v62, v18;
	_ =	sdelay $0x1  }
0x201: {  	v16 =	vmul.f32 v16, v17;
	v18 =	vadd.f32 v63, v18;
	_ =	sdelay $0x1  }
0x202: {  	v16 =	vadd.f32 v16, v18;
	_ =	sdelay $0x1  }
0x203: {  	v16 =	vsub.f32 $0.0e+00, v16  }
0x204: {  	s13 =	smin.u32 s14, $0x1C  }
0x205: {  	s9 =	sshll.u32 s13, $0x4;
	v16 =	vmul.f32 $1.442695020e+00, v16  }
0x206: {  	v17 =	vld [tilespmem:s9+$0x30]  }
0x207: {  	(erf) = vpow2.f32 v16;
	_ =	sdelay $0x3  }
0x208: {  	v16 =	vand.u32 $0xFFFFFF80, v17  }
0x209: {  	v16 =	vadd.s32 s1, v16  }
0x20a: {  	(v2sf) =	vpush v16, $0x0  }
0x20b: {  	(v2sf) =	vpush v16, $0x1;
	_ =	sdelay $0x1  }
0x20c: {  	(v2sf) =	vpush v16, $0x2;
	v17 =	vpop (erf)  }
0x20d: {  	v17 =	vadd.f32 $1.000000000e+00, v17  }
0x20e: {  	(v2sf) =	vpush v16, $0x3  }
0x20f: {  	(erf) = vrcp.f32 v17  }
0x210: {  	(v2sf) =	vpush v16, $0x4;
	_ =	sdelay $0x1  }
0x211: {  	(v2sf) =	vpush v16, $0x5;
	_ =	sdelay $0x1  }
0x212: {  	(v2sf) =	vpush v16, $0x6;
	_ =	sdelay $0x1  }
0x213: {  	(v2sf) =	vpush v16, $0x7;
	_ =	sdelay $0x1  }
0x214: {  	s14 =	spop (v2sf);
	(v2sf) =	vpush v16, $0x8;
	v17 =	vpop (erf)  }
0x215: {  	s15 =	spop (v2sf);
	[tilespmem:s4+$0x0] =	vst v17  }
0x216: {  	(v2sf) =	vpush v16, $0x9;
	[tilespmem:s29], [sflag:$0x2] =	stream.strided.gather [hbm4b:s14+s12], $0x800, s11, s12, $0x38;
	[tilespmem:$0x18600] =	vst v63  }
0x217: {  	s16 =	simm.s32 $0x8C00;
	s13 =	spop (v2sf)  }
0x218: {  	[tilespmem:s16], [sflag:$0x2] =	stream.strided.gather [hbm4b:s15+s12], $0x800, s11, s12, $0x38;
	[tilespmem:$0x18600] =	vst v63  }
0x219: {  	s14 =	simm.s32 $0x9400;
	s15 =	spop (v2sf)  }
0x21a: {  	[tilespmem:s14], [sflag:$0x2] =	stream.strided.gather [hbm4b:s13+s12], $0x800, s11, s12, $0x38;
	[tilespmem:$0x18600] =	vst v63  }
0x21b: {  	s16 =	simm.s32 $0x9C00;
	s13 =	spop (v2sf)  }
0x21c: {  	[tilespmem:s16], [sflag:$0x2] =	stream.strided.gather [hbm4b:s15+s12], $0x800, s11, s12, $0x38;
	[tilespmem:$0x18600] =	vst v63  }
0x21d: {  	(v2sf) =	vpush v16, $0xA;
	s14 =	simm.s32 $0xA400;
	s15 =	spop (v2sf)  }
0x21e: {  	[tilespmem:s14], [sflag:$0x2] =	stream.strided.gather [hbm4b:s13+s12], $0x800, s11, s12, $0x38;
	[tilespmem:$0x18600] =	vst v63  }
0x21f: {  	(v2sf) =	vpush v16, $0xB;
	s16 =	simm.s32 $0xAC00;
	s13 =	spop (v2sf)  }
0x220: {  	[tilespmem:s16], [sflag:$0x2] =	stream.strided.gather [hbm4b:s15+s12], $0x800, s11, s12, $0x38;
	[tilespmem:$0x18600] =	vst v63  }
0x221: {  	(v2sf) =	vpush v16, $0xC;
	s14 =	simm.s32 $0xB400;
	s15 =	spop (v2sf)  }
0x222: {  	[tilespmem:s14], [sflag:$0x2] =	stream.strided.gather [hbm4b:s13+s12], $0x800, s11, s12, $0x38;
	[tilespmem:$0x18600] =	vst v63  }
0x223: {  	(v2sf) =	vpush v16, $0xD;
	s16 =	simm.s32 $0xBC00;
	s13 =	spop (v2sf)  }
0x224: {  	[tilespmem:s16], [sflag:$0x2] =	stream.strided.gather [hbm4b:s15+s12], $0x800, s11, s12, $0x38;
	[tilespmem:$0x18600] =	vst v63  }
0x225: {  	s15 =	spop (v2sf);
	(v2sf) =	vpush v16, $0xE;
	_ =	sdelay $0x2  }
0x226: {  	s14 =	simm.s32 $0xC400;
	(v2sf) =	vpush v16, $0xF  }
0x227: {  	[tilespmem:s14], [sflag:$0x2] =	stream.strided.gather [hbm4b:s13+s12], $0x800, s11, s12, $0x38;
	[tilespmem:$0x18600] =	vst v63  }
0x228: {  	s16 =	simm.s32 $0xCC00  }
0x229: {  	[tilespmem:s16], [sflag:$0x2] =	stream.strided.gather [hbm4b:s15+s12], $0x800, s11, s12, $0x38;
	[tilespmem:$0x18600] =	vst v63  }
0x22a: {  	s13 =	spop (v2sf);
	s14 =	simm.s32 $0xD400  }
0x22b: {  	[tilespmem:s14], [sflag:$0x2] =	stream.strided.gather [hbm4b:s13+s12], $0x800, s11, s12, $0x38;
	[tilespmem:$0x18600] =	vst v63  }
0x22c: {  	s15 =	spop (v2sf);
	s16 =	simm.s32 $0xDC00  }
0x22d: {  	[tilespmem:s16], [sflag:$0x2] =	stream.strided.gather [hbm4b:s15+s12], $0x800, s11, s12, $0x38;
	[tilespmem:$0x18600] =	vst v63  }
0x22e: {  	s9 =	simm.s32 $0x2;
	s13 =	spop (v2sf);
	s14 =	simm.s32 $0xE400  }
0x22f: {  	[tilespmem:s14], [sflag:$0x2] =	stream.strided.gather [hbm4b:s13+s12], $0x800, s11, s12, $0x38;
	[tilespmem:$0x18600] =	vst v63  }
0x230: {  	s15 =	spop (v2sf);
	s16 =	simm.s32 $0xEC00;
	s13 =	simm.s32 $0x30  }
0x231: {  	[tilespmem:s16], [sflag:$0x2] =	stream.strided.gather [hbm4b:s15+s12], $0x800, s11, s12, $0x38;
	[tilespmem:$0x18600] =	vst v63  }
.LBB2_2:
0x232: {  	s4 =	sadd.s32 $0x20, s4;
	s8 =	sadd.s32 $0x20, s8;
	s15 =	spop (v2sf)  }
0x233: {  	s14 =	smov.u32 s9;
	s16 =	simm.s32 $0xF400;
	p0 =	sne.s32 s9, $0x1E  }
0x234: {  	[tilespmem:s16], [sflag:$0x2] =	stream.strided.gather [hbm4b:s15+s12], $0x800, s11, s12, $0x38;
	[tilespmem:$0x18600] =	vst v63  }
0x235: {  	s9 =	sadd.s32 $0x2, s9;
	s16 =	simm.s32 $0xFC00;
	s15 =	spop (v2sf)  }
0x236: {  	[tilespmem:s16], [sflag:$0x2] =	stream.strided.gather [hbm4b:s15+s12], $0x800, s11, s12, $0x38;
	[tilespmem:$0x18600] =	vst v63  }
0x237: {  	v16 =	vld [tilespmem:s8+$0xFFFFFFF0];
	_ =	sdelay $0x4  }
0x238: {  	v17 =	vand.u32 $0xFFFFFF80, v16;
	v16 =	vand.u32 $0x7F, v16  }
0x239: {  	v18 =	vadd.s32 s2, v17  }
0x23a: {  	(v2sf) =	vpush v18, $0x0;
	_ =	sdelay $0x1  }
0x23b: {  	(v2sf) =	vpush v18, $0x1;
	_ =	sdelay $0x1  }
0x23c: {  	(v2sf) =	vpush v18, $0x2;
	_ =	sdelay $0x1  }
0x23d: {  	(v2sf) =	vpush v18, $0x3;
	_ =	sdelay $0x1  }
0x23e: {  	(v2sf) =	vpush v18, $0x4;
	_ =	sdelay $0x1  }
0x23f: {  	(v2sf) =	vpush v18, $0x5;
	_ =	sdelay $0x1  }
0x240: {  	(v2sf) =	vpush v18, $0x6;
	_ =	sdelay $0x1  }
0x241: {  	(v2sf) =	vpush v18, $0x7  }
0x242: {  	v17 =	vld [tilespmem:s13+$0xFFFFFFF0];
	s15 =	spop (v2sf)  }
0x243: {  	[tilespmem:s17], [sflag:$0x3] =	stream.strided.gather [hbm4b:s15+s12], $0x800, s11, s12, $0x38;
	(v2sf) =	vpush v18, $0x8;
	[tilespmem:$0x18600] =	vst v63  }
0x244: {  	s15 =	spop (v2sf)  }
0x245: {  	[tilespmem:s18], [sflag:$0x3] =	stream.strided.gather [hbm4b:s15+s12], $0x800, s11, s12, $0x38;
	(v2sf) =	vpush v18, $0x9;
	[tilespmem:$0x18600] =	vst v63  }
0x246: {  	s15 =	spop (v2sf)  }
0x247: {  	v17 =	vand.u32 $0x7F, v17;
	[tilespmem:s19], [sflag:$0x3] =	stream.strided.gather [hbm4b:s15+s12], $0x800, s11, s12, $0x38;
	(v2sf) =	vpush v18, $0xA;
	[tilespmem:$0x18600] =	vst v63  }
0x248: {  	s15 =	spop (v2sf)  }
0x249: {  	[tilespmem:s20], [sflag:$0x3] =	stream.strided.gather [hbm4b:s15+s12], $0x800, s11, s12, $0x38;
	(v2sf) =	vpush v18, $0xB;
	[tilespmem:$0x18600] =	vst v63  }
0x24a: {  	s15 =	spop (v2sf)  }
0x24b: {  	[tilespmem:s21], [sflag:$0x3] =	stream.strided.gather [hbm4b:s15+s12], $0x800, s11, s12, $0x38;
	(v2sf) =	vpush v18, $0xC;
	[tilespmem:$0x18600] =	vst v63  }
0x24c: {  	s15 =	spop (v2sf)  }
0x24d: {  	[tilespmem:s22], [sflag:$0x3] =	stream.strided.gather [hbm4b:s15+s12], $0x800, s11, s12, $0x38;
	(v2sf) =	vpush v18, $0xD;
	[tilespmem:$0x18600] =	vst v63  }
0x24e: {  	s15 =	spop (v2sf)  }
0x24f: {  	[tilespmem:s23], [sflag:$0x3] =	stream.strided.gather [hbm4b:s15+s12], $0x800, s11, s12, $0x38;
	(v2sf) =	vpush v18, $0xE;
	[tilespmem:$0x18600] =	vst v63  }
0x250: {  	s15 =	spop (v2sf)  }
0x251: {  	[tilespmem:s24], [sflag:$0x3] =	stream.strided.gather [hbm4b:s15+s12], $0x800, s11, s12, $0x38;
	(v2sf) =	vpush v18, $0xF;
	[tilespmem:$0x18600] =	vst v63  }
0x252: {  	s15 =	spop (v2sf)  }
0x253: {  	[tilespmem:s25], [sflag:$0x3] =	stream.strided.gather [hbm4b:s15+s12], $0x800, s11, s12, $0x38;
	[tilespmem:$0x18600] =	vst v63  }
0x254: {  	s15 =	spop (v2sf)  }
0x255: {  	[tilespmem:s26], [sflag:$0x3] =	stream.strided.gather [hbm4b:s15+s12], $0x800, s11, s12, $0x38;
	[tilespmem:$0x18600] =	vst v63  }
0x256: {  	s15 =	spop (v2sf)  }
0x257: {  	[tilespmem:s28], [sflag:$0x3] =	stream.strided.gather [hbm4b:s15+s12], $0x800, s11, s12, $0x38;
	[tilespmem:$0x18600] =	vst v63  }
0x258: {  	s15 =	spop (v2sf)  }
0x259: {  	[tilespmem:s30], [sflag:$0x3] =	stream.strided.gather [hbm4b:s15+s12], $0x800, s11, s12, $0x38;
	[tilespmem:$0x18600] =	vst v63  }
0x25a: {  	s15 =	spop (v2sf)  }
0x25b: {  	[tilespmem:s31], [sflag:$0x3] =	stream.strided.gather [hbm4b:s15+s12], $0x800, s11, s12, $0x38;
	[tilespmem:$0x18600] =	vst v63  }
0x25c: {  	s15 =	spop (v2sf)  }
0x25d: {  	[tilespmem:s0], [sflag:$0x3] =	stream.strided.gather [hbm4b:s15+s12], $0x800, s11, s12, $0x38;
	[tilespmem:$0x18600] =	vst v63  }
0x25e: {  	s15 =	spop (v2sf)  }
0x25f: {  	[tilespmem:s3], [sflag:$0x3] =	stream.strided.gather [hbm4b:s15+s12], $0x800, s11, s12, $0x38;
	[tilespmem:$0x18600] =	vst v63  }
0x260: {  	s15 =	spop (v2sf)  }
0x261: {  	[tilespmem:s10], [sflag:$0x3] =	stream.strided.gather [hbm4b:s15+s12], $0x800, s11, s12, $0x38;
	[tilespmem:$0x18600] =	vst v63  }
0x262: {  	_ =	swait.ge [sflag:s5], $0x800  }
0x263: {  	[sflag:s5] =	ssyncset.done $0x0  }
0x264: {  	[sflag:s5] =	ssyncadd.s32 $0xFFFFF800  }
0x265: {  	_ =	swait.ge [sflag:s5], $0x800  }
0x266: {  	[sflag:s5] =	ssyncset.done $0x0  }
0x267: {  	[sflag:s5] =	ssyncadd.s32 $0xFFFFF800  }
0x268: {  	_ =	swait.ge [sflag:s5], $0x800  }
0x269: {  	[sflag:s5] =	ssyncset.done $0x0  }
0x26a: {  	[sflag:s5] =	ssyncadd.s32 $0xFFFFF800  }
0x26b: {  	_ =	swait.ge [sflag:s5], $0x800  }
0x26c: {  	[sflag:s5] =	ssyncset.done $0x0  }
0x26d: {  	[sflag:s5] =	ssyncadd.s32 $0xFFFFF800  }
0x26e: {  	_ =	swait.ge [sflag:s5], $0x800  }
0x26f: {  	[sflag:s5] =	ssyncset.done $0x0  }
0x270: {  	[sflag:s5] =	ssyncadd.s32 $0xFFFFF800  }
0x271: {  	_ =	swait.ge [sflag:s5], $0x800  }
0x272: {  	[sflag:s5] =	ssyncset.done $0x0  }
0x273: {  	[sflag:s5] =	ssyncadd.s32 $0xFFFFF800  }
0x274: {  	_ =	swait.ge [sflag:s5], $0x800  }
0x275: {  	[sflag:s5] =	ssyncset.done $0x0  }
0x276: {  	[sflag:s5] =	ssyncadd.s32 $0xFFFFF800  }
0x277: {  	_ =	swait.ge [sflag:s5], $0x800  }
0x278: {  	[sflag:s5] =	ssyncset.done $0x0  }
0x279: {  	[sflag:s5] =	ssyncadd.s32 $0xFFFFF800  }
0x27a: {  	_ =	swait.ge [sflag:s5], $0x800  }
0x27b: {  	[sflag:s5] =	ssyncset.done $0x0  }
0x27c: {  	[sflag:s5] =	ssyncadd.s32 $0xFFFFF800  }
0x27d: {  	_ =	swait.ge [sflag:s5], $0x800  }
0x27e: {  	[sflag:s5] =	ssyncset.done $0x0  }
0x27f: {  	[sflag:s5] =	ssyncadd.s32 $0xFFFFF800  }
0x280: {  	_ =	swait.ge [sflag:s5], $0x800  }
0x281: {  	[sflag:s5] =	ssyncset.done $0x0  }
0x282: {  	[sflag:s5] =	ssyncadd.s32 $0xFFFFF800  }
0x283: {  	_ =	swait.ge [sflag:s5], $0x800  }
0x284: {  	[sflag:s5] =	ssyncset.done $0x0  }
0x285: {  	[sflag:s5] =	ssyncadd.s32 $0xFFFFF800  }
0x286: {  	_ =	swait.ge [sflag:s5], $0x800  }
0x287: {  	[sflag:s5] =	ssyncset.done $0x0  }
0x288: {  	[sflag:s5] =	ssyncadd.s32 $0xFFFFF800  }
0x289: {  	_ =	swait.ge [sflag:s5], $0x800  }
0x28a: {  	[sflag:s5] =	ssyncset.done $0x0  }
0x28b: {  	[sflag:s5] =	ssyncadd.s32 $0xFFFFF800  }
0x28c: {  	_ =	swait.ge [sflag:s5], $0x800  }
0x28d: {  	[sflag:s5] =	ssyncset.done $0x0  }
0x28e: {  	[sflag:s5] =	ssyncadd.s32 $0xFFFFF800  }
0x28f: {  	_ =	swait.ge [sflag:s5], $0x800  }
0x290: {  	[sflag:s5] =	ssyncset.done $0x0  }
0x291: {  	[sflag:s5] =	ssyncadd.s32 $0xFFFFF800  }
0x292: {  	_ =	swait.ge [sflag:s6], $0x800  }
0x293: {  	[sflag:s6] =	ssyncset.done $0x0  }
0x294: {  	[sflag:s6] =	ssyncadd.s32 $0xFFFFF800  }
0x295: {  	_ =	swait.ge [sflag:s6], $0x800  }
0x296: {  	[sflag:s6] =	ssyncset.done $0x0  }
0x297: {  	[sflag:s6] =	ssyncadd.s32 $0xFFFFF800  }
0x298: {  	_ =	swait.ge [sflag:s6], $0x800  }
0x299: {  	[sflag:s6] =	ssyncset.done $0x0  }
0x29a: {  	[sflag:s6] =	ssyncadd.s32 $0xFFFFF800  }
0x29b: {  	_ =	swait.ge [sflag:s6], $0x800  }
0x29c: {  	[sflag:s6] =	ssyncset.done $0x0  }
0x29d: {  	[sflag:s6] =	ssyncadd.s32 $0xFFFFF800  }
0x29e: {  	_ =	swait.ge [sflag:s6], $0x800  }
0x29f: {  	[sflag:s6] =	ssyncset.done $0x0  }
0x2a0: {  	[sflag:s6] =	ssyncadd.s32 $0xFFFFF800  }
0x2a1: {  	_ =	swait.ge [sflag:s6], $0x800  }
0x2a2: {  	[sflag:s6] =	ssyncset.done $0x0  }
0x2a3: {  	[sflag:s6] =	ssyncadd.s32 $0xFFFFF800  }
0x2a4: {  	_ =	swait.ge [sflag:s6], $0x800  }
0x2a5: {  	[sflag:s6] =	ssyncset.done $0x0  }
0x2a6: {  	[sflag:s6] =	ssyncadd.s32 $0xFFFFF800  }
0x2a7: {  	_ =	swait.ge [sflag:s6], $0x800  }
0x2a8: {  	[sflag:s6] =	ssyncset.done $0x0  }
0x2a9: {  	[sflag:s6] =	ssyncadd.s32 $0xFFFFF800  }
0x2aa: {  	_ =	swait.ge [sflag:s6], $0x800  }
0x2ab: {  	[sflag:s6] =	ssyncset.done $0x0  }
0x2ac: {  	[sflag:s6] =	ssyncadd.s32 $0xFFFFF800  }
0x2ad: {  	_ =	swait.ge [sflag:s6], $0x800  }
0x2ae: {  	[sflag:s6] =	ssyncset.done $0x0  }
0x2af: {  	[sflag:s6] =	ssyncadd.s32 $0xFFFFF800  }
0x2b0: {  	_ =	swait.ge [sflag:s6], $0x800  }
0x2b1: {  	[sflag:s6] =	ssyncset.done $0x0  }
0x2b2: {  	[sflag:s6] =	ssyncadd.s32 $0xFFFFF800  }
0x2b3: {  	_ =	swait.ge [sflag:s6], $0x800  }
0x2b4: {  	[sflag:s6] =	ssyncset.done $0x0  }
0x2b5: {  	[sflag:s6] =	ssyncadd.s32 $0xFFFFF800  }
0x2b6: {  	_ =	swait.ge [sflag:s6], $0x800  }
0x2b7: {  	[sflag:s6] =	ssyncset.done $0x0  }
0x2b8: {  	[sflag:s6] =	ssyncadd.s32 $0xFFFFF800  }
0x2b9: {  	_ =	swait.ge [sflag:s6], $0x800  }
0x2ba: {  	[sflag:s6] =	ssyncset.done $0x0  }
0x2bb: {  	[sflag:s6] =	ssyncadd.s32 $0xFFFFF800  }
0x2bc: {  	_ =	swait.ge [sflag:s6], $0x800  }
0x2bd: {  	v18 =	vor.u32 v1, v16;
	[sflag:s6] =	ssyncset.done $0x0  }
0x2be: {  	v19 =	vor.u32 v0, v17;
	[sflag:s6] =	ssyncadd.s32 $0xFFFFF800  }
0x2bf: {  	v20 =	vor.u32 v0, v16;
	_ =	swait.ge [sflag:s6], $0x800  }
0x2c0: {  	[sflag:s6] =	ssyncset.done $0x0  }
0x2c1: {  	v21 =	vor.u32 v1, v17;
	[sflag:s6] =	ssyncadd.s32 $0xFFFFF800  }
0x2c2: {  	v22 =	vor.u32 v2, v16;
	v18 =	vld.idx.msk [tilespmem:v18+s17+$0x0], $0xffff  }
0x2c3: {  	v23 =	vor.u32 v2, v17;
	v19 =	vld.idx.msk [tilespmem:v19+s12+$0x0], $0xffff  }
0x2c4: {  	v24 =	vor.u32 v3, v16;
	v20 =	vld.idx.msk [tilespmem:v20+s17+$0x0], $0xffff  }
0x2c5: {  	v25 =	vor.u32 v3, v17  }
0x2c6: {  	v26 =	vor.u32 v4, v16;
	v21 =	vld.idx.msk [tilespmem:v21+s12+$0x0], $0xffff  }
0x2c7: {  	v27 =	vor.u32 v4, v17;
	v22 =	vld.idx.msk [tilespmem:v22+s17+$0x0], $0xffff  }
0x2c8: {  	v28 =	vor.u32 v5, v16;
	v23 =	vld.idx.msk [tilespmem:v23+s12+$0x0], $0xffff  }
0x2c9: {  	v29 =	vor.u32 v5, v17;
	v24 =	vld.idx.msk [tilespmem:v24+s17+$0x0], $0xffff  }
0x2ca: {  	v19 =	vmul.f32 v20, v19;
	v20 =	vld.idx.msk [tilespmem:v25+s12+$0x0], $0xffff;
	v25 =	vor.u32 v6, v16  }
0x2cb: {  	v30 =	vor.u32 v6, v17;
	v26 =	vld.idx.msk [tilespmem:v26+s17+$0x0], $0xffff  }
0x2cc: {  	v19 =	vadd.f32 $0.0e+00, v19;
	v18 =	vmul.f32 v18, v21;
	v21 =	vld.idx.msk [tilespmem:v27+s12+$0x0], $0xffff;
	v27 =	vor.u32 v7, v16  }
0x2cd: {  	v31 =	vor.u32 v7, v17;
	v28 =	vld.idx.msk [tilespmem:v28+s17+$0x0], $0xffff  }
0x2ce: {  	v18 =	vadd.f32 v18, v19;
	v19 =	vmul.f32 v22, v23;
	v23 =	vor.u32 v8, v16;
	v22 =	vld.idx.msk [tilespmem:v29+s12+$0x0], $0xffff  }
0x2cf: {  	v29 =	vor.u32 v8, v17;
	v25 =	vld.idx.msk [tilespmem:v25+s17+$0x0], $0xffff  }
0x2d0: {  	v18 =	vadd.f32 v19, v18;
	v19 =	vmul.f32 v24, v20;
	v24 =	vor.u32 v9, v16;
	v20 =	vld.idx.msk [tilespmem:v30+s12+$0x0], $0xffff  }
0x2d1: {  	v30 =	vor.u32 v9, v17;
	v27 =	vld.idx.msk [tilespmem:v27+s17+$0x0], $0xffff  }
0x2d2: {  	v18 =	vadd.f32 v19, v18;
	v19 =	vmul.f32 v26, v21;
	v26 =	vor.u32 v10, v16;
	v21 =	vld.idx.msk [tilespmem:v31+s12+$0x0], $0xffff  }
0x2d3: {  	v31 =	vor.u32 v10, v17;
	v23 =	vld.idx.msk [tilespmem:v23+s17+$0x0], $0xffff  }
0x2d4: {  	v18 =	vadd.f32 v19, v18;
	v19 =	vmul.f32 v28, v22;
	v28 =	vor.u32 v11, v16;
	v22 =	vld.idx.msk [tilespmem:v29+s12+$0x0], $0xffff  }
0x2d5: {  	v29 =	vor.u32 v11, v17;
	v24 =	vld.idx.msk [tilespmem:v24+s17+$0x0], $0xffff  }
0x2d6: {  	v18 =	vadd.f32 v19, v18;
	v19 =	vmul.f32 v25, v20;
	v25 =	vor.u32 v12, v16;
	v20 =	vld.idx.msk [tilespmem:v30+s12+$0x0], $0xffff  }
0x2d7: {  	v30 =	vor.u32 v12, v17;
	v26 =	vld.idx.msk [tilespmem:v26+s17+$0x0], $0xffff  }
0x2d8: {  	v18 =	vadd.f32 v19, v18;
	v19 =	vmul.f32 v27, v21;
	v27 =	vor.u32 v13, v16;
	v21 =	vld.idx.msk [tilespmem:v31+s12+$0x0], $0xffff  }
0x2d9: {  	v31 =	vor.u32 v13, v17;
	v28 =	vld.idx.msk [tilespmem:v28+s17+$0x0], $0xffff  }
0x2da: {  	v18 =	vadd.f32 v19, v18;
	v19 =	vmul.f32 v23, v22;
	v23 =	vor.u32 v14, v16;
	v22 =	vld.idx.msk [tilespmem:v29+s12+$0x0], $0xffff  }
0x2db: {  	v29 =	vor.u32 v14, v17;
	v25 =	vld.idx.msk [tilespmem:v25+s17+$0x0], $0xffff  }
0x2dc: {  	v16 =	vor.u32 v15, v16;
	v18 =	vadd.f32 v19, v18;
	v19 =	vmul.f32 v24, v20;
	v20 =	vld.idx.msk [tilespmem:v30+s12+$0x0], $0xffff  }
0x2dd: {  	v17 =	vor.u32 v15, v17;
	v24 =	vld.idx.msk [tilespmem:v27+s17+$0x0], $0xffff  }
0x2de: {  	v18 =	vadd.f32 v19, v18;
	v19 =	vmul.f32 v26, v21;
	v21 =	vld.idx.msk [tilespmem:v31+s12+$0x0], $0xffff  }
0x2df: {  	v23 =	vld.idx.msk [tilespmem:v23+s17+$0x0], $0xffff  }
0x2e0: {  	v18 =	vadd.f32 v19, v18;
	v19 =	vmul.f32 v28, v22;
	v22 =	vld.idx.msk [tilespmem:v29+s12+$0x0], $0xffff  }
0x2e1: {  	v16 =	vld.idx.msk [tilespmem:v16+s17+$0x0], $0xffff  }
0x2e2: {  	v18 =	vadd.f32 v19, v18;
	v19 =	vmul.f32 v25, v20;
	v17 =	vld.idx.msk [tilespmem:v17+s12+$0x0], $0xffff;
	_ =	sdelay $0x1  }
0x2e3: {  	v18 =	vadd.f32 v19, v18;
	v19 =	vmul.f32 v24, v21;
	_ =	sdelay $0x1  }
0x2e4: {  	v18 =	vadd.f32 v19, v18;
	v19 =	vmul.f32 v23, v22;
	_ =	sdelay $0x1  }
0x2e5: {  	v18 =	vadd.f32 v19, v18;
	v16 =	vmul.f32 v16, v17;
	_ =	sdelay $0x1  }
0x2e6: {  	v16 =	vadd.f32 v16, v18;
	_ =	sdelay $0x1  }
0x2e7: {  	v16 =	vsub.f32 $0.0e+00, v16;
	_ =	sdelay $0x1  }
0x2e8: {  	s15 =	smin.u32 s14, $0x1D;
	v16 =	vmul.f32 $1.442695020e+00, v16  }
0x2e9: {  	s15 =	sshll.u32 s15, $0x4  }
0x2ea: {  	v17 =	vld [tilespmem:s15+$0x20];
	(erf) = vpow2.f32 v16;
	_ =	sdelay $0x4  }
0x2eb: {  	v16 =	vand.u32 $0xFFFFFF80, v17  }
0x2ec: {  	v16 =	vadd.s32 s1, v16  }
0x2ed: {  	(v2sf) =	vpush v16, $0x0;
	_ =	sdelay $0x1  }
0x2ee: {  	v17 =	vpop (erf);
	(v2sf) =	vpush v16, $0x1  }
0x2ef: {  	v17 =	vadd.f32 $1.000000000e+00, v17  }
0x2f0: {  	(v2sf) =	vpush v16, $0x2  }
0x2f1: {  	(erf) = vrcp.f32 v17  }
0x2f2: {  	(v2sf) =	vpush v16, $0x3;
	_ =	sdelay $0x1  }
0x2f3: {  	(v2sf) =	vpush v16, $0x4;
	_ =	sdelay $0x1  }
0x2f4: {  	(v2sf) =	vpush v16, $0x5;
	_ =	sdelay $0x1  }
0x2f5: {  	(v2sf) =	vpush v16, $0x6;
	_ =	sdelay $0x1  }
0x2f6: {  	v17 =	vpop (erf);
	(v2sf) =	vpush v16, $0x7  }
0x2f7: {  	[tilespmem:s4+$0xFFFFFFF0] =	vst v17;
	s15 =	spop (v2sf)  }
0x2f8: {  	[tilespmem:s12], [sflag:$0x1] =	stream.strided.gather [hbm4b:s15+s12], $0x800, s11, s12, $0x38;
	(v2sf) =	vpush v16, $0x8;
	[tilespmem:$0x18600] =	vst v63  }
0x2f9: {  	s16 =	simm.s32 $0xC00;
	s15 =	spop (v2sf)  }
0x2fa: {  	[tilespmem:s16], [sflag:$0x1] =	stream.strided.gather [hbm4b:s15+s12], $0x800, s11, s12, $0x38;
	(v2sf) =	vpush v16, $0x9;
	[tilespmem:$0x18600] =	vst v63  }
0x2fb: {  	s16 =	simm.s32 $0x1400;
	s15 =	spop (v2sf)  }
0x2fc: {  	[tilespmem:s16], [sflag:$0x1] =	stream.strided.gather [hbm4b:s15+s12], $0x800, s11, s12, $0x38;
	(v2sf) =	vpush v16, $0xA;
	[tilespmem:$0x18600] =	vst v63  }
0x2fd: {  	s16 =	simm.s32 $0x1C00;
	s15 =	spop (v2sf)  }
0x2fe: {  	[tilespmem:s16], [sflag:$0x1] =	stream.strided.gather [hbm4b:s15+s12], $0x800, s11, s12, $0x38;
	(v2sf) =	vpush v16, $0xB;
	[tilespmem:$0x18600] =	vst v63  }
0x2ff: {  	s16 =	simm.s32 $0x2400;
	s15 =	spop (v2sf)  }
0x300: {  	[tilespmem:s16], [sflag:$0x1] =	stream.strided.gather [hbm4b:s15+s12], $0x800, s11, s12, $0x38;
	(v2sf) =	vpush v16, $0xC;
	[tilespmem:$0x18600] =	vst v63  }
0x301: {  	s16 =	simm.s32 $0x2C00;
	s15 =	spop (v2sf)  }
0x302: {  	[tilespmem:s16], [sflag:$0x1] =	stream.strided.gather [hbm4b:s15+s12], $0x800, s11, s12, $0x38;
	(v2sf) =	vpush v16, $0xD;
	[tilespmem:$0x18600] =	vst v63  }
0x303: {  	s16 =	simm.s32 $0x3400;
	s15 =	spop (v2sf)  }
0x304: {  	[tilespmem:s16], [sflag:$0x1] =	stream.strided.gather [hbm4b:s15+s12], $0x800, s11, s12, $0x38;
	(v2sf) =	vpush v16, $0xE;
	[tilespmem:$0x18600] =	vst v63  }
0x305: {  	s16 =	simm.s32 $0x3C00;
	s15 =	spop (v2sf)  }
0x306: {  	[tilespmem:s16], [sflag:$0x1] =	stream.strided.gather [hbm4b:s15+s12], $0x800, s11, s12, $0x38;
	(v2sf) =	vpush v16, $0xF;
	[tilespmem:$0x18600] =	vst v63  }
0x307: {  	s16 =	simm.s32 $0x4400;
	s15 =	spop (v2sf)  }
0x308: {  	[tilespmem:s16], [sflag:$0x1] =	stream.strided.gather [hbm4b:s15+s12], $0x800, s11, s12, $0x38;
	[tilespmem:$0x18600] =	vst v63  }
0x309: {  	s16 =	simm.s32 $0x4C00;
	s15 =	spop (v2sf)  }
0x30a: {  	[tilespmem:s16], [sflag:$0x1] =	stream.strided.gather [hbm4b:s15+s12], $0x800, s11, s12, $0x38;
	[tilespmem:$0x18600] =	vst v63  }
0x30b: {  	s16 =	simm.s32 $0x5400;
	s15 =	spop (v2sf)  }
0x30c: {  	[tilespmem:s16], [sflag:$0x1] =	stream.strided.gather [hbm4b:s15+s12], $0x800, s11, s12, $0x38;
	[tilespmem:$0x18600] =	vst v63  }
0x30d: {  	s16 =	simm.s32 $0x5C00;
	s15 =	spop (v2sf)  }
0x30e: {  	[tilespmem:s16], [sflag:$0x1] =	stream.strided.gather [hbm4b:s15+s12], $0x800, s11, s12, $0x38;
	[tilespmem:$0x18600] =	vst v63  }
0x30f: {  	s16 =	simm.s32 $0x6400;
	s15 =	spop (v2sf)  }
0x310: {  	[tilespmem:s16], [sflag:$0x1] =	stream.strided.gather [hbm4b:s15+s12], $0x800, s11, s12, $0x38;
	[tilespmem:$0x18600] =	vst v63  }
0x311: {  	s16 =	simm.s32 $0x6C00;
	s15 =	spop (v2sf)  }
0x312: {  	[tilespmem:s16], [sflag:$0x1] =	stream.strided.gather [hbm4b:s15+s12], $0x800, s11, s12, $0x38;
	[tilespmem:$0x18600] =	vst v63  }
0x313: {  	s16 =	simm.s32 $0x7400;
	s15 =	spop (v2sf)  }
0x314: {  	[tilespmem:s16], [sflag:$0x1] =	stream.strided.gather [hbm4b:s15+s12], $0x800, s11, s12, $0x38;
	[tilespmem:$0x18600] =	vst v63  }
0x315: {  	s16 =	simm.s32 $0x7C00;
	s15 =	spop (v2sf)  }
0x316: {  	[tilespmem:s16], [sflag:$0x1] =	stream.strided.gather [hbm4b:s15+s12], $0x800, s11, s12, $0x38;
	[tilespmem:$0x18600] =	vst v63  }
0x317: {  	v16 =	vld [tilespmem:s8+$0x0]  }
0x318: {  	v18 =	vld [tilespmem:s13+$0x0];
	_ =	sdelay $0x3  }
0x319: {  	v19 =	vand.u32 $0xFFFFFF80, v16;
	v17 =	vand.u32 $0x7F, v16  }
0x31a: {  	v16 =	vand.u32 $0x7F, v18;
	v18 =	vadd.s32 s2, v19  }
0x31b: {  	(v2sf) =	vpush v18, $0x0;
	_ =	sdelay $0x1  }
0x31c: {  	(v2sf) =	vpush v18, $0x1;
	_ =	sdelay $0x1  }
0x31d: {  	(v2sf) =	vpush v18, $0x2;
	_ =	sdelay $0x1  }
0x31e: {  	(v2sf) =	vpush v18, $0x3;
	_ =	sdelay $0x1  }
0x31f: {  	(v2sf) =	vpush v18, $0x4;
	_ =	sdelay $0x1  }
0x320: {  	(v2sf) =	vpush v18, $0x5;
	_ =	sdelay $0x1  }
0x321: {  	(v2sf) =	vpush v18, $0x6;
	_ =	sdelay $0x1  }
0x322: {  	(v2sf) =	vpush v18, $0x7  }
0x323: {  	s15 =	spop (v2sf)  }
0x324: {  	[tilespmem:s17], [sflag:$0x3] =	stream.strided.gather [hbm4b:s15+s12], $0x800, s11, s12, $0x38;
	(v2sf) =	vpush v18, $0x8;
	[tilespmem:$0x18600] =	vst v63  }
0x325: {  	s15 =	spop (v2sf)  }
0x326: {  	[tilespmem:s18], [sflag:$0x3] =	stream.strided.gather [hbm4b:s15+s12], $0x800, s11, s12, $0x38;
	(v2sf) =	vpush v18, $0x9;
	[tilespmem:$0x18600] =	vst v63  }
0x327: {  	s15 =	spop (v2sf)  }
0x328: {  	[tilespmem:s19], [sflag:$0x3] =	stream.strided.gather [hbm4b:s15+s12], $0x800, s11, s12, $0x38;
	(v2sf) =	vpush v18, $0xA;
	[tilespmem:$0x18600] =	vst v63  }
0x329: {  	s15 =	spop (v2sf)  }
0x32a: {  	[tilespmem:s20], [sflag:$0x3] =	stream.strided.gather [hbm4b:s15+s12], $0x800, s11, s12, $0x38;
	(v2sf) =	vpush v18, $0xB;
	[tilespmem:$0x18600] =	vst v63  }
0x32b: {  	s15 =	spop (v2sf)  }
0x32c: {  	[tilespmem:s21], [sflag:$0x3] =	stream.strided.gather [hbm4b:s15+s12], $0x800, s11, s12, $0x38;
	(v2sf) =	vpush v18, $0xC;
	[tilespmem:$0x18600] =	vst v63  }
0x32d: {  	s15 =	spop (v2sf)  }
0x32e: {  	[tilespmem:s22], [sflag:$0x3] =	stream.strided.gather [hbm4b:s15+s12], $0x800, s11, s12, $0x38;
	(v2sf) =	vpush v18, $0xD;
	[tilespmem:$0x18600] =	vst v63  }
0x32f: {  	s15 =	spop (v2sf)  }
0x330: {  	[tilespmem:s23], [sflag:$0x3] =	stream.strided.gather [hbm4b:s15+s12], $0x800, s11, s12, $0x38;
	(v2sf) =	vpush v18, $0xE;
	[tilespmem:$0x18600] =	vst v63  }
0x331: {  	s15 =	spop (v2sf)  }
0x332: {  	[tilespmem:s24], [sflag:$0x3] =	stream.strided.gather [hbm4b:s15+s12], $0x800, s11, s12, $0x38;
	(v2sf) =	vpush v18, $0xF;
	[tilespmem:$0x18600] =	vst v63  }
0x333: {  	s15 =	spop (v2sf)  }
0x334: {  	[tilespmem:s25], [sflag:$0x3] =	stream.strided.gather [hbm4b:s15+s12], $0x800, s11, s12, $0x38;
	[tilespmem:$0x18600] =	vst v63  }
0x335: {  	s15 =	spop (v2sf)  }
0x336: {  	[tilespmem:s26], [sflag:$0x3] =	stream.strided.gather [hbm4b:s15+s12], $0x800, s11, s12, $0x38;
	[tilespmem:$0x18600] =	vst v63  }
0x337: {  	s15 =	spop (v2sf)  }
0x338: {  	[tilespmem:s28], [sflag:$0x3] =	stream.strided.gather [hbm4b:s15+s12], $0x800, s11, s12, $0x38;
	[tilespmem:$0x18600] =	vst v63  }
0x339: {  	s15 =	spop (v2sf)  }
0x33a: {  	[tilespmem:s30], [sflag:$0x3] =	stream.strided.gather [hbm4b:s15+s12], $0x800, s11, s12, $0x38;
	[tilespmem:$0x18600] =	vst v63  }
0x33b: {  	s15 =	spop (v2sf)  }
0x33c: {  	[tilespmem:s31], [sflag:$0x3] =	stream.strided.gather [hbm4b:s15+s12], $0x800, s11, s12, $0x38;
	[tilespmem:$0x18600] =	vst v63  }
0x33d: {  	s15 =	spop (v2sf)  }
0x33e: {  	[tilespmem:s0], [sflag:$0x3] =	stream.strided.gather [hbm4b:s15+s12], $0x800, s11, s12, $0x38;
	[tilespmem:$0x18600] =	vst v63  }
0x33f: {  	s15 =	spop (v2sf)  }
0x340: {  	[tilespmem:s3], [sflag:$0x3] =	stream.strided.gather [hbm4b:s15+s12], $0x800, s11, s12, $0x38;
	[tilespmem:$0x18600] =	vst v63  }
0x341: {  	s15 =	spop (v2sf)  }
0x342: {  	[tilespmem:s10], [sflag:$0x3] =	stream.strided.gather [hbm4b:s15+s12], $0x800, s11, s12, $0x38;
	[tilespmem:$0x18600] =	vst v63  }
0x343: {  	_ =	swait.ge [sflag:s7], $0x800  }
0x344: {  	[sflag:s7] =	ssyncset.done $0x0  }
0x345: {  	[sflag:s7] =	ssyncadd.s32 $0xFFFFF800  }
0x346: {  	_ =	swait.ge [sflag:s7], $0x800  }
0x347: {  	[sflag:s7] =	ssyncset.done $0x0  }
0x348: {  	[sflag:s7] =	ssyncadd.s32 $0xFFFFF800  }
0x349: {  	_ =	swait.ge [sflag:s7], $0x800  }
0x34a: {  	[sflag:s7] =	ssyncset.done $0x0  }
0x34b: {  	[sflag:s7] =	ssyncadd.s32 $0xFFFFF800  }
0x34c: {  	_ =	swait.ge [sflag:s7], $0x800  }
0x34d: {  	[sflag:s7] =	ssyncset.done $0x0  }
0x34e: {  	[sflag:s7] =	ssyncadd.s32 $0xFFFFF800  }
0x34f: {  	_ =	swait.ge [sflag:s7], $0x800  }
0x350: {  	[sflag:s7] =	ssyncset.done $0x0  }
0x351: {  	[sflag:s7] =	ssyncadd.s32 $0xFFFFF800  }
0x352: {  	_ =	swait.ge [sflag:s7], $0x800  }
0x353: {  	[sflag:s7] =	ssyncset.done $0x0  }
0x354: {  	[sflag:s7] =	ssyncadd.s32 $0xFFFFF800  }
0x355: {  	_ =	swait.ge [sflag:s7], $0x800  }
0x356: {  	[sflag:s7] =	ssyncset.done $0x0  }
0x357: {  	[sflag:s7] =	ssyncadd.s32 $0xFFFFF800  }
0x358: {  	_ =	swait.ge [sflag:s7], $0x800  }
0x359: {  	[sflag:s7] =	ssyncset.done $0x0  }
0x35a: {  	[sflag:s7] =	ssyncadd.s32 $0xFFFFF800  }
0x35b: {  	_ =	swait.ge [sflag:s7], $0x800  }
0x35c: {  	[sflag:s7] =	ssyncset.done $0x0  }
0x35d: {  	[sflag:s7] =	ssyncadd.s32 $0xFFFFF800  }
0x35e: {  	_ =	swait.ge [sflag:s7], $0x800  }
0x35f: {  	[sflag:s7] =	ssyncset.done $0x0  }
0x360: {  	[sflag:s7] =	ssyncadd.s32 $0xFFFFF800  }
0x361: {  	_ =	swait.ge [sflag:s7], $0x800  }
0x362: {  	[sflag:s7] =	ssyncset.done $0x0  }
0x363: {  	[sflag:s7] =	ssyncadd.s32 $0xFFFFF800  }
0x364: {  	_ =	swait.ge [sflag:s7], $0x800  }
0x365: {  	[sflag:s7] =	ssyncset.done $0x0  }
0x366: {  	[sflag:s7] =	ssyncadd.s32 $0xFFFFF800  }
0x367: {  	_ =	swait.ge [sflag:s7], $0x800  }
0x368: {  	[sflag:s7] =	ssyncset.done $0x0  }
0x369: {  	[sflag:s7] =	ssyncadd.s32 $0xFFFFF800  }
0x36a: {  	_ =	swait.ge [sflag:s7], $0x800  }
0x36b: {  	[sflag:s7] =	ssyncset.done $0x0  }
0x36c: {  	[sflag:s7] =	ssyncadd.s32 $0xFFFFF800  }
0x36d: {  	_ =	swait.ge [sflag:s7], $0x800  }
0x36e: {  	[sflag:s7] =	ssyncset.done $0x0  }
0x36f: {  	[sflag:s7] =	ssyncadd.s32 $0xFFFFF800  }
0x370: {  	_ =	swait.ge [sflag:s7], $0x800  }
0x371: {  	[sflag:s7] =	ssyncset.done $0x0  }
0x372: {  	[sflag:s7] =	ssyncadd.s32 $0xFFFFF800  }
0x373: {  	_ =	swait.ge [sflag:s6], $0x800  }
0x374: {  	[sflag:s6] =	ssyncset.done $0x0  }
0x375: {  	[sflag:s6] =	ssyncadd.s32 $0xFFFFF800  }
0x376: {  	_ =	swait.ge [sflag:s6], $0x800  }
0x377: {  	[sflag:s6] =	ssyncset.done $0x0  }
0x378: {  	[sflag:s6] =	ssyncadd.s32 $0xFFFFF800  }
0x379: {  	_ =	swait.ge [sflag:s6], $0x800  }
0x37a: {  	[sflag:s6] =	ssyncset.done $0x0  }
0x37b: {  	[sflag:s6] =	ssyncadd.s32 $0xFFFFF800  }
0x37c: {  	_ =	swait.ge [sflag:s6], $0x800  }
0x37d: {  	[sflag:s6] =	ssyncset.done $0x0  }
0x37e: {  	[sflag:s6] =	ssyncadd.s32 $0xFFFFF800  }
0x37f: {  	_ =	swait.ge [sflag:s6], $0x800  }
0x380: {  	[sflag:s6] =	ssyncset.done $0x0  }
0x381: {  	[sflag:s6] =	ssyncadd.s32 $0xFFFFF800  }
0x382: {  	_ =	swait.ge [sflag:s6], $0x800  }
0x383: {  	[sflag:s6] =	ssyncset.done $0x0  }
0x384: {  	[sflag:s6] =	ssyncadd.s32 $0xFFFFF800  }
0x385: {  	_ =	swait.ge [sflag:s6], $0x800  }
0x386: {  	[sflag:s6] =	ssyncset.done $0x0  }
0x387: {  	[sflag:s6] =	ssyncadd.s32 $0xFFFFF800  }
0x388: {  	_ =	swait.ge [sflag:s6], $0x800  }
0x389: {  	[sflag:s6] =	ssyncset.done $0x0  }
0x38a: {  	[sflag:s6] =	ssyncadd.s32 $0xFFFFF800  }
0x38b: {  	_ =	swait.ge [sflag:s6], $0x800  }
0x38c: {  	[sflag:s6] =	ssyncset.done $0x0  }
0x38d: {  	[sflag:s6] =	ssyncadd.s32 $0xFFFFF800  }
0x38e: {  	_ =	swait.ge [sflag:s6], $0x800  }
0x38f: {  	[sflag:s6] =	ssyncset.done $0x0  }
0x390: {  	[sflag:s6] =	ssyncadd.s32 $0xFFFFF800  }
0x391: {  	_ =	swait.ge [sflag:s6], $0x800  }
0x392: {  	[sflag:s6] =	ssyncset.done $0x0  }
0x393: {  	[sflag:s6] =	ssyncadd.s32 $0xFFFFF800  }
0x394: {  	_ =	swait.ge [sflag:s6], $0x800  }
0x395: {  	[sflag:s6] =	ssyncset.done $0x0  }
0x396: {  	[sflag:s6] =	ssyncadd.s32 $0xFFFFF800  }
0x397: {  	_ =	swait.ge [sflag:s6], $0x800  }
0x398: {  	[sflag:s6] =	ssyncset.done $0x0  }
0x399: {  	[sflag:s6] =	ssyncadd.s32 $0xFFFFF800  }
0x39a: {  	_ =	swait.ge [sflag:s6], $0x800  }
0x39b: {  	[sflag:s6] =	ssyncset.done $0x0  }
0x39c: {  	[sflag:s6] =	ssyncadd.s32 $0xFFFFF800  }
0x39d: {  	_ =	swait.ge [sflag:s6], $0x800  }
0x39e: {  	v18 =	vor.u32 v0, v16;
	[sflag:s6] =	ssyncset.done $0x0  }
0x39f: {  	v19 =	vor.u32 v0, v17;
	[sflag:s6] =	ssyncadd.s32 $0xFFFFF800  }
0x3a0: {  	v20 =	vor.u32 v1, v17;
	_ =	swait.ge [sflag:s6], $0x800  }
0x3a1: {  	v21 =	vor.u32 v1, v16;
	[sflag:s6] =	ssyncset.done $0x0  }
0x3a2: {  	v22 =	vor.u32 v2, v17;
	[sflag:s6] =	ssyncadd.s32 $0xFFFFF800  }
0x3a3: {  	v23 =	vor.u32 v2, v16;
	v18 =	vld.idx.msk [tilespmem:v18+s29+$0x0], $0xffff  }
0x3a4: {  	v24 =	vor.u32 v3, v17;
	v19 =	vld.idx.msk [tilespmem:v19+s17+$0x0], $0xffff  }
0x3a5: {  	v25 =	vor.u32 v3, v16;
	v20 =	vld.idx.msk [tilespmem:v20+s17+$0x0], $0xffff  }
0x3a6: {  	v26 =	vor.u32 v4, v17;
	v21 =	vld.idx.msk [tilespmem:v21+s29+$0x0], $0xffff  }
0x3a7: {  	v27 =	vor.u32 v4, v16;
	v22 =	vld.idx.msk [tilespmem:v22+s17+$0x0], $0xffff  }
0x3a8: {  	v28 =	vor.u32 v5, v17;
	v23 =	vld.idx.msk [tilespmem:v23+s29+$0x0], $0xffff  }
0x3a9: {  	v29 =	vor.u32 v5, v16;
	v24 =	vld.idx.msk [tilespmem:v24+s17+$0x0], $0xffff  }
0x3aa: {  	v18 =	vmul.f32 v19, v18;
	v19 =	vld.idx.msk [tilespmem:v25+s29+$0x0], $0xffff;
	v25 =	vor.u32 v6, v17  }
0x3ab: {  	v30 =	vor.u32 v6, v16;
	v26 =	vld.idx.msk [tilespmem:v26+s17+$0x0], $0xffff  }
0x3ac: {  	v18 =	vadd.f32 $0.0e+00, v18;
	v20 =	vmul.f32 v20, v21;
	v21 =	vld.idx.msk [tilespmem:v27+s29+$0x0], $0xffff;
	v27 =	vor.u32 v7, v17  }
0x3ad: {  	v31 =	vor.u32 v7, v16;
	v28 =	vld.idx.msk [tilespmem:v28+s17+$0x0], $0xffff  }
0x3ae: {  	v18 =	vadd.f32 v20, v18;
	v20 =	vmul.f32 v22, v23;
	v23 =	vor.u32 v8, v17;
	v22 =	vld.idx.msk [tilespmem:v29+s29+$0x0], $0xffff  }
0x3af: {  	v29 =	vor.u32 v8, v16;
	v25 =	vld.idx.msk [tilespmem:v25+s17+$0x0], $0xffff  }
0x3b0: {  	v18 =	vadd.f32 v20, v18;
	v19 =	vmul.f32 v24, v19;
	v24 =	vor.u32 v9, v17;
	v20 =	vld.idx.msk [tilespmem:v30+s29+$0x0], $0xffff  }
0x3b1: {  	v30 =	vor.u32 v9, v16;
	v27 =	vld.idx.msk [tilespmem:v27+s17+$0x0], $0xffff  }
0x3b2: {  	v18 =	vadd.f32 v19, v18;
	v19 =	vmul.f32 v26, v21;
	v26 =	vor.u32 v10, v17;
	v21 =	vld.idx.msk [tilespmem:v31+s29+$0x0], $0xffff  }
0x3b3: {  	v31 =	vor.u32 v10, v16;
	v23 =	vld.idx.msk [tilespmem:v23+s17+$0x0], $0xffff  }
0x3b4: {  	v18 =	vadd.f32 v19, v18;
	v19 =	vmul.f32 v28, v22;
	v28 =	vor.u32 v11, v17;
	v22 =	vld.idx.msk [tilespmem:v29+s29+$0x0], $0xffff  }
0x3b5: {  	v29 =	vor.u32 v11, v16;
	v24 =	vld.idx.msk [tilespmem:v24+s17+$0x0], $0xffff  }
0x3b6: {  	v18 =	vadd.f32 v19, v18;
	v19 =	vmul.f32 v25, v20;
	v25 =	vor.u32 v12, v17;
	v20 =	vld.idx.msk [tilespmem:v30+s29+$0x0], $0xffff  }
0x3b7: {  	v30 =	vor.u32 v12, v16;
	v26 =	vld.idx.msk [tilespmem:v26+s17+$0x0], $0xffff  }
0x3b8: {  	v18 =	vadd.f32 v19, v18;
	v19 =	vmul.f32 v27, v21;
	v27 =	vor.u32 v13, v17;
	v21 =	vld.idx.msk [tilespmem:v31+s29+$0x0], $0xffff  }
0x3b9: {  	v31 =	vor.u32 v13, v16;
	v28 =	vld.idx.msk [tilespmem:v28+s17+$0x0], $0xffff  }
0x3ba: {  	v18 =	vadd.f32 v19, v18;
	v19 =	vmul.f32 v23, v22;
	v23 =	vor.u32 v14, v17;
	v22 =	vld.idx.msk [tilespmem:v29+s29+$0x0], $0xffff  }
0x3bb: {  	v29 =	vor.u32 v14, v16;
	v25 =	vld.idx.msk [tilespmem:v25+s17+$0x0], $0xffff  }
0x3bc: {  	v17 =	vor.u32 v15, v17;
	v18 =	vadd.f32 v19, v18;
	v19 =	vmul.f32 v24, v20;
	v20 =	vld.idx.msk [tilespmem:v30+s29+$0x0], $0xffff  }
0x3bd: {  	v16 =	vor.u32 v15, v16;
	v24 =	vld.idx.msk [tilespmem:v27+s17+$0x0], $0xffff  }
0x3be: {  	v18 =	vadd.f32 v19, v18;
	v19 =	vmul.f32 v26, v21;
	v21 =	vld.idx.msk [tilespmem:v31+s29+$0x0], $0xffff  }
0x3bf: {  	v23 =	vld.idx.msk [tilespmem:v23+s17+$0x0], $0xffff  }
0x3c0: {  	v18 =	vadd.f32 v19, v18;
	v19 =	vmul.f32 v28, v22;
	v22 =	vld.idx.msk [tilespmem:v29+s29+$0x0], $0xffff  }
0x3c1: {  	v17 =	vld.idx.msk [tilespmem:v17+s17+$0x0], $0xffff  }
0x3c2: {  	v18 =	vadd.f32 v19, v18;
	v19 =	vmul.f32 v25, v20;
	v16 =	vld.idx.msk [tilespmem:v16+s29+$0x0], $0xffff;
	_ =	sdelay $0x1  }
0x3c3: {  	v18 =	vadd.f32 v19, v18;
	v19 =	vmul.f32 v24, v21;
	_ =	sdelay $0x1  }
0x3c4: {  	v18 =	vadd.f32 v19, v18;
	v19 =	vmul.f32 v23, v22;
	_ =	sdelay $0x1  }
0x3c5: {  	v18 =	vadd.f32 v19, v18;
	v16 =	vmul.f32 v17, v16;
	_ =	sdelay $0x1  }
0x3c6: {  	v16 =	vadd.f32 v16, v18;
	_ =	sdelay $0x1  }
0x3c7: {  	v16 =	vsub.f32 $0.0e+00, v16;
	_ =	sdelay $0x1  }
0x3c8: {  	s14 =	smin.u32 s14, $0x1C;
	v16 =	vmul.f32 $1.442695020e+00, v16  }
0x3c9: {  	s14 =	sshll.u32 s14, $0x4  }
0x3ca: {  	v17 =	vld [tilespmem:s14+$0x30];
	(erf) = vpow2.f32 v16;
	_ =	sdelay $0x4  }
0x3cb: {  	v16 =	vand.u32 $0xFFFFFF80, v17  }
0x3cc: {  	v16 =	vadd.s32 s1, v16  }
0x3cd: {  	(v2sf) =	vpush v16, $0x0;
	_ =	sdelay $0x1  }
0x3ce: {  	v17 =	vpop (erf);
	(v2sf) =	vpush v16, $0x1  }
0x3cf: {  	v17 =	vadd.f32 $1.000000000e+00, v17  }
0x3d0: {  	(v2sf) =	vpush v16, $0x2  }
0x3d1: {  	(erf) = vrcp.f32 v17  }
0x3d2: {  	(v2sf) =	vpush v16, $0x3;
	_ =	sdelay $0x1  }
0x3d3: {  	(v2sf) =	vpush v16, $0x4;
	_ =	sdelay $0x1  }
0x3d4: {  	(v2sf) =	vpush v16, $0x5;
	_ =	sdelay $0x1  }
0x3d5: {  	(v2sf) =	vpush v16, $0x6;
	_ =	sdelay $0x1  }
0x3d6: {  	v17 =	vpop (erf);
	(v2sf) =	vpush v16, $0x7  }
0x3d7: {  	[tilespmem:s4+$0x0] =	vst v17;
	s14 =	spop (v2sf)  }
0x3d8: {  	[tilespmem:s29], [sflag:$0x2] =	stream.strided.gather [hbm4b:s14+s12], $0x800, s11, s12, $0x38;
	(v2sf) =	vpush v16, $0x8;
	[tilespmem:$0x18600] =	vst v63  }
0x3d9: {  	s15 =	simm.s32 $0x8C00;
	s14 =	spop (v2sf)  }
0x3da: {  	[tilespmem:s15], [sflag:$0x2] =	stream.strided.gather [hbm4b:s14+s12], $0x800, s11, s12, $0x38;
	(v2sf) =	vpush v16, $0x9;
	[tilespmem:$0x18600] =	vst v63  }
0x3db: {  	s15 =	simm.s32 $0x9400;
	s14 =	spop (v2sf)  }
0x3dc: {  	[tilespmem:s15], [sflag:$0x2] =	stream.strided.gather [hbm4b:s14+s12], $0x800, s11, s12, $0x38;
	(v2sf) =	vpush v16, $0xA;
	[tilespmem:$0x18600] =	vst v63  }
0x3dd: {  	s15 =	simm.s32 $0x9C00;
	s14 =	spop (v2sf)  }
0x3de: {  	[tilespmem:s15], [sflag:$0x2] =	stream.strided.gather [hbm4b:s14+s12], $0x800, s11, s12, $0x38;
	(v2sf) =	vpush v16, $0xB;
	[tilespmem:$0x18600] =	vst v63  }
0x3df: {  	s15 =	simm.s32 $0xA400;
	s14 =	spop (v2sf)  }
0x3e0: {  	[tilespmem:s15], [sflag:$0x2] =	stream.strided.gather [hbm4b:s14+s12], $0x800, s11, s12, $0x38;
	(v2sf) =	vpush v16, $0xC;
	[tilespmem:$0x18600] =	vst v63  }
0x3e1: {  	s15 =	simm.s32 $0xAC00;
	s14 =	spop (v2sf)  }
0x3e2: {  	[tilespmem:s15], [sflag:$0x2] =	stream.strided.gather [hbm4b:s14+s12], $0x800, s11, s12, $0x38;
	(v2sf) =	vpush v16, $0xD;
	[tilespmem:$0x18600] =	vst v63  }
0x3e3: {  	s15 =	simm.s32 $0xB400;
	s14 =	spop (v2sf)  }
0x3e4: {  	[tilespmem:s15], [sflag:$0x2] =	stream.strided.gather [hbm4b:s14+s12], $0x800, s11, s12, $0x38;
	(v2sf) =	vpush v16, $0xE;
	[tilespmem:$0x18600] =	vst v63  }
0x3e5: {  	s15 =	simm.s32 $0xBC00;
	s14 =	spop (v2sf)  }
0x3e6: {  	[tilespmem:s15], [sflag:$0x2] =	stream.strided.gather [hbm4b:s14+s12], $0x800, s11, s12, $0x38;
	(v2sf) =	vpush v16, $0xF;
	[tilespmem:$0x18600] =	vst v63  }
0x3e7: {  	s15 =	simm.s32 $0xC400;
	s14 =	spop (v2sf)  }
0x3e8: {  	[tilespmem:s15], [sflag:$0x2] =	stream.strided.gather [hbm4b:s14+s12], $0x800, s11, s12, $0x38;
	[tilespmem:$0x18600] =	vst v63  }
0x3e9: {  	s15 =	simm.s32 $0xCC00;
	s14 =	spop (v2sf)  }
0x3ea: {  	[tilespmem:s15], [sflag:$0x2] =	stream.strided.gather [hbm4b:s14+s12], $0x800, s11, s12, $0x38;
	[tilespmem:$0x18600] =	vst v63  }
0x3eb: {  	s15 =	simm.s32 $0xD400;
	s14 =	spop (v2sf)  }
0x3ec: {  	[tilespmem:s15], [sflag:$0x2] =	stream.strided.gather [hbm4b:s14+s12], $0x800, s11, s12, $0x38;
	[tilespmem:$0x18600] =	vst v63  }
0x3ed: {  	s15 =	simm.s32 $0xDC00;
	s14 =	spop (v2sf)  }
0x3ee: {  	[tilespmem:s15], [sflag:$0x2] =	stream.strided.gather [hbm4b:s14+s12], $0x800, s11, s12, $0x38;
	[tilespmem:$0x18600] =	vst v63  }
.Ltmp0:
0x3ef: {  	_ = 	snop;
	(pc) =	sbr.rel @p0 .LBB2_2-.Ltmp0, $4  }
0x3f0: {  	s15 =	simm.s32 $0xE400;
	s14 =	spop (v2sf)  }
0x3f1: {  	[tilespmem:s15], [sflag:$0x2] =	stream.strided.gather [hbm4b:s14+s12], $0x800, s11, s12, $0x38;
	[tilespmem:$0x18600] =	vst v63  }
0x3f2: {  	s13 =	sadd.s32 $0x20, s13;
	s15 =	simm.s32 $0xEC00;
	s14 =	spop (v2sf)  }
0x3f3: {  	[tilespmem:s15], [sflag:$0x2] =	stream.strided.gather [hbm4b:s14+s12], $0x800, s11, s12, $0x38;
	[tilespmem:$0x18600] =	vst v63  }
0x3f4: {  	s4 =	spop (v2sf);
	s8 =	simm.s32 $0xF400  }
0x3f5: {  	[tilespmem:s8], [sflag:$0x2] =	stream.strided.gather [hbm4b:s4+s12], $0x800, s11, s12, $0x38;
	[tilespmem:$0x18600] =	vst v63  }
0x3f6: {  	s9 =	simm.s32 $0xFC00;
	s8 =	spop (v2sf)  }
0x3f7: {  	[tilespmem:s9], [sflag:$0x2] =	stream.strided.gather [hbm4b:s8+s12], $0x800, s11, s12, $0x38;
	[tilespmem:$0x18600] =	vst v63  }
0x3f8: {  	_ =	swait.ge [sflag:s5], $0x800  }
0x3f9: {  	[sflag:s5] =	ssyncset.done $0x0  }
0x3fa: {  	[sflag:s5] =	ssyncadd.s32 $0xFFFFF800  }
0x3fb: {  	_ =	swait.ge [sflag:s5], $0x800  }
0x3fc: {  	[sflag:s5] =	ssyncset.done $0x0  }
0x3fd: {  	[sflag:s5] =	ssyncadd.s32 $0xFFFFF800  }
0x3fe: {  	_ =	swait.ge [sflag:s5], $0x800  }
0x3ff: {  	[sflag:s5] =	ssyncset.done $0x0  }
0x400: {  	[sflag:s5] =	ssyncadd.s32 $0xFFFFF800  }
0x401: {  	_ =	swait.ge [sflag:s5], $0x800  }
0x402: {  	[sflag:s5] =	ssyncset.done $0x0  }
0x403: {  	[sflag:s5] =	ssyncadd.s32 $0xFFFFF800  }
0x404: {  	_ =	swait.ge [sflag:s5], $0x800  }
0x405: {  	[sflag:s5] =	ssyncset.done $0x0  }
0x406: {  	[sflag:s5] =	ssyncadd.s32 $0xFFFFF800  }
0x407: {  	_ =	swait.ge [sflag:s5], $0x800  }
0x408: {  	[sflag:s5] =	ssyncset.done $0x0  }
0x409: {  	[sflag:s5] =	ssyncadd.s32 $0xFFFFF800  }
0x40a: {  	_ =	swait.ge [sflag:s5], $0x800  }
0x40b: {  	[sflag:s5] =	ssyncset.done $0x0  }
0x40c: {  	[sflag:s5] =	ssyncadd.s32 $0xFFFFF800  }
0x40d: {  	_ =	swait.ge [sflag:s5], $0x800  }
0x40e: {  	[sflag:s5] =	ssyncset.done $0x0  }
0x40f: {  	[sflag:s5] =	ssyncadd.s32 $0xFFFFF800  }
0x410: {  	_ =	swait.ge [sflag:s5], $0x800  }
0x411: {  	[sflag:s5] =	ssyncset.done $0x0  }
0x412: {  	[sflag:s5] =	ssyncadd.s32 $0xFFFFF800  }
0x413: {  	_ =	swait.ge [sflag:s5], $0x800  }
0x414: {  	[sflag:s5] =	ssyncset.done $0x0  }
0x415: {  	[sflag:s5] =	ssyncadd.s32 $0xFFFFF800  }
0x416: {  	_ =	swait.ge [sflag:s5], $0x800  }
0x417: {  	[sflag:s5] =	ssyncset.done $0x0  }
0x418: {  	[sflag:s5] =	ssyncadd.s32 $0xFFFFF800  }
0x419: {  	_ =	swait.ge [sflag:s5], $0x800  }
0x41a: {  	[sflag:s5] =	ssyncset.done $0x0  }
0x41b: {  	[sflag:s5] =	ssyncadd.s32 $0xFFFFF800  }
0x41c: {  	_ =	swait.ge [sflag:s5], $0x800  }
0x41d: {  	[sflag:s5] =	ssyncset.done $0x0  }
0x41e: {  	[sflag:s5] =	ssyncadd.s32 $0xFFFFF800  }
0x41f: {  	_ =	swait.ge [sflag:s5], $0x800  }
0x420: {  	[sflag:s5] =	ssyncset.done $0x0  }
0x421: {  	[sflag:s5] =	ssyncadd.s32 $0xFFFFF800  }
0x422: {  	_ =	swait.ge [sflag:s5], $0x800  }
0x423: {  	[sflag:s5] =	ssyncset.done $0x0  }
0x424: {  	[sflag:s5] =	ssyncadd.s32 $0xFFFFF800  }
0x425: {  	_ =	swait.ge [sflag:s5], $0x800  }
0x426: {  	[sflag:s5] =	ssyncset.done $0x0  }
0x427: {  	[sflag:s5] =	ssyncadd.s32 $0xFFFFF800  }
0x428: {  	_ =	swait.ge [sflag:s7], $0x800  }
0x429: {  	[sflag:s7] =	ssyncset.done $0x0  }
0x42a: {  	[sflag:s7] =	ssyncadd.s32 $0xFFFFF800  }
0x42b: {  	_ =	swait.ge [sflag:s7], $0x800  }
0x42c: {  	[sflag:s7] =	ssyncset.done $0x0  }
0x42d: {  	[sflag:s7] =	ssyncadd.s32 $0xFFFFF800  }
0x42e: {  	_ =	swait.ge [sflag:s7], $0x800  }
0x42f: {  	[sflag:s7] =	ssyncset.done $0x0  }
0x430: {  	[sflag:s7] =	ssyncadd.s32 $0xFFFFF800  }
0x431: {  	_ =	swait.ge [sflag:s7], $0x800  }
0x432: {  	[sflag:s7] =	ssyncset.done $0x0  }
0x433: {  	[sflag:s7] =	ssyncadd.s32 $0xFFFFF800  }
0x434: {  	_ =	swait.ge [sflag:s7], $0x800  }
0x435: {  	[sflag:s7] =	ssyncset.done $0x0  }
0x436: {  	[sflag:s7] =	ssyncadd.s32 $0xFFFFF800  }
0x437: {  	_ =	swait.ge [sflag:s7], $0x800  }
0x438: {  	[sflag:s7] =	ssyncset.done $0x0  }
0x439: {  	[sflag:s7] =	ssyncadd.s32 $0xFFFFF800  }
0x43a: {  	_ =	swait.ge [sflag:s7], $0x800  }
0x43b: {  	[sflag:s7] =	ssyncset.done $0x0  }
0x43c: {  	[sflag:s7] =	ssyncadd.s32 $0xFFFFF800  }
0x43d: {  	_ =	swait.ge [sflag:s7], $0x800  }
0x43e: {  	[sflag:s7] =	ssyncset.done $0x0  }
0x43f: {  	[sflag:s7] =	ssyncadd.s32 $0xFFFFF800  }
0x440: {  	_ =	swait.ge [sflag:s7], $0x800  }
0x441: {  	[sflag:s7] =	ssyncset.done $0x0  }
0x442: {  	[sflag:s7] =	ssyncadd.s32 $0xFFFFF800  }
0x443: {  	_ =	swait.ge [sflag:s7], $0x800  }
0x444: {  	[sflag:s7] =	ssyncset.done $0x0  }
0x445: {  	[sflag:s7] =	ssyncadd.s32 $0xFFFFF800  }
0x446: {  	_ =	swait.ge [sflag:s7], $0x800  }
0x447: {  	[sflag:s7] =	ssyncset.done $0x0  }
0x448: {  	[sflag:s7] =	ssyncadd.s32 $0xFFFFF800  }
0x449: {  	_ =	swait.ge [sflag:s7], $0x800  }
0x44a: {  	[sflag:s7] =	ssyncset.done $0x0  }
0x44b: {  	[sflag:s7] =	ssyncadd.s32 $0xFFFFF800  }
0x44c: {  	_ =	swait.ge [sflag:s7], $0x800  }
0x44d: {  	[sflag:s7] =	ssyncset.done $0x0  }
0x44e: {  	[sflag:s7] =	ssyncadd.s32 $0xFFFFF800  }
0x44f: {  	_ =	swait.ge [sflag:s7], $0x800  }
0x450: {  	[sflag:s7] =	ssyncset.done $0x0  }
0x451: {  	[sflag:s7] =	ssyncadd.s32 $0xFFFFF800  }
0x452: {  	_ =	swait.ge [sflag:s7], $0x800  }
0x453: {  	[sflag:s7] =	ssyncset.done $0x0  }
0x454: {  	[sflag:s7] =	ssyncadd.s32 $0xFFFFF800  }
0x455: {  	_ =	swait.ge [sflag:s7], $0x800  }
0x456: {  	s14 =	simm.s32 $0x0;
	s15 =	simm.s32 $0x18400;
	[sflag:s7] =	ssyncset.done $0x0  }
0x457: {  	s8 =	simm.s32 $0x4;
	s13 =	rddreg [dreg:$0x7];
	[sflag:s7] =	ssyncadd.s32 $0xFFFFF800  }
0x458: {  	[hbm4b:s13+s14] =	stream.linear.scatter [tilespmem:s15], [sflag:$0x4], $0x200, $0x38;
	[tilespmem:$0x18600] =	vst v63  }
0x459: {  	_ =	swait.ge [sflag:s8], $0x200  }
0x45a: {  	s9 =	rddreg [dreg:$0x9]  }
0x45b: {  	s16 =	rddreg [dreg:$0x8];
	s9 =	sadd.s32 $0x1, s9  }
0x45c: {  	p0 =	sne.s32 s9, s16  }
.Ltmp1:
0x45d: {  	_ = 	snop;
	(pc) =	sbr.rel @p0 .LBB2_1-.Ltmp1, $3  }
0x45e: {  	_ =	sdelay $0x1  }
0x45f: {  	s15 =	simm.s32 $0xC00;
	[sflag:s8] =	ssyncset.done $0x0  }
0x460: {  	s13 =	simm.s32 $0x1C00;
	[sflag:s8] =	ssyncadd.s32 $0xFFFFFE00;
	s16 =	simm.s32 $0x1400  }
0x461: {  	_ =	sfence.sel $0x180000  }
0x462: {  	[bflag:$0x0] =	sbarrier.arrive $0xFFFF  }
0x463: {  	_ =	strace $0x90000047  }
0x464: {  	s0 =	stileid.u32;
	[bflag:$0x2] =	sbarrier.arrive $0xFFFF  }
0x465: {  	p0 =	sne.s32 s0, $0x0;
	s0 =	rddreg [dreg:$0x4]  }
0x466: {  	s0 =	sadd.s32 @!p0 $0x100000, s0  }
0x467: {  	[sflag:s0] =	ssyncadd.tile.s32 @!p0 $0x1;
	_ =	shalt  }
.Lfunc_end2:
_tile_overlayer_lowered:
.L_overlay_start_2:
0x468: {  	(tag) =	ssettag $0x2  }
0x469: {  	s0 =	rddreg [dreg:$0x0];
	s2 =	stileid.u32  }
0x46a: {  	s1 =	rddreg [dreg:$0x1];
	p0 =	sne.s32 s2, $0x0  }
0x46b: {  	s3 =	rddreg [dreg:$0x2];
	[bflag:$0x3] =	sbarrier.arrive $0xFFFF;
	s2 =	simm.s32 @!p0 $0x1C01  }
0x46c: {  	[timem:s3], [sflag:s2] =	dma.local @!p0 [hbm:s0], s1  }
0x46d: {  	s0 =	simm.s32 @!p0 $0x1  }
0x46e: {  	_ =	swait.ge @!p0 [sflag:s0], s1  }
0x46f: {  	s1 =	ssub.s32 @!p0 $0x0, s1;
	[sflag:s0] =	ssyncset.done @!p0 $0x0  }
0x470: {  	[sflag:s0] =	ssyncadd.s32 @!p0 s1  }
0x471: {  	[bflag:$0x3] =	sbarrier.arrive $0xFFFF  }
0x472: {  	_ =	shalt  }

</sc_bundles>
